<compile_context>
chip_gen: v7x
topology: tpu7x:2x2x1
jax: 0.10.2.dev20260603
libtpu: 0.0.44.dev20260713+nightly
codegen_flags: <defaults>
</compile_context>

<pallas_src>
import jax
import jax.numpy as jnp
from jax import lax
from jax.experimental import pallas as pl
from jax.experimental.pallas import tpu as pltpu
from jax.experimental.pallas import tpu_sc as plsc

B, S, L = 4, 8192, 4096

SC_COLS = 1024
TC_COLS = L - SC_COLS

NC, NSUB = 2, 16
NW = NC * NSUB
CW = 128
NSTRIPE = SC_COLS // CW
NQ = NW // NSTRIPE
QROWS = S // NQ
G = CW // 16
R = 256
NCH = QROWS // R

SBLK = 1024
NSB = S // SBLK
LH = TC_COLS // 3


def _sc_body(x_hbm, pv_hbm, pi_hbm, buf0, buf1, obv, obi, sem0, sem1):
    wid = lax.axis_index("c") * NSUB + lax.axis_index("s")
    stripe = wid // NQ
    q = wid % NQ
    c0 = TC_COLS + stripe * CW
    r0 = q * QROWS
    oc = q * SC_COLS + stripe * CW

    def copy_in(b, ch, buf, sem):
        return pltpu.make_async_copy(
            x_hbm.at[b, pl.ds(r0 + ch * R, R), pl.ds(c0, CW)], buf, sem)

    def rowloop(buf, base, carry):
        def row_body(r, cr):
            mins, idxs = cr
            rvec = jnp.full((16,), base + r, dtype=jnp.int32)
            nm, ni = [], []
            for g in range(G):
                v = buf[r, pl.ds(g * 16, 16)]
                m = v < mins[g]
                nm.append(jnp.where(m, v, mins[g]))
                ni.append(jnp.where(m, rvec, idxs[g]))
            return (tuple(nm), tuple(ni))
        return lax.fori_loop(0, R, row_body, carry, unroll=4)

    for b in range(B):
        copy_in(b, 0, buf0, sem0).start()
        copy_in(b, 1, buf1, sem1).start()
        init = (
            tuple(jnp.full((16,), jnp.inf, jnp.float32) for _ in range(G)),
            tuple(jnp.zeros((16,), jnp.int32) for _ in range(G)),
        )

        def pair_body(p, carry, b=b):
            copy_in(b, 2 * p, buf0, sem0).wait()
            carry = rowloop(buf0, r0 + 2 * p * R, carry)

            @pl.when(p + 1 < NCH // 2)
            def _():
                copy_in(b, 2 * p + 2, buf0, sem0).start()

            copy_in(b, 2 * p + 1, buf1, sem1).wait()
            carry = rowloop(buf1, r0 + (2 * p + 1) * R, carry)

            @pl.when(p + 1 < NCH // 2)
            def _():
                copy_in(b, 2 * p + 3, buf1, sem1).start()

            return carry

        mins, idxs = lax.fori_loop(0, NCH // 2, pair_body, init)
        for g in range(G):
            obv[pl.ds(g * 16, 16)] = mins[g]
            obi[pl.ds(g * 16, 16)] = idxs[g]
        pltpu.sync_copy(obv, pv_hbm.at[b, pl.ds(oc, CW)])
        pltpu.sync_copy(obi, pi_hbm.at[b, pl.ds(oc, CW)])


def _sc_argmin(x):
    mesh = plsc.VectorSubcoreMesh(core_axis_name="c", subcore_axis_name="s")
    return pl.kernel(
        _sc_body,
        out_type=(
            jax.ShapeDtypeStruct((B, NQ * SC_COLS), jnp.float32),
            jax.ShapeDtypeStruct((B, NQ * SC_COLS), jnp.int32),
        ),
        mesh=mesh,
        scratch_types=[
            pltpu.VMEM((R, CW), jnp.float32),
            pltpu.VMEM((R, CW), jnp.float32),
            pltpu.VMEM((CW,), jnp.float32),
            pltpu.VMEM((CW,), jnp.int32),
            pltpu.SemaphoreType.DMA,
            pltpu.SemaphoreType.DMA,
        ],
    )(x)


def _tc_body(xa_ref, xb_ref, xc_ref, o_ref, mv_ref, mi_ref):
    s = pl.program_id(1)
    for h, x_ref in enumerate((xa_ref, xb_ref, xc_ref)):
        cs = pl.ds(h * LH, LH)
        v = x_ref[0]
        m = jnp.min(v, axis=0)
        iota = jax.lax.broadcasted_iota(jnp.int32, v.shape, 0)
        idx = jnp.min(
            jnp.where(v == m[None, :], iota, jnp.int32(S)), axis=0) + s * SBLK

        @pl.when(s == 0)
        def _(m=m, idx=idx, cs=cs):
            mv_ref[0, cs] = m
            mi_ref[0, cs] = idx

        @pl.when(s > 0)
        def _(m=m, idx=idx, cs=cs):
            better = m < mv_ref[0, cs]
            mi_ref[0, cs] = jnp.where(better, idx, mi_ref[0, cs])
            mv_ref[0, cs] = jnp.where(better, m, mv_ref[0, cs])

    @pl.when(s == NSB - 1)
    def _():
        o_ref[0] = mi_ref[...]


def _tc_argmin(x):
    return pl.pallas_call(
        _tc_body,
        grid=(B, NSB),
        in_specs=[
            pl.BlockSpec((1, SBLK, LH), lambda b, s: (b, s, 0)),
            pl.BlockSpec((1, SBLK, LH), lambda b, s: (b, s, 1)),
            pl.BlockSpec((1, SBLK, LH), lambda b, s: (b, s, 2)),
        ],
        out_specs=pl.BlockSpec((1, 1, TC_COLS), lambda b, s: (b, 0, 0)),
        out_shape=jax.ShapeDtypeStruct((B, 1, TC_COLS), jnp.int32),
        scratch_shapes=[
            pltpu.VMEM((1, TC_COLS), jnp.float32),
            pltpu.VMEM((1, TC_COLS), jnp.int32),
        ],
    )(x, x, x)


def _merge_body(ti_ref, pv_ref, pi_ref, o_ref):
    o_ref[:, pl.ds(0, TC_COLS)] = ti_ref[:, 0, :]
    mv = pv_ref[:, pl.ds(0, SC_COLS)]
    mi = pi_ref[:, pl.ds(0, SC_COLS)]
    for q in range(1, NQ):
        qv = pv_ref[:, pl.ds(q * SC_COLS, SC_COLS)]
        qi = pi_ref[:, pl.ds(q * SC_COLS, SC_COLS)]
        better = qv < mv
        mi = jnp.where(better, qi, mi)
        mv = jnp.where(better, qv, mv)
    o_ref[:, pl.ds(TC_COLS, SC_COLS)] = mi


def _merge(ti, pv, pi):
    return pl.pallas_call(
        _merge_body,
        out_shape=jax.ShapeDtypeStruct((B, L), jnp.int32),
    )(ti, pv, pi)


def kernel(x):
    pv, pi = _sc_argmin(x)
    ti = _tc_argmin(x)
    return _merge(ti, pv, pi)

# --- scband reference (transcript-rebuilt; emitter-appended) ---
"""Pipeline reference for scband-model-new-73315091743599 (READ-ONLY COPY).

The authoritative reference and input builder live on the scoring server;
editing this copy changes nothing except your own understanding.
"""

import jax, jax.numpy as jnp
import numpy as np

DIM = 1

def setup_inputs(seed=0) -> dict:
    key = jax.random.key(seed)
    x = jax.random.normal(key, (4, 8192, 4096), dtype=jnp.float32)
    return {"x": x}

def reference(x):
    # Faithful translation of the custom CUDA argmin kernel:
    # for each (b, d2) output slot, scan along dim=1 and return the index
    # of the first minimum value (strict '<' comparison => first occurrence).
    return jnp.argmin(x, axis=DIM)

if __name__ == "__main__":
    import jax
    _d = setup_inputs()
    print(jax.jit(kernel)(*tuple(_d.values())))

</pallas_src>

<mosaic_0001>
#map = affine_map<(d0, d1) -> (0, 0, 0)>
#map1 = affine_map<(d0, d1) -> (0, 0)>
module attributes {stable_mosaic.version = 14 : i64} {
  func.func @_sc_body(%arg0: i32, %arg1: i32, %arg2: memref<4x8192x4096xf32, #tpu.memory_space<hbm>>, %arg3: memref<4x4096xf32, #tpu.memory_space<hbm>>, %arg4: memref<4x4096xi32, #tpu.memory_space<hbm>>, %arg5: memref<256x128xf32, #tpu.memory_space<vmem>>, %arg6: memref<256x128xf32, #tpu.memory_space<vmem>>, %arg7: memref<128xf32, #tpu.memory_space<vmem>>, %arg8: memref<128xi32, #tpu.memory_space<vmem>>, %arg9: memref<!tpu.dma_semaphore, #tpu.memory_space<semaphore_mem>>, %arg10: memref<!tpu.dma_semaphore, #tpu.memory_space<semaphore_mem>>) attributes {dimension_semantics = [#tpu.dimension_semantics<core_parallel>, #tpu.dimension_semantics<subcore_parallel>], iteration_bounds = array<i64: 2, 16>, scalar_prefetch = 0 : i64, scratch_operands = 6 : i64, tpu.core_type = #tpu.core_type<sc_vector_subcore>, window_params = [{transform_indices = #map}, {transform_indices = #map1}, {transform_indices = #map1}]} {
    %mul3A = arith.constant 16 : i32
    %mul3A_0 = arith.muli %arg0, %mul3A : i32
    %add3A = arith.addi %mul3A_0, %arg1 : i32
    %jit3A = arith.constant 4 : i32
    %div3A = arith.divsi %add3A, %jit3A : i32
    %sign3A = arith.constant 0 : i32
    %sign3A_1 = arith.cmpi sgt, %add3A, %sign3A : i32
    %sign3A_2 = arith.extui %sign3A_1 : i1 to i32
    %sign3A_3 = arith.constant 0 : i32
    %sign3A_4 = arith.cmpi slt, %add3A, %sign3A_3 : i32
    %sign3A_5 = arith.extui %sign3A_4 : i1 to i32
    %sign3A_6 = arith.subi %sign3A_2, %sign3A_5 : i32
    %sign3A_7 = arith.constant 0 : i32
    %sign3A_8 = arith.cmpi sgt, %jit3A, %sign3A_7 : i32
    %sign3A_9 = arith.extui %sign3A_8 : i1 to i32
    %sign3A_10 = arith.constant 0 : i32
    %sign3A_11 = arith.cmpi slt, %jit3A, %sign3A_10 : i32
    %sign3A_12 = arith.extui %sign3A_11 : i1 to i32
    %sign3A_13 = arith.subi %sign3A_9, %sign3A_12 : i32
    %ne3A = arith.cmpi ne, %sign3A_6, %sign3A_13 : i32
    %rem3A = arith.remsi %add3A, %jit3A : i32
    %ne3A_14 = arith.constant 0 : i32
    %ne3A_15 = arith.cmpi ne, %rem3A, %ne3A_14 : i32
    %and3A = arith.andi %ne3A, %ne3A_15 : i1
    %sub3A = arith.constant 1 : i32
    %sub3A_16 = arith.subi %div3A, %sub3A : i32
    %select_n3A = arith.select %and3A, %sub3A_16, %div3A : i32
    %jit3A_17 = arith.constant 4 : i32
    %eq3A = arith.constant 0 : i32
    %eq3A_18 = arith.cmpi eq, %jit3A_17, %eq3A : i32
    %jit3A_19 = arith.constant 1 : i32
    %select_n3A_20 = arith.select %eq3A_18, %jit3A_19, %jit3A_17 : i32
    %rem3A_21 = arith.remsi %add3A, %select_n3A_20 : i32
    %ne3A_22 = arith.constant 0 : i32
    %ne3A_23 = arith.cmpi ne, %rem3A_21, %ne3A_22 : i32
    %lt3A = arith.constant 0 : i32
    %lt3A_24 = arith.cmpi slt, %rem3A_21, %lt3A : i32
    %lt3A_25 = arith.constant 0 : i32
    %lt3A_26 = arith.cmpi slt, %select_n3A_20, %lt3A_25 : i32
    %ne3A_27 = arith.xori %lt3A_24, %lt3A_26 : i1
    %and3A_28 = arith.andi %ne3A_27, %ne3A_23 : i1
    %add3A_29 = arith.addi %rem3A_21, %select_n3A_20 : i32
    %select_n3A_30 = arith.select %and3A_28, %add3A_29, %rem3A_21 : i32
    %mul3A_31 = arith.constant 128 : i32
    %mul3A_32 = arith.muli %select_n3A, %mul3A_31 : i32
    %add3A_33 = arith.constant 3072 : i32
    %add3A_34 = arith.addi %add3A_33, %mul3A_32 : i32
    %mul3A_35 = arith.constant 2048 : i32
    %mul3A_36 = arith.muli %select_n3A_30, %mul3A_35 : i32
    %mul3A_37 = arith.constant 1024 : i32
    %mul3A_38 = arith.muli %select_n3A_30, %mul3A_37 : i32
    %mul3A_39 = arith.constant 128 : i32
    %mul3A_40 = arith.muli %select_n3A, %mul3A_39 : i32
    %add3A_41 = arith.addi %mul3A_38, %mul3A_40 : i32
    %add3A_42 = arith.constant 0 : i32
    %add3A_43 = arith.addi %mul3A_36, %add3A_42 : i32
    %dma_start3A = arith.constant 0 : i32
    %dma_start3A_44 = tpu.memref_slice %arg2[%dma_start3A, %add3A_43, %add3A_34] : memref<4x8192x4096xf32, #tpu.memory_space<hbm>> -> memref<1x256x128xf32, #tpu.memory_space<hbm>>
    %dma_start3A_45 = tpu.memref_squeeze %dma_start3A_44 : memref<1x256x128xf32, #tpu.memory_space<hbm>> -> memref<256x128xf32, #tpu.memory_space<hbm>>
    %dma_start3A_46 = tpu.memref_slice %arg2[%dma_start3A, %add3A_43, %add3A_34] : memref<4x8192x4096xf32, #tpu.memory_space<hbm>> -> memref<1x256x128xf32, #tpu.memory_space<hbm>>
    %dma_start3A_47 = tpu.memref_squeeze %dma_start3A_46 : memref<1x256x128xf32, #tpu.memory_space<hbm>> -> memref<256x128xf32, #tpu.memory_space<hbm>>
    tpu.enqueue_dma source(%dma_start3A_47 : memref<256x128xf32, #tpu.memory_space<hbm>>) target(%arg5 : memref<256x128xf32, #tpu.memory_space<vmem>>) target_semaphore(%arg9 : memref<!tpu.dma_semaphore, #tpu.memory_space<semaphore_mem>>)
    %add3A_48 = arith.constant 256 : i32
    %add3A_49 = arith.addi %mul3A_36, %add3A_48 : i32
    %dma_start3A_50 = arith.constant 0 : i32
    %dma_start3A_51 = tpu.memref_slice %arg2[%dma_start3A_50, %add3A_49, %add3A_34] : memref<4x8192x4096xf32, #tpu.memory_space<hbm>> -> memref<1x256x128xf32, #tpu.memory_space<hbm>>
    %dma_start3A_52 = tpu.memref_squeeze %dma_start3A_51 : memref<1x256x128xf32, #tpu.memory_space<hbm>> -> memref<256x128xf32, #tpu.memory_space<hbm>>
    %dma_start3A_53 = tpu.memref_slice %arg2[%dma_start3A_50, %add3A_49, %add3A_34] : memref<4x8192x4096xf32, #tpu.memory_space<hbm>> -> memref<1x256x128xf32, #tpu.memory_space<hbm>>
    %dma_start3A_54 = tpu.memref_squeeze %dma_start3A_53 : memref<1x256x128xf32, #tpu.memory_space<hbm>> -> memref<256x128xf32, #tpu.memory_space<hbm>>
    tpu.enqueue_dma source(%dma_start3A_54 : memref<256x128xf32, #tpu.memory_space<hbm>>) target(%arg6 : memref<256x128xf32, #tpu.memory_space<vmem>>) target_semaphore(%arg10 : memref<!tpu.dma_semaphore, #tpu.memory_space<semaphore_mem>>)
    %broadcast_in_dim3A = arith.constant 0x7F800000 : f32
    %broadcast_in_dim3A_55 = vector.broadcast %broadcast_in_dim3A : f32 to vector<16xf32>
    %broadcast_in_dim3A_56 = arith.constant 0x7F800000 : f32
    %broadcast_in_dim3A_57 = vector.broadcast %broadcast_in_dim3A_56 : f32 to vector<16xf32>
    %broadcast_in_dim3A_58 = arith.constant 0x7F800000 : f32
    %broadcast_in_dim3A_59 = vector.broadcast %broadcast_in_dim3A_58 : f32 to vector<16xf32>
    %broadcast_in_dim3A_60 = arith.constant 0x7F800000 : f32
    %broadcast_in_dim3A_61 = vector.broadcast %broadcast_in_dim3A_60 : f32 to vector<16xf32>
    %broadcast_in_dim3A_62 = arith.constant 0x7F800000 : f32
    %broadcast_in_dim3A_63 = vector.broadcast %broadcast_in_dim3A_62 : f32 to vector<16xf32>
    %broadcast_in_dim3A_64 = arith.constant 0x7F800000 : f32
    %broadcast_in_dim3A_65 = vector.broadcast %broadcast_in_dim3A_64 : f32 to vector<16xf32>
    %broadcast_in_dim3A_66 = arith.constant 0x7F800000 : f32
    %broadcast_in_dim3A_67 = vector.broadcast %broadcast_in_dim3A_66 : f32 to vector<16xf32>
    %broadcast_in_dim3A_68 = arith.constant 0x7F800000 : f32
    %broadcast_in_dim3A_69 = vector.broadcast %broadcast_in_dim3A_68 : f32 to vector<16xf32>
    %broadcast_in_dim3A_70 = arith.constant 0 : i32
    %broadcast_in_dim3A_71 = vector.broadcast %broadcast_in_dim3A_70 : i32 to vector<16xi32>
    %broadcast_in_dim3A_72 = arith.constant 0 : i32
    %broadcast_in_dim3A_73 = vector.broadcast %broadcast_in_dim3A_72 : i32 to vector<16xi32>
    %broadcast_in_dim3A_74 = arith.constant 0 : i32
    %broadcast_in_dim3A_75 = vector.broadcast %broadcast_in_dim3A_74 : i32 to vector<16xi32>
    %broadcast_in_dim3A_76 = arith.constant 0 : i32
    %broadcast_in_dim3A_77 = vector.broadcast %broadcast_in_dim3A_76 : i32 to vector<16xi32>
    %broadcast_in_dim3A_78 = arith.constant 0 : i32
    %broadcast_in_dim3A_79 = vector.broadcast %broadcast_in_dim3A_78 : i32 to vector<16xi32>
    %broadcast_in_dim3A_80 = arith.constant 0 : i32
    %broadcast_in_dim3A_81 = vector.broadcast %broadcast_in_dim3A_80 : i32 to vector<16xi32>
    %broadcast_in_dim3A_82 = arith.constant 0 : i32
    %broadcast_in_dim3A_83 = vector.broadcast %broadcast_in_dim3A_82 : i32 to vector<16xi32>
    %broadcast_in_dim3A_84 = arith.constant 0 : i32
    %broadcast_in_dim3A_85 = vector.broadcast %broadcast_in_dim3A_84 : i32 to vector<16xi32>
    %scan3A = arith.constant 0 : i32
    %scan3A_86 = arith.constant 4 : i32
    %scan3A_87 = arith.addi %scan3A, %scan3A_86 : i32
    %scan3A_88 = arith.constant 1 : i32
    %scan3A_89:16 = scf.for %scan3A_509 = %scan3A to %scan3A_87 step %scan3A_88 iter_args(%scan3A_510 = %broadcast_in_dim3A_55, %scan3A_511 = %broadcast_in_dim3A_57, %scan3A_512 = %broadcast_in_dim3A_59, %scan3A_513 = %broadcast_in_dim3A_61, %scan3A_514 = %broadcast_in_dim3A_63, %scan3A_515 = %broadcast_in_dim3A_65, %scan3A_516 = %broadcast_in_dim3A_67, %scan3A_517 = %broadcast_in_dim3A_69, %scan3A_518 = %broadcast_in_dim3A_71, %scan3A_519 = %broadcast_in_dim3A_73, %scan3A_520 = %broadcast_in_dim3A_75, %scan3A_521 = %broadcast_in_dim3A_77, %scan3A_522 = %broadcast_in_dim3A_79, %scan3A_523 = %broadcast_in_dim3A_81, %scan3A_524 = %broadcast_in_dim3A_83, %scan3A_525 = %broadcast_in_dim3A_85) -> (vector<16xf32>, vector<16xf32>, vector<16xf32>, vector<16xf32>, vector<16xf32>, vector<16xf32>, vector<16xf32>, vector<16xf32>, vector<16xi32>, vector<16xi32>, vector<16xi32>, vector<16xi32>, vector<16xi32>, vector<16xi32>, vector<16xi32>, vector<16xi32>)  : i32 {
      %mul3A_526 = arith.constant 2 : i32
      %mul3A_527 = arith.muli %mul3A_526, %scan3A_509 : i32
      %mul3A_528 = arith.constant 256 : i32
      %mul3A_529 = arith.muli %mul3A_527, %mul3A_528 : i32
      %add3A_530 = arith.addi %mul3A_36, %mul3A_529 : i32
      %dma_wait3A = arith.constant 0 : i32
      %dma_wait3A_531 = tpu.memref_slice %arg2[%dma_wait3A, %add3A_530, %add3A_34] : memref<4x8192x4096xf32, #tpu.memory_space<hbm>> -> memref<1x256x128xf32, #tpu.memory_space<hbm>>
      %dma_wait3A_532 = tpu.memref_squeeze %dma_wait3A_531 : memref<1x256x128xf32, #tpu.memory_space<hbm>> -> memref<256x128xf32, #tpu.memory_space<hbm>>
      %dma_wait3A_533 = tpu.memref_slice %arg2[%dma_wait3A, %add3A_530, %add3A_34] : memref<4x8192x4096xf32, #tpu.memory_space<hbm>> -> memref<1x256x128xf32, #tpu.memory_space<hbm>>
      %dma_wait3A_534 = tpu.memref_squeeze %dma_wait3A_533 : memref<1x256x128xf32, #tpu.memory_space<hbm>> -> memref<256x128xf32, #tpu.memory_space<hbm>>
      tpu.wait_dma2 semaphore(%arg9 : memref<!tpu.dma_semaphore, #tpu.memory_space<semaphore_mem>>) src(%dma_wait3A_534 : memref<256x128xf32, #tpu.memory_space<hbm>>) dst(%arg5 : memref<256x128xf32, #tpu.memory_space<vmem>>)
      %mul3A_535 = arith.constant 2 : i32
      %mul3A_536 = arith.muli %mul3A_535, %scan3A_509 : i32
      %mul3A_537 = arith.constant 256 : i32
      %mul3A_538 = arith.muli %mul3A_536, %mul3A_537 : i32
      %add3A_539 = arith.addi %mul3A_36, %mul3A_538 : i32
      %scan3A_540 = arith.constant 0 : i32
      %scan3A_541 = arith.constant 256 : i32
      %scan3A_542 = arith.addi %scan3A_540, %scan3A_541 : i32
      %scan3A_543 = arith.constant 4 : i32
      %scan3A_544:16 = scf.for %scan3A_583 = %scan3A_540 to %scan3A_542 step %scan3A_543 iter_args(%scan3A_584 = %scan3A_510, %scan3A_585 = %scan3A_511, %scan3A_586 = %scan3A_512, %scan3A_587 = %scan3A_513, %scan3A_588 = %scan3A_514, %scan3A_589 = %scan3A_515, %scan3A_590 = %scan3A_516, %scan3A_591 = %scan3A_517, %scan3A_592 = %scan3A_518, %scan3A_593 = %scan3A_519, %scan3A_594 = %scan3A_520, %scan3A_595 = %scan3A_521, %scan3A_596 = %scan3A_522, %scan3A_597 = %scan3A_523, %scan3A_598 = %scan3A_524, %scan3A_599 = %scan3A_525) -> (vector<16xf32>, vector<16xf32>, vector<16xf32>, vector<16xf32>, vector<16xf32>, vector<16xf32>, vector<16xf32>, vector<16xf32>, vector<16xi32>, vector<16xi32>, vector<16xi32>, vector<16xi32>, vector<16xi32>, vector<16xi32>, vector<16xi32>, vector<16xi32>)  : i32 {
        %add3A_600 = arith.addi %add3A_539, %scan3A_583 : i32
        %broadcast_in_dim3A_601 = vector.broadcast %add3A_600 : i32 to vector<16xi32>
        %get3A = arith.index_cast %scan3A_583 : i32 to index
        %get3A_602 = arith.constant 0 : index
        %get3A_603 = tpu.vector_load %arg5[%get3A, %get3A_602] {strides = array<i32>} : memref<256x128xf32, #tpu.memory_space<vmem>>, vector<1x16xf32>,
        %get3A_604 = vector.shape_cast %get3A_603 : vector<1x16xf32> to vector<16xf32>
        %lt3A_605 = arith.cmpf olt, %get3A_604, %scan3A_584 : vector<16xf32>
        %select_n3A_606 = arith.select %lt3A_605, %get3A_604, %scan3A_584 : vector<16xi1>, vector<16xf32>
        %select_n3A_607 = arith.select %lt3A_605, %broadcast_in_dim3A_601, %scan3A_592 : vector<16xi1>, vector<16xi32>
        %get3A_608 = arith.index_cast %scan3A_583 : i32 to index
        %get3A_609 = arith.constant 16 : index
        %get3A_610 = tpu.vector_load %arg5[%get3A_608, %get3A_609] {strides = array<i32>} : memref<256x128xf32, #tpu.memory_space<vmem>>, vector<1x16xf32>,
        %get3A_611 = vector.shape_cast %get3A_610 : vector<1x16xf32> to vector<16xf32>
        %lt3A_612 = arith.cmpf olt, %get3A_611, %scan3A_585 : vector<16xf32>
        %select_n3A_613 = arith.select %lt3A_612, %get3A_611, %scan3A_585 : vector<16xi1>, vector<16xf32>
        %select_n3A_614 = arith.select %lt3A_612, %broadcast_in_dim3A_601, %scan3A_593 : vector<16xi1>, vector<16xi32>
        %get3A_615 = arith.index_cast %scan3A_583 : i32 to index
        %get3A_616 = arith.constant 32 : index
        %get3A_617 = tpu.vector_load %arg5[%get3A_615, %get3A_616] {strides = array<i32>} : memref<256x128xf32, #tpu.memory_space<vmem>>, vector<1x16xf32>,
        %get3A_618 = vector.shape_cast %get3A_617 : vector<1x16xf32> to vector<16xf32>
        %lt3A_619 = arith.cmpf olt, %get3A_618, %scan3A_586 : vector<16xf32>
        %select_n3A_620 = arith.select %lt3A_619, %get3A_618, %scan3A_586 : vector<16xi1>, vector<16xf32>
        %select_n3A_621 = arith.select %lt3A_619, %broadcast_in_dim3A_601, %scan3A_594 : vector<16xi1>, vector<16xi32>
        %get3A_622 = arith.index_cast %scan3A_583 : i32 to index
        %get3A_623 = arith.constant 48 : index
        %get3A_624 = tpu.vector_load %arg5[%get3A_622, %get3A_623] {strides = array<i32>} : memref<256x128xf32, #tpu.memory_space<vmem>>, vector<1x16xf32>,
        %get3A_625 = vector.shape_cast %get3A_624 : vector<1x16xf32> to vector<16xf32>
        %lt3A_626 = arith.cmpf olt, %get3A_625, %scan3A_587 : vector<16xf32>
        %select_n3A_627 = arith.select %lt3A_626, %get3A_625, %scan3A_587 : vector<16xi1>, vector<16xf32>
        %select_n3A_628 = arith.select %lt3A_626, %broadcast_in_dim3A_601, %scan3A_595 : vector<16xi1>, vector<16xi32>
        %get3A_629 = arith.index_cast %scan3A_583 : i32 to index
        %get3A_630 = arith.constant 64 : index
        %get3A_631 = tpu.vector_load %arg5[%get3A_629, %get3A_630] {strides = array<i32>} : memref<256x128xf32, #tpu.memory_space<vmem>>, vector<1x16xf32>,
        %get3A_632 = vector.shape_cast %get3A_631 : vector<1x16xf32> to vector<16xf32>
        %lt3A_633 = arith.cmpf olt, %get3A_632, %scan3A_588 : vector<16xf32>
        %select_n3A_634 = arith.select %lt3A_633, %get3A_632, %scan3A_588 : vector<16xi1>, vector<16xf32>
        %select_n3A_635 = arith.select %lt3A_633, %broadcast_in_dim3A_601, %scan3A_596 : vector<16xi1>, vector<16xi32>
        %get3A_636 = arith.index_cast %scan3A_583 : i32 to index
        %get3A_637 = arith.constant 80 : index
        %get3A_638 = tpu.vector_load %arg5[%get3A_636, %get3A_637] {strides = array<i32>} : memref<256x128xf32, #tpu.memory_space<vmem>>, vector<1x16xf32>,
        %get3A_639 = vector.shape_cast %get3A_638 : vector<1x16xf32> to vector<16xf32>
        %lt3A_640 = arith.cmpf olt, %get3A_639, %scan3A_589 : vector<16xf32>
        %select_n3A_641 = arith.select %lt3A_640, %get3A_639, %scan3A_589 : vector<16xi1>, vector<16xf32>
        %select_n3A_642 = arith.select %lt3A_640, %broadcast_in_dim3A_601, %scan3A_597 : vector<16xi1>, vector<16xi32>
        %get3A_643 = arith.index_cast %scan3A_583 : i32 to index
        %get3A_644 = arith.constant 96 : index
        %get3A_645 = tpu.vector_load %arg5[%get3A_643, %get3A_644] {strides = array<i32>} : memref<256x128xf32, #tpu.memory_space<vmem>>, vector<1x16xf32>,
        %get3A_646 = vector.shape_cast %get3A_645 : vector<1x16xf32> to vector<16xf32>
        %lt3A_647 = arith.cmpf olt, %get3A_646, %scan3A_590 : vector<16xf32>
        %select_n3A_648 = arith.select %lt3A_647, %get3A_646, %scan3A_590 : vector<16xi1>, vector<16xf32>
        %select_n3A_649 = arith.select %lt3A_647, %broadcast_in_dim3A_601, %scan3A_598 : vector<16xi1>, vector<16xi32>
        %get3A_650 = arith.index_cast %scan3A_583 : i32 to index
        %get3A_651 = arith.constant 112 : index
        %get3A_652 = tpu.vector_load %arg5[%get3A_650, %get3A_651] {strides = array<i32>} : memref<256x128xf32, #tpu.memory_space<vmem>>, vector<1x16xf32>,
        %get3A_653 = vector.shape_cast %get3A_652 : vector<1x16xf32> to vector<16xf32>
        %lt3A_654 = arith.cmpf olt, %get3A_653, %scan3A_591 : vector<16xf32>
        %select_n3A_655 = arith.select %lt3A_654, %get3A_653, %scan3A_591 : vector<16xi1>, vector<16xf32>
        %select_n3A_656 = arith.select %lt3A_654, %broadcast_in_dim3A_601, %scan3A_599 : vector<16xi1>, vector<16xi32>
        %scan3A_657 = arith.constant 1 : i32
        %scan3A_658 = arith.addi %scan3A_583, %scan3A_657 : i32
        %add3A_659 = arith.addi %add3A_539, %scan3A_658 : i32
        %broadcast_in_dim3A_660 = vector.broadcast %add3A_659 : i32 to vector<16xi32>
        %get3A_661 = arith.index_cast %scan3A_658 : i32 to index
        %get3A_662 = arith.constant 0 : index
        %get3A_663 = tpu.vector_load %arg5[%get3A_661, %get3A_662] {strides = array<i32>} : memref<256x128xf32, #tpu.memory_space<vmem>>, vector<1x16xf32>,
        %get3A_664 = vector.shape_cast %get3A_663 : vector<1x16xf32> to vector<16xf32>
        %lt3A_665 = arith.cmpf olt, %get3A_664, %select_n3A_606 : vector<16xf32>
        %select_n3A_666 = arith.select %lt3A_665, %get3A_664, %select_n3A_606 : vector<16xi1>, vector<16xf32>
        %select_n3A_667 = arith.select %lt3A_665, %broadcast_in_dim3A_660, %select_n3A_607 : vector<16xi1>, vector<16xi32>
        %get3A_668 = arith.index_cast %scan3A_658 : i32 to index
        %get3A_669 = arith.constant 16 : index
        %get3A_670 = tpu.vector_load %arg5[%get3A_668, %get3A_669] {strides = array<i32>} : memref<256x128xf32, #tpu.memory_space<vmem>>, vector<1x16xf32>,
        %get3A_671 = vector.shape_cast %get3A_670 : vector<1x16xf32> to vector<16xf32>
        %lt3A_672 = arith.cmpf olt, %get3A_671, %select_n3A_613 : vector<16xf32>
        %select_n3A_673 = arith.select %lt3A_672, %get3A_671, %select_n3A_613 : vector<16xi1>, vector<16xf32>
        %select_n3A_674 = arith.select %lt3A_672, %broadcast_in_dim3A_660, %select_n3A_614 : vector<16xi1>, vector<16xi32>
        %get3A_675 = arith.index_cast %scan3A_658 : i32 to index
        %get3A_676 = arith.constant 32 : index
        %get3A_677 = tpu.vector_load %arg5[%get3A_675, %get3A_676] {strides = array<i32>} : memref<256x128xf32, #tpu.memory_space<vmem>>, vector<1x16xf32>,
        %get3A_678 = vector.shape_cast %get3A_677 : vector<1x16xf32> to vector<16xf32>
        %lt3A_679 = arith.cmpf olt, %get3A_678, %select_n3A_620 : vector<16xf32>
        %select_n3A_680 = arith.select %lt3A_679, %get3A_678, %select_n3A_620 : vector<16xi1>, vector<16xf32>
        %select_n3A_681 = arith.select %lt3A_679, %broadcast_in_dim3A_660, %select_n3A_621 : vector<16xi1>, vector<16xi32>
        %get3A_682 = arith.index_cast %scan3A_658 : i32 to index
        %get3A_683 = arith.constant 48 : index
        %get3A_684 = tpu.vector_load %arg5[%get3A_682, %get3A_683] {strides = array<i32>} : memref<256x128xf32, #tpu.memory_space<vmem>>, vector<1x16xf32>,
        %get3A_685 = vector.shape_cast %get3A_684 : vector<1x16xf32> to vector<16xf32>
        %lt3A_686 = arith.cmpf olt, %get3A_685, %select_n3A_627 : vector<16xf32>
        %select_n3A_687 = arith.select %lt3A_686, %get3A_685, %select_n3A_627 : vector<16xi1>, vector<16xf32>
        %select_n3A_688 = arith.select %lt3A_686, %broadcast_in_dim3A_660, %select_n3A_628 : vector<16xi1>, vector<16xi32>
        %get3A_689 = arith.index_cast %scan3A_658 : i32 to index
        %get3A_690 = arith.constant 64 : index
        %get3A_691 = tpu.vector_load %arg5[%get3A_689, %get3A_690] {strides = array<i32>} : memref<256x128xf32, #tpu.memory_space<vmem>>, vector<1x16xf32>,
        %get3A_692 = vector.shape_cast %get3A_691 : vector<1x16xf32> to vector<16xf32>
        %lt3A_693 = arith.cmpf olt, %get3A_692, %select_n3A_634 : vector<16xf32>
        %select_n3A_694 = arith.select %lt3A_693, %get3A_692, %select_n3A_634 : vector<16xi1>, vector<16xf32>
        %select_n3A_695 = arith.select %lt3A_693, %broadcast_in_dim3A_660, %select_n3A_635 : vector<16xi1>, vector<16xi32>
        %get3A_696 = arith.index_cast %scan3A_658 : i32 to index
        %get3A_697 = arith.constant 80 : index
        %get3A_698 = tpu.vector_load %arg5[%get3A_696, %get3A_697] {strides = array<i32>} : memref<256x128xf32, #tpu.memory_space<vmem>>, vector<1x16xf32>,
        %get3A_699 = vector.shape_cast %get3A_698 : vector<1x16xf32> to vector<16xf32>
        %lt3A_700 = arith.cmpf olt, %get3A_699, %select_n3A_641 : vector<16xf32>
        %select_n3A_701 = arith.select %lt3A_700, %get3A_699, %select_n3A_641 : vector<16xi1>, vector<16xf32>
        %select_n3A_702 = arith.select %lt3A_700, %broadcast_in_dim3A_660, %select_n3A_642 : vector<16xi1>, vector<16xi32>
        %get3A_703 = arith.index_cast %scan3A_658 : i32 to index
        %get3A_704 = arith.constant 96 : index
        %get3A_705 = tpu.vector_load %arg5[%get3A_703, %get3A_704] {strides = array<i32>} : memref<256x128xf32, #tpu.memory_space<vmem>>, vector<1x16xf32>,
        %get3A_706 = vector.shape_cast %get3A_705 : vector<1x16xf32> to vector<16xf32>
        %lt3A_707 = arith.cmpf olt, %get3A_706, %select_n3A_648 : vector<16xf32>
        %select_n3A_708 = arith.select %lt3A_707, %get3A_706, %select_n3A_648 : vector<16xi1>, vector<16xf32>
        %select_n3A_709 = arith.select %lt3A_707, %broadcast_in_dim3A_660, %select_n3A_649 : vector<16xi1>, vector<16xi32>
        %get3A_710 = arith.index_cast %scan3A_658 : i32 to index
        %get3A_711 = arith.constant 112 : index
        %get3A_712 = tpu.vector_load %arg5[%get3A_710, %get3A_711] {strides = array<i32>} : memref<256x128xf32, #tpu.memory_space<vmem>>, vector<1x16xf32>,
        %get3A_713 = vector.shape_cast %get3A_712 : vector<1x16xf32> to vector<16xf32>
        %lt3A_714 = arith.cmpf olt, %get3A_713, %select_n3A_655 : vector<16xf32>
        %select_n3A_715 = arith.select %lt3A_714, %get3A_713, %select_n3A_655 : vector<16xi1>, vector<16xf32>
        %select_n3A_716 = arith.select %lt3A_714, %broadcast_in_dim3A_660, %select_n3A_656 : vector<16xi1>, vector<16xi32>
        %scan3A_717 = arith.constant 2 : i32
        %scan3A_718 = arith.addi %scan3A_583, %scan3A_717 : i32
        %add3A_719 = arith.addi %add3A_539, %scan3A_718 : i32
        %broadcast_in_dim3A_720 = vector.broadcast %add3A_719 : i32 to vector<16xi32>
        %get3A_721 = arith.index_cast %scan3A_718 : i32 to index
        %get3A_722 = arith.constant 0 : index
        %get3A_723 = tpu.vector_load %arg5[%get3A_721, %get3A_722] {strides = array<i32>} : memref<256x128xf32, #tpu.memory_space<vmem>>, vector<1x16xf32>,
        %get3A_724 = vector.shape_cast %get3A_723 : vector<1x16xf32> to vector<16xf32>
        %lt3A_725 = arith.cmpf olt, %get3A_724, %select_n3A_666 : vector<16xf32>
        %select_n3A_726 = arith.select %lt3A_725, %get3A_724, %select_n3A_666 : vector<16xi1>, vector<16xf32>
        %select_n3A_727 = arith.select %lt3A_725, %broadcast_in_dim3A_720, %select_n3A_667 : vector<16xi1>, vector<16xi32>
        %get3A_728 = arith.index_cast %scan3A_718 : i32 to index
        %get3A_729 = arith.constant 16 : index
        %get3A_730 = tpu.vector_load %arg5[%get3A_728, %get3A_729] {strides = array<i32>} : memref<256x128xf32, #tpu.memory_space<vmem>>, vector<1x16xf32>,
        %get3A_731 = vector.shape_cast %get3A_730 : vector<1x16xf32> to vector<16xf32>
        %lt3A_732 = arith.cmpf olt, %get3A_731, %select_n3A_673 : vector<16xf32>
        %select_n3A_733 = arith.select %lt3A_732, %get3A_731, %select_n3A_673 : vector<16xi1>, vector<16xf32>
        %select_n3A_734 = arith.select %lt3A_732, %broadcast_in_dim3A_720, %select_n3A_674 : vector<16xi1>, vector<16xi32>
        %get3A_735 = arith.index_cast %scan3A_718 : i32 to index
        %get3A_736 = arith.constant 32 : index
        %get3A_737 = tpu.vector_load %arg5[%get3A_735, %get3A_736] {strides = array<i32>} : memref<256x128xf32, #tpu.memory_space<vmem>>, vector<1x16xf32>,
        %get3A_738 = vector.shape_cast %get3A_737 : vector<1x16xf32> to vector<16xf32>
        %lt3A_739 = arith.cmpf olt, %get3A_738, %select_n3A_680 : vector<16xf32>
        %select_n3A_740 = arith.select %lt3A_739, %get3A_738, %select_n3A_680 : vector<16xi1>, vector<16xf32>
        %select_n3A_741 = arith.select %lt3A_739, %broadcast_in_dim3A_720, %select_n3A_681 : vector<16xi1>, vector<16xi32>
        %get3A_742 = arith.index_cast %scan3A_718 : i32 to index
        %get3A_743 = arith.constant 48 : index
        %get3A_744 = tpu.vector_load %arg5[%get3A_742, %get3A_743] {strides = array<i32>} : memref<256x128xf32, #tpu.memory_space<vmem>>, vector<1x16xf32>,
        %get3A_745 = vector.shape_cast %get3A_744 : vector<1x16xf32> to vector<16xf32>
        %lt3A_746 = arith.cmpf olt, %get3A_745, %select_n3A_687 : vector<16xf32>
        %select_n3A_747 = arith.select %lt3A_746, %get3A_745, %select_n3A_687 : vector<16xi1>, vector<16xf32>
        %select_n3A_748 = arith.select %lt3A_746, %broadcast_in_dim3A_720, %select_n3A_688 : vector<16xi1>, vector<16xi32>
        %get3A_749 = arith.index_cast %scan3A_718 : i32 to index
        %get3A_750 = arith.constant 64 : index
        %get3A_751 = tpu.vector_load %arg5[%get3A_749, %get3A_750] {strides = array<i32>} : memref<256x128xf32, #tpu.memory_space<vmem>>, vector<1x16xf32>,
        %get3A_752 = vector.shape_cast %get3A_751 : vector<1x16xf32> to vector<16xf32>
        %lt3A_753 = arith.cmpf olt, %get3A_752, %select_n3A_694 : vector<16xf32>
        %select_n3A_754 = arith.select %lt3A_753, %get3A_752, %select_n3A_694 : vector<16xi1>, vector<16xf32>
        %select_n3A_755 = arith.select %lt3A_753, %broadcast_in_dim3A_720, %select_n3A_695 : vector<16xi1>, vector<16xi32>
        %get3A_756 = arith.index_cast %scan3A_718 : i32 to index
        %get3A_757 = arith.constant 80 : index
        %get3A_758 = tpu.vector_load %arg5[%get3A_756, %get3A_757] {strides = array<i32>} : memref<256x128xf32, #tpu.memory_space<vmem>>, vector<1x16xf32>,
        %get3A_759 = vector.shape_cast %get3A_758 : vector<1x16xf32> to vector<16xf32>
        %lt3A_760 = arith.cmpf olt, %get3A_759, %select_n3A_701 : vector<16xf32>
        %select_n3A_761 = arith.select %lt3A_760, %get3A_759, %select_n3A_701 : vector<16xi1>, vector<16xf32>
        %select_n3A_762 = arith.select %lt3A_760, %broadcast_in_dim3A_720, %select_n3A_702 : vector<16xi1>, vector<16xi32>
        %get3A_763 = arith.index_cast %scan3A_718 : i32 to index
        %get3A_764 = arith.constant 96 : index
        %get3A_765 = tpu.vector_load %arg5[%get3A_763, %get3A_764] {strides = array<i32>} : memref<256x128xf32, #tpu.memory_space<vmem>>, vector<1x16xf32>,
        %get3A_766 = vector.shape_cast %get3A_765 : vector<1x16xf32> to vector<16xf32>
        %lt3A_767 = arith.cmpf olt, %get3A_766, %select_n3A_708 : vector<16xf32>
        %select_n3A_768 = arith.select %lt3A_767, %get3A_766, %select_n3A_708 : vector<16xi1>, vector<16xf32>
        %select_n3A_769 = arith.select %lt3A_767, %broadcast_in_dim3A_720, %select_n3A_709 : vector<16xi1>, vector<16xi32>
        %get3A_770 = arith.index_cast %scan3A_718 : i32 to index
        %get3A_771 = arith.constant 112 : index
        %get3A_772 = tpu.vector_load %arg5[%get3A_770, %get3A_771] {strides = array<i32>} : memref<256x128xf32, #tpu.memory_space<vmem>>, vector<1x16xf32>,
        %get3A_773 = vector.shape_cast %get3A_772 : vector<1x16xf32> to vector<16xf32>
        %lt3A_774 = arith.cmpf olt, %get3A_773, %select_n3A_715 : vector<16xf32>
        %select_n3A_775 = arith.select %lt3A_774, %get3A_773, %select_n3A_715 : vector<16xi1>, vector<16xf32>
        %select_n3A_776 = arith.select %lt3A_774, %broadcast_in_dim3A_720, %select_n3A_716 : vector<16xi1>, vector<16xi32>
        %scan3A_777 = arith.constant 3 : i32
        %scan3A_778 = arith.addi %scan3A_583, %scan3A_777 : i32
        %add3A_779 = arith.addi %add3A_539, %scan3A_778 : i32
        %broadcast_in_dim3A_780 = vector.broadcast %add3A_779 : i32 to vector<16xi32>
        %get3A_781 = arith.index_cast %scan3A_778 : i32 to index
        %get3A_782 = arith.constant 0 : index
        %get3A_783 = tpu.vector_load %arg5[%get3A_781, %get3A_782] {strides = array<i32>} : memref<256x128xf32, #tpu.memory_space<vmem>>, vector<1x16xf32>,
        %get3A_784 = vector.shape_cast %get3A_783 : vector<1x16xf32> to vector<16xf32>
        %lt3A_785 = arith.cmpf olt, %get3A_784, %select_n3A_726 : vector<16xf32>
        %select_n3A_786 = arith.select %lt3A_785, %get3A_784, %select_n3A_726 : vector<16xi1>, vector<16xf32>
        %select_n3A_787 = arith.select %lt3A_785, %broadcast_in_dim3A_780, %select_n3A_727 : vector<16xi1>, vector<16xi32>
        %get3A_788 = arith.index_cast %scan3A_778 : i32 to index
        %get3A_789 = arith.constant 16 : index
        %get3A_790 = tpu.vector_load %arg5[%get3A_788, %get3A_789] {strides = array<i32>} : memref<256x128xf32, #tpu.memory_space<vmem>>, vector<1x16xf32>,
        %get3A_791 = vector.shape_cast %get3A_790 : vector<1x16xf32> to vector<16xf32>
        %lt3A_792 = arith.cmpf olt, %get3A_791, %select_n3A_733 : vector<16xf32>
        %select_n3A_793 = arith.select %lt3A_792, %get3A_791, %select_n3A_733 : vector<16xi1>, vector<16xf32>
        %select_n3A_794 = arith.select %lt3A_792, %broadcast_in_dim3A_780, %select_n3A_734 : vector<16xi1>, vector<16xi32>
        %get3A_795 = arith.index_cast %scan3A_778 : i32 to index
        %get3A_796 = arith.constant 32 : index
        %get3A_797 = tpu.vector_load %arg5[%get3A_795, %get3A_796] {strides = array<i32>} : memref<256x128xf32, #tpu.memory_space<vmem>>, vector<1x16xf32>,
        %get3A_798 = vector.shape_cast %get3A_797 : vector<1x16xf32> to vector<16xf32>
        %lt3A_799 = arith.cmpf olt, %get3A_798, %select_n3A_740 : vector<16xf32>
        %select_n3A_800 = arith.select %lt3A_799, %get3A_798, %select_n3A_740 : vector<16xi1>, vector<16xf32>
        %select_n3A_801 = arith.select %lt3A_799, %broadcast_in_dim3A_780, %select_n3A_741 : vector<16xi1>, vector<16xi32>
        %get3A_802 = arith.index_cast %scan3A_778 : i32 to index
        %get3A_803 = arith.constant 48 : index
        %get3A_804 = tpu.vector_load %arg5[%get3A_802, %get3A_803] {strides = array<i32>} : memref<256x128xf32, #tpu.memory_space<vmem>>, vector<1x16xf32>,
        %get3A_805 = vector.shape_cast %get3A_804 : vector<1x16xf32> to vector<16xf32>
        %lt3A_806 = arith.cmpf olt, %get3A_805, %select_n3A_747 : vector<16xf32>
        %select_n3A_807 = arith.select %lt3A_806, %get3A_805, %select_n3A_747 : vector<16xi1>, vector<16xf32>
        %select_n3A_808 = arith.select %lt3A_806, %broadcast_in_dim3A_780, %select_n3A_748 : vector<16xi1>, vector<16xi32>
        %get3A_809 = arith.index_cast %scan3A_778 : i32 to index
        %get3A_810 = arith.constant 64 : index
        %get3A_811 = tpu.vector_load %arg5[%get3A_809, %get3A_810] {strides = array<i32>} : memref<256x128xf32, #tpu.memory_space<vmem>>, vector<1x16xf32>,
        %get3A_812 = vector.shape_cast %get3A_811 : vector<1x16xf32> to vector<16xf32>
        %lt3A_813 = arith.cmpf olt, %get3A_812, %select_n3A_754 : vector<16xf32>
        %select_n3A_814 = arith.select %lt3A_813, %get3A_812, %select_n3A_754 : vector<16xi1>, vector<16xf32>
        %select_n3A_815 = arith.select %lt3A_813, %broadcast_in_dim3A_780, %select_n3A_755 : vector<16xi1>, vector<16xi32>
        %get3A_816 = arith.index_cast %scan3A_778 : i32 to index
        %get3A_817 = arith.constant 80 : index
        %get3A_818 = tpu.vector_load %arg5[%get3A_816, %get3A_817] {strides = array<i32>} : memref<256x128xf32, #tpu.memory_space<vmem>>, vector<1x16xf32>,
        %get3A_819 = vector.shape_cast %get3A_818 : vector<1x16xf32> to vector<16xf32>
        %lt3A_820 = arith.cmpf olt, %get3A_819, %select_n3A_761 : vector<16xf32>
        %select_n3A_821 = arith.select %lt3A_820, %get3A_819, %select_n3A_761 : vector<16xi1>, vector<16xf32>
        %select_n3A_822 = arith.select %lt3A_820, %broadcast_in_dim3A_780, %select_n3A_762 : vector<16xi1>, vector<16xi32>
        %get3A_823 = arith.index_cast %scan3A_778 : i32 to index
        %get3A_824 = arith.constant 96 : index
        %get3A_825 = tpu.vector_load %arg5[%get3A_823, %get3A_824] {strides = array<i32>} : memref<256x128xf32, #tpu.memory_space<vmem>>, vector<1x16xf32>,
        %get3A_826 = vector.shape_cast %get3A_825 : vector<1x16xf32> to vector<16xf32>
        %lt3A_827 = arith.cmpf olt, %get3A_826, %select_n3A_768 : vector<16xf32>
        %select_n3A_828 = arith.select %lt3A_827, %get3A_826, %select_n3A_768 : vector<16xi1>, vector<16xf32>
        %select_n3A_829 = arith.select %lt3A_827, %broadcast_in_dim3A_780, %select_n3A_769 : vector<16xi1>, vector<16xi32>
        %get3A_830 = arith.index_cast %scan3A_778 : i32 to index
        %get3A_831 = arith.constant 112 : index
        %get3A_832 = tpu.vector_load %arg5[%get3A_830, %get3A_831] {strides = array<i32>} : memref<256x128xf32, #tpu.memory_space<vmem>>, vector<1x16xf32>,
        %get3A_833 = vector.shape_cast %get3A_832 : vector<1x16xf32> to vector<16xf32>
        %lt3A_834 = arith.cmpf olt, %get3A_833, %select_n3A_775 : vector<16xf32>
        %select_n3A_835 = arith.select %lt3A_834, %get3A_833, %select_n3A_775 : vector<16xi1>, vector<16xf32>
        %select_n3A_836 = arith.select %lt3A_834, %broadcast_in_dim3A_780, %select_n3A_776 : vector<16xi1>, vector<16xi32>
        scf.yield %select_n3A_786, %select_n3A_793, %select_n3A_800, %select_n3A_807, %select_n3A_814, %select_n3A_821, %select_n3A_828, %select_n3A_835, %select_n3A_787, %select_n3A_794, %select_n3A_801, %select_n3A_808, %select_n3A_815, %select_n3A_822, %select_n3A_829, %select_n3A_836 : vector<16xf32>, vector<16xf32>, vector<16xf32>, vector<16xf32>, vector<16xf32>, vector<16xf32>, vector<16xf32>, vector<16xf32>, vector<16xi32>, vector<16xi32>, vector<16xi32>, vector<16xi32>, vector<16xi32>, vector<16xi32>, vector<16xi32>, vector<16xi32>
      }
      %scan3A_545 = arith.constant 256 : i32
      %add3A_546 = arith.constant 1 : i32
      %add3A_547 = arith.addi %scan3A_509, %add3A_546 : i32
      %lt3A_548 = arith.constant 4 : i32
      %lt3A_549 = arith.cmpi slt, %add3A_547, %lt3A_548 : i32
      %convert_element_type3A = arith.extui %lt3A_549 : i1 to i32
      %cond3A = arith.constant 0 : i32
      %cond3A_550 = arith.cmpi ne, %convert_element_type3A, %cond3A : i32
      scf.if %cond3A_550 {
        %mul3A_583 = arith.constant 2 : i32
        %mul3A_584 = arith.muli %mul3A_583, %scan3A_509 : i32
        %add3A_585 = arith.constant 2 : i32
        %add3A_586 = arith.addi %mul3A_584, %add3A_585 : i32
        %mul3A_587 = arith.constant 256 : i32
        %mul3A_588 = arith.muli %add3A_586, %mul3A_587 : i32
        %add3A_589 = arith.addi %mul3A_36, %mul3A_588 : i32
        %dma_start3A_590 = arith.constant 0 : i32
        %dma_start3A_591 = tpu.memref_slice %arg2[%dma_start3A_590, %add3A_589, %add3A_34] : memref<4x8192x4096xf32, #tpu.memory_space<hbm>> -> memref<1x256x128xf32, #tpu.memory_space<hbm>>
        %dma_start3A_592 = tpu.memref_squeeze %dma_start3A_591 : memref<1x256x128xf32, #tpu.memory_space<hbm>> -> memref<256x128xf32, #tpu.memory_space<hbm>>
        %dma_start3A_593 = tpu.memref_slice %arg2[%dma_start3A_590, %add3A_589, %add3A_34] : memref<4x8192x4096xf32, #tpu.memory_space<hbm>> -> memref<1x256x128xf32, #tpu.memory_space<hbm>>
        %dma_start3A_594 = tpu.memref_squeeze %dma_start3A_593 : memref<1x256x128xf32, #tpu.memory_space<hbm>> -> memref<256x128xf32, #tpu.memory_space<hbm>>
        tpu.enqueue_dma source(%dma_start3A_594 : memref<256x128xf32, #tpu.memory_space<hbm>>) target(%arg5 : memref<256x128xf32, #tpu.memory_space<vmem>>) target_semaphore(%arg9 : memref<!tpu.dma_semaphore, #tpu.memory_space<semaphore_mem>>)
      } else {
      }
      %mul3A_551 = arith.constant 2 : i32
      %mul3A_552 = arith.muli %mul3A_551, %scan3A_509 : i32
      %add3A_553 = arith.constant 1 : i32
      %add3A_554 = arith.addi %mul3A_552, %add3A_553 : i32
      %mul3A_555 = arith.constant 256 : i32
      %mul3A_556 = arith.muli %add3A_554, %mul3A_555 : i32
      %add3A_557 = arith.addi %mul3A_36, %mul3A_556 : i32
      %dma_wait3A_558 = arith.constant 0 : i32
      %dma_wait3A_559 = tpu.memref_slice %arg2[%dma_wait3A_558, %add3A_557, %add3A_34] : memref<4x8192x4096xf32, #tpu.memory_space<hbm>> -> memref<1x256x128xf32, #tpu.memory_space<hbm>>
      %dma_wait3A_560 = tpu.memref_squeeze %dma_wait3A_559 : memref<1x256x128xf32, #tpu.memory_space<hbm>> -> memref<256x128xf32, #tpu.memory_space<hbm>>
      %dma_wait3A_561 = tpu.memref_slice %arg2[%dma_wait3A_558, %add3A_557, %add3A_34] : memref<4x8192x4096xf32, #tpu.memory_space<hbm>> -> memref<1x256x128xf32, #tpu.memory_space<hbm>>
      %dma_wait3A_562 = tpu.memref_squeeze %dma_wait3A_561 : memref<1x256x128xf32, #tpu.memory_space<hbm>> -> memref<256x128xf32, #tpu.memory_space<hbm>>
      tpu.wait_dma2 semaphore(%arg10 : memref<!tpu.dma_semaphore, #tpu.memory_space<semaphore_mem>>) src(%dma_wait3A_562 : memref<256x128xf32, #tpu.memory_space<hbm>>) dst(%arg6 : memref<256x128xf32, #tpu.memory_space<vmem>>)
      %mul3A_563 = arith.constant 2 : i32
      %mul3A_564 = arith.muli %mul3A_563, %scan3A_509 : i32
      %add3A_565 = arith.constant 1 : i32
      %add3A_566 = arith.addi %mul3A_564, %add3A_565 : i32
      %mul3A_567 = arith.constant 256 : i32
      %mul3A_568 = arith.muli %add3A_566, %mul3A_567 : i32
      %add3A_569 = arith.addi %mul3A_36, %mul3A_568 : i32
      %scan3A_570 = arith.constant 0 : i32
      %scan3A_571 = arith.constant 256 : i32
      %scan3A_572 = arith.addi %scan3A_570, %scan3A_571 : i32
      %scan3A_573 = arith.constant 4 : i32
      %scan3A_574:16 = scf.for %scan3A_583 = %scan3A_570 to %scan3A_572 step %scan3A_573 iter_args(%scan3A_584 = %scan3A_544#0, %scan3A_585 = %scan3A_544#1, %scan3A_586 = %scan3A_544#2, %scan3A_587 = %scan3A_544#3, %scan3A_588 = %scan3A_544#4, %scan3A_589 = %scan3A_544#5, %scan3A_590 = %scan3A_544#6, %scan3A_591 = %scan3A_544#7, %scan3A_592 = %scan3A_544#8, %scan3A_593 = %scan3A_544#9, %scan3A_594 = %scan3A_544#10, %scan3A_595 = %scan3A_544#11, %scan3A_596 = %scan3A_544#12, %scan3A_597 = %scan3A_544#13, %scan3A_598 = %scan3A_544#14, %scan3A_599 = %scan3A_544#15) -> (vector<16xf32>, vector<16xf32>, vector<16xf32>, vector<16xf32>, vector<16xf32>, vector<16xf32>, vector<16xf32>, vector<16xf32>, vector<16xi32>, vector<16xi32>, vector<16xi32>, vector<16xi32>, vector<16xi32>, vector<16xi32>, vector<16xi32>, vector<16xi32>)  : i32 {
        %add3A_600 = arith.addi %add3A_569, %scan3A_583 : i32
        %broadcast_in_dim3A_601 = vector.broadcast %add3A_600 : i32 to vector<16xi32>
        %get3A = arith.index_cast %scan3A_583 : i32 to index
        %get3A_602 = arith.constant 0 : index
        %get3A_603 = tpu.vector_load %arg6[%get3A, %get3A_602] {strides = array<i32>} : memref<256x128xf32, #tpu.memory_space<vmem>>, vector<1x16xf32>,
        %get3A_604 = vector.shape_cast %get3A_603 : vector<1x16xf32> to vector<16xf32>
        %lt3A_605 = arith.cmpf olt, %get3A_604, %scan3A_584 : vector<16xf32>
        %select_n3A_606 = arith.select %lt3A_605, %get3A_604, %scan3A_584 : vector<16xi1>, vector<16xf32>
        %select_n3A_607 = arith.select %lt3A_605, %broadcast_in_dim3A_601, %scan3A_592 : vector<16xi1>, vector<16xi32>
        %get3A_608 = arith.index_cast %scan3A_583 : i32 to index
        %get3A_609 = arith.constant 16 : index
        %get3A_610 = tpu.vector_load %arg6[%get3A_608, %get3A_609] {strides = array<i32>} : memref<256x128xf32, #tpu.memory_space<vmem>>, vector<1x16xf32>,
        %get3A_611 = vector.shape_cast %get3A_610 : vector<1x16xf32> to vector<16xf32>
        %lt3A_612 = arith.cmpf olt, %get3A_611, %scan3A_585 : vector<16xf32>
        %select_n3A_613 = arith.select %lt3A_612, %get3A_611, %scan3A_585 : vector<16xi1>, vector<16xf32>
        %select_n3A_614 = arith.select %lt3A_612, %broadcast_in_dim3A_601, %scan3A_593 : vector<16xi1>, vector<16xi32>
        %get3A_615 = arith.index_cast %scan3A_583 : i32 to index
        %get3A_616 = arith.constant 32 : index
        %get3A_617 = tpu.vector_load %arg6[%get3A_615, %get3A_616] {strides = array<i32>} : memref<256x128xf32, #tpu.memory_space<vmem>>, vector<1x16xf32>,
        %get3A_618 = vector.shape_cast %get3A_617 : vector<1x16xf32> to vector<16xf32>
        %lt3A_619 = arith.cmpf olt, %get3A_618, %scan3A_586 : vector<16xf32>
        %select_n3A_620 = arith.select %lt3A_619, %get3A_618, %scan3A_586 : vector<16xi1>, vector<16xf32>
        %select_n3A_621 = arith.select %lt3A_619, %broadcast_in_dim3A_601, %scan3A_594 : vector<16xi1>, vector<16xi32>
        %get3A_622 = arith.index_cast %scan3A_583 : i32 to index
        %get3A_623 = arith.constant 48 : index
        %get3A_624 = tpu.vector_load %arg6[%get3A_622, %get3A_623] {strides = array<i32>} : memref<256x128xf32, #tpu.memory_space<vmem>>, vector<1x16xf32>,
        %get3A_625 = vector.shape_cast %get3A_624 : vector<1x16xf32> to vector<16xf32>
        %lt3A_626 = arith.cmpf olt, %get3A_625, %scan3A_587 : vector<16xf32>
        %select_n3A_627 = arith.select %lt3A_626, %get3A_625, %scan3A_587 : vector<16xi1>, vector<16xf32>
        %select_n3A_628 = arith.select %lt3A_626, %broadcast_in_dim3A_601, %scan3A_595 : vector<16xi1>, vector<16xi32>
        %get3A_629 = arith.index_cast %scan3A_583 : i32 to index
        %get3A_630 = arith.constant 64 : index
        %get3A_631 = tpu.vector_load %arg6[%get3A_629, %get3A_630] {strides = array<i32>} : memref<256x128xf32, #tpu.memory_space<vmem>>, vector<1x16xf32>,
        %get3A_632 = vector.shape_cast %get3A_631 : vector<1x16xf32> to vector<16xf32>
        %lt3A_633 = arith.cmpf olt, %get3A_632, %scan3A_588 : vector<16xf32>
        %select_n3A_634 = arith.select %lt3A_633, %get3A_632, %scan3A_588 : vector<16xi1>, vector<16xf32>
        %select_n3A_635 = arith.select %lt3A_633, %broadcast_in_dim3A_601, %scan3A_596 : vector<16xi1>, vector<16xi32>
        %get3A_636 = arith.index_cast %scan3A_583 : i32 to index
        %get3A_637 = arith.constant 80 : index
        %get3A_638 = tpu.vector_load %arg6[%get3A_636, %get3A_637] {strides = array<i32>} : memref<256x128xf32, #tpu.memory_space<vmem>>, vector<1x16xf32>,
        %get3A_639 = vector.shape_cast %get3A_638 : vector<1x16xf32> to vector<16xf32>
        %lt3A_640 = arith.cmpf olt, %get3A_639, %scan3A_589 : vector<16xf32>
        %select_n3A_641 = arith.select %lt3A_640, %get3A_639, %scan3A_589 : vector<16xi1>, vector<16xf32>
        %select_n3A_642 = arith.select %lt3A_640, %broadcast_in_dim3A_601, %scan3A_597 : vector<16xi1>, vector<16xi32>
        %get3A_643 = arith.index_cast %scan3A_583 : i32 to index
        %get3A_644 = arith.constant 96 : index
        %get3A_645 = tpu.vector_load %arg6[%get3A_643, %get3A_644] {strides = array<i32>} : memref<256x128xf32, #tpu.memory_space<vmem>>, vector<1x16xf32>,
        %get3A_646 = vector.shape_cast %get3A_645 : vector<1x16xf32> to vector<16xf32>
        %lt3A_647 = arith.cmpf olt, %get3A_646, %scan3A_590 : vector<16xf32>
        %select_n3A_648 = arith.select %lt3A_647, %get3A_646, %scan3A_590 : vector<16xi1>, vector<16xf32>
        %select_n3A_649 = arith.select %lt3A_647, %broadcast_in_dim3A_601, %scan3A_598 : vector<16xi1>, vector<16xi32>
        %get3A_650 = arith.index_cast %scan3A_583 : i32 to index
        %get3A_651 = arith.constant 112 : index
        %get3A_652 = tpu.vector_load %arg6[%get3A_650, %get3A_651] {strides = array<i32>} : memref<256x128xf32, #tpu.memory_space<vmem>>, vector<1x16xf32>,
        %get3A_653 = vector.shape_cast %get3A_652 : vector<1x16xf32> to vector<16xf32>
        %lt3A_654 = arith.cmpf olt, %get3A_653, %scan3A_591 : vector<16xf32>
        %select_n3A_655 = arith.select %lt3A_654, %get3A_653, %scan3A_591 : vector<16xi1>, vector<16xf32>
        %select_n3A_656 = arith.select %lt3A_654, %broadcast_in_dim3A_601, %scan3A_599 : vector<16xi1>, vector<16xi32>
        %scan3A_657 = arith.constant 1 : i32
        %scan3A_658 = arith.addi %scan3A_583, %scan3A_657 : i32
        %add3A_659 = arith.addi %add3A_569, %scan3A_658 : i32
        %broadcast_in_dim3A_660 = vector.broadcast %add3A_659 : i32 to vector<16xi32>
        %get3A_661 = arith.index_cast %scan3A_658 : i32 to index
        %get3A_662 = arith.constant 0 : index
        %get3A_663 = tpu.vector_load %arg6[%get3A_661, %get3A_662] {strides = array<i32>} : memref<256x128xf32, #tpu.memory_space<vmem>>, vector<1x16xf32>,
        %get3A_664 = vector.shape_cast %get3A_663 : vector<1x16xf32> to vector<16xf32>
        %lt3A_665 = arith.cmpf olt, %get3A_664, %select_n3A_606 : vector<16xf32>
        %select_n3A_666 = arith.select %lt3A_665, %get3A_664, %select_n3A_606 : vector<16xi1>, vector<16xf32>
        %select_n3A_667 = arith.select %lt3A_665, %broadcast_in_dim3A_660, %select_n3A_607 : vector<16xi1>, vector<16xi32>
        %get3A_668 = arith.index_cast %scan3A_658 : i32 to index
        %get3A_669 = arith.constant 16 : index
        %get3A_670 = tpu.vector_load %arg6[%get3A_668, %get3A_669] {strides = array<i32>} : memref<256x128xf32, #tpu.memory_space<vmem>>, vector<1x16xf32>,
        %get3A_671 = vector.shape_cast %get3A_670 : vector<1x16xf32> to vector<16xf32>
        %lt3A_672 = arith.cmpf olt, %get3A_671, %select_n3A_613 : vector<16xf32>
        %select_n3A_673 = arith.select %lt3A_672, %get3A_671, %select_n3A_613 : vector<16xi1>, vector<16xf32>
        %select_n3A_674 = arith.select %lt3A_672, %broadcast_in_dim3A_660, %select_n3A_614 : vector<16xi1>, vector<16xi32>
        %get3A_675 = arith.index_cast %scan3A_658 : i32 to index
        %get3A_676 = arith.constant 32 : index
        %get3A_677 = tpu.vector_load %arg6[%get3A_675, %get3A_676] {strides = array<i32>} : memref<256x128xf32, #tpu.memory_space<vmem>>, vector<1x16xf32>,
        %get3A_678 = vector.shape_cast %get3A_677 : vector<1x16xf32> to vector<16xf32>
        %lt3A_679 = arith.cmpf olt, %get3A_678, %select_n3A_620 : vector<16xf32>
        %select_n3A_680 = arith.select %lt3A_679, %get3A_678, %select_n3A_620 : vector<16xi1>, vector<16xf32>
        %select_n3A_681 = arith.select %lt3A_679, %broadcast_in_dim3A_660, %select_n3A_621 : vector<16xi1>, vector<16xi32>
        %get3A_682 = arith.index_cast %scan3A_658 : i32 to index
        %get3A_683 = arith.constant 48 : index
        %get3A_684 = tpu.vector_load %arg6[%get3A_682, %get3A_683] {strides = array<i32>} : memref<256x128xf32, #tpu.memory_space<vmem>>, vector<1x16xf32>,
        %get3A_685 = vector.shape_cast %get3A_684 : vector<1x16xf32> to vector<16xf32>
        %lt3A_686 = arith.cmpf olt, %get3A_685, %select_n3A_627 : vector<16xf32>
        %select_n3A_687 = arith.select %lt3A_686, %get3A_685, %select_n3A_627 : vector<16xi1>, vector<16xf32>
        %select_n3A_688 = arith.select %lt3A_686, %broadcast_in_dim3A_660, %select_n3A_628 : vector<16xi1>, vector<16xi32>
        %get3A_689 = arith.index_cast %scan3A_658 : i32 to index
        %get3A_690 = arith.constant 64 : index
        %get3A_691 = tpu.vector_load %arg6[%get3A_689, %get3A_690] {strides = array<i32>} : memref<256x128xf32, #tpu.memory_space<vmem>>, vector<1x16xf32>,
        %get3A_692 = vector.shape_cast %get3A_691 : vector<1x16xf32> to vector<16xf32>
        %lt3A_693 = arith.cmpf olt, %get3A_692, %select_n3A_634 : vector<16xf32>
        %select_n3A_694 = arith.select %lt3A_693, %get3A_692, %select_n3A_634 : vector<16xi1>, vector<16xf32>
        %select_n3A_695 = arith.select %lt3A_693, %broadcast_in_dim3A_660, %select_n3A_635 : vector<16xi1>, vector<16xi32>
        %get3A_696 = arith.index_cast %scan3A_658 : i32 to index
        %get3A_697 = arith.constant 80 : index
        %get3A_698 = tpu.vector_load %arg6[%get3A_696, %get3A_697] {strides = array<i32>} : memref<256x128xf32, #tpu.memory_space<vmem>>, vector<1x16xf32>,
        %get3A_699 = vector.shape_cast %get3A_698 : vector<1x16xf32> to vector<16xf32>
        %lt3A_700 = arith.cmpf olt, %get3A_699, %select_n3A_641 : vector<16xf32>
        %select_n3A_701 = arith.select %lt3A_700, %get3A_699, %select_n3A_641 : vector<16xi1>, vector<16xf32>
        %select_n3A_702 = arith.select %lt3A_700, %broadcast_in_dim3A_660, %select_n3A_642 : vector<16xi1>, vector<16xi32>
        %get3A_703 = arith.index_cast %scan3A_658 : i32 to index
        %get3A_704 = arith.constant 96 : index
        %get3A_705 = tpu.vector_load %arg6[%get3A_703, %get3A_704] {strides = array<i32>} : memref<256x128xf32, #tpu.memory_space<vmem>>, vector<1x16xf32>,
        %get3A_706 = vector.shape_cast %get3A_705 : vector<1x16xf32> to vector<16xf32>
        %lt3A_707 = arith.cmpf olt, %get3A_706, %select_n3A_648 : vector<16xf32>
        %select_n3A_708 = arith.select %lt3A_707, %get3A_706, %select_n3A_648 : vector<16xi1>, vector<16xf32>
        %select_n3A_709 = arith.select %lt3A_707, %broadcast_in_dim3A_660, %select_n3A_649 : vector<16xi1>, vector<16xi32>
        %get3A_710 = arith.index_cast %scan3A_658 : i32 to index
        %get3A_711 = arith.constant 112 : index
        %get3A_712 = tpu.vector_load %arg6[%get3A_710, %get3A_711] {strides = array<i32>} : memref<256x128xf32, #tpu.memory_space<vmem>>, vector<1x16xf32>,
        %get3A_713 = vector.shape_cast %get3A_712 : vector<1x16xf32> to vector<16xf32>
        %lt3A_714 = arith.cmpf olt, %get3A_713, %select_n3A_655 : vector<16xf32>
        %select_n3A_715 = arith.select %lt3A_714, %get3A_713, %select_n3A_655 : vector<16xi1>, vector<16xf32>
        %select_n3A_716 = arith.select %lt3A_714, %broadcast_in_dim3A_660, %select_n3A_656 : vector<16xi1>, vector<16xi32>
        %scan3A_717 = arith.constant 2 : i32
        %scan3A_718 = arith.addi %scan3A_583, %scan3A_717 : i32
        %add3A_719 = arith.addi %add3A_569, %scan3A_718 : i32
        %broadcast_in_dim3A_720 = vector.broadcast %add3A_719 : i32 to vector<16xi32>
        %get3A_721 = arith.index_cast %scan3A_718 : i32 to index
        %get3A_722 = arith.constant 0 : index
        %get3A_723 = tpu.vector_load %arg6[%get3A_721, %get3A_722] {strides = array<i32>} : memref<256x128xf32, #tpu.memory_space<vmem>>, vector<1x16xf32>,
        %get3A_724 = vector.shape_cast %get3A_723 : vector<1x16xf32> to vector<16xf32>
        %lt3A_725 = arith.cmpf olt, %get3A_724, %select_n3A_666 : vector<16xf32>
        %select_n3A_726 = arith.select %lt3A_725, %get3A_724, %select_n3A_666 : vector<16xi1>, vector<16xf32>
        %select_n3A_727 = arith.select %lt3A_725, %broadcast_in_dim3A_720, %select_n3A_667 : vector<16xi1>, vector<16xi32>
        %get3A_728 = arith.index_cast %scan3A_718 : i32 to index
        %get3A_729 = arith.constant 16 : index
        %get3A_730 = tpu.vector_load %arg6[%get3A_728, %get3A_729] {strides = array<i32>} : memref<256x128xf32, #tpu.memory_space<vmem>>, vector<1x16xf32>,
        %get3A_731 = vector.shape_cast %get3A_730 : vector<1x16xf32> to vector<16xf32>
        %lt3A_732 = arith.cmpf olt, %get3A_731, %select_n3A_673 : vector<16xf32>
        %select_n3A_733 = arith.select %lt3A_732, %get3A_731, %select_n3A_673 : vector<16xi1>, vector<16xf32>
        %select_n3A_734 = arith.select %lt3A_732, %broadcast_in_dim3A_720, %select_n3A_674 : vector<16xi1>, vector<16xi32>
        %get3A_735 = arith.index_cast %scan3A_718 : i32 to index
        %get3A_736 = arith.constant 32 : index
        %get3A_737 = tpu.vector_load %arg6[%get3A_735, %get3A_736] {strides = array<i32>} : memref<256x128xf32, #tpu.memory_space<vmem>>, vector<1x16xf32>,
        %get3A_738 = vector.shape_cast %get3A_737 : vector<1x16xf32> to vector<16xf32>
        %lt3A_739 = arith.cmpf olt, %get3A_738, %select_n3A_680 : vector<16xf32>
        %select_n3A_740 = arith.select %lt3A_739, %get3A_738, %select_n3A_680 : vector<16xi1>, vector<16xf32>
        %select_n3A_741 = arith.select %lt3A_739, %broadcast_in_dim3A_720, %select_n3A_681 : vector<16xi1>, vector<16xi32>
        %get3A_742 = arith.index_cast %scan3A_718 : i32 to index
        %get3A_743 = arith.constant 48 : index
        %get3A_744 = tpu.vector_load %arg6[%get3A_742, %get3A_743] {strides = array<i32>} : memref<256x128xf32, #tpu.memory_space<vmem>>, vector<1x16xf32>,
        %get3A_745 = vector.shape_cast %get3A_744 : vector<1x16xf32> to vector<16xf32>
        %lt3A_746 = arith.cmpf olt, %get3A_745, %select_n3A_687 : vector<16xf32>
        %select_n3A_747 = arith.select %lt3A_746, %get3A_745, %select_n3A_687 : vector<16xi1>, vector<16xf32>
        %select_n3A_748 = arith.select %lt3A_746, %broadcast_in_dim3A_720, %select_n3A_688 : vector<16xi1>, vector<16xi32>
        %get3A_749 = arith.index_cast %scan3A_718 : i32 to index
        %get3A_750 = arith.constant 64 : index
        %get3A_751 = tpu.vector_load %arg6[%get3A_749, %get3A_750] {strides = array<i32>} : memref<256x128xf32, #tpu.memory_space<vmem>>, vector<1x16xf32>,
        %get3A_752 = vector.shape_cast %get3A_751 : vector<1x16xf32> to vector<16xf32>
        %lt3A_753 = arith.cmpf olt, %get3A_752, %select_n3A_694 : vector<16xf32>
        %select_n3A_754 = arith.select %lt3A_753, %get3A_752, %select_n3A_694 : vector<16xi1>, vector<16xf32>
        %select_n3A_755 = arith.select %lt3A_753, %broadcast_in_dim3A_720, %select_n3A_695 : vector<16xi1>, vector<16xi32>
        %get3A_756 = arith.index_cast %scan3A_718 : i32 to index
        %get3A_757 = arith.constant 80 : index
        %get3A_758 = tpu.vector_load %arg6[%get3A_756, %get3A_757] {strides = array<i32>} : memref<256x128xf32, #tpu.memory_space<vmem>>, vector<1x16xf32>,
        %get3A_759 = vector.shape_cast %get3A_758 : vector<1x16xf32> to vector<16xf32>
        %lt3A_760 = arith.cmpf olt, %get3A_759, %select_n3A_701 : vector<16xf32>
        %select_n3A_761 = arith.select %lt3A_760, %get3A_759, %select_n3A_701 : vector<16xi1>, vector<16xf32>
        %select_n3A_762 = arith.select %lt3A_760, %broadcast_in_dim3A_720, %select_n3A_702 : vector<16xi1>, vector<16xi32>
        %get3A_763 = arith.index_cast %scan3A_718 : i32 to index
        %get3A_764 = arith.constant 96 : index
        %get3A_765 = tpu.vector_load %arg6[%get3A_763, %get3A_764] {strides = array<i32>} : memref<256x128xf32, #tpu.memory_space<vmem>>, vector<1x16xf32>,
        %get3A_766 = vector.shape_cast %get3A_765 : vector<1x16xf32> to vector<16xf32>
        %lt3A_767 = arith.cmpf olt, %get3A_766, %select_n3A_708 : vector<16xf32>
        %select_n3A_768 = arith.select %lt3A_767, %get3A_766, %select_n3A_708 : vector<16xi1>, vector<16xf32>
        %select_n3A_769 = arith.select %lt3A_767, %broadcast_in_dim3A_720, %select_n3A_709 : vector<16xi1>, vector<16xi32>
        %get3A_770 = arith.index_cast %scan3A_718 : i32 to index
        %get3A_771 = arith.constant 112 : index
        %get3A_772 = tpu.vector_load %arg6[%get3A_770, %get3A_771] {strides = array<i32>} : memref<256x128xf32, #tpu.memory_space<vmem>>, vector<1x16xf32>,
        %get3A_773 = vector.shape_cast %get3A_772 : vector<1x16xf32> to vector<16xf32>
        %lt3A_774 = arith.cmpf olt, %get3A_773, %select_n3A_715 : vector<16xf32>
        %select_n3A_775 = arith.select %lt3A_774, %get3A_773, %select_n3A_715 : vector<16xi1>, vector<16xf32>
        %select_n3A_776 = arith.select %lt3A_774, %broadcast_in_dim3A_720, %select_n3A_716 : vector<16xi1>, vector<16xi32>
        %scan3A_777 = arith.constant 3 : i32
        %scan3A_778 = arith.addi %scan3A_583, %scan3A_777 : i32
        %add3A_779 = arith.addi %add3A_569, %scan3A_778 : i32
        %broadcast_in_dim3A_780 = vector.broadcast %add3A_779 : i32 to vector<16xi32>
        %get3A_781 = arith.index_cast %scan3A_778 : i32 to index
        %get3A_782 = arith.constant 0 : index
        %get3A_783 = tpu.vector_load %arg6[%get3A_781, %get3A_782] {strides = array<i32>} : memref<256x128xf32, #tpu.memory_space<vmem>>, vector<1x16xf32>,
        %get3A_784 = vector.shape_cast %get3A_783 : vector<1x16xf32> to vector<16xf32>
        %lt3A_785 = arith.cmpf olt, %get3A_784, %select_n3A_726 : vector<16xf32>
        %select_n3A_786 = arith.select %lt3A_785, %get3A_784, %select_n3A_726 : vector<16xi1>, vector<16xf32>
        %select_n3A_787 = arith.select %lt3A_785, %broadcast_in_dim3A_780, %select_n3A_727 : vector<16xi1>, vector<16xi32>
        %get3A_788 = arith.index_cast %scan3A_778 : i32 to index
        %get3A_789 = arith.constant 16 : index
        %get3A_790 = tpu.vector_load %arg6[%get3A_788, %get3A_789] {strides = array<i32>} : memref<256x128xf32, #tpu.memory_space<vmem>>, vector<1x16xf32>,
        %get3A_791 = vector.shape_cast %get3A_790 : vector<1x16xf32> to vector<16xf32>
        %lt3A_792 = arith.cmpf olt, %get3A_791, %select_n3A_733 : vector<16xf32>
        %select_n3A_793 = arith.select %lt3A_792, %get3A_791, %select_n3A_733 : vector<16xi1>, vector<16xf32>
        %select_n3A_794 = arith.select %lt3A_792, %broadcast_in_dim3A_780, %select_n3A_734 : vector<16xi1>, vector<16xi32>
        %get3A_795 = arith.index_cast %scan3A_778 : i32 to index
        %get3A_796 = arith.constant 32 : index
        %get3A_797 = tpu.vector_load %arg6[%get3A_795, %get3A_796] {strides = array<i32>} : memref<256x128xf32, #tpu.memory_space<vmem>>, vector<1x16xf32>,
        %get3A_798 = vector.shape_cast %get3A_797 : vector<1x16xf32> to vector<16xf32>
        %lt3A_799 = arith.cmpf olt, %get3A_798, %select_n3A_740 : vector<16xf32>
        %select_n3A_800 = arith.select %lt3A_799, %get3A_798, %select_n3A_740 : vector<16xi1>, vector<16xf32>
        %select_n3A_801 = arith.select %lt3A_799, %broadcast_in_dim3A_780, %select_n3A_741 : vector<16xi1>, vector<16xi32>
        %get3A_802 = arith.index_cast %scan3A_778 : i32 to index
        %get3A_803 = arith.constant 48 : index
        %get3A_804 = tpu.vector_load %arg6[%get3A_802, %get3A_803] {strides = array<i32>} : memref<256x128xf32, #tpu.memory_space<vmem>>, vector<1x16xf32>,
        %get3A_805 = vector.shape_cast %get3A_804 : vector<1x16xf32> to vector<16xf32>
        %lt3A_806 = arith.cmpf olt, %get3A_805, %select_n3A_747 : vector<16xf32>
        %select_n3A_807 = arith.select %lt3A_806, %get3A_805, %select_n3A_747 : vector<16xi1>, vector<16xf32>
        %select_n3A_808 = arith.select %lt3A_806, %broadcast_in_dim3A_780, %select_n3A_748 : vector<16xi1>, vector<16xi32>
        %get3A_809 = arith.index_cast %scan3A_778 : i32 to index
        %get3A_810 = arith.constant 64 : index
        %get3A_811 = tpu.vector_load %arg6[%get3A_809, %get3A_810] {strides = array<i32>} : memref<256x128xf32, #tpu.memory_space<vmem>>, vector<1x16xf32>,
        %get3A_812 = vector.shape_cast %get3A_811 : vector<1x16xf32> to vector<16xf32>
        %lt3A_813 = arith.cmpf olt, %get3A_812, %select_n3A_754 : vector<16xf32>
        %select_n3A_814 = arith.select %lt3A_813, %get3A_812, %select_n3A_754 : vector<16xi1>, vector<16xf32>
        %select_n3A_815 = arith.select %lt3A_813, %broadcast_in_dim3A_780, %select_n3A_755 : vector<16xi1>, vector<16xi32>
        %get3A_816 = arith.index_cast %scan3A_778 : i32 to index
        %get3A_817 = arith.constant 80 : index
        %get3A_818 = tpu.vector_load %arg6[%get3A_816, %get3A_817] {strides = array<i32>} : memref<256x128xf32, #tpu.memory_space<vmem>>, vector<1x16xf32>,
        %get3A_819 = vector.shape_cast %get3A_818 : vector<1x16xf32> to vector<16xf32>
        %lt3A_820 = arith.cmpf olt, %get3A_819, %select_n3A_761 : vector<16xf32>
        %select_n3A_821 = arith.select %lt3A_820, %get3A_819, %select_n3A_761 : vector<16xi1>, vector<16xf32>
        %select_n3A_822 = arith.select %lt3A_820, %broadcast_in_dim3A_780, %select_n3A_762 : vector<16xi1>, vector<16xi32>
        %get3A_823 = arith.index_cast %scan3A_778 : i32 to index
        %get3A_824 = arith.constant 96 : index
        %get3A_825 = tpu.vector_load %arg6[%get3A_823, %get3A_824] {strides = array<i32>} : memref<256x128xf32, #tpu.memory_space<vmem>>, vector<1x16xf32>,
        %get3A_826 = vector.shape_cast %get3A_825 : vector<1x16xf32> to vector<16xf32>
        %lt3A_827 = arith.cmpf olt, %get3A_826, %select_n3A_768 : vector<16xf32>
        %select_n3A_828 = arith.select %lt3A_827, %get3A_826, %select_n3A_768 : vector<16xi1>, vector<16xf32>
        %select_n3A_829 = arith.select %lt3A_827, %broadcast_in_dim3A_780, %select_n3A_769 : vector<16xi1>, vector<16xi32>
        %get3A_830 = arith.index_cast %scan3A_778 : i32 to index
        %get3A_831 = arith.constant 112 : index
        %get3A_832 = tpu.vector_load %arg6[%get3A_830, %get3A_831] {strides = array<i32>} : memref<256x128xf32, #tpu.memory_space<vmem>>, vector<1x16xf32>,
        %get3A_833 = vector.shape_cast %get3A_832 : vector<1x16xf32> to vector<16xf32>
        %lt3A_834 = arith.cmpf olt, %get3A_833, %select_n3A_775 : vector<16xf32>
        %select_n3A_835 = arith.select %lt3A_834, %get3A_833, %select_n3A_775 : vector<16xi1>, vector<16xf32>
        %select_n3A_836 = arith.select %lt3A_834, %broadcast_in_dim3A_780, %select_n3A_776 : vector<16xi1>, vector<16xi32>
        scf.yield %select_n3A_786, %select_n3A_793, %select_n3A_800, %select_n3A_807, %select_n3A_814, %select_n3A_821, %select_n3A_828, %select_n3A_835, %select_n3A_787, %select_n3A_794, %select_n3A_801, %select_n3A_808, %select_n3A_815, %select_n3A_822, %select_n3A_829, %select_n3A_836 : vector<16xf32>, vector<16xf32>, vector<16xf32>, vector<16xf32>, vector<16xf32>, vector<16xf32>, vector<16xf32>, vector<16xf32>, vector<16xi32>, vector<16xi32>, vector<16xi32>, vector<16xi32>, vector<16xi32>, vector<16xi32>, vector<16xi32>, vector<16xi32>
      }
      %scan3A_575 = arith.constant 256 : i32
      %add3A_576 = arith.constant 1 : i32
      %add3A_577 = arith.addi %scan3A_509, %add3A_576 : i32
      %lt3A_578 = arith.constant 4 : i32
      %lt3A_579 = arith.cmpi slt, %add3A_577, %lt3A_578 : i32
      %convert_element_type3A_580 = arith.extui %lt3A_579 : i1 to i32
      %cond3A_581 = arith.constant 0 : i32
      %cond3A_582 = arith.cmpi ne, %convert_element_type3A_580, %cond3A_581 : i32
      scf.if %cond3A_582 {
        %mul3A_583 = arith.constant 2 : i32
        %mul3A_584 = arith.muli %mul3A_583, %scan3A_509 : i32
        %add3A_585 = arith.constant 3 : i32
        %add3A_586 = arith.addi %mul3A_584, %add3A_585 : i32
        %mul3A_587 = arith.constant 256 : i32
        %mul3A_588 = arith.muli %add3A_586, %mul3A_587 : i32
        %add3A_589 = arith.addi %mul3A_36, %mul3A_588 : i32
        %dma_start3A_590 = arith.constant 0 : i32
        %dma_start3A_591 = tpu.memref_slice %arg2[%dma_start3A_590, %add3A_589, %add3A_34] : memref<4x8192x4096xf32, #tpu.memory_space<hbm>> -> memref<1x256x128xf32, #tpu.memory_space<hbm>>
        %dma_start3A_592 = tpu.memref_squeeze %dma_start3A_591 : memref<1x256x128xf32, #tpu.memory_space<hbm>> -> memref<256x128xf32, #tpu.memory_space<hbm>>
        %dma_start3A_593 = tpu.memref_slice %arg2[%dma_start3A_590, %add3A_589, %add3A_34] : memref<4x8192x4096xf32, #tpu.memory_space<hbm>> -> memref<1x256x128xf32, #tpu.memory_space<hbm>>
        %dma_start3A_594 = tpu.memref_squeeze %dma_start3A_593 : memref<1x256x128xf32, #tpu.memory_space<hbm>> -> memref<256x128xf32, #tpu.memory_space<hbm>>
        tpu.enqueue_dma source(%dma_start3A_594 : memref<256x128xf32, #tpu.memory_space<hbm>>) target(%arg6 : memref<256x128xf32, #tpu.memory_space<vmem>>) target_semaphore(%arg10 : memref<!tpu.dma_semaphore, #tpu.memory_space<semaphore_mem>>)
      } else {
      }
      scf.yield %scan3A_574#0, %scan3A_574#1, %scan3A_574#2, %scan3A_574#3, %scan3A_574#4, %scan3A_574#5, %scan3A_574#6, %scan3A_574#7, %scan3A_574#8, %scan3A_574#9, %scan3A_574#10, %scan3A_574#11, %scan3A_574#12, %scan3A_574#13, %scan3A_574#14, %scan3A_574#15 : vector<16xf32>, vector<16xf32>, vector<16xf32>, vector<16xf32>, vector<16xf32>, vector<16xf32>, vector<16xf32>, vector<16xf32>, vector<16xi32>, vector<16xi32>, vector<16xi32>, vector<16xi32>, vector<16xi32>, vector<16xi32>, vector<16xi32>, vector<16xi32>
    }
    %scan3A_90 = arith.constant 4 : i32
    %swap3A = arith.constant 0 : index
    %swap3A_91 = tpu.vector_load %arg7[%swap3A] {strides = array<i32>} : memref<128xf32, #tpu.memory_space<vmem>>, vector<16xf32>,
    %swap3A_92 = vector.shape_cast %swap3A_91 : vector<16xf32> to vector<16xf32>
    %swap3A_93 = vector.shape_cast %scan3A_89#0 : vector<16xf32> to vector<16xf32>
    tpu.vector_store %arg7[%swap3A], %swap3A_93 {strides = array<i32>} : memref<128xf32, #tpu.memory_space<vmem>>, vector<16xf32>,
    %swap3A_94 = arith.constant 0 : index
    %swap3A_95 = tpu.vector_load %arg8[%swap3A_94] {strides = array<i32>} : memref<128xi32, #tpu.memory_space<vmem>>, vector<16xi32>,
    %swap3A_96 = vector.shape_cast %swap3A_95 : vector<16xi32> to vector<16xi32>
    %swap3A_97 = vector.shape_cast %scan3A_89#8 : vector<16xi32> to vector<16xi32>
    tpu.vector_store %arg8[%swap3A_94], %swap3A_97 {strides = array<i32>} : memref<128xi32, #tpu.memory_space<vmem>>, vector<16xi32>,
    %swap3A_98 = arith.constant 16 : index
    %swap3A_99 = tpu.vector_load %arg7[%swap3A_98] {strides = array<i32>} : memref<128xf32, #tpu.memory_space<vmem>>, vector<16xf32>,
    %swap3A_100 = vector.shape_cast %swap3A_99 : vector<16xf32> to vector<16xf32>
    %swap3A_101 = vector.shape_cast %scan3A_89#1 : vector<16xf32> to vector<16xf32>
    tpu.vector_store %arg7[%swap3A_98], %swap3A_101 {strides = array<i32>} : memref<128xf32, #tpu.memory_space<vmem>>, vector<16xf32>,
    %swap3A_102 = arith.constant 16 : index
    %swap3A_103 = tpu.vector_load %arg8[%swap3A_102] {strides = array<i32>} : memref<128xi32, #tpu.memory_space<vmem>>, vector<16xi32>,
    %swap3A_104 = vector.shape_cast %swap3A_103 : vector<16xi32> to vector<16xi32>
    %swap3A_105 = vector.shape_cast %scan3A_89#9 : vector<16xi32> to vector<16xi32>
    tpu.vector_store %arg8[%swap3A_102], %swap3A_105 {strides = array<i32>} : memref<128xi32, #tpu.memory_space<vmem>>, vector<16xi32>,
    %swap3A_106 = arith.constant 32 : index
    %swap3A_107 = tpu.vector_load %arg7[%swap3A_106] {strides = array<i32>} : memref<128xf32, #tpu.memory_space<vmem>>, vector<16xf32>,
    %swap3A_108 = vector.shape_cast %swap3A_107 : vector<16xf32> to vector<16xf32>
    %swap3A_109 = vector.shape_cast %scan3A_89#2 : vector<16xf32> to vector<16xf32>
    tpu.vector_store %arg7[%swap3A_106], %swap3A_109 {strides = array<i32>} : memref<128xf32, #tpu.memory_space<vmem>>, vector<16xf32>,
    %swap3A_110 = arith.constant 32 : index
    %swap3A_111 = tpu.vector_load %arg8[%swap3A_110] {strides = array<i32>} : memref<128xi32, #tpu.memory_space<vmem>>, vector<16xi32>,
    %swap3A_112 = vector.shape_cast %swap3A_111 : vector<16xi32> to vector<16xi32>
    %swap3A_113 = vector.shape_cast %scan3A_89#10 : vector<16xi32> to vector<16xi32>
    tpu.vector_store %arg8[%swap3A_110], %swap3A_113 {strides = array<i32>} : memref<128xi32, #tpu.memory_space<vmem>>, vector<16xi32>,
    %swap3A_114 = arith.constant 48 : index
    %swap3A_115 = tpu.vector_load %arg7[%swap3A_114] {strides = array<i32>} : memref<128xf32, #tpu.memory_space<vmem>>, vector<16xf32>,
    %swap3A_116 = vector.shape_cast %swap3A_115 : vector<16xf32> to vector<16xf32>
    %swap3A_117 = vector.shape_cast %scan3A_89#3 : vector<16xf32> to vector<16xf32>
    tpu.vector_store %arg7[%swap3A_114], %swap3A_117 {strides = array<i32>} : memref<128xf32, #tpu.memory_space<vmem>>, vector<16xf32>,
    %swap3A_118 = arith.constant 48 : index
    %swap3A_119 = tpu.vector_load %arg8[%swap3A_118] {strides = array<i32>} : memref<128xi32, #tpu.memory_space<vmem>>, vector<16xi32>,
    %swap3A_120 = vector.shape_cast %swap3A_119 : vector<16xi32> to vector<16xi32>
    %swap3A_121 = vector.shape_cast %scan3A_89#11 : vector<16xi32> to vector<16xi32>
    tpu.vector_store %arg8[%swap3A_118], %swap3A_121 {strides = array<i32>} : memref<128xi32, #tpu.memory_space<vmem>>, vector<16xi32>,
    %swap3A_122 = arith.constant 64 : index
    %swap3A_123 = tpu.vector_load %arg7[%swap3A_122] {strides = array<i32>} : memref<128xf32, #tpu.memory_space<vmem>>, vector<16xf32>,
    %swap3A_124 = vector.shape_cast %swap3A_123 : vector<16xf32> to vector<16xf32>
    %swap3A_125 = vector.shape_cast %scan3A_89#4 : vector<16xf32> to vector<16xf32>
    tpu.vector_store %arg7[%swap3A_122], %swap3A_125 {strides = array<i32>} : memref<128xf32, #tpu.memory_space<vmem>>, vector<16xf32>,
    %swap3A_126 = arith.constant 64 : index
    %swap3A_127 = tpu.vector_load %arg8[%swap3A_126] {strides = array<i32>} : memref<128xi32, #tpu.memory_space<vmem>>, vector<16xi32>,
    %swap3A_128 = vector.shape_cast %swap3A_127 : vector<16xi32> to vector<16xi32>
    %swap3A_129 = vector.shape_cast %scan3A_89#12 : vector<16xi32> to vector<16xi32>
    tpu.vector_store %arg8[%swap3A_126], %swap3A_129 {strides = array<i32>} : memref<128xi32, #tpu.memory_space<vmem>>, vector<16xi32>,
    %swap3A_130 = arith.constant 80 : index
    %swap3A_131 = tpu.vector_load %arg7[%swap3A_130] {strides = array<i32>} : memref<128xf32, #tpu.memory_space<vmem>>, vector<16xf32>,
    %swap3A_132 = vector.shape_cast %swap3A_131 : vector<16xf32> to vector<16xf32>
    %swap3A_133 = vector.shape_cast %scan3A_89#5 : vector<16xf32> to vector<16xf32>
    tpu.vector_store %arg7[%swap3A_130], %swap3A_133 {strides = array<i32>} : memref<128xf32, #tpu.memory_space<vmem>>, vector<16xf32>,
    %swap3A_134 = arith.constant 80 : index
    %swap3A_135 = tpu.vector_load %arg8[%swap3A_134] {strides = array<i32>} : memref<128xi32, #tpu.memory_space<vmem>>, vector<16xi32>,
    %swap3A_136 = vector.shape_cast %swap3A_135 : vector<16xi32> to vector<16xi32>
    %swap3A_137 = vector.shape_cast %scan3A_89#13 : vector<16xi32> to vector<16xi32>
    tpu.vector_store %arg8[%swap3A_134], %swap3A_137 {strides = array<i32>} : memref<128xi32, #tpu.memory_space<vmem>>, vector<16xi32>,
    %swap3A_138 = arith.constant 96 : index
    %swap3A_139 = tpu.vector_load %arg7[%swap3A_138] {strides = array<i32>} : memref<128xf32, #tpu.memory_space<vmem>>, vector<16xf32>,
    %swap3A_140 = vector.shape_cast %swap3A_139 : vector<16xf32> to vector<16xf32>
    %swap3A_141 = vector.shape_cast %scan3A_89#6 : vector<16xf32> to vector<16xf32>
    tpu.vector_store %arg7[%swap3A_138], %swap3A_141 {strides = array<i32>} : memref<128xf32, #tpu.memory_space<vmem>>, vector<16xf32>,
    %swap3A_142 = arith.constant 96 : index
    %swap3A_143 = tpu.vector_load %arg8[%swap3A_142] {strides = array<i32>} : memref<128xi32, #tpu.memory_space<vmem>>, vector<16xi32>,
    %swap3A_144 = vector.shape_cast %swap3A_143 : vector<16xi32> to vector<16xi32>
    %swap3A_145 = vector.shape_cast %scan3A_89#14 : vector<16xi32> to vector<16xi32>
    tpu.vector_store %arg8[%swap3A_142], %swap3A_145 {strides = array<i32>} : memref<128xi32, #tpu.memory_space<vmem>>, vector<16xi32>,
    %swap3A_146 = arith.constant 112 : index
    %swap3A_147 = tpu.vector_load %arg7[%swap3A_146] {strides = array<i32>} : memref<128xf32, #tpu.memory_space<vmem>>, vector<16xf32>,
    %swap3A_148 = vector.shape_cast %swap3A_147 : vector<16xf32> to vector<16xf32>
    %swap3A_149 = vector.shape_cast %scan3A_89#7 : vector<16xf32> to vector<16xf32>
    tpu.vector_store %arg7[%swap3A_146], %swap3A_149 {strides = array<i32>} : memref<128xf32, #tpu.memory_space<vmem>>, vector<16xf32>,
    %swap3A_150 = arith.constant 112 : index
    %swap3A_151 = tpu.vector_load %arg8[%swap3A_150] {strides = array<i32>} : memref<128xi32, #tpu.memory_space<vmem>>, vector<16xi32>,
    %swap3A_152 = vector.shape_cast %swap3A_151 : vector<16xi32> to vector<16xi32>
    %swap3A_153 = vector.shape_cast %scan3A_89#15 : vector<16xi32> to vector<16xi32>
    tpu.vector_store %arg8[%swap3A_150], %swap3A_153 {strides = array<i32>} : memref<128xi32, #tpu.memory_space<vmem>>, vector<16xi32>,
    %run_scoped3A = arith.constant 0 : i32
    "tpu.region"() ({
      %run_scoped3A_509 = tpu.sem_alloc : memref<!tpu.dma_semaphore, #tpu.memory_space<semaphore_mem>>
      %dma_start3A_510 = tpu.memref_slice %arg3[%run_scoped3A, %add3A_41] : memref<4x4096xf32, #tpu.memory_space<hbm>> -> memref<1x128xf32, #tpu.memory_space<hbm>>
      %dma_start3A_511 = tpu.memref_squeeze %dma_start3A_510 : memref<1x128xf32, #tpu.memory_space<hbm>> -> memref<128xf32, #tpu.memory_space<hbm>>
      %dma_start3A_512 = tpu.memref_slice %arg3[%run_scoped3A, %add3A_41] : memref<4x4096xf32, #tpu.memory_space<hbm>> -> memref<1x128xf32, #tpu.memory_space<hbm>>
      %dma_start3A_513 = tpu.memref_squeeze %dma_start3A_512 : memref<1x128xf32, #tpu.memory_space<hbm>> -> memref<128xf32, #tpu.memory_space<hbm>>
      tpu.enqueue_dma source(%arg7 : memref<128xf32, #tpu.memory_space<vmem>>) target(%dma_start3A_513 : memref<128xf32, #tpu.memory_space<hbm>>) target_semaphore(%run_scoped3A_509 : memref<!tpu.dma_semaphore, #tpu.memory_space<semaphore_mem>>)
      %dma_wait3A = tpu.memref_slice %arg3[%run_scoped3A, %add3A_41] : memref<4x4096xf32, #tpu.memory_space<hbm>> -> memref<1x128xf32, #tpu.memory_space<hbm>>
      %dma_wait3A_514 = tpu.memref_squeeze %dma_wait3A : memref<1x128xf32, #tpu.memory_space<hbm>> -> memref<128xf32, #tpu.memory_space<hbm>>
      %dma_wait3A_515 = tpu.memref_slice %arg3[%run_scoped3A, %add3A_41] : memref<4x4096xf32, #tpu.memory_space<hbm>> -> memref<1x128xf32, #tpu.memory_space<hbm>>
      %dma_wait3A_516 = tpu.memref_squeeze %dma_wait3A_515 : memref<1x128xf32, #tpu.memory_space<hbm>> -> memref<128xf32, #tpu.memory_space<hbm>>
      tpu.wait_dma2 semaphore(%run_scoped3A_509 : memref<!tpu.dma_semaphore, #tpu.memory_space<semaphore_mem>>) src(%arg7 : memref<128xf32, #tpu.memory_space<vmem>>) dst(%dma_wait3A_516 : memref<128xf32, #tpu.memory_space<hbm>>)
      tpu.yield
    }) : () -> ()
    %run_scoped3A_154 = arith.constant 0 : i32
    "tpu.region"() ({
      %run_scoped3A_509 = tpu.sem_alloc : memref<!tpu.dma_semaphore, #tpu.memory_space<semaphore_mem>>
      %dma_start3A_510 = tpu.memref_slice %arg4[%run_scoped3A_154, %add3A_41] : memref<4x4096xi32, #tpu.memory_space<hbm>> -> memref<1x128xi32, #tpu.memory_space<hbm>>
      %dma_start3A_511 = tpu.memref_squeeze %dma_start3A_510 : memref<1x128xi32, #tpu.memory_space<hbm>> -> memref<128xi32, #tpu.memory_space<hbm>>
      %dma_start3A_512 = tpu.memref_slice %arg4[%run_scoped3A_154, %add3A_41] : memref<4x4096xi32, #tpu.memory_space<hbm>> -> memref<1x128xi32, #tpu.memory_space<hbm>>
      %dma_start3A_513 = tpu.memref_squeeze %dma_start3A_512 : memref<1x128xi32, #tpu.memory_space<hbm>> -> memref<128xi32, #tpu.memory_space<hbm>>
      tpu.enqueue_dma source(%arg8 : memref<128xi32, #tpu.memory_space<vmem>>) target(%dma_start3A_513 : memref<128xi32, #tpu.memory_space<hbm>>) target_semaphore(%run_scoped3A_509 : memref<!tpu.dma_semaphore, #tpu.memory_space<semaphore_mem>>)
      %dma_wait3A = tpu.memref_slice %arg4[%run_scoped3A_154, %add3A_41] : memref<4x4096xi32, #tpu.memory_space<hbm>> -> memref<1x128xi32, #tpu.memory_space<hbm>>
      %dma_wait3A_514 = tpu.memref_squeeze %dma_wait3A : memref<1x128xi32, #tpu.memory_space<hbm>> -> memref<128xi32, #tpu.memory_space<hbm>>
      %dma_wait3A_515 = tpu.memref_slice %arg4[%run_scoped3A_154, %add3A_41] : memref<4x4096xi32, #tpu.memory_space<hbm>> -> memref<1x128xi32, #tpu.memory_space<hbm>>
      %dma_wait3A_516 = tpu.memref_squeeze %dma_wait3A_515 : memref<1x128xi32, #tpu.memory_space<hbm>> -> memref<128xi32, #tpu.memory_space<hbm>>
      tpu.wait_dma2 semaphore(%run_scoped3A_509 : memref<!tpu.dma_semaphore, #tpu.memory_space<semaphore_mem>>) src(%arg8 : memref<128xi32, #tpu.memory_space<vmem>>) dst(%dma_wait3A_516 : memref<128xi32, #tpu.memory_space<hbm>>)
      tpu.yield
    }) : () -> ()
    %add3A_155 = arith.constant 0 : i32
    %add3A_156 = arith.addi %mul3A_36, %add3A_155 : i32
    %dma_start3A_157 = arith.constant 1 : i32
    %dma_start3A_158 = tpu.memref_slice %arg2[%dma_start3A_157, %add3A_156, %add3A_34] : memref<4x8192x4096xf32, #tpu.memory_space<hbm>> -> memref<1x256x128xf32, #tpu.memory_space<hbm>>
    %dma_start3A_159 = tpu.memref_squeeze %dma_start3A_158 : memref<1x256x128xf32, #tpu.memory_space<hbm>> -> memref<256x128xf32, #tpu.memory_space<hbm>>
    %dma_start3A_160 = tpu.memref_slice %arg2[%dma_start3A_157, %add3A_156, %add3A_34] : memref<4x8192x4096xf32, #tpu.memory_space<hbm>> -> memref<1x256x128xf32, #tpu.memory_space<hbm>>
    %dma_start3A_161 = tpu.memref_squeeze %dma_start3A_160 : memref<1x256x128xf32, #tpu.memory_space<hbm>> -> memref<256x128xf32, #tpu.memory_space<hbm>>
    tpu.enqueue_dma source(%dma_start3A_161 : memref<256x128xf32, #tpu.memory_space<hbm>>) target(%arg5 : memref<256x128xf32, #tpu.memory_space<vmem>>) target_semaphore(%arg9 : memref<!tpu.dma_semaphore, #tpu.memory_space<semaphore_mem>>)
    %add3A_162 = arith.constant 256 : i32
    %add3A_163 = arith.addi %mul3A_36, %add3A_162 : i32
    %dma_start3A_164 = arith.constant 1 : i32
    %dma_start3A_165 = tpu.memref_slice %arg2[%dma_start3A_164, %add3A_163, %add3A_34] : memref<4x8192x4096xf32, #tpu.memory_space<hbm>> -> memref<1x256x128xf32, #tpu.memory_space<hbm>>
    %dma_start3A_166 = tpu.memref_squeeze %dma_start3A_165 : memref<1x256x128xf32, #tpu.memory_space<hbm>> -> memref<256x128xf32, #tpu.memory_space<hbm>>
    %dma_start3A_167 = tpu.memref_slice %arg2[%dma_start3A_164, %add3A_163, %add3A_34] : memref<4x8192x4096xf32, #tpu.memory_space<hbm>> -> memref<1x256x128xf32, #tpu.memory_space<hbm>>
    %dma_start3A_168 = tpu.memref_squeeze %dma_start3A_167 : memref<1x256x128xf32, #tpu.memory_space<hbm>> -> memref<256x128xf32, #tpu.memory_space<hbm>>
    tpu.enqueue_dma source(%dma_start3A_168 : memref<256x128xf32, #tpu.memory_space<hbm>>) target(%arg6 : memref<256x128xf32, #tpu.memory_space<vmem>>) target_semaphore(%arg10 : memref<!tpu.dma_semaphore, #tpu.memory_space<semaphore_mem>>)
    %broadcast_in_dim3A_169 = arith.constant 0x7F800000 : f32
    %broadcast_in_dim3A_170 = vector.broadcast %broadcast_in_dim3A_169 : f32 to vector<16xf32>
    %broadcast_in_dim3A_171 = arith.constant 0x7F800000 : f32
    %broadcast_in_dim3A_172 = vector.broadcast %broadcast_in_dim3A_171 : f32 to vector<16xf32>
    %broadcast_in_dim3A_173 = arith.constant 0x7F800000 : f32
    %broadcast_in_dim3A_174 = vector.broadcast %broadcast_in_dim3A_173 : f32 to vector<16xf32>
    %broadcast_in_dim3A_175 = arith.constant 0x7F800000 : f32
    %broadcast_in_dim3A_176 = vector.broadcast %broadcast_in_dim3A_175 : f32 to vector<16xf32>
    %broadcast_in_dim3A_177 = arith.constant 0x7F800000 : f32
    %broadcast_in_dim3A_178 = vector.broadcast %broadcast_in_dim3A_177 : f32 to vector<16xf32>
    %broadcast_in_dim3A_179 = arith.constant 0x7F800000 : f32
    %broadcast_in_dim3A_180 = vector.broadcast %broadcast_in_dim3A_179 : f32 to vector<16xf32>
    %broadcast_in_dim3A_181 = arith.constant 0x7F800000 : f32
    %broadcast_in_dim3A_182 = vector.broadcast %broadcast_in_dim3A_181 : f32 to vector<16xf32>
    %broadcast_in_dim3A_183 = arith.constant 0x7F800000 : f32
    %broadcast_in_dim3A_184 = vector.broadcast %broadcast_in_dim3A_183 : f32 to vector<16xf32>
    %broadcast_in_dim3A_185 = arith.constant 0 : i32
    %broadcast_in_dim3A_186 = vector.broadcast %broadcast_in_dim3A_185 : i32 to vector<16xi32>
    %broadcast_in_dim3A_187 = arith.constant 0 : i32
    %broadcast_in_dim3A_188 = vector.broadcast %broadcast_in_dim3A_187 : i32 to vector<16xi32>
    %broadcast_in_dim3A_189 = arith.constant 0 : i32
    %broadcast_in_dim3A_190 = vector.broadcast %broadcast_in_dim3A_189 : i32 to vector<16xi32>
    %broadcast_in_dim3A_191 = arith.constant 0 : i32
    %broadcast_in_dim3A_192 = vector.broadcast %broadcast_in_dim3A_191 : i32 to vector<16xi32>
    %broadcast_in_dim3A_193 = arith.constant 0 : i32
    %broadcast_in_dim3A_194 = vector.broadcast %broadcast_in_dim3A_193 : i32 to vector<16xi32>
    %broadcast_in_dim3A_195 = arith.constant 0 : i32
    %broadcast_in_dim3A_196 = vector.broadcast %broadcast_in_dim3A_195 : i32 to vector<16xi32>
    %broadcast_in_dim3A_197 = arith.constant 0 : i32
    %broadcast_in_dim3A_198 = vector.broadcast %broadcast_in_dim3A_197 : i32 to vector<16xi32>
    %broadcast_in_dim3A_199 = arith.constant 0 : i32
    %broadcast_in_dim3A_200 = vector.broadcast %broadcast_in_dim3A_199 : i32 to vector<16xi32>
    %scan3A_201 = arith.constant 0 : i32
    %scan3A_202 = arith.constant 4 : i32
    %scan3A_203 = arith.addi %scan3A_201, %scan3A_202 : i32
    %scan3A_204 = arith.constant 1 : i32
    %scan3A_205:16 = scf.for %scan3A_509 = %scan3A_201 to %scan3A_203 step %scan3A_204 iter_args(%scan3A_510 = %broadcast_in_dim3A_170, %scan3A_511 = %broadcast_in_dim3A_172, %scan3A_512 = %broadcast_in_dim3A_174, %scan3A_513 = %broadcast_in_dim3A_176, %scan3A_514 = %broadcast_in_dim3A_178, %scan3A_515 = %broadcast_in_dim3A_180, %scan3A_516 = %broadcast_in_dim3A_182, %scan3A_517 = %broadcast_in_dim3A_184, %scan3A_518 = %broadcast_in_dim3A_186, %scan3A_519 = %broadcast_in_dim3A_188, %scan3A_520 = %broadcast_in_dim3A_190, %scan3A_521 = %broadcast_in_dim3A_192, %scan3A_522 = %broadcast_in_dim3A_194, %scan3A_523 = %broadcast_in_dim3A_196, %scan3A_524 = %broadcast_in_dim3A_198, %scan3A_525 = %broadcast_in_dim3A_200) -> (vector<16xf32>, vector<16xf32>, vector<16xf32>, vector<16xf32>, vector<16xf32>, vector<16xf32>, vector<16xf32>, vector<16xf32>, vector<16xi32>, vector<16xi32>, vector<16xi32>, vector<16xi32>, vector<16xi32>, vector<16xi32>, vector<16xi32>, vector<16xi32>)  : i32 {
      %mul3A_526 = arith.constant 2 : i32
      %mul3A_527 = arith.muli %mul3A_526, %scan3A_509 : i32
      %mul3A_528 = arith.constant 256 : i32
      %mul3A_529 = arith.muli %mul3A_527, %mul3A_528 : i32
      %add3A_530 = arith.addi %mul3A_36, %mul3A_529 : i32
      %dma_wait3A = arith.constant 1 : i32
      %dma_wait3A_531 = tpu.memref_slice %arg2[%dma_wait3A, %add3A_530, %add3A_34] : memref<4x8192x4096xf32, #tpu.memory_space<hbm>> -> memref<1x256x128xf32, #tpu.memory_space<hbm>>
      %dma_wait3A_532 = tpu.memref_squeeze %dma_wait3A_531 : memref<1x256x128xf32, #tpu.memory_space<hbm>> -> memref<256x128xf32, #tpu.memory_space<hbm>>
      %dma_wait3A_533 = tpu.memref_slice %arg2[%dma_wait3A, %add3A_530, %add3A_34] : memref<4x8192x4096xf32, #tpu.memory_space<hbm>> -> memref<1x256x128xf32, #tpu.memory_space<hbm>>
      %dma_wait3A_534 = tpu.memref_squeeze %dma_wait3A_533 : memref<1x256x128xf32, #tpu.memory_space<hbm>> -> memref<256x128xf32, #tpu.memory_space<hbm>>
      tpu.wait_dma2 semaphore(%arg9 : memref<!tpu.dma_semaphore, #tpu.memory_space<semaphore_mem>>) src(%dma_wait3A_534 : memref<256x128xf32, #tpu.memory_space<hbm>>) dst(%arg5 : memref<256x128xf32, #tpu.memory_space<vmem>>)
      %mul3A_535 = arith.constant 2 : i32
      %mul3A_536 = arith.muli %mul3A_535, %scan3A_509 : i32
      %mul3A_537 = arith.constant 256 : i32
      %mul3A_538 = arith.muli %mul3A_536, %mul3A_537 : i32
      %add3A_539 = arith.addi %mul3A_36, %mul3A_538 : i32
      %scan3A_540 = arith.constant 0 : i32
      %scan3A_541 = arith.constant 256 : i32
      %scan3A_542 = arith.addi %scan3A_540, %scan3A_541 : i32
      %scan3A_543 = arith.constant 4 : i32
      %scan3A_544:16 = scf.for %scan3A_583 = %scan3A_540 to %scan3A_542 step %scan3A_543 iter_args(%scan3A_584 = %scan3A_510, %scan3A_585 = %scan3A_511, %scan3A_586 = %scan3A_512, %scan3A_587 = %scan3A_513, %scan3A_588 = %scan3A_514, %scan3A_589 = %scan3A_515, %scan3A_590 = %scan3A_516, %scan3A_591 = %scan3A_517, %scan3A_592 = %scan3A_518, %scan3A_593 = %scan3A_519, %scan3A_594 = %scan3A_520, %scan3A_595 = %scan3A_521, %scan3A_596 = %scan3A_522, %scan3A_597 = %scan3A_523, %scan3A_598 = %scan3A_524, %scan3A_599 = %scan3A_525) -> (vector<16xf32>, vector<16xf32>, vector<16xf32>, vector<16xf32>, vector<16xf32>, vector<16xf32>, vector<16xf32>, vector<16xf32>, vector<16xi32>, vector<16xi32>, vector<16xi32>, vector<16xi32>, vector<16xi32>, vector<16xi32>, vector<16xi32>, vector<16xi32>)  : i32 {
        %add3A_600 = arith.addi %add3A_539, %scan3A_583 : i32
        %broadcast_in_dim3A_601 = vector.broadcast %add3A_600 : i32 to vector<16xi32>
        %get3A = arith.index_cast %scan3A_583 : i32 to index
        %get3A_602 = arith.constant 0 : index
        %get3A_603 = tpu.vector_load %arg5[%get3A, %get3A_602] {strides = array<i32>} : memref<256x128xf32, #tpu.memory_space<vmem>>, vector<1x16xf32>,
        %get3A_604 = vector.shape_cast %get3A_603 : vector<1x16xf32> to vector<16xf32>
        %lt3A_605 = arith.cmpf olt, %get3A_604, %scan3A_584 : vector<16xf32>
        %select_n3A_606 = arith.select %lt3A_605, %get3A_604, %scan3A_584 : vector<16xi1>, vector<16xf32>
        %select_n3A_607 = arith.select %lt3A_605, %broadcast_in_dim3A_601, %scan3A_592 : vector<16xi1>, vector<16xi32>
        %get3A_608 = arith.index_cast %scan3A_583 : i32 to index
        %get3A_609 = arith.constant 16 : index
        %get3A_610 = tpu.vector_load %arg5[%get3A_608, %get3A_609] {strides = array<i32>} : memref<256x128xf32, #tpu.memory_space<vmem>>, vector<1x16xf32>,
        %get3A_611 = vector.shape_cast %get3A_610 : vector<1x16xf32> to vector<16xf32>
        %lt3A_612 = arith.cmpf olt, %get3A_611, %scan3A_585 : vector<16xf32>
        %select_n3A_613 = arith.select %lt3A_612, %get3A_611, %scan3A_585 : vector<16xi1>, vector<16xf32>
        %select_n3A_614 = arith.select %lt3A_612, %broadcast_in_dim3A_601, %scan3A_593 : vector<16xi1>, vector<16xi32>
        %get3A_615 = arith.index_cast %scan3A_583 : i32 to index
        %get3A_616 = arith.constant 32 : index
        %get3A_617 = tpu.vector_load %arg5[%get3A_615, %get3A_616] {strides = array<i32>} : memref<256x128xf32, #tpu.memory_space<vmem>>, vector<1x16xf32>,
        %get3A_618 = vector.shape_cast %get3A_617 : vector<1x16xf32> to vector<16xf32>
        %lt3A_619 = arith.cmpf olt, %get3A_618, %scan3A_586 : vector<16xf32>
        %select_n3A_620 = arith.select %lt3A_619, %get3A_618, %scan3A_586 : vector<16xi1>, vector<16xf32>
        %select_n3A_621 = arith.select %lt3A_619, %broadcast_in_dim3A_601, %scan3A_594 : vector<16xi1>, vector<16xi32>
        %get3A_622 = arith.index_cast %scan3A_583 : i32 to index
        %get3A_623 = arith.constant 48 : index
        %get3A_624 = tpu.vector_load %arg5[%get3A_622, %get3A_623] {strides = array<i32>} : memref<256x128xf32, #tpu.memory_space<vmem>>, vector<1x16xf32>,
        %get3A_625 = vector.shape_cast %get3A_624 : vector<1x16xf32> to vector<16xf32>
        %lt3A_626 = arith.cmpf olt, %get3A_625, %scan3A_587 : vector<16xf32>
        %select_n3A_627 = arith.select %lt3A_626, %get3A_625, %scan3A_587 : vector<16xi1>, vector<16xf32>
        %select_n3A_628 = arith.select %lt3A_626, %broadcast_in_dim3A_601, %scan3A_595 : vector<16xi1>, vector<16xi32>
        %get3A_629 = arith.index_cast %scan3A_583 : i32 to index
        %get3A_630 = arith.constant 64 : index
        %get3A_631 = tpu.vector_load %arg5[%get3A_629, %get3A_630] {strides = array<i32>} : memref<256x128xf32, #tpu.memory_space<vmem>>, vector<1x16xf32>,
        %get3A_632 = vector.shape_cast %get3A_631 : vector<1x16xf32> to vector<16xf32>
        %lt3A_633 = arith.cmpf olt, %get3A_632, %scan3A_588 : vector<16xf32>
        %select_n3A_634 = arith.select %lt3A_633, %get3A_632, %scan3A_588 : vector<16xi1>, vector<16xf32>
        %select_n3A_635 = arith.select %lt3A_633, %broadcast_in_dim3A_601, %scan3A_596 : vector<16xi1>, vector<16xi32>
        %get3A_636 = arith.index_cast %scan3A_583 : i32 to index
        %get3A_637 = arith.constant 80 : index
        %get3A_638 = tpu.vector_load %arg5[%get3A_636, %get3A_637] {strides = array<i32>} : memref<256x128xf32, #tpu.memory_space<vmem>>, vector<1x16xf32>,
        %get3A_639 = vector.shape_cast %get3A_638 : vector<1x16xf32> to vector<16xf32>
        %lt3A_640 = arith.cmpf olt, %get3A_639, %scan3A_589 : vector<16xf32>
        %select_n3A_641 = arith.select %lt3A_640, %get3A_639, %scan3A_589 : vector<16xi1>, vector<16xf32>
        %select_n3A_642 = arith.select %lt3A_640, %broadcast_in_dim3A_601, %scan3A_597 : vector<16xi1>, vector<16xi32>
        %get3A_643 = arith.index_cast %scan3A_583 : i32 to index
        %get3A_644 = arith.constant 96 : index
        %get3A_645 = tpu.vector_load %arg5[%get3A_643, %get3A_644] {strides = array<i32>} : memref<256x128xf32, #tpu.memory_space<vmem>>, vector<1x16xf32>,
        %get3A_646 = vector.shape_cast %get3A_645 : vector<1x16xf32> to vector<16xf32>
        %lt3A_647 = arith.cmpf olt, %get3A_646, %scan3A_590 : vector<16xf32>
        %select_n3A_648 = arith.select %lt3A_647, %get3A_646, %scan3A_590 : vector<16xi1>, vector<16xf32>
        %select_n3A_649 = arith.select %lt3A_647, %broadcast_in_dim3A_601, %scan3A_598 : vector<16xi1>, vector<16xi32>
        %get3A_650 = arith.index_cast %scan3A_583 : i32 to index
        %get3A_651 = arith.constant 112 : index
        %get3A_652 = tpu.vector_load %arg5[%get3A_650, %get3A_651] {strides = array<i32>} : memref<256x128xf32, #tpu.memory_space<vmem>>, vector<1x16xf32>,
        %get3A_653 = vector.shape_cast %get3A_652 : vector<1x16xf32> to vector<16xf32>
        %lt3A_654 = arith.cmpf olt, %get3A_653, %scan3A_591 : vector<16xf32>
        %select_n3A_655 = arith.select %lt3A_654, %get3A_653, %scan3A_591 : vector<16xi1>, vector<16xf32>
        %select_n3A_656 = arith.select %lt3A_654, %broadcast_in_dim3A_601, %scan3A_599 : vector<16xi1>, vector<16xi32>
        %scan3A_657 = arith.constant 1 : i32
        %scan3A_658 = arith.addi %scan3A_583, %scan3A_657 : i32
        %add3A_659 = arith.addi %add3A_539, %scan3A_658 : i32
        %broadcast_in_dim3A_660 = vector.broadcast %add3A_659 : i32 to vector<16xi32>
        %get3A_661 = arith.index_cast %scan3A_658 : i32 to index
        %get3A_662 = arith.constant 0 : index
        %get3A_663 = tpu.vector_load %arg5[%get3A_661, %get3A_662] {strides = array<i32>} : memref<256x128xf32, #tpu.memory_space<vmem>>, vector<1x16xf32>,
        %get3A_664 = vector.shape_cast %get3A_663 : vector<1x16xf32> to vector<16xf32>
        %lt3A_665 = arith.cmpf olt, %get3A_664, %select_n3A_606 : vector<16xf32>
        %select_n3A_666 = arith.select %lt3A_665, %get3A_664, %select_n3A_606 : vector<16xi1>, vector<16xf32>
        %select_n3A_667 = arith.select %lt3A_665, %broadcast_in_dim3A_660, %select_n3A_607 : vector<16xi1>, vector<16xi32>
        %get3A_668 = arith.index_cast %scan3A_658 : i32 to index
        %get3A_669 = arith.constant 16 : index
        %get3A_670 = tpu.vector_load %arg5[%get3A_668, %get3A_669] {strides = array<i32>} : memref<256x128xf32, #tpu.memory_space<vmem>>, vector<1x16xf32>,
        %get3A_671 = vector.shape_cast %get3A_670 : vector<1x16xf32> to vector<16xf32>
        %lt3A_672 = arith.cmpf olt, %get3A_671, %select_n3A_613 : vector<16xf32>
        %select_n3A_673 = arith.select %lt3A_672, %get3A_671, %select_n3A_613 : vector<16xi1>, vector<16xf32>
        %select_n3A_674 = arith.select %lt3A_672, %broadcast_in_dim3A_660, %select_n3A_614 : vector<16xi1>, vector<16xi32>
        %get3A_675 = arith.index_cast %scan3A_658 : i32 to index
        %get3A_676 = arith.constant 32 : index
        %get3A_677 = tpu.vector_load %arg5[%get3A_675, %get3A_676] {strides = array<i32>} : memref<256x128xf32, #tpu.memory_space<vmem>>, vector<1x16xf32>,
        %get3A_678 = vector.shape_cast %get3A_677 : vector<1x16xf32> to vector<16xf32>
        %lt3A_679 = arith.cmpf olt, %get3A_678, %select_n3A_620 : vector<16xf32>
        %select_n3A_680 = arith.select %lt3A_679, %get3A_678, %select_n3A_620 : vector<16xi1>, vector<16xf32>
        %select_n3A_681 = arith.select %lt3A_679, %broadcast_in_dim3A_660, %select_n3A_621 : vector<16xi1>, vector<16xi32>
        %get3A_682 = arith.index_cast %scan3A_658 : i32 to index
        %get3A_683 = arith.constant 48 : index
        %get3A_684 = tpu.vector_load %arg5[%get3A_682, %get3A_683] {strides = array<i32>} : memref<256x128xf32, #tpu.memory_space<vmem>>, vector<1x16xf32>,
        %get3A_685 = vector.shape_cast %get3A_684 : vector<1x16xf32> to vector<16xf32>
        %lt3A_686 = arith.cmpf olt, %get3A_685, %select_n3A_627 : vector<16xf32>
        %select_n3A_687 = arith.select %lt3A_686, %get3A_685, %select_n3A_627 : vector<16xi1>, vector<16xf32>
        %select_n3A_688 = arith.select %lt3A_686, %broadcast_in_dim3A_660, %select_n3A_628 : vector<16xi1>, vector<16xi32>
        %get3A_689 = arith.index_cast %scan3A_658 : i32 to index
        %get3A_690 = arith.constant 64 : index
        %get3A_691 = tpu.vector_load %arg5[%get3A_689, %get3A_690] {strides = array<i32>} : memref<256x128xf32, #tpu.memory_space<vmem>>, vector<1x16xf32>,
        %get3A_692 = vector.shape_cast %get3A_691 : vector<1x16xf32> to vector<16xf32>
        %lt3A_693 = arith.cmpf olt, %get3A_692, %select_n3A_634 : vector<16xf32>
        %select_n3A_694 = arith.select %lt3A_693, %get3A_692, %select_n3A_634 : vector<16xi1>, vector<16xf32>
        %select_n3A_695 = arith.select %lt3A_693, %broadcast_in_dim3A_660, %select_n3A_635 : vector<16xi1>, vector<16xi32>
        %get3A_696 = arith.index_cast %scan3A_658 : i32 to index
        %get3A_697 = arith.constant 80 : index
        %get3A_698 = tpu.vector_load %arg5[%get3A_696, %get3A_697] {strides = array<i32>} : memref<256x128xf32, #tpu.memory_space<vmem>>, vector<1x16xf32>,
        %get3A_699 = vector.shape_cast %get3A_698 : vector<1x16xf32> to vector<16xf32>
        %lt3A_700 = arith.cmpf olt, %get3A_699, %select_n3A_641 : vector<16xf32>
        %select_n3A_701 = arith.select %lt3A_700, %get3A_699, %select_n3A_641 : vector<16xi1>, vector<16xf32>
        %select_n3A_702 = arith.select %lt3A_700, %broadcast_in_dim3A_660, %select_n3A_642 : vector<16xi1>, vector<16xi32>
        %get3A_703 = arith.index_cast %scan3A_658 : i32 to index
        %get3A_704 = arith.constant 96 : index
        %get3A_705 = tpu.vector_load %arg5[%get3A_703, %get3A_704] {strides = array<i32>} : memref<256x128xf32, #tpu.memory_space<vmem>>, vector<1x16xf32>,
        %get3A_706 = vector.shape_cast %get3A_705 : vector<1x16xf32> to vector<16xf32>
        %lt3A_707 = arith.cmpf olt, %get3A_706, %select_n3A_648 : vector<16xf32>
        %select_n3A_708 = arith.select %lt3A_707, %get3A_706, %select_n3A_648 : vector<16xi1>, vector<16xf32>
        %select_n3A_709 = arith.select %lt3A_707, %broadcast_in_dim3A_660, %select_n3A_649 : vector<16xi1>, vector<16xi32>
        %get3A_710 = arith.index_cast %scan3A_658 : i32 to index
        %get3A_711 = arith.constant 112 : index
        %get3A_712 = tpu.vector_load %arg5[%get3A_710, %get3A_711] {strides = array<i32>} : memref<256x128xf32, #tpu.memory_space<vmem>>, vector<1x16xf32>,
        %get3A_713 = vector.shape_cast %get3A_712 : vector<1x16xf32> to vector<16xf32>
        %lt3A_714 = arith.cmpf olt, %get3A_713, %select_n3A_655 : vector<16xf32>
        %select_n3A_715 = arith.select %lt3A_714, %get3A_713, %select_n3A_655 : vector<16xi1>, vector<16xf32>
        %select_n3A_716 = arith.select %lt3A_714, %broadcast_in_dim3A_660, %select_n3A_656 : vector<16xi1>, vector<16xi32>
        %scan3A_717 = arith.constant 2 : i32
        %scan3A_718 = arith.addi %scan3A_583, %scan3A_717 : i32
        %add3A_719 = arith.addi %add3A_539, %scan3A_718 : i32
        %broadcast_in_dim3A_720 = vector.broadcast %add3A_719 : i32 to vector<16xi32>
        %get3A_721 = arith.index_cast %scan3A_718 : i32 to index
        %get3A_722 = arith.constant 0 : index
        %get3A_723 = tpu.vector_load %arg5[%get3A_721, %get3A_722] {strides = array<i32>} : memref<256x128xf32, #tpu.memory_space<vmem>>, vector<1x16xf32>,
        %get3A_724 = vector.shape_cast %get3A_723 : vector<1x16xf32> to vector<16xf32>
        %lt3A_725 = arith.cmpf olt, %get3A_724, %select_n3A_666 : vector<16xf32>
        %select_n3A_726 = arith.select %lt3A_725, %get3A_724, %select_n3A_666 : vector<16xi1>, vector<16xf32>
        %select_n3A_727 = arith.select %lt3A_725, %broadcast_in_dim3A_720, %select_n3A_667 : vector<16xi1>, vector<16xi32>
        %get3A_728 = arith.index_cast %scan3A_718 : i32 to index
        %get3A_729 = arith.constant 16 : index
        %get3A_730 = tpu.vector_load %arg5[%get3A_728, %get3A_729] {strides = array<i32>} : memref<256x128xf32, #tpu.memory_space<vmem>>, vector<1x16xf32>,
        %get3A_731 = vector.shape_cast %get3A_730 : vector<1x16xf32> to vector<16xf32>
        %lt3A_732 = arith.cmpf olt, %get3A_731, %select_n3A_673 : vector<16xf32>
        %select_n3A_733 = arith.select %lt3A_732, %get3A_731, %select_n3A_673 : vector<16xi1>, vector<16xf32>
        %select_n3A_734 = arith.select %lt3A_732, %broadcast_in_dim3A_720, %select_n3A_674 : vector<16xi1>, vector<16xi32>
        %get3A_735 = arith.index_cast %scan3A_718 : i32 to index
        %get3A_736 = arith.constant 32 : index
        %get3A_737 = tpu.vector_load %arg5[%get3A_735, %get3A_736] {strides = array<i32>} : memref<256x128xf32, #tpu.memory_space<vmem>>, vector<1x16xf32>,
        %get3A_738 = vector.shape_cast %get3A_737 : vector<1x16xf32> to vector<16xf32>
        %lt3A_739 = arith.cmpf olt, %get3A_738, %select_n3A_680 : vector<16xf32>
        %select_n3A_740 = arith.select %lt3A_739, %get3A_738, %select_n3A_680 : vector<16xi1>, vector<16xf32>
        %select_n3A_741 = arith.select %lt3A_739, %broadcast_in_dim3A_720, %select_n3A_681 : vector<16xi1>, vector<16xi32>
        %get3A_742 = arith.index_cast %scan3A_718 : i32 to index
        %get3A_743 = arith.constant 48 : index
        %get3A_744 = tpu.vector_load %arg5[%get3A_742, %get3A_743] {strides = array<i32>} : memref<256x128xf32, #tpu.memory_space<vmem>>, vector<1x16xf32>,
        %get3A_745 = vector.shape_cast %get3A_744 : vector<1x16xf32> to vector<16xf32>
        %lt3A_746 = arith.cmpf olt, %get3A_745, %select_n3A_687 : vector<16xf32>
        %select_n3A_747 = arith.select %lt3A_746, %get3A_745, %select_n3A_687 : vector<16xi1>, vector<16xf32>
        %select_n3A_748 = arith.select %lt3A_746, %broadcast_in_dim3A_720, %select_n3A_688 : vector<16xi1>, vector<16xi32>
        %get3A_749 = arith.index_cast %scan3A_718 : i32 to index
        %get3A_750 = arith.constant 64 : index
        %get3A_751 = tpu.vector_load %arg5[%get3A_749, %get3A_750] {strides = array<i32>} : memref<256x128xf32, #tpu.memory_space<vmem>>, vector<1x16xf32>,
        %get3A_752 = vector.shape_cast %get3A_751 : vector<1x16xf32> to vector<16xf32>
        %lt3A_753 = arith.cmpf olt, %get3A_752, %select_n3A_694 : vector<16xf32>
        %select_n3A_754 = arith.select %lt3A_753, %get3A_752, %select_n3A_694 : vector<16xi1>, vector<16xf32>
        %select_n3A_755 = arith.select %lt3A_753, %broadcast_in_dim3A_720, %select_n3A_695 : vector<16xi1>, vector<16xi32>
        %get3A_756 = arith.index_cast %scan3A_718 : i32 to index
        %get3A_757 = arith.constant 80 : index
        %get3A_758 = tpu.vector_load %arg5[%get3A_756, %get3A_757] {strides = array<i32>} : memref<256x128xf32, #tpu.memory_space<vmem>>, vector<1x16xf32>,
        %get3A_759 = vector.shape_cast %get3A_758 : vector<1x16xf32> to vector<16xf32>
        %lt3A_760 = arith.cmpf olt, %get3A_759, %select_n3A_701 : vector<16xf32>
        %select_n3A_761 = arith.select %lt3A_760, %get3A_759, %select_n3A_701 : vector<16xi1>, vector<16xf32>
        %select_n3A_762 = arith.select %lt3A_760, %broadcast_in_dim3A_720, %select_n3A_702 : vector<16xi1>, vector<16xi32>
        %get3A_763 = arith.index_cast %scan3A_718 : i32 to index
        %get3A_764 = arith.constant 96 : index
        %get3A_765 = tpu.vector_load %arg5[%get3A_763, %get3A_764] {strides = array<i32>} : memref<256x128xf32, #tpu.memory_space<vmem>>, vector<1x16xf32>,
        %get3A_766 = vector.shape_cast %get3A_765 : vector<1x16xf32> to vector<16xf32>
        %lt3A_767 = arith.cmpf olt, %get3A_766, %select_n3A_708 : vector<16xf32>
        %select_n3A_768 = arith.select %lt3A_767, %get3A_766, %select_n3A_708 : vector<16xi1>, vector<16xf32>
        %select_n3A_769 = arith.select %lt3A_767, %broadcast_in_dim3A_720, %select_n3A_709 : vector<16xi1>, vector<16xi32>
        %get3A_770 = arith.index_cast %scan3A_718 : i32 to index
        %get3A_771 = arith.constant 112 : index
        %get3A_772 = tpu.vector_load %arg5[%get3A_770, %get3A_771] {strides = array<i32>} : memref<256x128xf32, #tpu.memory_space<vmem>>, vector<1x16xf32>,
        %get3A_773 = vector.shape_cast %get3A_772 : vector<1x16xf32> to vector<16xf32>
        %lt3A_774 = arith.cmpf olt, %get3A_773, %select_n3A_715 : vector<16xf32>
        %select_n3A_775 = arith.select %lt3A_774, %get3A_773, %select_n3A_715 : vector<16xi1>, vector<16xf32>
        %select_n3A_776 = arith.select %lt3A_774, %broadcast_in_dim3A_720, %select_n3A_716 : vector<16xi1>, vector<16xi32>
        %scan3A_777 = arith.constant 3 : i32
        %scan3A_778 = arith.addi %scan3A_583, %scan3A_777 : i32
        %add3A_779 = arith.addi %add3A_539, %scan3A_778 : i32
        %broadcast_in_dim3A_780 = vector.broadcast %add3A_779 : i32 to vector<16xi32>
        %get3A_781 = arith.index_cast %scan3A_778 : i32 to index
        %get3A_782 = arith.constant 0 : index
        %get3A_783 = tpu.vector_load %arg5[%get3A_781, %get3A_782] {strides = array<i32>} : memref<256x128xf32, #tpu.memory_space<vmem>>, vector<1x16xf32>,
        %get3A_784 = vector.shape_cast %get3A_783 : vector<1x16xf32> to vector<16xf32>
        %lt3A_785 = arith.cmpf olt, %get3A_784, %select_n3A_726 : vector<16xf32>
        %select_n3A_786 = arith.select %lt3A_785, %get3A_784, %select_n3A_726 : vector<16xi1>, vector<16xf32>
        %select_n3A_787 = arith.select %lt3A_785, %broadcast_in_dim3A_780, %select_n3A_727 : vector<16xi1>, vector<16xi32>
        %get3A_788 = arith.index_cast %scan3A_778 : i32 to index
        %get3A_789 = arith.constant 16 : index
        %get3A_790 = tpu.vector_load %arg5[%get3A_788, %get3A_789] {strides = array<i32>} : memref<256x128xf32, #tpu.memory_space<vmem>>, vector<1x16xf32>,
        %get3A_791 = vector.shape_cast %get3A_790 : vector<1x16xf32> to vector<16xf32>
        %lt3A_792 = arith.cmpf olt, %get3A_791, %select_n3A_733 : vector<16xf32>
        %select_n3A_793 = arith.select %lt3A_792, %get3A_791, %select_n3A_733 : vector<16xi1>, vector<16xf32>
        %select_n3A_794 = arith.select %lt3A_792, %broadcast_in_dim3A_780, %select_n3A_734 : vector<16xi1>, vector<16xi32>
        %get3A_795 = arith.index_cast %scan3A_778 : i32 to index
        %get3A_796 = arith.constant 32 : index
        %get3A_797 = tpu.vector_load %arg5[%get3A_795, %get3A_796] {strides = array<i32>} : memref<256x128xf32, #tpu.memory_space<vmem>>, vector<1x16xf32>,
        %get3A_798 = vector.shape_cast %get3A_797 : vector<1x16xf32> to vector<16xf32>
        %lt3A_799 = arith.cmpf olt, %get3A_798, %select_n3A_740 : vector<16xf32>
        %select_n3A_800 = arith.select %lt3A_799, %get3A_798, %select_n3A_740 : vector<16xi1>, vector<16xf32>
        %select_n3A_801 = arith.select %lt3A_799, %broadcast_in_dim3A_780, %select_n3A_741 : vector<16xi1>, vector<16xi32>
        %get3A_802 = arith.index_cast %scan3A_778 : i32 to index
        %get3A_803 = arith.constant 48 : index
        %get3A_804 = tpu.vector_load %arg5[%get3A_802, %get3A_803] {strides = array<i32>} : memref<256x128xf32, #tpu.memory_space<vmem>>, vector<1x16xf32>,
        %get3A_805 = vector.shape_cast %get3A_804 : vector<1x16xf32> to vector<16xf32>
        %lt3A_806 = arith.cmpf olt, %get3A_805, %select_n3A_747 : vector<16xf32>
        %select_n3A_807 = arith.select %lt3A_806, %get3A_805, %select_n3A_747 : vector<16xi1>, vector<16xf32>
        %select_n3A_808 = arith.select %lt3A_806, %broadcast_in_dim3A_780, %select_n3A_748 : vector<16xi1>, vector<16xi32>
        %get3A_809 = arith.index_cast %scan3A_778 : i32 to index
        %get3A_810 = arith.constant 64 : index
        %get3A_811 = tpu.vector_load %arg5[%get3A_809, %get3A_810] {strides = array<i32>} : memref<256x128xf32, #tpu.memory_space<vmem>>, vector<1x16xf32>,
        %get3A_812 = vector.shape_cast %get3A_811 : vector<1x16xf32> to vector<16xf32>
        %lt3A_813 = arith.cmpf olt, %get3A_812, %select_n3A_754 : vector<16xf32>
        %select_n3A_814 = arith.select %lt3A_813, %get3A_812, %select_n3A_754 : vector<16xi1>, vector<16xf32>
        %select_n3A_815 = arith.select %lt3A_813, %broadcast_in_dim3A_780, %select_n3A_755 : vector<16xi1>, vector<16xi32>
        %get3A_816 = arith.index_cast %scan3A_778 : i32 to index
        %get3A_817 = arith.constant 80 : index
        %get3A_818 = tpu.vector_load %arg5[%get3A_816, %get3A_817] {strides = array<i32>} : memref<256x128xf32, #tpu.memory_space<vmem>>, vector<1x16xf32>,
        %get3A_819 = vector.shape_cast %get3A_818 : vector<1x16xf32> to vector<16xf32>
        %lt3A_820 = arith.cmpf olt, %get3A_819, %select_n3A_761 : vector<16xf32>
        %select_n3A_821 = arith.select %lt3A_820, %get3A_819, %select_n3A_761 : vector<16xi1>, vector<16xf32>
        %select_n3A_822 = arith.select %lt3A_820, %broadcast_in_dim3A_780, %select_n3A_762 : vector<16xi1>, vector<16xi32>
        %get3A_823 = arith.index_cast %scan3A_778 : i32 to index
        %get3A_824 = arith.constant 96 : index
        %get3A_825 = tpu.vector_load %arg5[%get3A_823, %get3A_824] {strides = array<i32>} : memref<256x128xf32, #tpu.memory_space<vmem>>, vector<1x16xf32>,
        %get3A_826 = vector.shape_cast %get3A_825 : vector<1x16xf32> to vector<16xf32>
        %lt3A_827 = arith.cmpf olt, %get3A_826, %select_n3A_768 : vector<16xf32>
        %select_n3A_828 = arith.select %lt3A_827, %get3A_826, %select_n3A_768 : vector<16xi1>, vector<16xf32>
        %select_n3A_829 = arith.select %lt3A_827, %broadcast_in_dim3A_780, %select_n3A_769 : vector<16xi1>, vector<16xi32>
        %get3A_830 = arith.index_cast %scan3A_778 : i32 to index
        %get3A_831 = arith.constant 112 : index
        %get3A_832 = tpu.vector_load %arg5[%get3A_830, %get3A_831] {strides = array<i32>} : memref<256x128xf32, #tpu.memory_space<vmem>>, vector<1x16xf32>,
        %get3A_833 = vector.shape_cast %get3A_832 : vector<1x16xf32> to vector<16xf32>
        %lt3A_834 = arith.cmpf olt, %get3A_833, %select_n3A_775 : vector<16xf32>
        %select_n3A_835 = arith.select %lt3A_834, %get3A_833, %select_n3A_775 : vector<16xi1>, vector<16xf32>
        %select_n3A_836 = arith.select %lt3A_834, %broadcast_in_dim3A_780, %select_n3A_776 : vector<16xi1>, vector<16xi32>
        scf.yield %select_n3A_786, %select_n3A_793, %select_n3A_800, %select_n3A_807, %select_n3A_814, %select_n3A_821, %select_n3A_828, %select_n3A_835, %select_n3A_787, %select_n3A_794, %select_n3A_801, %select_n3A_808, %select_n3A_815, %select_n3A_822, %select_n3A_829, %select_n3A_836 : vector<16xf32>, vector<16xf32>, vector<16xf32>, vector<16xf32>, vector<16xf32>, vector<16xf32>, vector<16xf32>, vector<16xf32>, vector<16xi32>, vector<16xi32>, vector<16xi32>, vector<16xi32>, vector<16xi32>, vector<16xi32>, vector<16xi32>, vector<16xi32>
      }
      %scan3A_545 = arith.constant 256 : i32
      %add3A_546 = arith.constant 1 : i32
      %add3A_547 = arith.addi %scan3A_509, %add3A_546 : i32
      %lt3A_548 = arith.constant 4 : i32
      %lt3A_549 = arith.cmpi slt, %add3A_547, %lt3A_548 : i32
      %convert_element_type3A = arith.extui %lt3A_549 : i1 to i32
      %cond3A = arith.constant 0 : i32
      %cond3A_550 = arith.cmpi ne, %convert_element_type3A, %cond3A : i32
      scf.if %cond3A_550 {
        %mul3A_583 = arith.constant 2 : i32
        %mul3A_584 = arith.muli %mul3A_583, %scan3A_509 : i32
        %add3A_585 = arith.constant 2 : i32
        %add3A_586 = arith.addi %mul3A_584, %add3A_585 : i32
        %mul3A_587 = arith.constant 256 : i32
        %mul3A_588 = arith.muli %add3A_586, %mul3A_587 : i32
        %add3A_589 = arith.addi %mul3A_36, %mul3A_588 : i32
        %dma_start3A_590 = arith.constant 1 : i32
        %dma_start3A_591 = tpu.memref_slice %arg2[%dma_start3A_590, %add3A_589, %add3A_34] : memref<4x8192x4096xf32, #tpu.memory_space<hbm>> -> memref<1x256x128xf32, #tpu.memory_space<hbm>>
        %dma_start3A_592 = tpu.memref_squeeze %dma_start3A_591 : memref<1x256x128xf32, #tpu.memory_space<hbm>> -> memref<256x128xf32, #tpu.memory_space<hbm>>
        %dma_start3A_593 = tpu.memref_slice %arg2[%dma_start3A_590, %add3A_589, %add3A_34] : memref<4x8192x4096xf32, #tpu.memory_space<hbm>> -> memref<1x256x128xf32, #tpu.memory_space<hbm>>
        %dma_start3A_594 = tpu.memref_squeeze %dma_start3A_593 : memref<1x256x128xf32, #tpu.memory_space<hbm>> -> memref<256x128xf32, #tpu.memory_space<hbm>>
        tpu.enqueue_dma source(%dma_start3A_594 : memref<256x128xf32, #tpu.memory_space<hbm>>) target(%arg5 : memref<256x128xf32, #tpu.memory_space<vmem>>) target_semaphore(%arg9 : memref<!tpu.dma_semaphore, #tpu.memory_space<semaphore_mem>>)
      } else {
      }
      %mul3A_551 = arith.constant 2 : i32
      %mul3A_552 = arith.muli %mul3A_551, %scan3A_509 : i32
      %add3A_553 = arith.constant 1 : i32
      %add3A_554 = arith.addi %mul3A_552, %add3A_553 : i32
      %mul3A_555 = arith.constant 256 : i32
      %mul3A_556 = arith.muli %add3A_554, %mul3A_555 : i32
      %add3A_557 = arith.addi %mul3A_36, %mul3A_556 : i32
      %dma_wait3A_558 = arith.constant 1 : i32
      %dma_wait3A_559 = tpu.memref_slice %arg2[%dma_wait3A_558, %add3A_557, %add3A_34] : memref<4x8192x4096xf32, #tpu.memory_space<hbm>> -> memref<1x256x128xf32, #tpu.memory_space<hbm>>
      %dma_wait3A_560 = tpu.memref_squeeze %dma_wait3A_559 : memref<1x256x128xf32, #tpu.memory_space<hbm>> -> memref<256x128xf32, #tpu.memory_space<hbm>>
      %dma_wait3A_561 = tpu.memref_slice %arg2[%dma_wait3A_558, %add3A_557, %add3A_34] : memref<4x8192x4096xf32, #tpu.memory_space<hbm>> -> memref<1x256x128xf32, #tpu.memory_space<hbm>>
      %dma_wait3A_562 = tpu.memref_squeeze %dma_wait3A_561 : memref<1x256x128xf32, #tpu.memory_space<hbm>> -> memref<256x128xf32, #tpu.memory_space<hbm>>
      tpu.wait_dma2 semaphore(%arg10 : memref<!tpu.dma_semaphore, #tpu.memory_space<semaphore_mem>>) src(%dma_wait3A_562 : memref<256x128xf32, #tpu.memory_space<hbm>>) dst(%arg6 : memref<256x128xf32, #tpu.memory_space<vmem>>)
      %mul3A_563 = arith.constant 2 : i32
      %mul3A_564 = arith.muli %mul3A_563, %scan3A_509 : i32
      %add3A_565 = arith.constant 1 : i32
      %add3A_566 = arith.addi %mul3A_564, %add3A_565 : i32
      %mul3A_567 = arith.constant 256 : i32
      %mul3A_568 = arith.muli %add3A_566, %mul3A_567 : i32
      %add3A_569 = arith.addi %mul3A_36, %mul3A_568 : i32
      %scan3A_570 = arith.constant 0 : i32
      %scan3A_571 = arith.constant 256 : i32
      %scan3A_572 = arith.addi %scan3A_570, %scan3A_571 : i32
      %scan3A_573 = arith.constant 4 : i32
      %scan3A_574:16 = scf.for %scan3A_583 = %scan3A_570 to %scan3A_572 step %scan3A_573 iter_args(%scan3A_584 = %scan3A_544#0, %scan3A_585 = %scan3A_544#1, %scan3A_586 = %scan3A_544#2, %scan3A_587 = %scan3A_544#3, %scan3A_588 = %scan3A_544#4, %scan3A_589 = %scan3A_544#5, %scan3A_590 = %scan3A_544#6, %scan3A_591 = %scan3A_544#7, %scan3A_592 = %scan3A_544#8, %scan3A_593 = %scan3A_544#9, %scan3A_594 = %scan3A_544#10, %scan3A_595 = %scan3A_544#11, %scan3A_596 = %scan3A_544#12, %scan3A_597 = %scan3A_544#13, %scan3A_598 = %scan3A_544#14, %scan3A_599 = %scan3A_544#15) -> (vector<16xf32>, vector<16xf32>, vector<16xf32>, vector<16xf32>, vector<16xf32>, vector<16xf32>, vector<16xf32>, vector<16xf32>, vector<16xi32>, vector<16xi32>, vector<16xi32>, vector<16xi32>, vector<16xi32>, vector<16xi32>, vector<16xi32>, vector<16xi32>)  : i32 {
        %add3A_600 = arith.addi %add3A_569, %scan3A_583 : i32
        %broadcast_in_dim3A_601 = vector.broadcast %add3A_600 : i32 to vector<16xi32>
        %get3A = arith.index_cast %scan3A_583 : i32 to index
        %get3A_602 = arith.constant 0 : index
        %get3A_603 = tpu.vector_load %arg6[%get3A, %get3A_602] {strides = array<i32>} : memref<256x128xf32, #tpu.memory_space<vmem>>, vector<1x16xf32>,
        %get3A_604 = vector.shape_cast %get3A_603 : vector<1x16xf32> to vector<16xf32>
        %lt3A_605 = arith.cmpf olt, %get3A_604, %scan3A_584 : vector<16xf32>
        %select_n3A_606 = arith.select %lt3A_605, %get3A_604, %scan3A_584 : vector<16xi1>, vector<16xf32>
        %select_n3A_607 = arith.select %lt3A_605, %broadcast_in_dim3A_601, %scan3A_592 : vector<16xi1>, vector<16xi32>
        %get3A_608 = arith.index_cast %scan3A_583 : i32 to index
        %get3A_609 = arith.constant 16 : index
        %get3A_610 = tpu.vector_load %arg6[%get3A_608, %get3A_609] {strides = array<i32>} : memref<256x128xf32, #tpu.memory_space<vmem>>, vector<1x16xf32>,
        %get3A_611 = vector.shape_cast %get3A_610 : vector<1x16xf32> to vector<16xf32>
        %lt3A_612 = arith.cmpf olt, %get3A_611, %scan3A_585 : vector<16xf32>
        %select_n3A_613 = arith.select %lt3A_612, %get3A_611, %scan3A_585 : vector<16xi1>, vector<16xf32>
        %select_n3A_614 = arith.select %lt3A_612, %broadcast_in_dim3A_601, %scan3A_593 : vector<16xi1>, vector<16xi32>
        %get3A_615 = arith.index_cast %scan3A_583 : i32 to index
        %get3A_616 = arith.constant 32 : index
        %get3A_617 = tpu.vector_load %arg6[%get3A_615, %get3A_616] {strides = array<i32>} : memref<256x128xf32, #tpu.memory_space<vmem>>, vector<1x16xf32>,
        %get3A_618 = vector.shape_cast %get3A_617 : vector<1x16xf32> to vector<16xf32>
        %lt3A_619 = arith.cmpf olt, %get3A_618, %scan3A_586 : vector<16xf32>
        %select_n3A_620 = arith.select %lt3A_619, %get3A_618, %scan3A_586 : vector<16xi1>, vector<16xf32>
        %select_n3A_621 = arith.select %lt3A_619, %broadcast_in_dim3A_601, %scan3A_594 : vector<16xi1>, vector<16xi32>
        %get3A_622 = arith.index_cast %scan3A_583 : i32 to index
        %get3A_623 = arith.constant 48 : index
        %get3A_624 = tpu.vector_load %arg6[%get3A_622, %get3A_623] {strides = array<i32>} : memref<256x128xf32, #tpu.memory_space<vmem>>, vector<1x16xf32>,
        %get3A_625 = vector.shape_cast %get3A_624 : vector<1x16xf32> to vector<16xf32>
        %lt3A_626 = arith.cmpf olt, %get3A_625, %scan3A_587 : vector<16xf32>
        %select_n3A_627 = arith.select %lt3A_626, %get3A_625, %scan3A_587 : vector<16xi1>, vector<16xf32>
        %select_n3A_628 = arith.select %lt3A_626, %broadcast_in_dim3A_601, %scan3A_595 : vector<16xi1>, vector<16xi32>
        %get3A_629 = arith.index_cast %scan3A_583 : i32 to index
        %get3A_630 = arith.constant 64 : index
        %get3A_631 = tpu.vector_load %arg6[%get3A_629, %get3A_630] {strides = array<i32>} : memref<256x128xf32, #tpu.memory_space<vmem>>, vector<1x16xf32>,
        %get3A_632 = vector.shape_cast %get3A_631 : vector<1x16xf32> to vector<16xf32>
        %lt3A_633 = arith.cmpf olt, %get3A_632, %scan3A_588 : vector<16xf32>
        %select_n3A_634 = arith.select %lt3A_633, %get3A_632, %scan3A_588 : vector<16xi1>, vector<16xf32>
        %select_n3A_635 = arith.select %lt3A_633, %broadcast_in_dim3A_601, %scan3A_596 : vector<16xi1>, vector<16xi32>
        %get3A_636 = arith.index_cast %scan3A_583 : i32 to index
        %get3A_637 = arith.constant 80 : index
        %get3A_638 = tpu.vector_load %arg6[%get3A_636, %get3A_637] {strides = array<i32>} : memref<256x128xf32, #tpu.memory_space<vmem>>, vector<1x16xf32>,
        %get3A_639 = vector.shape_cast %get3A_638 : vector<1x16xf32> to vector<16xf32>
        %lt3A_640 = arith.cmpf olt, %get3A_639, %scan3A_589 : vector<16xf32>
        %select_n3A_641 = arith.select %lt3A_640, %get3A_639, %scan3A_589 : vector<16xi1>, vector<16xf32>
        %select_n3A_642 = arith.select %lt3A_640, %broadcast_in_dim3A_601, %scan3A_597 : vector<16xi1>, vector<16xi32>
        %get3A_643 = arith.index_cast %scan3A_583 : i32 to index
        %get3A_644 = arith.constant 96 : index
        %get3A_645 = tpu.vector_load %arg6[%get3A_643, %get3A_644] {strides = array<i32>} : memref<256x128xf32, #tpu.memory_space<vmem>>, vector<1x16xf32>,
        %get3A_646 = vector.shape_cast %get3A_645 : vector<1x16xf32> to vector<16xf32>
        %lt3A_647 = arith.cmpf olt, %get3A_646, %scan3A_590 : vector<16xf32>
        %select_n3A_648 = arith.select %lt3A_647, %get3A_646, %scan3A_590 : vector<16xi1>, vector<16xf32>
        %select_n3A_649 = arith.select %lt3A_647, %broadcast_in_dim3A_601, %scan3A_598 : vector<16xi1>, vector<16xi32>
        %get3A_650 = arith.index_cast %scan3A_583 : i32 to index
        %get3A_651 = arith.constant 112 : index
        %get3A_652 = tpu.vector_load %arg6[%get3A_650, %get3A_651] {strides = array<i32>} : memref<256x128xf32, #tpu.memory_space<vmem>>, vector<1x16xf32>,
        %get3A_653 = vector.shape_cast %get3A_652 : vector<1x16xf32> to vector<16xf32>
        %lt3A_654 = arith.cmpf olt, %get3A_653, %scan3A_591 : vector<16xf32>
        %select_n3A_655 = arith.select %lt3A_654, %get3A_653, %scan3A_591 : vector<16xi1>, vector<16xf32>
        %select_n3A_656 = arith.select %lt3A_654, %broadcast_in_dim3A_601, %scan3A_599 : vector<16xi1>, vector<16xi32>
        %scan3A_657 = arith.constant 1 : i32
        %scan3A_658 = arith.addi %scan3A_583, %scan3A_657 : i32
        %add3A_659 = arith.addi %add3A_569, %scan3A_658 : i32
        %broadcast_in_dim3A_660 = vector.broadcast %add3A_659 : i32 to vector<16xi32>
        %get3A_661 = arith.index_cast %scan3A_658 : i32 to index
        %get3A_662 = arith.constant 0 : index
        %get3A_663 = tpu.vector_load %arg6[%get3A_661, %get3A_662] {strides = array<i32>} : memref<256x128xf32, #tpu.memory_space<vmem>>, vector<1x16xf32>,
        %get3A_664 = vector.shape_cast %get3A_663 : vector<1x16xf32> to vector<16xf32>
        %lt3A_665 = arith.cmpf olt, %get3A_664, %select_n3A_606 : vector<16xf32>
        %select_n3A_666 = arith.select %lt3A_665, %get3A_664, %select_n3A_606 : vector<16xi1>, vector<16xf32>
        %select_n3A_667 = arith.select %lt3A_665, %broadcast_in_dim3A_660, %select_n3A_607 : vector<16xi1>, vector<16xi32>
        %get3A_668 = arith.index_cast %scan3A_658 : i32 to index
        %get3A_669 = arith.constant 16 : index
        %get3A_670 = tpu.vector_load %arg6[%get3A_668, %get3A_669] {strides = array<i32>} : memref<256x128xf32, #tpu.memory_space<vmem>>, vector<1x16xf32>,
        %get3A_671 = vector.shape_cast %get3A_670 : vector<1x16xf32> to vector<16xf32>
        %lt3A_672 = arith.cmpf olt, %get3A_671, %select_n3A_613 : vector<16xf32>
        %select_n3A_673 = arith.select %lt3A_672, %get3A_671, %select_n3A_613 : vector<16xi1>, vector<16xf32>
        %select_n3A_674 = arith.select %lt3A_672, %broadcast_in_dim3A_660, %select_n3A_614 : vector<16xi1>, vector<16xi32>
        %get3A_675 = arith.index_cast %scan3A_658 : i32 to index
        %get3A_676 = arith.constant 32 : index
        %get3A_677 = tpu.vector_load %arg6[%get3A_675, %get3A_676] {strides = array<i32>} : memref<256x128xf32, #tpu.memory_space<vmem>>, vector<1x16xf32>,
        %get3A_678 = vector.shape_cast %get3A_677 : vector<1x16xf32> to vector<16xf32>
        %lt3A_679 = arith.cmpf olt, %get3A_678, %select_n3A_620 : vector<16xf32>
        %select_n3A_680 = arith.select %lt3A_679, %get3A_678, %select_n3A_620 : vector<16xi1>, vector<16xf32>
        %select_n3A_681 = arith.select %lt3A_679, %broadcast_in_dim3A_660, %select_n3A_621 : vector<16xi1>, vector<16xi32>
        %get3A_682 = arith.index_cast %scan3A_658 : i32 to index
        %get3A_683 = arith.constant 48 : index
        %get3A_684 = tpu.vector_load %arg6[%get3A_682, %get3A_683] {strides = array<i32>} : memref<256x128xf32, #tpu.memory_space<vmem>>, vector<1x16xf32>,
        %get3A_685 = vector.shape_cast %get3A_684 : vector<1x16xf32> to vector<16xf32>
        %lt3A_686 = arith.cmpf olt, %get3A_685, %select_n3A_627 : vector<16xf32>
        %select_n3A_687 = arith.select %lt3A_686, %get3A_685, %select_n3A_627 : vector<16xi1>, vector<16xf32>
        %select_n3A_688 = arith.select %lt3A_686, %broadcast_in_dim3A_660, %select_n3A_628 : vector<16xi1>, vector<16xi32>
        %get3A_689 = arith.index_cast %scan3A_658 : i32 to index
        %get3A_690 = arith.constant 64 : index
        %get3A_691 = tpu.vector_load %arg6[%get3A_689, %get3A_690] {strides = array<i32>} : memref<256x128xf32, #tpu.memory_space<vmem>>, vector<1x16xf32>,
        %get3A_692 = vector.shape_cast %get3A_691 : vector<1x16xf32> to vector<16xf32>
        %lt3A_693 = arith.cmpf olt, %get3A_692, %select_n3A_634 : vector<16xf32>
        %select_n3A_694 = arith.select %lt3A_693, %get3A_692, %select_n3A_634 : vector<16xi1>, vector<16xf32>
        %select_n3A_695 = arith.select %lt3A_693, %broadcast_in_dim3A_660, %select_n3A_635 : vector<16xi1>, vector<16xi32>
        %get3A_696 = arith.index_cast %scan3A_658 : i32 to index
        %get3A_697 = arith.constant 80 : index
        %get3A_698 = tpu.vector_load %arg6[%get3A_696, %get3A_697] {strides = array<i32>} : memref<256x128xf32, #tpu.memory_space<vmem>>, vector<1x16xf32>,
        %get3A_699 = vector.shape_cast %get3A_698 : vector<1x16xf32> to vector<16xf32>
        %lt3A_700 = arith.cmpf olt, %get3A_699, %select_n3A_641 : vector<16xf32>
        %select_n3A_701 = arith.select %lt3A_700, %get3A_699, %select_n3A_641 : vector<16xi1>, vector<16xf32>
        %select_n3A_702 = arith.select %lt3A_700, %broadcast_in_dim3A_660, %select_n3A_642 : vector<16xi1>, vector<16xi32>
        %get3A_703 = arith.index_cast %scan3A_658 : i32 to index
        %get3A_704 = arith.constant 96 : index
        %get3A_705 = tpu.vector_load %arg6[%get3A_703, %get3A_704] {strides = array<i32>} : memref<256x128xf32, #tpu.memory_space<vmem>>, vector<1x16xf32>,
        %get3A_706 = vector.shape_cast %get3A_705 : vector<1x16xf32> to vector<16xf32>
        %lt3A_707 = arith.cmpf olt, %get3A_706, %select_n3A_648 : vector<16xf32>
        %select_n3A_708 = arith.select %lt3A_707, %get3A_706, %select_n3A_648 : vector<16xi1>, vector<16xf32>
        %select_n3A_709 = arith.select %lt3A_707, %broadcast_in_dim3A_660, %select_n3A_649 : vector<16xi1>, vector<16xi32>
        %get3A_710 = arith.index_cast %scan3A_658 : i32 to index
        %get3A_711 = arith.constant 112 : index
        %get3A_712 = tpu.vector_load %arg6[%get3A_710, %get3A_711] {strides = array<i32>} : memref<256x128xf32, #tpu.memory_space<vmem>>, vector<1x16xf32>,
        %get3A_713 = vector.shape_cast %get3A_712 : vector<1x16xf32> to vector<16xf32>
        %lt3A_714 = arith.cmpf olt, %get3A_713, %select_n3A_655 : vector<16xf32>
        %select_n3A_715 = arith.select %lt3A_714, %get3A_713, %select_n3A_655 : vector<16xi1>, vector<16xf32>
        %select_n3A_716 = arith.select %lt3A_714, %broadcast_in_dim3A_660, %select_n3A_656 : vector<16xi1>, vector<16xi32>
        %scan3A_717 = arith.constant 2 : i32
        %scan3A_718 = arith.addi %scan3A_583, %scan3A_717 : i32
        %add3A_719 = arith.addi %add3A_569, %scan3A_718 : i32
        %broadcast_in_dim3A_720 = vector.broadcast %add3A_719 : i32 to vector<16xi32>
        %get3A_721 = arith.index_cast %scan3A_718 : i32 to index
        %get3A_722 = arith.constant 0 : index
        %get3A_723 = tpu.vector_load %arg6[%get3A_721, %get3A_722] {strides = array<i32>} : memref<256x128xf32, #tpu.memory_space<vmem>>, vector<1x16xf32>,
        %get3A_724 = vector.shape_cast %get3A_723 : vector<1x16xf32> to vector<16xf32>
        %lt3A_725 = arith.cmpf olt, %get3A_724, %select_n3A_666 : vector<16xf32>
        %select_n3A_726 = arith.select %lt3A_725, %get3A_724, %select_n3A_666 : vector<16xi1>, vector<16xf32>
        %select_n3A_727 = arith.select %lt3A_725, %broadcast_in_dim3A_720, %select_n3A_667 : vector<16xi1>, vector<16xi32>
        %get3A_728 = arith.index_cast %scan3A_718 : i32 to index
        %get3A_729 = arith.constant 16 : index
        %get3A_730 = tpu.vector_load %arg6[%get3A_728, %get3A_729] {strides = array<i32>} : memref<256x128xf32, #tpu.memory_space<vmem>>, vector<1x16xf32>,
        %get3A_731 = vector.shape_cast %get3A_730 : vector<1x16xf32> to vector<16xf32>
        %lt3A_732 = arith.cmpf olt, %get3A_731, %select_n3A_673 : vector<16xf32>
        %select_n3A_733 = arith.select %lt3A_732, %get3A_731, %select_n3A_673 : vector<16xi1>, vector<16xf32>
        %select_n3A_734 = arith.select %lt3A_732, %broadcast_in_dim3A_720, %select_n3A_674 : vector<16xi1>, vector<16xi32>
        %get3A_735 = arith.index_cast %scan3A_718 : i32 to index
        %get3A_736 = arith.constant 32 : index
        %get3A_737 = tpu.vector_load %arg6[%get3A_735, %get3A_736] {strides = array<i32>} : memref<256x128xf32, #tpu.memory_space<vmem>>, vector<1x16xf32>,
        %get3A_738 = vector.shape_cast %get3A_737 : vector<1x16xf32> to vector<16xf32>
        %lt3A_739 = arith.cmpf olt, %get3A_738, %select_n3A_680 : vector<16xf32>
        %select_n3A_740 = arith.select %lt3A_739, %get3A_738, %select_n3A_680 : vector<16xi1>, vector<16xf32>
        %select_n3A_741 = arith.select %lt3A_739, %broadcast_in_dim3A_720, %select_n3A_681 : vector<16xi1>, vector<16xi32>
        %get3A_742 = arith.index_cast %scan3A_718 : i32 to index
        %get3A_743 = arith.constant 48 : index
        %get3A_744 = tpu.vector_load %arg6[%get3A_742, %get3A_743] {strides = array<i32>} : memref<256x128xf32, #tpu.memory_space<vmem>>, vector<1x16xf32>,
        %get3A_745 = vector.shape_cast %get3A_744 : vector<1x16xf32> to vector<16xf32>
        %lt3A_746 = arith.cmpf olt, %get3A_745, %select_n3A_687 : vector<16xf32>
        %select_n3A_747 = arith.select %lt3A_746, %get3A_745, %select_n3A_687 : vector<16xi1>, vector<16xf32>
        %select_n3A_748 = arith.select %lt3A_746, %broadcast_in_dim3A_720, %select_n3A_688 : vector<16xi1>, vector<16xi32>
        %get3A_749 = arith.index_cast %scan3A_718 : i32 to index
        %get3A_750 = arith.constant 64 : index
        %get3A_751 = tpu.vector_load %arg6[%get3A_749, %get3A_750] {strides = array<i32>} : memref<256x128xf32, #tpu.memory_space<vmem>>, vector<1x16xf32>,
        %get3A_752 = vector.shape_cast %get3A_751 : vector<1x16xf32> to vector<16xf32>
        %lt3A_753 = arith.cmpf olt, %get3A_752, %select_n3A_694 : vector<16xf32>
        %select_n3A_754 = arith.select %lt3A_753, %get3A_752, %select_n3A_694 : vector<16xi1>, vector<16xf32>
        %select_n3A_755 = arith.select %lt3A_753, %broadcast_in_dim3A_720, %select_n3A_695 : vector<16xi1>, vector<16xi32>
        %get3A_756 = arith.index_cast %scan3A_718 : i32 to index
        %get3A_757 = arith.constant 80 : index
        %get3A_758 = tpu.vector_load %arg6[%get3A_756, %get3A_757] {strides = array<i32>} : memref<256x128xf32, #tpu.memory_space<vmem>>, vector<1x16xf32>,
        %get3A_759 = vector.shape_cast %get3A_758 : vector<1x16xf32> to vector<16xf32>
        %lt3A_760 = arith.cmpf olt, %get3A_759, %select_n3A_701 : vector<16xf32>
        %select_n3A_761 = arith.select %lt3A_760, %get3A_759, %select_n3A_701 : vector<16xi1>, vector<16xf32>
        %select_n3A_762 = arith.select %lt3A_760, %broadcast_in_dim3A_720, %select_n3A_702 : vector<16xi1>, vector<16xi32>
        %get3A_763 = arith.index_cast %scan3A_718 : i32 to index
        %get3A_764 = arith.constant 96 : index
        %get3A_765 = tpu.vector_load %arg6[%get3A_763, %get3A_764] {strides = array<i32>} : memref<256x128xf32, #tpu.memory_space<vmem>>, vector<1x16xf32>,
        %get3A_766 = vector.shape_cast %get3A_765 : vector<1x16xf32> to vector<16xf32>
        %lt3A_767 = arith.cmpf olt, %get3A_766, %select_n3A_708 : vector<16xf32>
        %select_n3A_768 = arith.select %lt3A_767, %get3A_766, %select_n3A_708 : vector<16xi1>, vector<16xf32>
        %select_n3A_769 = arith.select %lt3A_767, %broadcast_in_dim3A_720, %select_n3A_709 : vector<16xi1>, vector<16xi32>
        %get3A_770 = arith.index_cast %scan3A_718 : i32 to index
        %get3A_771 = arith.constant 112 : index
        %get3A_772 = tpu.vector_load %arg6[%get3A_770, %get3A_771] {strides = array<i32>} : memref<256x128xf32, #tpu.memory_space<vmem>>, vector<1x16xf32>,
        %get3A_773 = vector.shape_cast %get3A_772 : vector<1x16xf32> to vector<16xf32>
        %lt3A_774 = arith.cmpf olt, %get3A_773, %select_n3A_715 : vector<16xf32>
        %select_n3A_775 = arith.select %lt3A_774, %get3A_773, %select_n3A_715 : vector<16xi1>, vector<16xf32>
        %select_n3A_776 = arith.select %lt3A_774, %broadcast_in_dim3A_720, %select_n3A_716 : vector<16xi1>, vector<16xi32>
        %scan3A_777 = arith.constant 3 : i32
        %scan3A_778 = arith.addi %scan3A_583, %scan3A_777 : i32
        %add3A_779 = arith.addi %add3A_569, %scan3A_778 : i32
        %broadcast_in_dim3A_780 = vector.broadcast %add3A_779 : i32 to vector<16xi32>
        %get3A_781 = arith.index_cast %scan3A_778 : i32 to index
        %get3A_782 = arith.constant 0 : index
        %get3A_783 = tpu.vector_load %arg6[%get3A_781, %get3A_782] {strides = array<i32>} : memref<256x128xf32, #tpu.memory_space<vmem>>, vector<1x16xf32>,
        %get3A_784 = vector.shape_cast %get3A_783 : vector<1x16xf32> to vector<16xf32>
        %lt3A_785 = arith.cmpf olt, %get3A_784, %select_n3A_726 : vector<16xf32>
        %select_n3A_786 = arith.select %lt3A_785, %get3A_784, %select_n3A_726 : vector<16xi1>, vector<16xf32>
        %select_n3A_787 = arith.select %lt3A_785, %broadcast_in_dim3A_780, %select_n3A_727 : vector<16xi1>, vector<16xi32>
        %get3A_788 = arith.index_cast %scan3A_778 : i32 to index
        %get3A_789 = arith.constant 16 : index
        %get3A_790 = tpu.vector_load %arg6[%get3A_788, %get3A_789] {strides = array<i32>} : memref<256x128xf32, #tpu.memory_space<vmem>>, vector<1x16xf32>,
        %get3A_791 = vector.shape_cast %get3A_790 : vector<1x16xf32> to vector<16xf32>
        %lt3A_792 = arith.cmpf olt, %get3A_791, %select_n3A_733 : vector<16xf32>
        %select_n3A_793 = arith.select %lt3A_792, %get3A_791, %select_n3A_733 : vector<16xi1>, vector<16xf32>
        %select_n3A_794 = arith.select %lt3A_792, %broadcast_in_dim3A_780, %select_n3A_734 : vector<16xi1>, vector<16xi32>
        %get3A_795 = arith.index_cast %scan3A_778 : i32 to index
        %get3A_796 = arith.constant 32 : index
        %get3A_797 = tpu.vector_load %arg6[%get3A_795, %get3A_796] {strides = array<i32>} : memref<256x128xf32, #tpu.memory_space<vmem>>, vector<1x16xf32>,
        %get3A_798 = vector.shape_cast %get3A_797 : vector<1x16xf32> to vector<16xf32>
        %lt3A_799 = arith.cmpf olt, %get3A_798, %select_n3A_740 : vector<16xf32>
        %select_n3A_800 = arith.select %lt3A_799, %get3A_798, %select_n3A_740 : vector<16xi1>, vector<16xf32>
        %select_n3A_801 = arith.select %lt3A_799, %broadcast_in_dim3A_780, %select_n3A_741 : vector<16xi1>, vector<16xi32>
        %get3A_802 = arith.index_cast %scan3A_778 : i32 to index
        %get3A_803 = arith.constant 48 : index
        %get3A_804 = tpu.vector_load %arg6[%get3A_802, %get3A_803] {strides = array<i32>} : memref<256x128xf32, #tpu.memory_space<vmem>>, vector<1x16xf32>,
        %get3A_805 = vector.shape_cast %get3A_804 : vector<1x16xf32> to vector<16xf32>
        %lt3A_806 = arith.cmpf olt, %get3A_805, %select_n3A_747 : vector<16xf32>
        %select_n3A_807 = arith.select %lt3A_806, %get3A_805, %select_n3A_747 : vector<16xi1>, vector<16xf32>
        %select_n3A_808 = arith.select %lt3A_806, %broadcast_in_dim3A_780, %select_n3A_748 : vector<16xi1>, vector<16xi32>
        %get3A_809 = arith.index_cast %scan3A_778 : i32 to index
        %get3A_810 = arith.constant 64 : index
        %get3A_811 = tpu.vector_load %arg6[%get3A_809, %get3A_810] {strides = array<i32>} : memref<256x128xf32, #tpu.memory_space<vmem>>, vector<1x16xf32>,
        %get3A_812 = vector.shape_cast %get3A_811 : vector<1x16xf32> to vector<16xf32>
        %lt3A_813 = arith.cmpf olt, %get3A_812, %select_n3A_754 : vector<16xf32>
        %select_n3A_814 = arith.select %lt3A_813, %get3A_812, %select_n3A_754 : vector<16xi1>, vector<16xf32>
        %select_n3A_815 = arith.select %lt3A_813, %broadcast_in_dim3A_780, %select_n3A_755 : vector<16xi1>, vector<16xi32>
        %get3A_816 = arith.index_cast %scan3A_778 : i32 to index
        %get3A_817 = arith.constant 80 : index
        %get3A_818 = tpu.vector_load %arg6[%get3A_816, %get3A_817] {strides = array<i32>} : memref<256x128xf32, #tpu.memory_space<vmem>>, vector<1x16xf32>,
        %get3A_819 = vector.shape_cast %get3A_818 : vector<1x16xf32> to vector<16xf32>
        %lt3A_820 = arith.cmpf olt, %get3A_819, %select_n3A_761 : vector<16xf32>
        %select_n3A_821 = arith.select %lt3A_820, %get3A_819, %select_n3A_761 : vector<16xi1>, vector<16xf32>
        %select_n3A_822 = arith.select %lt3A_820, %broadcast_in_dim3A_780, %select_n3A_762 : vector<16xi1>, vector<16xi32>
        %get3A_823 = arith.index_cast %scan3A_778 : i32 to index
        %get3A_824 = arith.constant 96 : index
        %get3A_825 = tpu.vector_load %arg6[%get3A_823, %get3A_824] {strides = array<i32>} : memref<256x128xf32, #tpu.memory_space<vmem>>, vector<1x16xf32>,
        %get3A_826 = vector.shape_cast %get3A_825 : vector<1x16xf32> to vector<16xf32>
        %lt3A_827 = arith.cmpf olt, %get3A_826, %select_n3A_768 : vector<16xf32>
        %select_n3A_828 = arith.select %lt3A_827, %get3A_826, %select_n3A_768 : vector<16xi1>, vector<16xf32>
        %select_n3A_829 = arith.select %lt3A_827, %broadcast_in_dim3A_780, %select_n3A_769 : vector<16xi1>, vector<16xi32>
        %get3A_830 = arith.index_cast %scan3A_778 : i32 to index
        %get3A_831 = arith.constant 112 : index
        %get3A_832 = tpu.vector_load %arg6[%get3A_830, %get3A_831] {strides = array<i32>} : memref<256x128xf32, #tpu.memory_space<vmem>>, vector<1x16xf32>,
        %get3A_833 = vector.shape_cast %get3A_832 : vector<1x16xf32> to vector<16xf32>
        %lt3A_834 = arith.cmpf olt, %get3A_833, %select_n3A_775 : vector<16xf32>
        %select_n3A_835 = arith.select %lt3A_834, %get3A_833, %select_n3A_775 : vector<16xi1>, vector<16xf32>
        %select_n3A_836 = arith.select %lt3A_834, %broadcast_in_dim3A_780, %select_n3A_776 : vector<16xi1>, vector<16xi32>
        scf.yield %select_n3A_786, %select_n3A_793, %select_n3A_800, %select_n3A_807, %select_n3A_814, %select_n3A_821, %select_n3A_828, %select_n3A_835, %select_n3A_787, %select_n3A_794, %select_n3A_801, %select_n3A_808, %select_n3A_815, %select_n3A_822, %select_n3A_829, %select_n3A_836 : vector<16xf32>, vector<16xf32>, vector<16xf32>, vector<16xf32>, vector<16xf32>, vector<16xf32>, vector<16xf32>, vector<16xf32>, vector<16xi32>, vector<16xi32>, vector<16xi32>, vector<16xi32>, vector<16xi32>, vector<16xi32>, vector<16xi32>, vector<16xi32>
      }
      %scan3A_575 = arith.constant 256 : i32
      %add3A_576 = arith.constant 1 : i32
      %add3A_577 = arith.addi %scan3A_509, %add3A_576 : i32
      %lt3A_578 = arith.constant 4 : i32
      %lt3A_579 = arith.cmpi slt, %add3A_577, %lt3A_578 : i32
      %convert_element_type3A_580 = arith.extui %lt3A_579 : i1 to i32
      %cond3A_581 = arith.constant 0 : i32
      %cond3A_582 = arith.cmpi ne, %convert_element_type3A_580, %cond3A_581 : i32
      scf.if %cond3A_582 {
        %mul3A_583 = arith.constant 2 : i32
        %mul3A_584 = arith.muli %mul3A_583, %scan3A_509 : i32
        %add3A_585 = arith.constant 3 : i32
        %add3A_586 = arith.addi %mul3A_584, %add3A_585 : i32
        %mul3A_587 = arith.constant 256 : i32
        %mul3A_588 = arith.muli %add3A_586, %mul3A_587 : i32
        %add3A_589 = arith.addi %mul3A_36, %mul3A_588 : i32
        %dma_start3A_590 = arith.constant 1 : i32
        %dma_start3A_591 = tpu.memref_slice %arg2[%dma_start3A_590, %add3A_589, %add3A_34] : memref<4x8192x4096xf32, #tpu.memory_space<hbm>> -> memref<1x256x128xf32, #tpu.memory_space<hbm>>
        %dma_start3A_592 = tpu.memref_squeeze %dma_start3A_591 : memref<1x256x128xf32, #tpu.memory_space<hbm>> -> memref<256x128xf32, #tpu.memory_space<hbm>>
        %dma_start3A_593 = tpu.memref_slice %arg2[%dma_start3A_590, %add3A_589, %add3A_34] : memref<4x8192x4096xf32, #tpu.memory_space<hbm>> -> memref<1x256x128xf32, #tpu.memory_space<hbm>>
        %dma_start3A_594 = tpu.memref_squeeze %dma_start3A_593 : memref<1x256x128xf32, #tpu.memory_space<hbm>> -> memref<256x128xf32, #tpu.memory_space<hbm>>
        tpu.enqueue_dma source(%dma_start3A_594 : memref<256x128xf32, #tpu.memory_space<hbm>>) target(%arg6 : memref<256x128xf32, #tpu.memory_space<vmem>>) target_semaphore(%arg10 : memref<!tpu.dma_semaphore, #tpu.memory_space<semaphore_mem>>)
      } else {
      }
      scf.yield %scan3A_574#0, %scan3A_574#1, %scan3A_574#2, %scan3A_574#3, %scan3A_574#4, %scan3A_574#5, %scan3A_574#6, %scan3A_574#7, %scan3A_574#8, %scan3A_574#9, %scan3A_574#10, %scan3A_574#11, %scan3A_574#12, %scan3A_574#13, %scan3A_574#14, %scan3A_574#15 : vector<16xf32>, vector<16xf32>, vector<16xf32>, vector<16xf32>, vector<16xf32>, vector<16xf32>, vector<16xf32>, vector<16xf32>, vector<16xi32>, vector<16xi32>, vector<16xi32>, vector<16xi32>, vector<16xi32>, vector<16xi32>, vector<16xi32>, vector<16xi32>
    }
    %scan3A_206 = arith.constant 4 : i32
    %swap3A_207 = arith.constant 0 : index
    %swap3A_208 = tpu.vector_load %arg7[%swap3A_207] {strides = array<i32>} : memref<128xf32, #tpu.memory_space<vmem>>, vector<16xf32>,
    %swap3A_209 = vector.shape_cast %swap3A_208 : vector<16xf32> to vector<16xf32>
    %swap3A_210 = vector.shape_cast %scan3A_205#0 : vector<16xf32> to vector<16xf32>
    tpu.vector_store %arg7[%swap3A_207], %swap3A_210 {strides = array<i32>} : memref<128xf32, #tpu.memory_space<vmem>>, vector<16xf32>,
    %swap3A_211 = arith.constant 0 : index
    %swap3A_212 = tpu.vector_load %arg8[%swap3A_211] {strides = array<i32>} : memref<128xi32, #tpu.memory_space<vmem>>, vector<16xi32>,
    %swap3A_213 = vector.shape_cast %swap3A_212 : vector<16xi32> to vector<16xi32>
    %swap3A_214 = vector.shape_cast %scan3A_205#8 : vector<16xi32> to vector<16xi32>
    tpu.vector_store %arg8[%swap3A_211], %swap3A_214 {strides = array<i32>} : memref<128xi32, #tpu.memory_space<vmem>>, vector<16xi32>,
    %swap3A_215 = arith.constant 16 : index
    %swap3A_216 = tpu.vector_load %arg7[%swap3A_215] {strides = array<i32>} : memref<128xf32, #tpu.memory_space<vmem>>, vector<16xf32>,
    %swap3A_217 = vector.shape_cast %swap3A_216 : vector<16xf32> to vector<16xf32>
    %swap3A_218 = vector.shape_cast %scan3A_205#1 : vector<16xf32> to vector<16xf32>
    tpu.vector_store %arg7[%swap3A_215], %swap3A_218 {strides = array<i32>} : memref<128xf32, #tpu.memory_space<vmem>>, vector<16xf32>,
    %swap3A_219 = arith.constant 16 : index
    %swap3A_220 = tpu.vector_load %arg8[%swap3A_219] {strides = array<i32>} : memref<128xi32, #tpu.memory_space<vmem>>, vector<16xi32>,
    %swap3A_221 = vector.shape_cast %swap3A_220 : vector<16xi32> to vector<16xi32>
    %swap3A_222 = vector.shape_cast %scan3A_205#9 : vector<16xi32> to vector<16xi32>
    tpu.vector_store %arg8[%swap3A_219], %swap3A_222 {strides = array<i32>} : memref<128xi32, #tpu.memory_space<vmem>>, vector<16xi32>,
    %swap3A_223 = arith.constant 32 : index
    %swap3A_224 = tpu.vector_load %arg7[%swap3A_223] {strides = array<i32>} : memref<128xf32, #tpu.memory_space<vmem>>, vector<16xf32>,
    %swap3A_225 = vector.shape_cast %swap3A_224 : vector<16xf32> to vector<16xf32>
    %swap3A_226 = vector.shape_cast %scan3A_205#2 : vector<16xf32> to vector<16xf32>
    tpu.vector_store %arg7[%swap3A_223], %swap3A_226 {strides = array<i32>} : memref<128xf32, #tpu.memory_space<vmem>>, vector<16xf32>,
    %swap3A_227 = arith.constant 32 : index
    %swap3A_228 = tpu.vector_load %arg8[%swap3A_227] {strides = array<i32>} : memref<128xi32, #tpu.memory_space<vmem>>, vector<16xi32>,
    %swap3A_229 = vector.shape_cast %swap3A_228 : vector<16xi32> to vector<16xi32>
    %swap3A_230 = vector.shape_cast %scan3A_205#10 : vector<16xi32> to vector<16xi32>
    tpu.vector_store %arg8[%swap3A_227], %swap3A_230 {strides = array<i32>} : memref<128xi32, #tpu.memory_space<vmem>>, vector<16xi32>,
    %swap3A_231 = arith.constant 48 : index
    %swap3A_232 = tpu.vector_load %arg7[%swap3A_231] {strides = array<i32>} : memref<128xf32, #tpu.memory_space<vmem>>, vector<16xf32>,
    %swap3A_233 = vector.shape_cast %swap3A_232 : vector<16xf32> to vector<16xf32>
    %swap3A_234 = vector.shape_cast %scan3A_205#3 : vector<16xf32> to vector<16xf32>
    tpu.vector_store %arg7[%swap3A_231], %swap3A_234 {strides = array<i32>} : memref<128xf32, #tpu.memory_space<vmem>>, vector<16xf32>,
    %swap3A_235 = arith.constant 48 : index
    %swap3A_236 = tpu.vector_load %arg8[%swap3A_235] {strides = array<i32>} : memref<128xi32, #tpu.memory_space<vmem>>, vector<16xi32>,
    %swap3A_237 = vector.shape_cast %swap3A_236 : vector<16xi32> to vector<16xi32>
    %swap3A_238 = vector.shape_cast %scan3A_205#11 : vector<16xi32> to vector<16xi32>
    tpu.vector_store %arg8[%swap3A_235], %swap3A_238 {strides = array<i32>} : memref<128xi32, #tpu.memory_space<vmem>>, vector<16xi32>,
    %swap3A_239 = arith.constant 64 : index
    %swap3A_240 = tpu.vector_load %arg7[%swap3A_239] {strides = array<i32>} : memref<128xf32, #tpu.memory_space<vmem>>, vector<16xf32>,
    %swap3A_241 = vector.shape_cast %swap3A_240 : vector<16xf32> to vector<16xf32>
    %swap3A_242 = vector.shape_cast %scan3A_205#4 : vector<16xf32> to vector<16xf32>
    tpu.vector_store %arg7[%swap3A_239], %swap3A_242 {strides = array<i32>} : memref<128xf32, #tpu.memory_space<vmem>>, vector<16xf32>,
    %swap3A_243 = arith.constant 64 : index
    %swap3A_244 = tpu.vector_load %arg8[%swap3A_243] {strides = array<i32>} : memref<128xi32, #tpu.memory_space<vmem>>, vector<16xi32>,
    %swap3A_245 = vector.shape_cast %swap3A_244 : vector<16xi32> to vector<16xi32>
    %swap3A_246 = vector.shape_cast %scan3A_205#12 : vector<16xi32> to vector<16xi32>
    tpu.vector_store %arg8[%swap3A_243], %swap3A_246 {strides = array<i32>} : memref<128xi32, #tpu.memory_space<vmem>>, vector<16xi32>,
    %swap3A_247 = arith.constant 80 : index
    %swap3A_248 = tpu.vector_load %arg7[%swap3A_247] {strides = array<i32>} : memref<128xf32, #tpu.memory_space<vmem>>, vector<16xf32>,
    %swap3A_249 = vector.shape_cast %swap3A_248 : vector<16xf32> to vector<16xf32>
    %swap3A_250 = vector.shape_cast %scan3A_205#5 : vector<16xf32> to vector<16xf32>
    tpu.vector_store %arg7[%swap3A_247], %swap3A_250 {strides = array<i32>} : memref<128xf32, #tpu.memory_space<vmem>>, vector<16xf32>,
    %swap3A_251 = arith.constant 80 : index
    %swap3A_252 = tpu.vector_load %arg8[%swap3A_251] {strides = array<i32>} : memref<128xi32, #tpu.memory_space<vmem>>, vector<16xi32>,
    %swap3A_253 = vector.shape_cast %swap3A_252 : vector<16xi32> to vector<16xi32>
    %swap3A_254 = vector.shape_cast %scan3A_205#13 : vector<16xi32> to vector<16xi32>
    tpu.vector_store %arg8[%swap3A_251], %swap3A_254 {strides = array<i32>} : memref<128xi32, #tpu.memory_space<vmem>>, vector<16xi32>,
    %swap3A_255 = arith.constant 96 : index
    %swap3A_256 = tpu.vector_load %arg7[%swap3A_255] {strides = array<i32>} : memref<128xf32, #tpu.memory_space<vmem>>, vector<16xf32>,
    %swap3A_257 = vector.shape_cast %swap3A_256 : vector<16xf32> to vector<16xf32>
    %swap3A_258 = vector.shape_cast %scan3A_205#6 : vector<16xf32> to vector<16xf32>
    tpu.vector_store %arg7[%swap3A_255], %swap3A_258 {strides = array<i32>} : memref<128xf32, #tpu.memory_space<vmem>>, vector<16xf32>,
    %swap3A_259 = arith.constant 96 : index
    %swap3A_260 = tpu.vector_load %arg8[%swap3A_259] {strides = array<i32>} : memref<128xi32, #tpu.memory_space<vmem>>, vector<16xi32>,
    %swap3A_261 = vector.shape_cast %swap3A_260 : vector<16xi32> to vector<16xi32>
    %swap3A_262 = vector.shape_cast %scan3A_205#14 : vector<16xi32> to vector<16xi32>
    tpu.vector_store %arg8[%swap3A_259], %swap3A_262 {strides = array<i32>} : memref<128xi32, #tpu.memory_space<vmem>>, vector<16xi32>,
    %swap3A_263 = arith.constant 112 : index
    %swap3A_264 = tpu.vector_load %arg7[%swap3A_263] {strides = array<i32>} : memref<128xf32, #tpu.memory_space<vmem>>, vector<16xf32>,
    %swap3A_265 = vector.shape_cast %swap3A_264 : vector<16xf32> to vector<16xf32>
    %swap3A_266 = vector.shape_cast %scan3A_205#7 : vector<16xf32> to vector<16xf32>
    tpu.vector_store %arg7[%swap3A_263], %swap3A_266 {strides = array<i32>} : memref<128xf32, #tpu.memory_space<vmem>>, vector<16xf32>,
    %swap3A_267 = arith.constant 112 : index
    %swap3A_268 = tpu.vector_load %arg8[%swap3A_267] {strides = array<i32>} : memref<128xi32, #tpu.memory_space<vmem>>, vector<16xi32>,
    %swap3A_269 = vector.shape_cast %swap3A_268 : vector<16xi32> to vector<16xi32>
    %swap3A_270 = vector.shape_cast %scan3A_205#15 : vector<16xi32> to vector<16xi32>
    tpu.vector_store %arg8[%swap3A_267], %swap3A_270 {strides = array<i32>} : memref<128xi32, #tpu.memory_space<vmem>>, vector<16xi32>,
    %run_scoped3A_271 = arith.constant 1 : i32
    "tpu.region"() ({
      %run_scoped3A_509 = tpu.sem_alloc : memref<!tpu.dma_semaphore, #tpu.memory_space<semaphore_mem>>
      %dma_start3A_510 = tpu.memref_slice %arg3[%run_scoped3A_271, %add3A_41] : memref<4x4096xf32, #tpu.memory_space<hbm>> -> memref<1x128xf32, #tpu.memory_space<hbm>>
      %dma_start3A_511 = tpu.memref_squeeze %dma_start3A_510 : memref<1x128xf32, #tpu.memory_space<hbm>> -> memref<128xf32, #tpu.memory_space<hbm>>
      %dma_start3A_512 = tpu.memref_slice %arg3[%run_scoped3A_271, %add3A_41] : memref<4x4096xf32, #tpu.memory_space<hbm>> -> memref<1x128xf32, #tpu.memory_space<hbm>>
      %dma_start3A_513 = tpu.memref_squeeze %dma_start3A_512 : memref<1x128xf32, #tpu.memory_space<hbm>> -> memref<128xf32, #tpu.memory_space<hbm>>
      tpu.enqueue_dma source(%arg7 : memref<128xf32, #tpu.memory_space<vmem>>) target(%dma_start3A_513 : memref<128xf32, #tpu.memory_space<hbm>>) target_semaphore(%run_scoped3A_509 : memref<!tpu.dma_semaphore, #tpu.memory_space<semaphore_mem>>)
      %dma_wait3A = tpu.memref_slice %arg3[%run_scoped3A_271, %add3A_41] : memref<4x4096xf32, #tpu.memory_space<hbm>> -> memref<1x128xf32, #tpu.memory_space<hbm>>
      %dma_wait3A_514 = tpu.memref_squeeze %dma_wait3A : memref<1x128xf32, #tpu.memory_space<hbm>> -> memref<128xf32, #tpu.memory_space<hbm>>
      %dma_wait3A_515 = tpu.memref_slice %arg3[%run_scoped3A_271, %add3A_41] : memref<4x4096xf32, #tpu.memory_space<hbm>> -> memref<1x128xf32, #tpu.memory_space<hbm>>
      %dma_wait3A_516 = tpu.memref_squeeze %dma_wait3A_515 : memref<1x128xf32, #tpu.memory_space<hbm>> -> memref<128xf32, #tpu.memory_space<hbm>>
      tpu.wait_dma2 semaphore(%run_scoped3A_509 : memref<!tpu.dma_semaphore, #tpu.memory_space<semaphore_mem>>) src(%arg7 : memref<128xf32, #tpu.memory_space<vmem>>) dst(%dma_wait3A_516 : memref<128xf32, #tpu.memory_space<hbm>>)
      tpu.yield
    }) : () -> ()
    %run_scoped3A_272 = arith.constant 1 : i32
    "tpu.region"() ({
      %run_scoped3A_509 = tpu.sem_alloc : memref<!tpu.dma_semaphore, #tpu.memory_space<semaphore_mem>>
      %dma_start3A_510 = tpu.memref_slice %arg4[%run_scoped3A_272, %add3A_41] : memref<4x4096xi32, #tpu.memory_space<hbm>> -> memref<1x128xi32, #tpu.memory_space<hbm>>
      %dma_start3A_511 = tpu.memref_squeeze %dma_start3A_510 : memref<1x128xi32, #tpu.memory_space<hbm>> -> memref<128xi32, #tpu.memory_space<hbm>>
      %dma_start3A_512 = tpu.memref_slice %arg4[%run_scoped3A_272, %add3A_41] : memref<4x4096xi32, #tpu.memory_space<hbm>> -> memref<1x128xi32, #tpu.memory_space<hbm>>
      %dma_start3A_513 = tpu.memref_squeeze %dma_start3A_512 : memref<1x128xi32, #tpu.memory_space<hbm>> -> memref<128xi32, #tpu.memory_space<hbm>>
      tpu.enqueue_dma source(%arg8 : memref<128xi32, #tpu.memory_space<vmem>>) target(%dma_start3A_513 : memref<128xi32, #tpu.memory_space<hbm>>) target_semaphore(%run_scoped3A_509 : memref<!tpu.dma_semaphore, #tpu.memory_space<semaphore_mem>>)
      %dma_wait3A = tpu.memref_slice %arg4[%run_scoped3A_272, %add3A_41] : memref<4x4096xi32, #tpu.memory_space<hbm>> -> memref<1x128xi32, #tpu.memory_space<hbm>>
      %dma_wait3A_514 = tpu.memref_squeeze %dma_wait3A : memref<1x128xi32, #tpu.memory_space<hbm>> -> memref<128xi32, #tpu.memory_space<hbm>>
      %dma_wait3A_515 = tpu.memref_slice %arg4[%run_scoped3A_272, %add3A_41] : memref<4x4096xi32, #tpu.memory_space<hbm>> -> memref<1x128xi32, #tpu.memory_space<hbm>>
      %dma_wait3A_516 = tpu.memref_squeeze %dma_wait3A_515 : memref<1x128xi32, #tpu.memory_space<hbm>> -> memref<128xi32, #tpu.memory_space<hbm>>
      tpu.wait_dma2 semaphore(%run_scoped3A_509 : memref<!tpu.dma_semaphore, #tpu.memory_space<semaphore_mem>>) src(%arg8 : memref<128xi32, #tpu.memory_space<vmem>>) dst(%dma_wait3A_516 : memref<128xi32, #tpu.memory_space<hbm>>)
      tpu.yield
    }) : () -> ()
    %add3A_273 = arith.constant 0 : i32
    %add3A_274 = arith.addi %mul3A_36, %add3A_273 : i32
    %dma_start3A_275 = arith.constant 2 : i32
    %dma_start3A_276 = tpu.memref_slice %arg2[%dma_start3A_275, %add3A_274, %add3A_34] : memref<4x8192x4096xf32, #tpu.memory_space<hbm>> -> memref<1x256x128xf32, #tpu.memory_space<hbm>>
    %dma_start3A_277 = tpu.memref_squeeze %dma_start3A_276 : memref<1x256x128xf32, #tpu.memory_space<hbm>> -> memref<256x128xf32, #tpu.memory_space<hbm>>
    %dma_start3A_278 = tpu.memref_slice %arg2[%dma_start3A_275, %add3A_274, %add3A_34] : memref<4x8192x4096xf32, #tpu.memory_space<hbm>> -> memref<1x256x128xf32, #tpu.memory_space<hbm>>
    %dma_start3A_279 = tpu.memref_squeeze %dma_start3A_278 : memref<1x256x128xf32, #tpu.memory_space<hbm>> -> memref<256x128xf32, #tpu.memory_space<hbm>>
    tpu.enqueue_dma source(%dma_start3A_279 : memref<256x128xf32, #tpu.memory_space<hbm>>) target(%arg5 : memref<256x128xf32, #tpu.memory_space<vmem>>) target_semaphore(%arg9 : memref<!tpu.dma_semaphore, #tpu.memory_space<semaphore_mem>>)
    %add3A_280 = arith.constant 256 : i32
    %add3A_281 = arith.addi %mul3A_36, %add3A_280 : i32
    %dma_start3A_282 = arith.constant 2 : i32
    %dma_start3A_283 = tpu.memref_slice %arg2[%dma_start3A_282, %add3A_281, %add3A_34] : memref<4x8192x4096xf32, #tpu.memory_space<hbm>> -> memref<1x256x128xf32, #tpu.memory_space<hbm>>
    %dma_start3A_284 = tpu.memref_squeeze %dma_start3A_283 : memref<1x256x128xf32, #tpu.memory_space<hbm>> -> memref<256x128xf32, #tpu.memory_space<hbm>>
    %dma_start3A_285 = tpu.memref_slice %arg2[%dma_start3A_282, %add3A_281, %add3A_34] : memref<4x8192x4096xf32, #tpu.memory_space<hbm>> -> memref<1x256x128xf32, #tpu.memory_space<hbm>>
    %dma_start3A_286 = tpu.memref_squeeze %dma_start3A_285 : memref<1x256x128xf32, #tpu.memory_space<hbm>> -> memref<256x128xf32, #tpu.memory_space<hbm>>
    tpu.enqueue_dma source(%dma_start3A_286 : memref<256x128xf32, #tpu.memory_space<hbm>>) target(%arg6 : memref<256x128xf32, #tpu.memory_space<vmem>>) target_semaphore(%arg10 : memref<!tpu.dma_semaphore, #tpu.memory_space<semaphore_mem>>)
    %broadcast_in_dim3A_287 = arith.constant 0x7F800000 : f32
    %broadcast_in_dim3A_288 = vector.broadcast %broadcast_in_dim3A_287 : f32 to vector<16xf32>
    %broadcast_in_dim3A_289 = arith.constant 0x7F800000 : f32
    %broadcast_in_dim3A_290 = vector.broadcast %broadcast_in_dim3A_289 : f32 to vector<16xf32>
    %broadcast_in_dim3A_291 = arith.constant 0x7F800000 : f32
    %broadcast_in_dim3A_292 = vector.broadcast %broadcast_in_dim3A_291 : f32 to vector<16xf32>
    %broadcast_in_dim3A_293 = arith.constant 0x7F800000 : f32
    %broadcast_in_dim3A_294 = vector.broadcast %broadcast_in_dim3A_293 : f32 to vector<16xf32>
    %broadcast_in_dim3A_295 = arith.constant 0x7F800000 : f32
    %broadcast_in_dim3A_296 = vector.broadcast %broadcast_in_dim3A_295 : f32 to vector<16xf32>
    %broadcast_in_dim3A_297 = arith.constant 0x7F800000 : f32
    %broadcast_in_dim3A_298 = vector.broadcast %broadcast_in_dim3A_297 : f32 to vector<16xf32>
    %broadcast_in_dim3A_299 = arith.constant 0x7F800000 : f32
    %broadcast_in_dim3A_300 = vector.broadcast %broadcast_in_dim3A_299 : f32 to vector<16xf32>
    %broadcast_in_dim3A_301 = arith.constant 0x7F800000 : f32
    %broadcast_in_dim3A_302 = vector.broadcast %broadcast_in_dim3A_301 : f32 to vector<16xf32>
    %broadcast_in_dim3A_303 = arith.constant 0 : i32
    %broadcast_in_dim3A_304 = vector.broadcast %broadcast_in_dim3A_303 : i32 to vector<16xi32>
    %broadcast_in_dim3A_305 = arith.constant 0 : i32
    %broadcast_in_dim3A_306 = vector.broadcast %broadcast_in_dim3A_305 : i32 to vector<16xi32>
    %broadcast_in_dim3A_307 = arith.constant 0 : i32
    %broadcast_in_dim3A_308 = vector.broadcast %broadcast_in_dim3A_307 : i32 to vector<16xi32>
    %broadcast_in_dim3A_309 = arith.constant 0 : i32
    %broadcast_in_dim3A_310 = vector.broadcast %broadcast_in_dim3A_309 : i32 to vector<16xi32>
    %broadcast_in_dim3A_311 = arith.constant 0 : i32
    %broadcast_in_dim3A_312 = vector.broadcast %broadcast_in_dim3A_311 : i32 to vector<16xi32>
    %broadcast_in_dim3A_313 = arith.constant 0 : i32
    %broadcast_in_dim3A_314 = vector.broadcast %broadcast_in_dim3A_313 : i32 to vector<16xi32>
    %broadcast_in_dim3A_315 = arith.constant 0 : i32
    %broadcast_in_dim3A_316 = vector.broadcast %broadcast_in_dim3A_315 : i32 to vector<16xi32>
    %broadcast_in_dim3A_317 = arith.constant 0 : i32
    %broadcast_in_dim3A_318 = vector.broadcast %broadcast_in_dim3A_317 : i32 to vector<16xi32>
    %scan3A_319 = arith.constant 0 : i32
    %scan3A_320 = arith.constant 4 : i32
    %scan3A_321 = arith.addi %scan3A_319, %scan3A_320 : i32
    %scan3A_322 = arith.constant 1 : i32
    %scan3A_323:16 = scf.for %scan3A_509 = %scan3A_319 to %scan3A_321 step %scan3A_322 iter_args(%scan3A_510 = %broadcast_in_dim3A_288, %scan3A_511 = %broadcast_in_dim3A_290, %scan3A_512 = %broadcast_in_dim3A_292, %scan3A_513 = %broadcast_in_dim3A_294, %scan3A_514 = %broadcast_in_dim3A_296, %scan3A_515 = %broadcast_in_dim3A_298, %scan3A_516 = %broadcast_in_dim3A_300, %scan3A_517 = %broadcast_in_dim3A_302, %scan3A_518 = %broadcast_in_dim3A_304, %scan3A_519 = %broadcast_in_dim3A_306, %scan3A_520 = %broadcast_in_dim3A_308, %scan3A_521 = %broadcast_in_dim3A_310, %scan3A_522 = %broadcast_in_dim3A_312, %scan3A_523 = %broadcast_in_dim3A_314, %scan3A_524 = %broadcast_in_dim3A_316, %scan3A_525 = %broadcast_in_dim3A_318) -> (vector<16xf32>, vector<16xf32>, vector<16xf32>, vector<16xf32>, vector<16xf32>, vector<16xf32>, vector<16xf32>, vector<16xf32>, vector<16xi32>, vector<16xi32>, vector<16xi32>, vector<16xi32>, vector<16xi32>, vector<16xi32>, vector<16xi32>, vector<16xi32>)  : i32 {
      %mul3A_526 = arith.constant 2 : i32
      %mul3A_527 = arith.muli %mul3A_526, %scan3A_509 : i32
      %mul3A_528 = arith.constant 256 : i32
      %mul3A_529 = arith.muli %mul3A_527, %mul3A_528 : i32
      %add3A_530 = arith.addi %mul3A_36, %mul3A_529 : i32
      %dma_wait3A = arith.constant 2 : i32
      %dma_wait3A_531 = tpu.memref_slice %arg2[%dma_wait3A, %add3A_530, %add3A_34] : memref<4x8192x4096xf32, #tpu.memory_space<hbm>> -> memref<1x256x128xf32, #tpu.memory_space<hbm>>
      %dma_wait3A_532 = tpu.memref_squeeze %dma_wait3A_531 : memref<1x256x128xf32, #tpu.memory_space<hbm>> -> memref<256x128xf32, #tpu.memory_space<hbm>>
      %dma_wait3A_533 = tpu.memref_slice %arg2[%dma_wait3A, %add3A_530, %add3A_34] : memref<4x8192x4096xf32, #tpu.memory_space<hbm>> -> memref<1x256x128xf32, #tpu.memory_space<hbm>>
      %dma_wait3A_534 = tpu.memref_squeeze %dma_wait3A_533 : memref<1x256x128xf32, #tpu.memory_space<hbm>> -> memref<256x128xf32, #tpu.memory_space<hbm>>
      tpu.wait_dma2 semaphore(%arg9 : memref<!tpu.dma_semaphore, #tpu.memory_space<semaphore_mem>>) src(%dma_wait3A_534 : memref<256x128xf32, #tpu.memory_space<hbm>>) dst(%arg5 : memref<256x128xf32, #tpu.memory_space<vmem>>)
      %mul3A_535 = arith.constant 2 : i32
      %mul3A_536 = arith.muli %mul3A_535, %scan3A_509 : i32
      %mul3A_537 = arith.constant 256 : i32
      %mul3A_538 = arith.muli %mul3A_536, %mul3A_537 : i32
      %add3A_539 = arith.addi %mul3A_36, %mul3A_538 : i32
      %scan3A_540 = arith.constant 0 : i32
      %scan3A_541 = arith.constant 256 : i32
      %scan3A_542 = arith.addi %scan3A_540, %scan3A_541 : i32
      %scan3A_543 = arith.constant 4 : i32
      %scan3A_544:16 = scf.for %scan3A_583 = %scan3A_540 to %scan3A_542 step %scan3A_543 iter_args(%scan3A_584 = %scan3A_510, %scan3A_585 = %scan3A_511, %scan3A_586 = %scan3A_512, %scan3A_587 = %scan3A_513, %scan3A_588 = %scan3A_514, %scan3A_589 = %scan3A_515, %scan3A_590 = %scan3A_516, %scan3A_591 = %scan3A_517, %scan3A_592 = %scan3A_518, %scan3A_593 = %scan3A_519, %scan3A_594 = %scan3A_520, %scan3A_595 = %scan3A_521, %scan3A_596 = %scan3A_522, %scan3A_597 = %scan3A_523, %scan3A_598 = %scan3A_524, %scan3A_599 = %scan3A_525) -> (vector<16xf32>, vector<16xf32>, vector<16xf32>, vector<16xf32>, vector<16xf32>, vector<16xf32>, vector<16xf32>, vector<16xf32>, vector<16xi32>, vector<16xi32>, vector<16xi32>, vector<16xi32>, vector<16xi32>, vector<16xi32>, vector<16xi32>, vector<16xi32>)  : i32 {
        %add3A_600 = arith.addi %add3A_539, %scan3A_583 : i32
        %broadcast_in_dim3A_601 = vector.broadcast %add3A_600 : i32 to vector<16xi32>
        %get3A = arith.index_cast %scan3A_583 : i32 to index
        %get3A_602 = arith.constant 0 : index
        %get3A_603 = tpu.vector_load %arg5[%get3A, %get3A_602] {strides = array<i32>} : memref<256x128xf32, #tpu.memory_space<vmem>>, vector<1x16xf32>,
        %get3A_604 = vector.shape_cast %get3A_603 : vector<1x16xf32> to vector<16xf32>
        %lt3A_605 = arith.cmpf olt, %get3A_604, %scan3A_584 : vector<16xf32>
        %select_n3A_606 = arith.select %lt3A_605, %get3A_604, %scan3A_584 : vector<16xi1>, vector<16xf32>
        %select_n3A_607 = arith.select %lt3A_605, %broadcast_in_dim3A_601, %scan3A_592 : vector<16xi1>, vector<16xi32>
        %get3A_608 = arith.index_cast %scan3A_583 : i32 to index
        %get3A_609 = arith.constant 16 : index
        %get3A_610 = tpu.vector_load %arg5[%get3A_608, %get3A_609] {strides = array<i32>} : memref<256x128xf32, #tpu.memory_space<vmem>>, vector<1x16xf32>,
        %get3A_611 = vector.shape_cast %get3A_610 : vector<1x16xf32> to vector<16xf32>
        %lt3A_612 = arith.cmpf olt, %get3A_611, %scan3A_585 : vector<16xf32>
        %select_n3A_613 = arith.select %lt3A_612, %get3A_611, %scan3A_585 : vector<16xi1>, vector<16xf32>
        %select_n3A_614 = arith.select %lt3A_612, %broadcast_in_dim3A_601, %scan3A_593 : vector<16xi1>, vector<16xi32>
        %get3A_615 = arith.index_cast %scan3A_583 : i32 to index
        %get3A_616 = arith.constant 32 : index
        %get3A_617 = tpu.vector_load %arg5[%get3A_615, %get3A_616] {strides = array<i32>} : memref<256x128xf32, #tpu.memory_space<vmem>>, vector<1x16xf32>,
        %get3A_618 = vector.shape_cast %get3A_617 : vector<1x16xf32> to vector<16xf32>
        %lt3A_619 = arith.cmpf olt, %get3A_618, %scan3A_586 : vector<16xf32>
        %select_n3A_620 = arith.select %lt3A_619, %get3A_618, %scan3A_586 : vector<16xi1>, vector<16xf32>
        %select_n3A_621 = arith.select %lt3A_619, %broadcast_in_dim3A_601, %scan3A_594 : vector<16xi1>, vector<16xi32>
        %get3A_622 = arith.index_cast %scan3A_583 : i32 to index
        %get3A_623 = arith.constant 48 : index
        %get3A_624 = tpu.vector_load %arg5[%get3A_622, %get3A_623] {strides = array<i32>} : memref<256x128xf32, #tpu.memory_space<vmem>>, vector<1x16xf32>,
        %get3A_625 = vector.shape_cast %get3A_624 : vector<1x16xf32> to vector<16xf32>
        %lt3A_626 = arith.cmpf olt, %get3A_625, %scan3A_587 : vector<16xf32>
        %select_n3A_627 = arith.select %lt3A_626, %get3A_625, %scan3A_587 : vector<16xi1>, vector<16xf32>
        %select_n3A_628 = arith.select %lt3A_626, %broadcast_in_dim3A_601, %scan3A_595 : vector<16xi1>, vector<16xi32>
        %get3A_629 = arith.index_cast %scan3A_583 : i32 to index
        %get3A_630 = arith.constant 64 : index
        %get3A_631 = tpu.vector_load %arg5[%get3A_629, %get3A_630] {strides = array<i32>} : memref<256x128xf32, #tpu.memory_space<vmem>>, vector<1x16xf32>,
        %get3A_632 = vector.shape_cast %get3A_631 : vector<1x16xf32> to vector<16xf32>
        %lt3A_633 = arith.cmpf olt, %get3A_632, %scan3A_588 : vector<16xf32>
        %select_n3A_634 = arith.select %lt3A_633, %get3A_632, %scan3A_588 : vector<16xi1>, vector<16xf32>
        %select_n3A_635 = arith.select %lt3A_633, %broadcast_in_dim3A_601, %scan3A_596 : vector<16xi1>, vector<16xi32>
        %get3A_636 = arith.index_cast %scan3A_583 : i32 to index
        %get3A_637 = arith.constant 80 : index
        %get3A_638 = tpu.vector_load %arg5[%get3A_636, %get3A_637] {strides = array<i32>} : memref<256x128xf32, #tpu.memory_space<vmem>>, vector<1x16xf32>,
        %get3A_639 = vector.shape_cast %get3A_638 : vector<1x16xf32> to vector<16xf32>
        %lt3A_640 = arith.cmpf olt, %get3A_639, %scan3A_589 : vector<16xf32>
        %select_n3A_641 = arith.select %lt3A_640, %get3A_639, %scan3A_589 : vector<16xi1>, vector<16xf32>
        %select_n3A_642 = arith.select %lt3A_640, %broadcast_in_dim3A_601, %scan3A_597 : vector<16xi1>, vector<16xi32>
        %get3A_643 = arith.index_cast %scan3A_583 : i32 to index
        %get3A_644 = arith.constant 96 : index
        %get3A_645 = tpu.vector_load %arg5[%get3A_643, %get3A_644] {strides = array<i32>} : memref<256x128xf32, #tpu.memory_space<vmem>>, vector<1x16xf32>,
        %get3A_646 = vector.shape_cast %get3A_645 : vector<1x16xf32> to vector<16xf32>
        %lt3A_647 = arith.cmpf olt, %get3A_646, %scan3A_590 : vector<16xf32>
        %select_n3A_648 = arith.select %lt3A_647, %get3A_646, %scan3A_590 : vector<16xi1>, vector<16xf32>
        %select_n3A_649 = arith.select %lt3A_647, %broadcast_in_dim3A_601, %scan3A_598 : vector<16xi1>, vector<16xi32>
        %get3A_650 = arith.index_cast %scan3A_583 : i32 to index
        %get3A_651 = arith.constant 112 : index
        %get3A_652 = tpu.vector_load %arg5[%get3A_650, %get3A_651] {strides = array<i32>} : memref<256x128xf32, #tpu.memory_space<vmem>>, vector<1x16xf32>,
        %get3A_653 = vector.shape_cast %get3A_652 : vector<1x16xf32> to vector<16xf32>
        %lt3A_654 = arith.cmpf olt, %get3A_653, %scan3A_591 : vector<16xf32>
        %select_n3A_655 = arith.select %lt3A_654, %get3A_653, %scan3A_591 : vector<16xi1>, vector<16xf32>
        %select_n3A_656 = arith.select %lt3A_654, %broadcast_in_dim3A_601, %scan3A_599 : vector<16xi1>, vector<16xi32>
        %scan3A_657 = arith.constant 1 : i32
        %scan3A_658 = arith.addi %scan3A_583, %scan3A_657 : i32
        %add3A_659 = arith.addi %add3A_539, %scan3A_658 : i32
        %broadcast_in_dim3A_660 = vector.broadcast %add3A_659 : i32 to vector<16xi32>
        %get3A_661 = arith.index_cast %scan3A_658 : i32 to index
        %get3A_662 = arith.constant 0 : index
        %get3A_663 = tpu.vector_load %arg5[%get3A_661, %get3A_662] {strides = array<i32>} : memref<256x128xf32, #tpu.memory_space<vmem>>, vector<1x16xf32>,
        %get3A_664 = vector.shape_cast %get3A_663 : vector<1x16xf32> to vector<16xf32>
        %lt3A_665 = arith.cmpf olt, %get3A_664, %select_n3A_606 : vector<16xf32>
        %select_n3A_666 = arith.select %lt3A_665, %get3A_664, %select_n3A_606 : vector<16xi1>, vector<16xf32>
        %select_n3A_667 = arith.select %lt3A_665, %broadcast_in_dim3A_660, %select_n3A_607 : vector<16xi1>, vector<16xi32>
        %get3A_668 = arith.index_cast %scan3A_658 : i32 to index
        %get3A_669 = arith.constant 16 : index
        %get3A_670 = tpu.vector_load %arg5[%get3A_668, %get3A_669] {strides = array<i32>} : memref<256x128xf32, #tpu.memory_space<vmem>>, vector<1x16xf32>,
        %get3A_671 = vector.shape_cast %get3A_670 : vector<1x16xf32> to vector<16xf32>
        %lt3A_672 = arith.cmpf olt, %get3A_671, %select_n3A_613 : vector<16xf32>
        %select_n3A_673 = arith.select %lt3A_672, %get3A_671, %select_n3A_613 : vector<16xi1>, vector<16xf32>
        %select_n3A_674 = arith.select %lt3A_672, %broadcast_in_dim3A_660, %select_n3A_614 : vector<16xi1>, vector<16xi32>
        %get3A_675 = arith.index_cast %scan3A_658 : i32 to index
        %get3A_676 = arith.constant 32 : index
        %get3A_677 = tpu.vector_load %arg5[%get3A_675, %get3A_676] {strides = array<i32>} : memref<256x128xf32, #tpu.memory_space<vmem>>, vector<1x16xf32>,
        %get3A_678 = vector.shape_cast %get3A_677 : vector<1x16xf32> to vector<16xf32>
        %lt3A_679 = arith.cmpf olt, %get3A_678, %select_n3A_620 : vector<16xf32>
        %select_n3A_680 = arith.select %lt3A_679, %get3A_678, %select_n3A_620 : vector<16xi1>, vector<16xf32>
        %select_n3A_681 = arith.select %lt3A_679, %broadcast_in_dim3A_660, %select_n3A_621 : vector<16xi1>, vector<16xi32>
        %get3A_682 = arith.index_cast %scan3A_658 : i32 to index
        %get3A_683 = arith.constant 48 : index
        %get3A_684 = tpu.vector_load %arg5[%get3A_682, %get3A_683] {strides = array<i32>} : memref<256x128xf32, #tpu.memory_space<vmem>>, vector<1x16xf32>,
        %get3A_685 = vector.shape_cast %get3A_684 : vector<1x16xf32> to vector<16xf32>
        %lt3A_686 = arith.cmpf olt, %get3A_685, %select_n3A_627 : vector<16xf32>
        %select_n3A_687 = arith.select %lt3A_686, %get3A_685, %select_n3A_627 : vector<16xi1>, vector<16xf32>
        %select_n3A_688 = arith.select %lt3A_686, %broadcast_in_dim3A_660, %select_n3A_628 : vector<16xi1>, vector<16xi32>
        %get3A_689 = arith.index_cast %scan3A_658 : i32 to index
        %get3A_690 = arith.constant 64 : index
        %get3A_691 = tpu.vector_load %arg5[%get3A_689, %get3A_690] {strides = array<i32>} : memref<256x128xf32, #tpu.memory_space<vmem>>, vector<1x16xf32>,
        %get3A_692 = vector.shape_cast %get3A_691 : vector<1x16xf32> to vector<16xf32>
        %lt3A_693 = arith.cmpf olt, %get3A_692, %select_n3A_634 : vector<16xf32>
        %select_n3A_694 = arith.select %lt3A_693, %get3A_692, %select_n3A_634 : vector<16xi1>, vector<16xf32>
        %select_n3A_695 = arith.select %lt3A_693, %broadcast_in_dim3A_660, %select_n3A_635 : vector<16xi1>, vector<16xi32>
        %get3A_696 = arith.index_cast %scan3A_658 : i32 to index
        %get3A_697 = arith.constant 80 : index
        %get3A_698 = tpu.vector_load %arg5[%get3A_696, %get3A_697] {strides = array<i32>} : memref<256x128xf32, #tpu.memory_space<vmem>>, vector<1x16xf32>,
        %get3A_699 = vector.shape_cast %get3A_698 : vector<1x16xf32> to vector<16xf32>
        %lt3A_700 = arith.cmpf olt, %get3A_699, %select_n3A_641 : vector<16xf32>
        %select_n3A_701 = arith.select %lt3A_700, %get3A_699, %select_n3A_641 : vector<16xi1>, vector<16xf32>
        %select_n3A_702 = arith.select %lt3A_700, %broadcast_in_dim3A_660, %select_n3A_642 : vector<16xi1>, vector<16xi32>
        %get3A_703 = arith.index_cast %scan3A_658 : i32 to index
        %get3A_704 = arith.constant 96 : index
        %get3A_705 = tpu.vector_load %arg5[%get3A_703, %get3A_704] {strides = array<i32>} : memref<256x128xf32, #tpu.memory_space<vmem>>, vector<1x16xf32>,
        %get3A_706 = vector.shape_cast %get3A_705 : vector<1x16xf32> to vector<16xf32>
        %lt3A_707 = arith.cmpf olt, %get3A_706, %select_n3A_648 : vector<16xf32>
        %select_n3A_708 = arith.select %lt3A_707, %get3A_706, %select_n3A_648 : vector<16xi1>, vector<16xf32>
        %select_n3A_709 = arith.select %lt3A_707, %broadcast_in_dim3A_660, %select_n3A_649 : vector<16xi1>, vector<16xi32>
        %get3A_710 = arith.index_cast %scan3A_658 : i32 to index
        %get3A_711 = arith.constant 112 : index
        %get3A_712 = tpu.vector_load %arg5[%get3A_710, %get3A_711] {strides = array<i32>} : memref<256x128xf32, #tpu.memory_space<vmem>>, vector<1x16xf32>,
        %get3A_713 = vector.shape_cast %get3A_712 : vector<1x16xf32> to vector<16xf32>
        %lt3A_714 = arith.cmpf olt, %get3A_713, %select_n3A_655 : vector<16xf32>
        %select_n3A_715 = arith.select %lt3A_714, %get3A_713, %select_n3A_655 : vector<16xi1>, vector<16xf32>
        %select_n3A_716 = arith.select %lt3A_714, %broadcast_in_dim3A_660, %select_n3A_656 : vector<16xi1>, vector<16xi32>
        %scan3A_717 = arith.constant 2 : i32
        %scan3A_718 = arith.addi %scan3A_583, %scan3A_717 : i32
        %add3A_719 = arith.addi %add3A_539, %scan3A_718 : i32
        %broadcast_in_dim3A_720 = vector.broadcast %add3A_719 : i32 to vector<16xi32>
        %get3A_721 = arith.index_cast %scan3A_718 : i32 to index
        %get3A_722 = arith.constant 0 : index
        %get3A_723 = tpu.vector_load %arg5[%get3A_721, %get3A_722] {strides = array<i32>} : memref<256x128xf32, #tpu.memory_space<vmem>>, vector<1x16xf32>,
        %get3A_724 = vector.shape_cast %get3A_723 : vector<1x16xf32> to vector<16xf32>
        %lt3A_725 = arith.cmpf olt, %get3A_724, %select_n3A_666 : vector<16xf32>
        %select_n3A_726 = arith.select %lt3A_725, %get3A_724, %select_n3A_666 : vector<16xi1>, vector<16xf32>
        %select_n3A_727 = arith.select %lt3A_725, %broadcast_in_dim3A_720, %select_n3A_667 : vector<16xi1>, vector<16xi32>
        %get3A_728 = arith.index_cast %scan3A_718 : i32 to index
        %get3A_729 = arith.constant 16 : index
        %get3A_730 = tpu.vector_load %arg5[%get3A_728, %get3A_729] {strides = array<i32>} : memref<256x128xf32, #tpu.memory_space<vmem>>, vector<1x16xf32>,
        %get3A_731 = vector.shape_cast %get3A_730 : vector<1x16xf32> to vector<16xf32>
        %lt3A_732 = arith.cmpf olt, %get3A_731, %select_n3A_673 : vector<16xf32>
        %select_n3A_733 = arith.select %lt3A_732, %get3A_731, %select_n3A_673 : vector<16xi1>, vector<16xf32>
        %select_n3A_734 = arith.select %lt3A_732, %broadcast_in_dim3A_720, %select_n3A_674 : vector<16xi1>, vector<16xi32>
        %get3A_735 = arith.index_cast %scan3A_718 : i32 to index
        %get3A_736 = arith.constant 32 : index
        %get3A_737 = tpu.vector_load %arg5[%get3A_735, %get3A_736] {strides = array<i32>} : memref<256x128xf32, #tpu.memory_space<vmem>>, vector<1x16xf32>,
        %get3A_738 = vector.shape_cast %get3A_737 : vector<1x16xf32> to vector<16xf32>
        %lt3A_739 = arith.cmpf olt, %get3A_738, %select_n3A_680 : vector<16xf32>
        %select_n3A_740 = arith.select %lt3A_739, %get3A_738, %select_n3A_680 : vector<16xi1>, vector<16xf32>
        %select_n3A_741 = arith.select %lt3A_739, %broadcast_in_dim3A_720, %select_n3A_681 : vector<16xi1>, vector<16xi32>
        %get3A_742 = arith.index_cast %scan3A_718 : i32 to index
        %get3A_743 = arith.constant 48 : index
        %get3A_744 = tpu.vector_load %arg5[%get3A_742, %get3A_743] {strides = array<i32>} : memref<256x128xf32, #tpu.memory_space<vmem>>, vector<1x16xf32>,
        %get3A_745 = vector.shape_cast %get3A_744 : vector<1x16xf32> to vector<16xf32>
        %lt3A_746 = arith.cmpf olt, %get3A_745, %select_n3A_687 : vector<16xf32>
        %select_n3A_747 = arith.select %lt3A_746, %get3A_745, %select_n3A_687 : vector<16xi1>, vector<16xf32>
        %select_n3A_748 = arith.select %lt3A_746, %broadcast_in_dim3A_720, %select_n3A_688 : vector<16xi1>, vector<16xi32>
        %get3A_749 = arith.index_cast %scan3A_718 : i32 to index
        %get3A_750 = arith.constant 64 : index
        %get3A_751 = tpu.vector_load %arg5[%get3A_749, %get3A_750] {strides = array<i32>} : memref<256x128xf32, #tpu.memory_space<vmem>>, vector<1x16xf32>,
        %get3A_752 = vector.shape_cast %get3A_751 : vector<1x16xf32> to vector<16xf32>
        %lt3A_753 = arith.cmpf olt, %get3A_752, %select_n3A_694 : vector<16xf32>
        %select_n3A_754 = arith.select %lt3A_753, %get3A_752, %select_n3A_694 : vector<16xi1>, vector<16xf32>
        %select_n3A_755 = arith.select %lt3A_753, %broadcast_in_dim3A_720, %select_n3A_695 : vector<16xi1>, vector<16xi32>
        %get3A_756 = arith.index_cast %scan3A_718 : i32 to index
        %get3A_757 = arith.constant 80 : index
        %get3A_758 = tpu.vector_load %arg5[%get3A_756, %get3A_757] {strides = array<i32>} : memref<256x128xf32, #tpu.memory_space<vmem>>, vector<1x16xf32>,
        %get3A_759 = vector.shape_cast %get3A_758 : vector<1x16xf32> to vector<16xf32>
        %lt3A_760 = arith.cmpf olt, %get3A_759, %select_n3A_701 : vector<16xf32>
        %select_n3A_761 = arith.select %lt3A_760, %get3A_759, %select_n3A_701 : vector<16xi1>, vector<16xf32>
        %select_n3A_762 = arith.select %lt3A_760, %broadcast_in_dim3A_720, %select_n3A_702 : vector<16xi1>, vector<16xi32>
        %get3A_763 = arith.index_cast %scan3A_718 : i32 to index
        %get3A_764 = arith.constant 96 : index
        %get3A_765 = tpu.vector_load %arg5[%get3A_763, %get3A_764] {strides = array<i32>} : memref<256x128xf32, #tpu.memory_space<vmem>>, vector<1x16xf32>,
        %get3A_766 = vector.shape_cast %get3A_765 : vector<1x16xf32> to vector<16xf32>
        %lt3A_767 = arith.cmpf olt, %get3A_766, %select_n3A_708 : vector<16xf32>
        %select_n3A_768 = arith.select %lt3A_767, %get3A_766, %select_n3A_708 : vector<16xi1>, vector<16xf32>
        %select_n3A_769 = arith.select %lt3A_767, %broadcast_in_dim3A_720, %select_n3A_709 : vector<16xi1>, vector<16xi32>
        %get3A_770 = arith.index_cast %scan3A_718 : i32 to index
        %get3A_771 = arith.constant 112 : index
        %get3A_772 = tpu.vector_load %arg5[%get3A_770, %get3A_771] {strides = array<i32>} : memref<256x128xf32, #tpu.memory_space<vmem>>, vector<1x16xf32>,
        %get3A_773 = vector.shape_cast %get3A_772 : vector<1x16xf32> to vector<16xf32>
        %lt3A_774 = arith.cmpf olt, %get3A_773, %select_n3A_715 : vector<16xf32>
        %select_n3A_775 = arith.select %lt3A_774, %get3A_773, %select_n3A_715 : vector<16xi1>, vector<16xf32>
        %select_n3A_776 = arith.select %lt3A_774, %broadcast_in_dim3A_720, %select_n3A_716 : vector<16xi1>, vector<16xi32>
        %scan3A_777 = arith.constant 3 : i32
        %scan3A_778 = arith.addi %scan3A_583, %scan3A_777 : i32
        %add3A_779 = arith.addi %add3A_539, %scan3A_778 : i32
        %broadcast_in_dim3A_780 = vector.broadcast %add3A_779 : i32 to vector<16xi32>
        %get3A_781 = arith.index_cast %scan3A_778 : i32 to index
        %get3A_782 = arith.constant 0 : index
        %get3A_783 = tpu.vector_load %arg5[%get3A_781, %get3A_782] {strides = array<i32>} : memref<256x128xf32, #tpu.memory_space<vmem>>, vector<1x16xf32>,
        %get3A_784 = vector.shape_cast %get3A_783 : vector<1x16xf32> to vector<16xf32>
        %lt3A_785 = arith.cmpf olt, %get3A_784, %select_n3A_726 : vector<16xf32>
        %select_n3A_786 = arith.select %lt3A_785, %get3A_784, %select_n3A_726 : vector<16xi1>, vector<16xf32>
        %select_n3A_787 = arith.select %lt3A_785, %broadcast_in_dim3A_780, %select_n3A_727 : vector<16xi1>, vector<16xi32>
        %get3A_788 = arith.index_cast %scan3A_778 : i32 to index
        %get3A_789 = arith.constant 16 : index
        %get3A_790 = tpu.vector_load %arg5[%get3A_788, %get3A_789] {strides = array<i32>} : memref<256x128xf32, #tpu.memory_space<vmem>>, vector<1x16xf32>,
        %get3A_791 = vector.shape_cast %get3A_790 : vector<1x16xf32> to vector<16xf32>
        %lt3A_792 = arith.cmpf olt, %get3A_791, %select_n3A_733 : vector<16xf32>
        %select_n3A_793 = arith.select %lt3A_792, %get3A_791, %select_n3A_733 : vector<16xi1>, vector<16xf32>
        %select_n3A_794 = arith.select %lt3A_792, %broadcast_in_dim3A_780, %select_n3A_734 : vector<16xi1>, vector<16xi32>
        %get3A_795 = arith.index_cast %scan3A_778 : i32 to index
        %get3A_796 = arith.constant 32 : index
        %get3A_797 = tpu.vector_load %arg5[%get3A_795, %get3A_796] {strides = array<i32>} : memref<256x128xf32, #tpu.memory_space<vmem>>, vector<1x16xf32>,
        %get3A_798 = vector.shape_cast %get3A_797 : vector<1x16xf32> to vector<16xf32>
        %lt3A_799 = arith.cmpf olt, %get3A_798, %select_n3A_740 : vector<16xf32>
        %select_n3A_800 = arith.select %lt3A_799, %get3A_798, %select_n3A_740 : vector<16xi1>, vector<16xf32>
        %select_n3A_801 = arith.select %lt3A_799, %broadcast_in_dim3A_780, %select_n3A_741 : vector<16xi1>, vector<16xi32>
        %get3A_802 = arith.index_cast %scan3A_778 : i32 to index
        %get3A_803 = arith.constant 48 : index
        %get3A_804 = tpu.vector_load %arg5[%get3A_802, %get3A_803] {strides = array<i32>} : memref<256x128xf32, #tpu.memory_space<vmem>>, vector<1x16xf32>,
        %get3A_805 = vector.shape_cast %get3A_804 : vector<1x16xf32> to vector<16xf32>
        %lt3A_806 = arith.cmpf olt, %get3A_805, %select_n3A_747 : vector<16xf32>
        %select_n3A_807 = arith.select %lt3A_806, %get3A_805, %select_n3A_747 : vector<16xi1>, vector<16xf32>
        %select_n3A_808 = arith.select %lt3A_806, %broadcast_in_dim3A_780, %select_n3A_748 : vector<16xi1>, vector<16xi32>
        %get3A_809 = arith.index_cast %scan3A_778 : i32 to index
        %get3A_810 = arith.constant 64 : index
        %get3A_811 = tpu.vector_load %arg5[%get3A_809, %get3A_810] {strides = array<i32>} : memref<256x128xf32, #tpu.memory_space<vmem>>, vector<1x16xf32>,
        %get3A_812 = vector.shape_cast %get3A_811 : vector<1x16xf32> to vector<16xf32>
        %lt3A_813 = arith.cmpf olt, %get3A_812, %select_n3A_754 : vector<16xf32>
        %select_n3A_814 = arith.select %lt3A_813, %get3A_812, %select_n3A_754 : vector<16xi1>, vector<16xf32>
        %select_n3A_815 = arith.select %lt3A_813, %broadcast_in_dim3A_780, %select_n3A_755 : vector<16xi1>, vector<16xi32>
        %get3A_816 = arith.index_cast %scan3A_778 : i32 to index
        %get3A_817 = arith.constant 80 : index
        %get3A_818 = tpu.vector_load %arg5[%get3A_816, %get3A_817] {strides = array<i32>} : memref<256x128xf32, #tpu.memory_space<vmem>>, vector<1x16xf32>,
        %get3A_819 = vector.shape_cast %get3A_818 : vector<1x16xf32> to vector<16xf32>
        %lt3A_820 = arith.cmpf olt, %get3A_819, %select_n3A_761 : vector<16xf32>
        %select_n3A_821 = arith.select %lt3A_820, %get3A_819, %select_n3A_761 : vector<16xi1>, vector<16xf32>
        %select_n3A_822 = arith.select %lt3A_820, %broadcast_in_dim3A_780, %select_n3A_762 : vector<16xi1>, vector<16xi32>
        %get3A_823 = arith.index_cast %scan3A_778 : i32 to index
        %get3A_824 = arith.constant 96 : index
        %get3A_825 = tpu.vector_load %arg5[%get3A_823, %get3A_824] {strides = array<i32>} : memref<256x128xf32, #tpu.memory_space<vmem>>, vector<1x16xf32>,
        %get3A_826 = vector.shape_cast %get3A_825 : vector<1x16xf32> to vector<16xf32>
        %lt3A_827 = arith.cmpf olt, %get3A_826, %select_n3A_768 : vector<16xf32>
        %select_n3A_828 = arith.select %lt3A_827, %get3A_826, %select_n3A_768 : vector<16xi1>, vector<16xf32>
        %select_n3A_829 = arith.select %lt3A_827, %broadcast_in_dim3A_780, %select_n3A_769 : vector<16xi1>, vector<16xi32>
        %get3A_830 = arith.index_cast %scan3A_778 : i32 to index
        %get3A_831 = arith.constant 112 : index
        %get3A_832 = tpu.vector_load %arg5[%get3A_830, %get3A_831] {strides = array<i32>} : memref<256x128xf32, #tpu.memory_space<vmem>>, vector<1x16xf32>,
        %get3A_833 = vector.shape_cast %get3A_832 : vector<1x16xf32> to vector<16xf32>
        %lt3A_834 = arith.cmpf olt, %get3A_833, %select_n3A_775 : vector<16xf32>
        %select_n3A_835 = arith.select %lt3A_834, %get3A_833, %select_n3A_775 : vector<16xi1>, vector<16xf32>
        %select_n3A_836 = arith.select %lt3A_834, %broadcast_in_dim3A_780, %select_n3A_776 : vector<16xi1>, vector<16xi32>
        scf.yield %select_n3A_786, %select_n3A_793, %select_n3A_800, %select_n3A_807, %select_n3A_814, %select_n3A_821, %select_n3A_828, %select_n3A_835, %select_n3A_787, %select_n3A_794, %select_n3A_801, %select_n3A_808, %select_n3A_815, %select_n3A_822, %select_n3A_829, %select_n3A_836 : vector<16xf32>, vector<16xf32>, vector<16xf32>, vector<16xf32>, vector<16xf32>, vector<16xf32>, vector<16xf32>, vector<16xf32>, vector<16xi32>, vector<16xi32>, vector<16xi32>, vector<16xi32>, vector<16xi32>, vector<16xi32>, vector<16xi32>, vector<16xi32>
      }
      %scan3A_545 = arith.constant 256 : i32
      %add3A_546 = arith.constant 1 : i32
      %add3A_547 = arith.addi %scan3A_509, %add3A_546 : i32
      %lt3A_548 = arith.constant 4 : i32
      %lt3A_549 = arith.cmpi slt, %add3A_547, %lt3A_548 : i32
      %convert_element_type3A = arith.extui %lt3A_549 : i1 to i32
      %cond3A = arith.constant 0 : i32
      %cond3A_550 = arith.cmpi ne, %convert_element_type3A, %cond3A : i32
      scf.if %cond3A_550 {
        %mul3A_583 = arith.constant 2 : i32
        %mul3A_584 = arith.muli %mul3A_583, %scan3A_509 : i32
        %add3A_585 = arith.constant 2 : i32
        %add3A_586 = arith.addi %mul3A_584, %add3A_585 : i32
        %mul3A_587 = arith.constant 256 : i32
        %mul3A_588 = arith.muli %add3A_586, %mul3A_587 : i32
        %add3A_589 = arith.addi %mul3A_36, %mul3A_588 : i32
        %dma_start3A_590 = arith.constant 2 : i32
        %dma_start3A_591 = tpu.memref_slice %arg2[%dma_start3A_590, %add3A_589, %add3A_34] : memref<4x8192x4096xf32, #tpu.memory_space<hbm>> -> memref<1x256x128xf32, #tpu.memory_space<hbm>>
        %dma_start3A_592 = tpu.memref_squeeze %dma_start3A_591 : memref<1x256x128xf32, #tpu.memory_space<hbm>> -> memref<256x128xf32, #tpu.memory_space<hbm>>
        %dma_start3A_593 = tpu.memref_slice %arg2[%dma_start3A_590, %add3A_589, %add3A_34] : memref<4x8192x4096xf32, #tpu.memory_space<hbm>> -> memref<1x256x128xf32, #tpu.memory_space<hbm>>
        %dma_start3A_594 = tpu.memref_squeeze %dma_start3A_593 : memref<1x256x128xf32, #tpu.memory_space<hbm>> -> memref<256x128xf32, #tpu.memory_space<hbm>>
        tpu.enqueue_dma source(%dma_start3A_594 : memref<256x128xf32, #tpu.memory_space<hbm>>) target(%arg5 : memref<256x128xf32, #tpu.memory_space<vmem>>) target_semaphore(%arg9 : memref<!tpu.dma_semaphore, #tpu.memory_space<semaphore_mem>>)
      } else {
      }
      %mul3A_551 = arith.constant 2 : i32
      %mul3A_552 = arith.muli %mul3A_551, %scan3A_509 : i32
      %add3A_553 = arith.constant 1 : i32
      %add3A_554 = arith.addi %mul3A_552, %add3A_553 : i32
      %mul3A_555 = arith.constant 256 : i32
      %mul3A_556 = arith.muli %add3A_554, %mul3A_555 : i32
      %add3A_557 = arith.addi %mul3A_36, %mul3A_556 : i32
      %dma_wait3A_558 = arith.constant 2 : i32
      %dma_wait3A_559 = tpu.memref_slice %arg2[%dma_wait3A_558, %add3A_557, %add3A_34] : memref<4x8192x4096xf32, #tpu.memory_space<hbm>> -> memref<1x256x128xf32, #tpu.memory_space<hbm>>
      %dma_wait3A_560 = tpu.memref_squeeze %dma_wait3A_559 : memref<1x256x128xf32, #tpu.memory_space<hbm>> -> memref<256x128xf32, #tpu.memory_space<hbm>>
      %dma_wait3A_561 = tpu.memref_slice %arg2[%dma_wait3A_558, %add3A_557, %add3A_34] : memref<4x8192x4096xf32, #tpu.memory_space<hbm>> -> memref<1x256x128xf32, #tpu.memory_space<hbm>>
      %dma_wait3A_562 = tpu.memref_squeeze %dma_wait3A_561 : memref<1x256x128xf32, #tpu.memory_space<hbm>> -> memref<256x128xf32, #tpu.memory_space<hbm>>
      tpu.wait_dma2 semaphore(%arg10 : memref<!tpu.dma_semaphore, #tpu.memory_space<semaphore_mem>>) src(%dma_wait3A_562 : memref<256x128xf32, #tpu.memory_space<hbm>>) dst(%arg6 : memref<256x128xf32, #tpu.memory_space<vmem>>)
      %mul3A_563 = arith.constant 2 : i32
      %mul3A_564 = arith.muli %mul3A_563, %scan3A_509 : i32
      %add3A_565 = arith.constant 1 : i32
      %add3A_566 = arith.addi %mul3A_564, %add3A_565 : i32
      %mul3A_567 = arith.constant 256 : i32
      %mul3A_568 = arith.muli %add3A_566, %mul3A_567 : i32
      %add3A_569 = arith.addi %mul3A_36, %mul3A_568 : i32
      %scan3A_570 = arith.constant 0 : i32
      %scan3A_571 = arith.constant 256 : i32
      %scan3A_572 = arith.addi %scan3A_570, %scan3A_571 : i32
      %scan3A_573 = arith.constant 4 : i32
      %scan3A_574:16 = scf.for %scan3A_583 = %scan3A_570 to %scan3A_572 step %scan3A_573 iter_args(%scan3A_584 = %scan3A_544#0, %scan3A_585 = %scan3A_544#1, %scan3A_586 = %scan3A_544#2, %scan3A_587 = %scan3A_544#3, %scan3A_588 = %scan3A_544#4, %scan3A_589 = %scan3A_544#5, %scan3A_590 = %scan3A_544#6, %scan3A_591 = %scan3A_544#7, %scan3A_592 = %scan3A_544#8, %scan3A_593 = %scan3A_544#9, %scan3A_594 = %scan3A_544#10, %scan3A_595 = %scan3A_544#11, %scan3A_596 = %scan3A_544#12, %scan3A_597 = %scan3A_544#13, %scan3A_598 = %scan3A_544#14, %scan3A_599 = %scan3A_544#15) -> (vector<16xf32>, vector<16xf32>, vector<16xf32>, vector<16xf32>, vector<16xf32>, vector<16xf32>, vector<16xf32>, vector<16xf32>, vector<16xi32>, vector<16xi32>, vector<16xi32>, vector<16xi32>, vector<16xi32>, vector<16xi32>, vector<16xi32>, vector<16xi32>)  : i32 {
        %add3A_600 = arith.addi %add3A_569, %scan3A_583 : i32
        %broadcast_in_dim3A_601 = vector.broadcast %add3A_600 : i32 to vector<16xi32>
        %get3A = arith.index_cast %scan3A_583 : i32 to index
        %get3A_602 = arith.constant 0 : index
        %get3A_603 = tpu.vector_load %arg6[%get3A, %get3A_602] {strides = array<i32>} : memref<256x128xf32, #tpu.memory_space<vmem>>, vector<1x16xf32>,
        %get3A_604 = vector.shape_cast %get3A_603 : vector<1x16xf32> to vector<16xf32>
        %lt3A_605 = arith.cmpf olt, %get3A_604, %scan3A_584 : vector<16xf32>
        %select_n3A_606 = arith.select %lt3A_605, %get3A_604, %scan3A_584 : vector<16xi1>, vector<16xf32>
        %select_n3A_607 = arith.select %lt3A_605, %broadcast_in_dim3A_601, %scan3A_592 : vector<16xi1>, vector<16xi32>
        %get3A_608 = arith.index_cast %scan3A_583 : i32 to index
        %get3A_609 = arith.constant 16 : index
        %get3A_610 = tpu.vector_load %arg6[%get3A_608, %get3A_609] {strides = array<i32>} : memref<256x128xf32, #tpu.memory_space<vmem>>, vector<1x16xf32>,
        %get3A_611 = vector.shape_cast %get3A_610 : vector<1x16xf32> to vector<16xf32>
        %lt3A_612 = arith.cmpf olt, %get3A_611, %scan3A_585 : vector<16xf32>
        %select_n3A_613 = arith.select %lt3A_612, %get3A_611, %scan3A_585 : vector<16xi1>, vector<16xf32>
        %select_n3A_614 = arith.select %lt3A_612, %broadcast_in_dim3A_601, %scan3A_593 : vector<16xi1>, vector<16xi32>
        %get3A_615 = arith.index_cast %scan3A_583 : i32 to index
        %get3A_616 = arith.constant 32 : index
        %get3A_617 = tpu.vector_load %arg6[%get3A_615, %get3A_616] {strides = array<i32>} : memref<256x128xf32, #tpu.memory_space<vmem>>, vector<1x16xf32>,
        %get3A_618 = vector.shape_cast %get3A_617 : vector<1x16xf32> to vector<16xf32>
        %lt3A_619 = arith.cmpf olt, %get3A_618, %scan3A_586 : vector<16xf32>
        %select_n3A_620 = arith.select %lt3A_619, %get3A_618, %scan3A_586 : vector<16xi1>, vector<16xf32>
        %select_n3A_621 = arith.select %lt3A_619, %broadcast_in_dim3A_601, %scan3A_594 : vector<16xi1>, vector<16xi32>
        %get3A_622 = arith.index_cast %scan3A_583 : i32 to index
        %get3A_623 = arith.constant 48 : index
        %get3A_624 = tpu.vector_load %arg6[%get3A_622, %get3A_623] {strides = array<i32>} : memref<256x128xf32, #tpu.memory_space<vmem>>, vector<1x16xf32>,
        %get3A_625 = vector.shape_cast %get3A_624 : vector<1x16xf32> to vector<16xf32>
        %lt3A_626 = arith.cmpf olt, %get3A_625, %scan3A_587 : vector<16xf32>
        %select_n3A_627 = arith.select %lt3A_626, %get3A_625, %scan3A_587 : vector<16xi1>, vector<16xf32>
        %select_n3A_628 = arith.select %lt3A_626, %broadcast_in_dim3A_601, %scan3A_595 : vector<16xi1>, vector<16xi32>
        %get3A_629 = arith.index_cast %scan3A_583 : i32 to index
        %get3A_630 = arith.constant 64 : index
        %get3A_631 = tpu.vector_load %arg6[%get3A_629, %get3A_630] {strides = array<i32>} : memref<256x128xf32, #tpu.memory_space<vmem>>, vector<1x16xf32>,
        %get3A_632 = vector.shape_cast %get3A_631 : vector<1x16xf32> to vector<16xf32>
        %lt3A_633 = arith.cmpf olt, %get3A_632, %scan3A_588 : vector<16xf32>
        %select_n3A_634 = arith.select %lt3A_633, %get3A_632, %scan3A_588 : vector<16xi1>, vector<16xf32>
        %select_n3A_635 = arith.select %lt3A_633, %broadcast_in_dim3A_601, %scan3A_596 : vector<16xi1>, vector<16xi32>
        %get3A_636 = arith.index_cast %scan3A_583 : i32 to index
        %get3A_637 = arith.constant 80 : index
        %get3A_638 = tpu.vector_load %arg6[%get3A_636, %get3A_637] {strides = array<i32>} : memref<256x128xf32, #tpu.memory_space<vmem>>, vector<1x16xf32>,
        %get3A_639 = vector.shape_cast %get3A_638 : vector<1x16xf32> to vector<16xf32>
        %lt3A_640 = arith.cmpf olt, %get3A_639, %scan3A_589 : vector<16xf32>
        %select_n3A_641 = arith.select %lt3A_640, %get3A_639, %scan3A_589 : vector<16xi1>, vector<16xf32>
        %select_n3A_642 = arith.select %lt3A_640, %broadcast_in_dim3A_601, %scan3A_597 : vector<16xi1>, vector<16xi32>
        %get3A_643 = arith.index_cast %scan3A_583 : i32 to index
        %get3A_644 = arith.constant 96 : index
        %get3A_645 = tpu.vector_load %arg6[%get3A_643, %get3A_644] {strides = array<i32>} : memref<256x128xf32, #tpu.memory_space<vmem>>, vector<1x16xf32>,
        %get3A_646 = vector.shape_cast %get3A_645 : vector<1x16xf32> to vector<16xf32>
        %lt3A_647 = arith.cmpf olt, %get3A_646, %scan3A_590 : vector<16xf32>
        %select_n3A_648 = arith.select %lt3A_647, %get3A_646, %scan3A_590 : vector<16xi1>, vector<16xf32>
        %select_n3A_649 = arith.select %lt3A_647, %broadcast_in_dim3A_601, %scan3A_598 : vector<16xi1>, vector<16xi32>
        %get3A_650 = arith.index_cast %scan3A_583 : i32 to index
        %get3A_651 = arith.constant 112 : index
        %get3A_652 = tpu.vector_load %arg6[%get3A_650, %get3A_651] {strides = array<i32>} : memref<256x128xf32, #tpu.memory_space<vmem>>, vector<1x16xf32>,
        %get3A_653 = vector.shape_cast %get3A_652 : vector<1x16xf32> to vector<16xf32>
        %lt3A_654 = arith.cmpf olt, %get3A_653, %scan3A_591 : vector<16xf32>
        %select_n3A_655 = arith.select %lt3A_654, %get3A_653, %scan3A_591 : vector<16xi1>, vector<16xf32>
        %select_n3A_656 = arith.select %lt3A_654, %broadcast_in_dim3A_601, %scan3A_599 : vector<16xi1>, vector<16xi32>
        %scan3A_657 = arith.constant 1 : i32
        %scan3A_658 = arith.addi %scan3A_583, %scan3A_657 : i32
        %add3A_659 = arith.addi %add3A_569, %scan3A_658 : i32
        %broadcast_in_dim3A_660 = vector.broadcast %add3A_659 : i32 to vector<16xi32>
        %get3A_661 = arith.index_cast %scan3A_658 : i32 to index
        %get3A_662 = arith.constant 0 : index
        %get3A_663 = tpu.vector_load %arg6[%get3A_661, %get3A_662] {strides = array<i32>} : memref<256x128xf32, #tpu.memory_space<vmem>>, vector<1x16xf32>,
        %get3A_664 = vector.shape_cast %get3A_663 : vector<1x16xf32> to vector<16xf32>
        %lt3A_665 = arith.cmpf olt, %get3A_664, %select_n3A_606 : vector<16xf32>
        %select_n3A_666 = arith.select %lt3A_665, %get3A_664, %select_n3A_606 : vector<16xi1>, vector<16xf32>
        %select_n3A_667 = arith.select %lt3A_665, %broadcast_in_dim3A_660, %select_n3A_607 : vector<16xi1>, vector<16xi32>
        %get3A_668 = arith.index_cast %scan3A_658 : i32 to index
        %get3A_669 = arith.constant 16 : index
        %get3A_670 = tpu.vector_load %arg6[%get3A_668, %get3A_669] {strides = array<i32>} : memref<256x128xf32, #tpu.memory_space<vmem>>, vector<1x16xf32>,
        %get3A_671 = vector.shape_cast %get3A_670 : vector<1x16xf32> to vector<16xf32>
        %lt3A_672 = arith.cmpf olt, %get3A_671, %select_n3A_613 : vector<16xf32>
        %select_n3A_673 = arith.select %lt3A_672, %get3A_671, %select_n3A_613 : vector<16xi1>, vector<16xf32>
        %select_n3A_674 = arith.select %lt3A_672, %broadcast_in_dim3A_660, %select_n3A_614 : vector<16xi1>, vector<16xi32>
        %get3A_675 = arith.index_cast %scan3A_658 : i32 to index
        %get3A_676 = arith.constant 32 : index
        %get3A_677 = tpu.vector_load %arg6[%get3A_675, %get3A_676] {strides = array<i32>} : memref<256x128xf32, #tpu.memory_space<vmem>>, vector<1x16xf32>,
        %get3A_678 = vector.shape_cast %get3A_677 : vector<1x16xf32> to vector<16xf32>
        %lt3A_679 = arith.cmpf olt, %get3A_678, %select_n3A_620 : vector<16xf32>
        %select_n3A_680 = arith.select %lt3A_679, %get3A_678, %select_n3A_620 : vector<16xi1>, vector<16xf32>
        %select_n3A_681 = arith.select %lt3A_679, %broadcast_in_dim3A_660, %select_n3A_621 : vector<16xi1>, vector<16xi32>
        %get3A_682 = arith.index_cast %scan3A_658 : i32 to index
        %get3A_683 = arith.constant 48 : index
        %get3A_684 = tpu.vector_load %arg6[%get3A_682, %get3A_683] {strides = array<i32>} : memref<256x128xf32, #tpu.memory_space<vmem>>, vector<1x16xf32>,
        %get3A_685 = vector.shape_cast %get3A_684 : vector<1x16xf32> to vector<16xf32>
        %lt3A_686 = arith.cmpf olt, %get3A_685, %select_n3A_627 : vector<16xf32>
        %select_n3A_687 = arith.select %lt3A_686, %get3A_685, %select_n3A_627 : vector<16xi1>, vector<16xf32>
        %select_n3A_688 = arith.select %lt3A_686, %broadcast_in_dim3A_660, %select_n3A_628 : vector<16xi1>, vector<16xi32>
        %get3A_689 = arith.index_cast %scan3A_658 : i32 to index
        %get3A_690 = arith.constant 64 : index
        %get3A_691 = tpu.vector_load %arg6[%get3A_689, %get3A_690] {strides = array<i32>} : memref<256x128xf32, #tpu.memory_space<vmem>>, vector<1x16xf32>,
        %get3A_692 = vector.shape_cast %get3A_691 : vector<1x16xf32> to vector<16xf32>
        %lt3A_693 = arith.cmpf olt, %get3A_692, %select_n3A_634 : vector<16xf32>
        %select_n3A_694 = arith.select %lt3A_693, %get3A_692, %select_n3A_634 : vector<16xi1>, vector<16xf32>
        %select_n3A_695 = arith.select %lt3A_693, %broadcast_in_dim3A_660, %select_n3A_635 : vector<16xi1>, vector<16xi32>
        %get3A_696 = arith.index_cast %scan3A_658 : i32 to index
        %get3A_697 = arith.constant 80 : index
        %get3A_698 = tpu.vector_load %arg6[%get3A_696, %get3A_697] {strides = array<i32>} : memref<256x128xf32, #tpu.memory_space<vmem>>, vector<1x16xf32>,
        %get3A_699 = vector.shape_cast %get3A_698 : vector<1x16xf32> to vector<16xf32>
        %lt3A_700 = arith.cmpf olt, %get3A_699, %select_n3A_641 : vector<16xf32>
        %select_n3A_701 = arith.select %lt3A_700, %get3A_699, %select_n3A_641 : vector<16xi1>, vector<16xf32>
        %select_n3A_702 = arith.select %lt3A_700, %broadcast_in_dim3A_660, %select_n3A_642 : vector<16xi1>, vector<16xi32>
        %get3A_703 = arith.index_cast %scan3A_658 : i32 to index
        %get3A_704 = arith.constant 96 : index
        %get3A_705 = tpu.vector_load %arg6[%get3A_703, %get3A_704] {strides = array<i32>} : memref<256x128xf32, #tpu.memory_space<vmem>>, vector<1x16xf32>,
        %get3A_706 = vector.shape_cast %get3A_705 : vector<1x16xf32> to vector<16xf32>
        %lt3A_707 = arith.cmpf olt, %get3A_706, %select_n3A_648 : vector<16xf32>
        %select_n3A_708 = arith.select %lt3A_707, %get3A_706, %select_n3A_648 : vector<16xi1>, vector<16xf32>
        %select_n3A_709 = arith.select %lt3A_707, %broadcast_in_dim3A_660, %select_n3A_649 : vector<16xi1>, vector<16xi32>
        %get3A_710 = arith.index_cast %scan3A_658 : i32 to index
        %get3A_711 = arith.constant 112 : index
        %get3A_712 = tpu.vector_load %arg6[%get3A_710, %get3A_711] {strides = array<i32>} : memref<256x128xf32, #tpu.memory_space<vmem>>, vector<1x16xf32>,
        %get3A_713 = vector.shape_cast %get3A_712 : vector<1x16xf32> to vector<16xf32>
        %lt3A_714 = arith.cmpf olt, %get3A_713, %select_n3A_655 : vector<16xf32>
        %select_n3A_715 = arith.select %lt3A_714, %get3A_713, %select_n3A_655 : vector<16xi1>, vector<16xf32>
        %select_n3A_716 = arith.select %lt3A_714, %broadcast_in_dim3A_660, %select_n3A_656 : vector<16xi1>, vector<16xi32>
        %scan3A_717 = arith.constant 2 : i32
        %scan3A_718 = arith.addi %scan3A_583, %scan3A_717 : i32
        %add3A_719 = arith.addi %add3A_569, %scan3A_718 : i32
        %broadcast_in_dim3A_720 = vector.broadcast %add3A_719 : i32 to vector<16xi32>
        %get3A_721 = arith.index_cast %scan3A_718 : i32 to index
        %get3A_722 = arith.constant 0 : index
        %get3A_723 = tpu.vector_load %arg6[%get3A_721, %get3A_722] {strides = array<i32>} : memref<256x128xf32, #tpu.memory_space<vmem>>, vector<1x16xf32>,
        %get3A_724 = vector.shape_cast %get3A_723 : vector<1x16xf32> to vector<16xf32>
        %lt3A_725 = arith.cmpf olt, %get3A_724, %select_n3A_666 : vector<16xf32>
        %select_n3A_726 = arith.select %lt3A_725, %get3A_724, %select_n3A_666 : vector<16xi1>, vector<16xf32>
        %select_n3A_727 = arith.select %lt3A_725, %broadcast_in_dim3A_720, %select_n3A_667 : vector<16xi1>, vector<16xi32>
        %get3A_728 = arith.index_cast %scan3A_718 : i32 to index
        %get3A_729 = arith.constant 16 : index
        %get3A_730 = tpu.vector_load %arg6[%get3A_728, %get3A_729] {strides = array<i32>} : memref<256x128xf32, #tpu.memory_space<vmem>>, vector<1x16xf32>,
        %get3A_731 = vector.shape_cast %get3A_730 : vector<1x16xf32> to vector<16xf32>
        %lt3A_732 = arith.cmpf olt, %get3A_731, %select_n3A_673 : vector<16xf32>
        %select_n3A_733 = arith.select %lt3A_732, %get3A_731, %select_n3A_673 : vector<16xi1>, vector<16xf32>
        %select_n3A_734 = arith.select %lt3A_732, %broadcast_in_dim3A_720, %select_n3A_674 : vector<16xi1>, vector<16xi32>
        %get3A_735 = arith.index_cast %scan3A_718 : i32 to index
        %get3A_736 = arith.constant 32 : index
        %get3A_737 = tpu.vector_load %arg6[%get3A_735, %get3A_736] {strides = array<i32>} : memref<256x128xf32, #tpu.memory_space<vmem>>, vector<1x16xf32>,
        %get3A_738 = vector.shape_cast %get3A_737 : vector<1x16xf32> to vector<16xf32>
        %lt3A_739 = arith.cmpf olt, %get3A_738, %select_n3A_680 : vector<16xf32>
        %select_n3A_740 = arith.select %lt3A_739, %get3A_738, %select_n3A_680 : vector<16xi1>, vector<16xf32>
        %select_n3A_741 = arith.select %lt3A_739, %broadcast_in_dim3A_720, %select_n3A_681 : vector<16xi1>, vector<16xi32>
        %get3A_742 = arith.index_cast %scan3A_718 : i32 to index
        %get3A_743 = arith.constant 48 : index
        %get3A_744 = tpu.vector_load %arg6[%get3A_742, %get3A_743] {strides = array<i32>} : memref<256x128xf32, #tpu.memory_space<vmem>>, vector<1x16xf32>,
        %get3A_745 = vector.shape_cast %get3A_744 : vector<1x16xf32> to vector<16xf32>
        %lt3A_746 = arith.cmpf olt, %get3A_745, %select_n3A_687 : vector<16xf32>
        %select_n3A_747 = arith.select %lt3A_746, %get3A_745, %select_n3A_687 : vector<16xi1>, vector<16xf32>
        %select_n3A_748 = arith.select %lt3A_746, %broadcast_in_dim3A_720, %select_n3A_688 : vector<16xi1>, vector<16xi32>
        %get3A_749 = arith.index_cast %scan3A_718 : i32 to index
        %get3A_750 = arith.constant 64 : index
        %get3A_751 = tpu.vector_load %arg6[%get3A_749, %get3A_750] {strides = array<i32>} : memref<256x128xf32, #tpu.memory_space<vmem>>, vector<1x16xf32>,
        %get3A_752 = vector.shape_cast %get3A_751 : vector<1x16xf32> to vector<16xf32>
        %lt3A_753 = arith.cmpf olt, %get3A_752, %select_n3A_694 : vector<16xf32>
        %select_n3A_754 = arith.select %lt3A_753, %get3A_752, %select_n3A_694 : vector<16xi1>, vector<16xf32>
        %select_n3A_755 = arith.select %lt3A_753, %broadcast_in_dim3A_720, %select_n3A_695 : vector<16xi1>, vector<16xi32>
        %get3A_756 = arith.index_cast %scan3A_718 : i32 to index
        %get3A_757 = arith.constant 80 : index
        %get3A_758 = tpu.vector_load %arg6[%get3A_756, %get3A_757] {strides = array<i32>} : memref<256x128xf32, #tpu.memory_space<vmem>>, vector<1x16xf32>,
        %get3A_759 = vector.shape_cast %get3A_758 : vector<1x16xf32> to vector<16xf32>
        %lt3A_760 = arith.cmpf olt, %get3A_759, %select_n3A_701 : vector<16xf32>
        %select_n3A_761 = arith.select %lt3A_760, %get3A_759, %select_n3A_701 : vector<16xi1>, vector<16xf32>
        %select_n3A_762 = arith.select %lt3A_760, %broadcast_in_dim3A_720, %select_n3A_702 : vector<16xi1>, vector<16xi32>
        %get3A_763 = arith.index_cast %scan3A_718 : i32 to index
        %get3A_764 = arith.constant 96 : index
        %get3A_765 = tpu.vector_load %arg6[%get3A_763, %get3A_764] {strides = array<i32>} : memref<256x128xf32, #tpu.memory_space<vmem>>, vector<1x16xf32>,
        %get3A_766 = vector.shape_cast %get3A_765 : vector<1x16xf32> to vector<16xf32>
        %lt3A_767 = arith.cmpf olt, %get3A_766, %select_n3A_708 : vector<16xf32>
        %select_n3A_768 = arith.select %lt3A_767, %get3A_766, %select_n3A_708 : vector<16xi1>, vector<16xf32>
        %select_n3A_769 = arith.select %lt3A_767, %broadcast_in_dim3A_720, %select_n3A_709 : vector<16xi1>, vector<16xi32>
        %get3A_770 = arith.index_cast %scan3A_718 : i32 to index
        %get3A_771 = arith.constant 112 : index
        %get3A_772 = tpu.vector_load %arg6[%get3A_770, %get3A_771] {strides = array<i32>} : memref<256x128xf32, #tpu.memory_space<vmem>>, vector<1x16xf32>,
        %get3A_773 = vector.shape_cast %get3A_772 : vector<1x16xf32> to vector<16xf32>
        %lt3A_774 = arith.cmpf olt, %get3A_773, %select_n3A_715 : vector<16xf32>
        %select_n3A_775 = arith.select %lt3A_774, %get3A_773, %select_n3A_715 : vector<16xi1>, vector<16xf32>
        %select_n3A_776 = arith.select %lt3A_774, %broadcast_in_dim3A_720, %select_n3A_716 : vector<16xi1>, vector<16xi32>
        %scan3A_777 = arith.constant 3 : i32
        %scan3A_778 = arith.addi %scan3A_583, %scan3A_777 : i32
        %add3A_779 = arith.addi %add3A_569, %scan3A_778 : i32
        %broadcast_in_dim3A_780 = vector.broadcast %add3A_779 : i32 to vector<16xi32>
        %get3A_781 = arith.index_cast %scan3A_778 : i32 to index
        %get3A_782 = arith.constant 0 : index
        %get3A_783 = tpu.vector_load %arg6[%get3A_781, %get3A_782] {strides = array<i32>} : memref<256x128xf32, #tpu.memory_space<vmem>>, vector<1x16xf32>,
        %get3A_784 = vector.shape_cast %get3A_783 : vector<1x16xf32> to vector<16xf32>
        %lt3A_785 = arith.cmpf olt, %get3A_784, %select_n3A_726 : vector<16xf32>
        %select_n3A_786 = arith.select %lt3A_785, %get3A_784, %select_n3A_726 : vector<16xi1>, vector<16xf32>
        %select_n3A_787 = arith.select %lt3A_785, %broadcast_in_dim3A_780, %select_n3A_727 : vector<16xi1>, vector<16xi32>
        %get3A_788 = arith.index_cast %scan3A_778 : i32 to index
        %get3A_789 = arith.constant 16 : index
        %get3A_790 = tpu.vector_load %arg6[%get3A_788, %get3A_789] {strides = array<i32>} : memref<256x128xf32, #tpu.memory_space<vmem>>, vector<1x16xf32>,
        %get3A_791 = vector.shape_cast %get3A_790 : vector<1x16xf32> to vector<16xf32>
        %lt3A_792 = arith.cmpf olt, %get3A_791, %select_n3A_733 : vector<16xf32>
        %select_n3A_793 = arith.select %lt3A_792, %get3A_791, %select_n3A_733 : vector<16xi1>, vector<16xf32>
        %select_n3A_794 = arith.select %lt3A_792, %broadcast_in_dim3A_780, %select_n3A_734 : vector<16xi1>, vector<16xi32>
        %get3A_795 = arith.index_cast %scan3A_778 : i32 to index
        %get3A_796 = arith.constant 32 : index
        %get3A_797 = tpu.vector_load %arg6[%get3A_795, %get3A_796] {strides = array<i32>} : memref<256x128xf32, #tpu.memory_space<vmem>>, vector<1x16xf32>,
        %get3A_798 = vector.shape_cast %get3A_797 : vector<1x16xf32> to vector<16xf32>
        %lt3A_799 = arith.cmpf olt, %get3A_798, %select_n3A_740 : vector<16xf32>
        %select_n3A_800 = arith.select %lt3A_799, %get3A_798, %select_n3A_740 : vector<16xi1>, vector<16xf32>
        %select_n3A_801 = arith.select %lt3A_799, %broadcast_in_dim3A_780, %select_n3A_741 : vector<16xi1>, vector<16xi32>
        %get3A_802 = arith.index_cast %scan3A_778 : i32 to index
        %get3A_803 = arith.constant 48 : index
        %get3A_804 = tpu.vector_load %arg6[%get3A_802, %get3A_803] {strides = array<i32>} : memref<256x128xf32, #tpu.memory_space<vmem>>, vector<1x16xf32>,
        %get3A_805 = vector.shape_cast %get3A_804 : vector<1x16xf32> to vector<16xf32>
        %lt3A_806 = arith.cmpf olt, %get3A_805, %select_n3A_747 : vector<16xf32>
        %select_n3A_807 = arith.select %lt3A_806, %get3A_805, %select_n3A_747 : vector<16xi1>, vector<16xf32>
        %select_n3A_808 = arith.select %lt3A_806, %broadcast_in_dim3A_780, %select_n3A_748 : vector<16xi1>, vector<16xi32>
        %get3A_809 = arith.index_cast %scan3A_778 : i32 to index
        %get3A_810 = arith.constant 64 : index
        %get3A_811 = tpu.vector_load %arg6[%get3A_809, %get3A_810] {strides = array<i32>} : memref<256x128xf32, #tpu.memory_space<vmem>>, vector<1x16xf32>,
        %get3A_812 = vector.shape_cast %get3A_811 : vector<1x16xf32> to vector<16xf32>
        %lt3A_813 = arith.cmpf olt, %get3A_812, %select_n3A_754 : vector<16xf32>
        %select_n3A_814 = arith.select %lt3A_813, %get3A_812, %select_n3A_754 : vector<16xi1>, vector<16xf32>
        %select_n3A_815 = arith.select %lt3A_813, %broadcast_in_dim3A_780, %select_n3A_755 : vector<16xi1>, vector<16xi32>
        %get3A_816 = arith.index_cast %scan3A_778 : i32 to index
        %get3A_817 = arith.constant 80 : index
        %get3A_818 = tpu.vector_load %arg6[%get3A_816, %get3A_817] {strides = array<i32>} : memref<256x128xf32, #tpu.memory_space<vmem>>, vector<1x16xf32>,
        %get3A_819 = vector.shape_cast %get3A_818 : vector<1x16xf32> to vector<16xf32>
        %lt3A_820 = arith.cmpf olt, %get3A_819, %select_n3A_761 : vector<16xf32>
        %select_n3A_821 = arith.select %lt3A_820, %get3A_819, %select_n3A_761 : vector<16xi1>, vector<16xf32>
        %select_n3A_822 = arith.select %lt3A_820, %broadcast_in_dim3A_780, %select_n3A_762 : vector<16xi1>, vector<16xi32>
        %get3A_823 = arith.index_cast %scan3A_778 : i32 to index
        %get3A_824 = arith.constant 96 : index
        %get3A_825 = tpu.vector_load %arg6[%get3A_823, %get3A_824] {strides = array<i32>} : memref<256x128xf32, #tpu.memory_space<vmem>>, vector<1x16xf32>,
        %get3A_826 = vector.shape_cast %get3A_825 : vector<1x16xf32> to vector<16xf32>
        %lt3A_827 = arith.cmpf olt, %get3A_826, %select_n3A_768 : vector<16xf32>
        %select_n3A_828 = arith.select %lt3A_827, %get3A_826, %select_n3A_768 : vector<16xi1>, vector<16xf32>
        %select_n3A_829 = arith.select %lt3A_827, %broadcast_in_dim3A_780, %select_n3A_769 : vector<16xi1>, vector<16xi32>
        %get3A_830 = arith.index_cast %scan3A_778 : i32 to index
        %get3A_831 = arith.constant 112 : index
        %get3A_832 = tpu.vector_load %arg6[%get3A_830, %get3A_831] {strides = array<i32>} : memref<256x128xf32, #tpu.memory_space<vmem>>, vector<1x16xf32>,
        %get3A_833 = vector.shape_cast %get3A_832 : vector<1x16xf32> to vector<16xf32>
        %lt3A_834 = arith.cmpf olt, %get3A_833, %select_n3A_775 : vector<16xf32>
        %select_n3A_835 = arith.select %lt3A_834, %get3A_833, %select_n3A_775 : vector<16xi1>, vector<16xf32>
        %select_n3A_836 = arith.select %lt3A_834, %broadcast_in_dim3A_780, %select_n3A_776 : vector<16xi1>, vector<16xi32>
        scf.yield %select_n3A_786, %select_n3A_793, %select_n3A_800, %select_n3A_807, %select_n3A_814, %select_n3A_821, %select_n3A_828, %select_n3A_835, %select_n3A_787, %select_n3A_794, %select_n3A_801, %select_n3A_808, %select_n3A_815, %select_n3A_822, %select_n3A_829, %select_n3A_836 : vector<16xf32>, vector<16xf32>, vector<16xf32>, vector<16xf32>, vector<16xf32>, vector<16xf32>, vector<16xf32>, vector<16xf32>, vector<16xi32>, vector<16xi32>, vector<16xi32>, vector<16xi32>, vector<16xi32>, vector<16xi32>, vector<16xi32>, vector<16xi32>
      }
      %scan3A_575 = arith.constant 256 : i32
      %add3A_576 = arith.constant 1 : i32
      %add3A_577 = arith.addi %scan3A_509, %add3A_576 : i32
      %lt3A_578 = arith.constant 4 : i32
      %lt3A_579 = arith.cmpi slt, %add3A_577, %lt3A_578 : i32
      %convert_element_type3A_580 = arith.extui %lt3A_579 : i1 to i32
      %cond3A_581 = arith.constant 0 : i32
      %cond3A_582 = arith.cmpi ne, %convert_element_type3A_580, %cond3A_581 : i32
      scf.if %cond3A_582 {
        %mul3A_583 = arith.constant 2 : i32
        %mul3A_584 = arith.muli %mul3A_583, %scan3A_509 : i32
        %add3A_585 = arith.constant 3 : i32
        %add3A_586 = arith.addi %mul3A_584, %add3A_585 : i32
        %mul3A_587 = arith.constant 256 : i32
        %mul3A_588 = arith.muli %add3A_586, %mul3A_587 : i32
        %add3A_589 = arith.addi %mul3A_36, %mul3A_588 : i32
        %dma_start3A_590 = arith.constant 2 : i32
        %dma_start3A_591 = tpu.memref_slice %arg2[%dma_start3A_590, %add3A_589, %add3A_34] : memref<4x8192x4096xf32, #tpu.memory_space<hbm>> -> memref<1x256x128xf32, #tpu.memory_space<hbm>>
        %dma_start3A_592 = tpu.memref_squeeze %dma_start3A_591 : memref<1x256x128xf32, #tpu.memory_space<hbm>> -> memref<256x128xf32, #tpu.memory_space<hbm>>
        %dma_start3A_593 = tpu.memref_slice %arg2[%dma_start3A_590, %add3A_589, %add3A_34] : memref<4x8192x4096xf32, #tpu.memory_space<hbm>> -> memref<1x256x128xf32, #tpu.memory_space<hbm>>
        %dma_start3A_594 = tpu.memref_squeeze %dma_start3A_593 : memref<1x256x128xf32, #tpu.memory_space<hbm>> -> memref<256x128xf32, #tpu.memory_space<hbm>>
        tpu.enqueue_dma source(%dma_start3A_594 : memref<256x128xf32, #tpu.memory_space<hbm>>) target(%arg6 : memref<256x128xf32, #tpu.memory_space<vmem>>) target_semaphore(%arg10 : memref<!tpu.dma_semaphore, #tpu.memory_space<semaphore_mem>>)
      } else {
      }
      scf.yield %scan3A_574#0, %scan3A_574#1, %scan3A_574#2, %scan3A_574#3, %scan3A_574#4, %scan3A_574#5, %scan3A_574#6, %scan3A_574#7, %scan3A_574#8, %scan3A_574#9, %scan3A_574#10, %scan3A_574#11, %scan3A_574#12, %scan3A_574#13, %scan3A_574#14, %scan3A_574#15 : vector<16xf32>, vector<16xf32>, vector<16xf32>, vector<16xf32>, vector<16xf32>, vector<16xf32>, vector<16xf32>, vector<16xf32>, vector<16xi32>, vector<16xi32>, vector<16xi32>, vector<16xi32>, vector<16xi32>, vector<16xi32>, vector<16xi32>, vector<16xi32>
    }
    %scan3A_324 = arith.constant 4 : i32
    %swap3A_325 = arith.constant 0 : index
    %swap3A_326 = tpu.vector_load %arg7[%swap3A_325] {strides = array<i32>} : memref<128xf32, #tpu.memory_space<vmem>>, vector<16xf32>,
    %swap3A_327 = vector.shape_cast %swap3A_326 : vector<16xf32> to vector<16xf32>
    %swap3A_328 = vector.shape_cast %scan3A_323#0 : vector<16xf32> to vector<16xf32>
    tpu.vector_store %arg7[%swap3A_325], %swap3A_328 {strides = array<i32>} : memref<128xf32, #tpu.memory_space<vmem>>, vector<16xf32>,
    %swap3A_329 = arith.constant 0 : index
    %swap3A_330 = tpu.vector_load %arg8[%swap3A_329] {strides = array<i32>} : memref<128xi32, #tpu.memory_space<vmem>>, vector<16xi32>,
    %swap3A_331 = vector.shape_cast %swap3A_330 : vector<16xi32> to vector<16xi32>
    %swap3A_332 = vector.shape_cast %scan3A_323#8 : vector<16xi32> to vector<16xi32>
    tpu.vector_store %arg8[%swap3A_329], %swap3A_332 {strides = array<i32>} : memref<128xi32, #tpu.memory_space<vmem>>, vector<16xi32>,
    %swap3A_333 = arith.constant 16 : index
    %swap3A_334 = tpu.vector_load %arg7[%swap3A_333] {strides = array<i32>} : memref<128xf32, #tpu.memory_space<vmem>>, vector<16xf32>,
    %swap3A_335 = vector.shape_cast %swap3A_334 : vector<16xf32> to vector<16xf32>
    %swap3A_336 = vector.shape_cast %scan3A_323#1 : vector<16xf32> to vector<16xf32>
    tpu.vector_store %arg7[%swap3A_333], %swap3A_336 {strides = array<i32>} : memref<128xf32, #tpu.memory_space<vmem>>, vector<16xf32>,
    %swap3A_337 = arith.constant 16 : index
    %swap3A_338 = tpu.vector_load %arg8[%swap3A_337] {strides = array<i32>} : memref<128xi32, #tpu.memory_space<vmem>>, vector<16xi32>,
    %swap3A_339 = vector.shape_cast %swap3A_338 : vector<16xi32> to vector<16xi32>
    %swap3A_340 = vector.shape_cast %scan3A_323#9 : vector<16xi32> to vector<16xi32>
    tpu.vector_store %arg8[%swap3A_337], %swap3A_340 {strides = array<i32>} : memref<128xi32, #tpu.memory_space<vmem>>, vector<16xi32>,
    %swap3A_341 = arith.constant 32 : index
    %swap3A_342 = tpu.vector_load %arg7[%swap3A_341] {strides = array<i32>} : memref<128xf32, #tpu.memory_space<vmem>>, vector<16xf32>,
    %swap3A_343 = vector.shape_cast %swap3A_342 : vector<16xf32> to vector<16xf32>
    %swap3A_344 = vector.shape_cast %scan3A_323#2 : vector<16xf32> to vector<16xf32>
    tpu.vector_store %arg7[%swap3A_341], %swap3A_344 {strides = array<i32>} : memref<128xf32, #tpu.memory_space<vmem>>, vector<16xf32>,
    %swap3A_345 = arith.constant 32 : index
    %swap3A_346 = tpu.vector_load %arg8[%swap3A_345] {strides = array<i32>} : memref<128xi32, #tpu.memory_space<vmem>>, vector<16xi32>,
    %swap3A_347 = vector.shape_cast %swap3A_346 : vector<16xi32> to vector<16xi32>
    %swap3A_348 = vector.shape_cast %scan3A_323#10 : vector<16xi32> to vector<16xi32>
    tpu.vector_store %arg8[%swap3A_345], %swap3A_348 {strides = array<i32>} : memref<128xi32, #tpu.memory_space<vmem>>, vector<16xi32>,
    %swap3A_349 = arith.constant 48 : index
    %swap3A_350 = tpu.vector_load %arg7[%swap3A_349] {strides = array<i32>} : memref<128xf32, #tpu.memory_space<vmem>>, vector<16xf32>,
    %swap3A_351 = vector.shape_cast %swap3A_350 : vector<16xf32> to vector<16xf32>
    %swap3A_352 = vector.shape_cast %scan3A_323#3 : vector<16xf32> to vector<16xf32>
    tpu.vector_store %arg7[%swap3A_349], %swap3A_352 {strides = array<i32>} : memref<128xf32, #tpu.memory_space<vmem>>, vector<16xf32>,
    %swap3A_353 = arith.constant 48 : index
    %swap3A_354 = tpu.vector_load %arg8[%swap3A_353] {strides = array<i32>} : memref<128xi32, #tpu.memory_space<vmem>>, vector<16xi32>,
    %swap3A_355 = vector.shape_cast %swap3A_354 : vector<16xi32> to vector<16xi32>
    %swap3A_356 = vector.shape_cast %scan3A_323#11 : vector<16xi32> to vector<16xi32>
    tpu.vector_store %arg8[%swap3A_353], %swap3A_356 {strides = array<i32>} : memref<128xi32, #tpu.memory_space<vmem>>, vector<16xi32>,
    %swap3A_357 = arith.constant 64 : index
    %swap3A_358 = tpu.vector_load %arg7[%swap3A_357] {strides = array<i32>} : memref<128xf32, #tpu.memory_space<vmem>>, vector<16xf32>,
    %swap3A_359 = vector.shape_cast %swap3A_358 : vector<16xf32> to vector<16xf32>
    %swap3A_360 = vector.shape_cast %scan3A_323#4 : vector<16xf32> to vector<16xf32>
    tpu.vector_store %arg7[%swap3A_357], %swap3A_360 {strides = array<i32>} : memref<128xf32, #tpu.memory_space<vmem>>, vector<16xf32>,
    %swap3A_361 = arith.constant 64 : index
    %swap3A_362 = tpu.vector_load %arg8[%swap3A_361] {strides = array<i32>} : memref<128xi32, #tpu.memory_space<vmem>>, vector<16xi32>,
    %swap3A_363 = vector.shape_cast %swap3A_362 : vector<16xi32> to vector<16xi32>
    %swap3A_364 = vector.shape_cast %scan3A_323#12 : vector<16xi32> to vector<16xi32>
    tpu.vector_store %arg8[%swap3A_361], %swap3A_364 {strides = array<i32>} : memref<128xi32, #tpu.memory_space<vmem>>, vector<16xi32>,
    %swap3A_365 = arith.constant 80 : index
    %swap3A_366 = tpu.vector_load %arg7[%swap3A_365] {strides = array<i32>} : memref<128xf32, #tpu.memory_space<vmem>>, vector<16xf32>,
    %swap3A_367 = vector.shape_cast %swap3A_366 : vector<16xf32> to vector<16xf32>
    %swap3A_368 = vector.shape_cast %scan3A_323#5 : vector<16xf32> to vector<16xf32>
    tpu.vector_store %arg7[%swap3A_365], %swap3A_368 {strides = array<i32>} : memref<128xf32, #tpu.memory_space<vmem>>, vector<16xf32>,
    %swap3A_369 = arith.constant 80 : index
    %swap3A_370 = tpu.vector_load %arg8[%swap3A_369] {strides = array<i32>} : memref<128xi32, #tpu.memory_space<vmem>>, vector<16xi32>,
    %swap3A_371 = vector.shape_cast %swap3A_370 : vector<16xi32> to vector<16xi32>
    %swap3A_372 = vector.shape_cast %scan3A_323#13 : vector<16xi32> to vector<16xi32>
    tpu.vector_store %arg8[%swap3A_369], %swap3A_372 {strides = array<i32>} : memref<128xi32, #tpu.memory_space<vmem>>, vector<16xi32>,
    %swap3A_373 = arith.constant 96 : index
    %swap3A_374 = tpu.vector_load %arg7[%swap3A_373] {strides = array<i32>} : memref<128xf32, #tpu.memory_space<vmem>>, vector<16xf32>,
    %swap3A_375 = vector.shape_cast %swap3A_374 : vector<16xf32> to vector<16xf32>
    %swap3A_376 = vector.shape_cast %scan3A_323#6 : vector<16xf32> to vector<16xf32>
    tpu.vector_store %arg7[%swap3A_373], %swap3A_376 {strides = array<i32>} : memref<128xf32, #tpu.memory_space<vmem>>, vector<16xf32>,
    %swap3A_377 = arith.constant 96 : index
    %swap3A_378 = tpu.vector_load %arg8[%swap3A_377] {strides = array<i32>} : memref<128xi32, #tpu.memory_space<vmem>>, vector<16xi32>,
    %swap3A_379 = vector.shape_cast %swap3A_378 : vector<16xi32> to vector<16xi32>
    %swap3A_380 = vector.shape_cast %scan3A_323#14 : vector<16xi32> to vector<16xi32>
    tpu.vector_store %arg8[%swap3A_377], %swap3A_380 {strides = array<i32>} : memref<128xi32, #tpu.memory_space<vmem>>, vector<16xi32>,
    %swap3A_381 = arith.constant 112 : index
    %swap3A_382 = tpu.vector_load %arg7[%swap3A_381] {strides = array<i32>} : memref<128xf32, #tpu.memory_space<vmem>>, vector<16xf32>,
    %swap3A_383 = vector.shape_cast %swap3A_382 : vector<16xf32> to vector<16xf32>
    %swap3A_384 = vector.shape_cast %scan3A_323#7 : vector<16xf32> to vector<16xf32>
    tpu.vector_store %arg7[%swap3A_381], %swap3A_384 {strides = array<i32>} : memref<128xf32, #tpu.memory_space<vmem>>, vector<16xf32>,
    %swap3A_385 = arith.constant 112 : index
    %swap3A_386 = tpu.vector_load %arg8[%swap3A_385] {strides = array<i32>} : memref<128xi32, #tpu.memory_space<vmem>>, vector<16xi32>,
    %swap3A_387 = vector.shape_cast %swap3A_386 : vector<16xi32> to vector<16xi32>
    %swap3A_388 = vector.shape_cast %scan3A_323#15 : vector<16xi32> to vector<16xi32>
    tpu.vector_store %arg8[%swap3A_385], %swap3A_388 {strides = array<i32>} : memref<128xi32, #tpu.memory_space<vmem>>, vector<16xi32>,
    %run_scoped3A_389 = arith.constant 2 : i32
    "tpu.region"() ({
      %run_scoped3A_509 = tpu.sem_alloc : memref<!tpu.dma_semaphore, #tpu.memory_space<semaphore_mem>>
      %dma_start3A_510 = tpu.memref_slice %arg3[%run_scoped3A_389, %add3A_41] : memref<4x4096xf32, #tpu.memory_space<hbm>> -> memref<1x128xf32, #tpu.memory_space<hbm>>
      %dma_start3A_511 = tpu.memref_squeeze %dma_start3A_510 : memref<1x128xf32, #tpu.memory_space<hbm>> -> memref<128xf32, #tpu.memory_space<hbm>>
      %dma_start3A_512 = tpu.memref_slice %arg3[%run_scoped3A_389, %add3A_41] : memref<4x4096xf32, #tpu.memory_space<hbm>> -> memref<1x128xf32, #tpu.memory_space<hbm>>
      %dma_start3A_513 = tpu.memref_squeeze %dma_start3A_512 : memref<1x128xf32, #tpu.memory_space<hbm>> -> memref<128xf32, #tpu.memory_space<hbm>>
      tpu.enqueue_dma source(%arg7 : memref<128xf32, #tpu.memory_space<vmem>>) target(%dma_start3A_513 : memref<128xf32, #tpu.memory_space<hbm>>) target_semaphore(%run_scoped3A_509 : memref<!tpu.dma_semaphore, #tpu.memory_space<semaphore_mem>>)
      %dma_wait3A = tpu.memref_slice %arg3[%run_scoped3A_389, %add3A_41] : memref<4x4096xf32, #tpu.memory_space<hbm>> -> memref<1x128xf32, #tpu.memory_space<hbm>>
      %dma_wait3A_514 = tpu.memref_squeeze %dma_wait3A : memref<1x128xf32, #tpu.memory_space<hbm>> -> memref<128xf32, #tpu.memory_space<hbm>>
      %dma_wait3A_515 = tpu.memref_slice %arg3[%run_scoped3A_389, %add3A_41] : memref<4x4096xf32, #tpu.memory_space<hbm>> -> memref<1x128xf32, #tpu.memory_space<hbm>>
      %dma_wait3A_516 = tpu.memref_squeeze %dma_wait3A_515 : memref<1x128xf32, #tpu.memory_space<hbm>> -> memref<128xf32, #tpu.memory_space<hbm>>
      tpu.wait_dma2 semaphore(%run_scoped3A_509 : memref<!tpu.dma_semaphore, #tpu.memory_space<semaphore_mem>>) src(%arg7 : memref<128xf32, #tpu.memory_space<vmem>>) dst(%dma_wait3A_516 : memref<128xf32, #tpu.memory_space<hbm>>)
      tpu.yield
    }) : () -> ()
    %run_scoped3A_390 = arith.constant 2 : i32
    "tpu.region"() ({
      %run_scoped3A_509 = tpu.sem_alloc : memref<!tpu.dma_semaphore, #tpu.memory_space<semaphore_mem>>
      %dma_start3A_510 = tpu.memref_slice %arg4[%run_scoped3A_390, %add3A_41] : memref<4x4096xi32, #tpu.memory_space<hbm>> -> memref<1x128xi32, #tpu.memory_space<hbm>>
      %dma_start3A_511 = tpu.memref_squeeze %dma_start3A_510 : memref<1x128xi32, #tpu.memory_space<hbm>> -> memref<128xi32, #tpu.memory_space<hbm>>
      %dma_start3A_512 = tpu.memref_slice %arg4[%run_scoped3A_390, %add3A_41] : memref<4x4096xi32, #tpu.memory_space<hbm>> -> memref<1x128xi32, #tpu.memory_space<hbm>>
      %dma_start3A_513 = tpu.memref_squeeze %dma_start3A_512 : memref<1x128xi32, #tpu.memory_space<hbm>> -> memref<128xi32, #tpu.memory_space<hbm>>
      tpu.enqueue_dma source(%arg8 : memref<128xi32, #tpu.memory_space<vmem>>) target(%dma_start3A_513 : memref<128xi32, #tpu.memory_space<hbm>>) target_semaphore(%run_scoped3A_509 : memref<!tpu.dma_semaphore, #tpu.memory_space<semaphore_mem>>)
      %dma_wait3A = tpu.memref_slice %arg4[%run_scoped3A_390, %add3A_41] : memref<4x4096xi32, #tpu.memory_space<hbm>> -> memref<1x128xi32, #tpu.memory_space<hbm>>
      %dma_wait3A_514 = tpu.memref_squeeze %dma_wait3A : memref<1x128xi32, #tpu.memory_space<hbm>> -> memref<128xi32, #tpu.memory_space<hbm>>
      %dma_wait3A_515 = tpu.memref_slice %arg4[%run_scoped3A_390, %add3A_41] : memref<4x4096xi32, #tpu.memory_space<hbm>> -> memref<1x128xi32, #tpu.memory_space<hbm>>
      %dma_wait3A_516 = tpu.memref_squeeze %dma_wait3A_515 : memref<1x128xi32, #tpu.memory_space<hbm>> -> memref<128xi32, #tpu.memory_space<hbm>>
      tpu.wait_dma2 semaphore(%run_scoped3A_509 : memref<!tpu.dma_semaphore, #tpu.memory_space<semaphore_mem>>) src(%arg8 : memref<128xi32, #tpu.memory_space<vmem>>) dst(%dma_wait3A_516 : memref<128xi32, #tpu.memory_space<hbm>>)
      tpu.yield
    }) : () -> ()
    %add3A_391 = arith.constant 0 : i32
    %add3A_392 = arith.addi %mul3A_36, %add3A_391 : i32
    %dma_start3A_393 = arith.constant 3 : i32
    %dma_start3A_394 = tpu.memref_slice %arg2[%dma_start3A_393, %add3A_392, %add3A_34] : memref<4x8192x4096xf32, #tpu.memory_space<hbm>> -> memref<1x256x128xf32, #tpu.memory_space<hbm>>
    %dma_start3A_395 = tpu.memref_squeeze %dma_start3A_394 : memref<1x256x128xf32, #tpu.memory_space<hbm>> -> memref<256x128xf32, #tpu.memory_space<hbm>>
    %dma_start3A_396 = tpu.memref_slice %arg2[%dma_start3A_393, %add3A_392, %add3A_34] : memref<4x8192x4096xf32, #tpu.memory_space<hbm>> -> memref<1x256x128xf32, #tpu.memory_space<hbm>>
    %dma_start3A_397 = tpu.memref_squeeze %dma_start3A_396 : memref<1x256x128xf32, #tpu.memory_space<hbm>> -> memref<256x128xf32, #tpu.memory_space<hbm>>
    tpu.enqueue_dma source(%dma_start3A_397 : memref<256x128xf32, #tpu.memory_space<hbm>>) target(%arg5 : memref<256x128xf32, #tpu.memory_space<vmem>>) target_semaphore(%arg9 : memref<!tpu.dma_semaphore, #tpu.memory_space<semaphore_mem>>)
    %add3A_398 = arith.constant 256 : i32
    %add3A_399 = arith.addi %mul3A_36, %add3A_398 : i32
    %dma_start3A_400 = arith.constant 3 : i32
    %dma_start3A_401 = tpu.memref_slice %arg2[%dma_start3A_400, %add3A_399, %add3A_34] : memref<4x8192x4096xf32, #tpu.memory_space<hbm>> -> memref<1x256x128xf32, #tpu.memory_space<hbm>>
    %dma_start3A_402 = tpu.memref_squeeze %dma_start3A_401 : memref<1x256x128xf32, #tpu.memory_space<hbm>> -> memref<256x128xf32, #tpu.memory_space<hbm>>
    %dma_start3A_403 = tpu.memref_slice %arg2[%dma_start3A_400, %add3A_399, %add3A_34] : memref<4x8192x4096xf32, #tpu.memory_space<hbm>> -> memref<1x256x128xf32, #tpu.memory_space<hbm>>
    %dma_start3A_404 = tpu.memref_squeeze %dma_start3A_403 : memref<1x256x128xf32, #tpu.memory_space<hbm>> -> memref<256x128xf32, #tpu.memory_space<hbm>>
    tpu.enqueue_dma source(%dma_start3A_404 : memref<256x128xf32, #tpu.memory_space<hbm>>) target(%arg6 : memref<256x128xf32, #tpu.memory_space<vmem>>) target_semaphore(%arg10 : memref<!tpu.dma_semaphore, #tpu.memory_space<semaphore_mem>>)
    %broadcast_in_dim3A_405 = arith.constant 0x7F800000 : f32
    %broadcast_in_dim3A_406 = vector.broadcast %broadcast_in_dim3A_405 : f32 to vector<16xf32>
    %broadcast_in_dim3A_407 = arith.constant 0x7F800000 : f32
    %broadcast_in_dim3A_408 = vector.broadcast %broadcast_in_dim3A_407 : f32 to vector<16xf32>
    %broadcast_in_dim3A_409 = arith.constant 0x7F800000 : f32
    %broadcast_in_dim3A_410 = vector.broadcast %broadcast_in_dim3A_409 : f32 to vector<16xf32>
    %broadcast_in_dim3A_411 = arith.constant 0x7F800000 : f32
    %broadcast_in_dim3A_412 = vector.broadcast %broadcast_in_dim3A_411 : f32 to vector<16xf32>
    %broadcast_in_dim3A_413 = arith.constant 0x7F800000 : f32
    %broadcast_in_dim3A_414 = vector.broadcast %broadcast_in_dim3A_413 : f32 to vector<16xf32>
    %broadcast_in_dim3A_415 = arith.constant 0x7F800000 : f32
    %broadcast_in_dim3A_416 = vector.broadcast %broadcast_in_dim3A_415 : f32 to vector<16xf32>
    %broadcast_in_dim3A_417 = arith.constant 0x7F800000 : f32
    %broadcast_in_dim3A_418 = vector.broadcast %broadcast_in_dim3A_417 : f32 to vector<16xf32>
    %broadcast_in_dim3A_419 = arith.constant 0x7F800000 : f32
    %broadcast_in_dim3A_420 = vector.broadcast %broadcast_in_dim3A_419 : f32 to vector<16xf32>
    %broadcast_in_dim3A_421 = arith.constant 0 : i32
    %broadcast_in_dim3A_422 = vector.broadcast %broadcast_in_dim3A_421 : i32 to vector<16xi32>
    %broadcast_in_dim3A_423 = arith.constant 0 : i32
    %broadcast_in_dim3A_424 = vector.broadcast %broadcast_in_dim3A_423 : i32 to vector<16xi32>
    %broadcast_in_dim3A_425 = arith.constant 0 : i32
    %broadcast_in_dim3A_426 = vector.broadcast %broadcast_in_dim3A_425 : i32 to vector<16xi32>
    %broadcast_in_dim3A_427 = arith.constant 0 : i32
    %broadcast_in_dim3A_428 = vector.broadcast %broadcast_in_dim3A_427 : i32 to vector<16xi32>
    %broadcast_in_dim3A_429 = arith.constant 0 : i32
    %broadcast_in_dim3A_430 = vector.broadcast %broadcast_in_dim3A_429 : i32 to vector<16xi32>
    %broadcast_in_dim3A_431 = arith.constant 0 : i32
    %broadcast_in_dim3A_432 = vector.broadcast %broadcast_in_dim3A_431 : i32 to vector<16xi32>
    %broadcast_in_dim3A_433 = arith.constant 0 : i32
    %broadcast_in_dim3A_434 = vector.broadcast %broadcast_in_dim3A_433 : i32 to vector<16xi32>
    %broadcast_in_dim3A_435 = arith.constant 0 : i32
    %broadcast_in_dim3A_436 = vector.broadcast %broadcast_in_dim3A_435 : i32 to vector<16xi32>
    %scan3A_437 = arith.constant 0 : i32
    %scan3A_438 = arith.constant 4 : i32
    %scan3A_439 = arith.addi %scan3A_437, %scan3A_438 : i32
    %scan3A_440 = arith.constant 1 : i32
    %scan3A_441:16 = scf.for %scan3A_509 = %scan3A_437 to %scan3A_439 step %scan3A_440 iter_args(%scan3A_510 = %broadcast_in_dim3A_406, %scan3A_511 = %broadcast_in_dim3A_408, %scan3A_512 = %broadcast_in_dim3A_410, %scan3A_513 = %broadcast_in_dim3A_412, %scan3A_514 = %broadcast_in_dim3A_414, %scan3A_515 = %broadcast_in_dim3A_416, %scan3A_516 = %broadcast_in_dim3A_418, %scan3A_517 = %broadcast_in_dim3A_420, %scan3A_518 = %broadcast_in_dim3A_422, %scan3A_519 = %broadcast_in_dim3A_424, %scan3A_520 = %broadcast_in_dim3A_426, %scan3A_521 = %broadcast_in_dim3A_428, %scan3A_522 = %broadcast_in_dim3A_430, %scan3A_523 = %broadcast_in_dim3A_432, %scan3A_524 = %broadcast_in_dim3A_434, %scan3A_525 = %broadcast_in_dim3A_436) -> (vector<16xf32>, vector<16xf32>, vector<16xf32>, vector<16xf32>, vector<16xf32>, vector<16xf32>, vector<16xf32>, vector<16xf32>, vector<16xi32>, vector<16xi32>, vector<16xi32>, vector<16xi32>, vector<16xi32>, vector<16xi32>, vector<16xi32>, vector<16xi32>)  : i32 {
      %mul3A_526 = arith.constant 2 : i32
      %mul3A_527 = arith.muli %mul3A_526, %scan3A_509 : i32
      %mul3A_528 = arith.constant 256 : i32
      %mul3A_529 = arith.muli %mul3A_527, %mul3A_528 : i32
      %add3A_530 = arith.addi %mul3A_36, %mul3A_529 : i32
      %dma_wait3A = arith.constant 3 : i32
      %dma_wait3A_531 = tpu.memref_slice %arg2[%dma_wait3A, %add3A_530, %add3A_34] : memref<4x8192x4096xf32, #tpu.memory_space<hbm>> -> memref<1x256x128xf32, #tpu.memory_space<hbm>>
      %dma_wait3A_532 = tpu.memref_squeeze %dma_wait3A_531 : memref<1x256x128xf32, #tpu.memory_space<hbm>> -> memref<256x128xf32, #tpu.memory_space<hbm>>
      %dma_wait3A_533 = tpu.memref_slice %arg2[%dma_wait3A, %add3A_530, %add3A_34] : memref<4x8192x4096xf32, #tpu.memory_space<hbm>> -> memref<1x256x128xf32, #tpu.memory_space<hbm>>
      %dma_wait3A_534 = tpu.memref_squeeze %dma_wait3A_533 : memref<1x256x128xf32, #tpu.memory_space<hbm>> -> memref<256x128xf32, #tpu.memory_space<hbm>>
      tpu.wait_dma2 semaphore(%arg9 : memref<!tpu.dma_semaphore, #tpu.memory_space<semaphore_mem>>) src(%dma_wait3A_534 : memref<256x128xf32, #tpu.memory_space<hbm>>) dst(%arg5 : memref<256x128xf32, #tpu.memory_space<vmem>>)
      %mul3A_535 = arith.constant 2 : i32
      %mul3A_536 = arith.muli %mul3A_535, %scan3A_509 : i32
      %mul3A_537 = arith.constant 256 : i32
      %mul3A_538 = arith.muli %mul3A_536, %mul3A_537 : i32
      %add3A_539 = arith.addi %mul3A_36, %mul3A_538 : i32
      %scan3A_540 = arith.constant 0 : i32
      %scan3A_541 = arith.constant 256 : i32
      %scan3A_542 = arith.addi %scan3A_540, %scan3A_541 : i32
      %scan3A_543 = arith.constant 4 : i32
      %scan3A_544:16 = scf.for %scan3A_583 = %scan3A_540 to %scan3A_542 step %scan3A_543 iter_args(%scan3A_584 = %scan3A_510, %scan3A_585 = %scan3A_511, %scan3A_586 = %scan3A_512, %scan3A_587 = %scan3A_513, %scan3A_588 = %scan3A_514, %scan3A_589 = %scan3A_515, %scan3A_590 = %scan3A_516, %scan3A_591 = %scan3A_517, %scan3A_592 = %scan3A_518, %scan3A_593 = %scan3A_519, %scan3A_594 = %scan3A_520, %scan3A_595 = %scan3A_521, %scan3A_596 = %scan3A_522, %scan3A_597 = %scan3A_523, %scan3A_598 = %scan3A_524, %scan3A_599 = %scan3A_525) -> (vector<16xf32>, vector<16xf32>, vector<16xf32>, vector<16xf32>, vector<16xf32>, vector<16xf32>, vector<16xf32>, vector<16xf32>, vector<16xi32>, vector<16xi32>, vector<16xi32>, vector<16xi32>, vector<16xi32>, vector<16xi32>, vector<16xi32>, vector<16xi32>)  : i32 {
        %add3A_600 = arith.addi %add3A_539, %scan3A_583 : i32
        %broadcast_in_dim3A_601 = vector.broadcast %add3A_600 : i32 to vector<16xi32>
        %get3A = arith.index_cast %scan3A_583 : i32 to index
        %get3A_602 = arith.constant 0 : index
        %get3A_603 = tpu.vector_load %arg5[%get3A, %get3A_602] {strides = array<i32>} : memref<256x128xf32, #tpu.memory_space<vmem>>, vector<1x16xf32>,
        %get3A_604 = vector.shape_cast %get3A_603 : vector<1x16xf32> to vector<16xf32>
        %lt3A_605 = arith.cmpf olt, %get3A_604, %scan3A_584 : vector<16xf32>
        %select_n3A_606 = arith.select %lt3A_605, %get3A_604, %scan3A_584 : vector<16xi1>, vector<16xf32>
        %select_n3A_607 = arith.select %lt3A_605, %broadcast_in_dim3A_601, %scan3A_592 : vector<16xi1>, vector<16xi32>
        %get3A_608 = arith.index_cast %scan3A_583 : i32 to index
        %get3A_609 = arith.constant 16 : index
        %get3A_610 = tpu.vector_load %arg5[%get3A_608, %get3A_609] {strides = array<i32>} : memref<256x128xf32, #tpu.memory_space<vmem>>, vector<1x16xf32>,
        %get3A_611 = vector.shape_cast %get3A_610 : vector<1x16xf32> to vector<16xf32>
        %lt3A_612 = arith.cmpf olt, %get3A_611, %scan3A_585 : vector<16xf32>
        %select_n3A_613 = arith.select %lt3A_612, %get3A_611, %scan3A_585 : vector<16xi1>, vector<16xf32>
        %select_n3A_614 = arith.select %lt3A_612, %broadcast_in_dim3A_601, %scan3A_593 : vector<16xi1>, vector<16xi32>
        %get3A_615 = arith.index_cast %scan3A_583 : i32 to index
        %get3A_616 = arith.constant 32 : index
        %get3A_617 = tpu.vector_load %arg5[%get3A_615, %get3A_616] {strides = array<i32>} : memref<256x128xf32, #tpu.memory_space<vmem>>, vector<1x16xf32>,
        %get3A_618 = vector.shape_cast %get3A_617 : vector<1x16xf32> to vector<16xf32>
        %lt3A_619 = arith.cmpf olt, %get3A_618, %scan3A_586 : vector<16xf32>
        %select_n3A_620 = arith.select %lt3A_619, %get3A_618, %scan3A_586 : vector<16xi1>, vector<16xf32>
        %select_n3A_621 = arith.select %lt3A_619, %broadcast_in_dim3A_601, %scan3A_594 : vector<16xi1>, vector<16xi32>
        %get3A_622 = arith.index_cast %scan3A_583 : i32 to index
        %get3A_623 = arith.constant 48 : index
        %get3A_624 = tpu.vector_load %arg5[%get3A_622, %get3A_623] {strides = array<i32>} : memref<256x128xf32, #tpu.memory_space<vmem>>, vector<1x16xf32>,
        %get3A_625 = vector.shape_cast %get3A_624 : vector<1x16xf32> to vector<16xf32>
        %lt3A_626 = arith.cmpf olt, %get3A_625, %scan3A_587 : vector<16xf32>
        %select_n3A_627 = arith.select %lt3A_626, %get3A_625, %scan3A_587 : vector<16xi1>, vector<16xf32>
        %select_n3A_628 = arith.select %lt3A_626, %broadcast_in_dim3A_601, %scan3A_595 : vector<16xi1>, vector<16xi32>
        %get3A_629 = arith.index_cast %scan3A_583 : i32 to index
        %get3A_630 = arith.constant 64 : index
        %get3A_631 = tpu.vector_load %arg5[%get3A_629, %get3A_630] {strides = array<i32>} : memref<256x128xf32, #tpu.memory_space<vmem>>, vector<1x16xf32>,
        %get3A_632 = vector.shape_cast %get3A_631 : vector<1x16xf32> to vector<16xf32>
        %lt3A_633 = arith.cmpf olt, %get3A_632, %scan3A_588 : vector<16xf32>
        %select_n3A_634 = arith.select %lt3A_633, %get3A_632, %scan3A_588 : vector<16xi1>, vector<16xf32>
        %select_n3A_635 = arith.select %lt3A_633, %broadcast_in_dim3A_601, %scan3A_596 : vector<16xi1>, vector<16xi32>
        %get3A_636 = arith.index_cast %scan3A_583 : i32 to index
        %get3A_637 = arith.constant 80 : index
        %get3A_638 = tpu.vector_load %arg5[%get3A_636, %get3A_637] {strides = array<i32>} : memref<256x128xf32, #tpu.memory_space<vmem>>, vector<1x16xf32>,
        %get3A_639 = vector.shape_cast %get3A_638 : vector<1x16xf32> to vector<16xf32>
        %lt3A_640 = arith.cmpf olt, %get3A_639, %scan3A_589 : vector<16xf32>
        %select_n3A_641 = arith.select %lt3A_640, %get3A_639, %scan3A_589 : vector<16xi1>, vector<16xf32>
        %select_n3A_642 = arith.select %lt3A_640, %broadcast_in_dim3A_601, %scan3A_597 : vector<16xi1>, vector<16xi32>
        %get3A_643 = arith.index_cast %scan3A_583 : i32 to index
        %get3A_644 = arith.constant 96 : index
        %get3A_645 = tpu.vector_load %arg5[%get3A_643, %get3A_644] {strides = array<i32>} : memref<256x128xf32, #tpu.memory_space<vmem>>, vector<1x16xf32>,
        %get3A_646 = vector.shape_cast %get3A_645 : vector<1x16xf32> to vector<16xf32>
        %lt3A_647 = arith.cmpf olt, %get3A_646, %scan3A_590 : vector<16xf32>
        %select_n3A_648 = arith.select %lt3A_647, %get3A_646, %scan3A_590 : vector<16xi1>, vector<16xf32>
        %select_n3A_649 = arith.select %lt3A_647, %broadcast_in_dim3A_601, %scan3A_598 : vector<16xi1>, vector<16xi32>
        %get3A_650 = arith.index_cast %scan3A_583 : i32 to index
        %get3A_651 = arith.constant 112 : index
        %get3A_652 = tpu.vector_load %arg5[%get3A_650, %get3A_651] {strides = array<i32>} : memref<256x128xf32, #tpu.memory_space<vmem>>, vector<1x16xf32>,
        %get3A_653 = vector.shape_cast %get3A_652 : vector<1x16xf32> to vector<16xf32>
        %lt3A_654 = arith.cmpf olt, %get3A_653, %scan3A_591 : vector<16xf32>
        %select_n3A_655 = arith.select %lt3A_654, %get3A_653, %scan3A_591 : vector<16xi1>, vector<16xf32>
        %select_n3A_656 = arith.select %lt3A_654, %broadcast_in_dim3A_601, %scan3A_599 : vector<16xi1>, vector<16xi32>
        %scan3A_657 = arith.constant 1 : i32
        %scan3A_658 = arith.addi %scan3A_583, %scan3A_657 : i32
        %add3A_659 = arith.addi %add3A_539, %scan3A_658 : i32
        %broadcast_in_dim3A_660 = vector.broadcast %add3A_659 : i32 to vector<16xi32>
        %get3A_661 = arith.index_cast %scan3A_658 : i32 to index
        %get3A_662 = arith.constant 0 : index
        %get3A_663 = tpu.vector_load %arg5[%get3A_661, %get3A_662] {strides = array<i32>} : memref<256x128xf32, #tpu.memory_space<vmem>>, vector<1x16xf32>,
        %get3A_664 = vector.shape_cast %get3A_663 : vector<1x16xf32> to vector<16xf32>
        %lt3A_665 = arith.cmpf olt, %get3A_664, %select_n3A_606 : vector<16xf32>
        %select_n3A_666 = arith.select %lt3A_665, %get3A_664, %select_n3A_606 : vector<16xi1>, vector<16xf32>
        %select_n3A_667 = arith.select %lt3A_665, %broadcast_in_dim3A_660, %select_n3A_607 : vector<16xi1>, vector<16xi32>
        %get3A_668 = arith.index_cast %scan3A_658 : i32 to index
        %get3A_669 = arith.constant 16 : index
        %get3A_670 = tpu.vector_load %arg5[%get3A_668, %get3A_669] {strides = array<i32>} : memref<256x128xf32, #tpu.memory_space<vmem>>, vector<1x16xf32>,
        %get3A_671 = vector.shape_cast %get3A_670 : vector<1x16xf32> to vector<16xf32>
        %lt3A_672 = arith.cmpf olt, %get3A_671, %select_n3A_613 : vector<16xf32>
        %select_n3A_673 = arith.select %lt3A_672, %get3A_671, %select_n3A_613 : vector<16xi1>, vector<16xf32>
        %select_n3A_674 = arith.select %lt3A_672, %broadcast_in_dim3A_660, %select_n3A_614 : vector<16xi1>, vector<16xi32>
        %get3A_675 = arith.index_cast %scan3A_658 : i32 to index
        %get3A_676 = arith.constant 32 : index
        %get3A_677 = tpu.vector_load %arg5[%get3A_675, %get3A_676] {strides = array<i32>} : memref<256x128xf32, #tpu.memory_space<vmem>>, vector<1x16xf32>,
        %get3A_678 = vector.shape_cast %get3A_677 : vector<1x16xf32> to vector<16xf32>
        %lt3A_679 = arith.cmpf olt, %get3A_678, %select_n3A_620 : vector<16xf32>
        %select_n3A_680 = arith.select %lt3A_679, %get3A_678, %select_n3A_620 : vector<16xi1>, vector<16xf32>
        %select_n3A_681 = arith.select %lt3A_679, %broadcast_in_dim3A_660, %select_n3A_621 : vector<16xi1>, vector<16xi32>
        %get3A_682 = arith.index_cast %scan3A_658 : i32 to index
        %get3A_683 = arith.constant 48 : index
        %get3A_684 = tpu.vector_load %arg5[%get3A_682, %get3A_683] {strides = array<i32>} : memref<256x128xf32, #tpu.memory_space<vmem>>, vector<1x16xf32>,
        %get3A_685 = vector.shape_cast %get3A_684 : vector<1x16xf32> to vector<16xf32>
        %lt3A_686 = arith.cmpf olt, %get3A_685, %select_n3A_627 : vector<16xf32>
        %select_n3A_687 = arith.select %lt3A_686, %get3A_685, %select_n3A_627 : vector<16xi1>, vector<16xf32>
        %select_n3A_688 = arith.select %lt3A_686, %broadcast_in_dim3A_660, %select_n3A_628 : vector<16xi1>, vector<16xi32>
        %get3A_689 = arith.index_cast %scan3A_658 : i32 to index
        %get3A_690 = arith.constant 64 : index
        %get3A_691 = tpu.vector_load %arg5[%get3A_689, %get3A_690] {strides = array<i32>} : memref<256x128xf32, #tpu.memory_space<vmem>>, vector<1x16xf32>,
        %get3A_692 = vector.shape_cast %get3A_691 : vector<1x16xf32> to vector<16xf32>
        %lt3A_693 = arith.cmpf olt, %get3A_692, %select_n3A_634 : vector<16xf32>
        %select_n3A_694 = arith.select %lt3A_693, %get3A_692, %select_n3A_634 : vector<16xi1>, vector<16xf32>
        %select_n3A_695 = arith.select %lt3A_693, %broadcast_in_dim3A_660, %select_n3A_635 : vector<16xi1>, vector<16xi32>
        %get3A_696 = arith.index_cast %scan3A_658 : i32 to index
        %get3A_697 = arith.constant 80 : index
        %get3A_698 = tpu.vector_load %arg5[%get3A_696, %get3A_697] {strides = array<i32>} : memref<256x128xf32, #tpu.memory_space<vmem>>, vector<1x16xf32>,
        %get3A_699 = vector.shape_cast %get3A_698 : vector<1x16xf32> to vector<16xf32>
        %lt3A_700 = arith.cmpf olt, %get3A_699, %select_n3A_641 : vector<16xf32>
        %select_n3A_701 = arith.select %lt3A_700, %get3A_699, %select_n3A_641 : vector<16xi1>, vector<16xf32>
        %select_n3A_702 = arith.select %lt3A_700, %broadcast_in_dim3A_660, %select_n3A_642 : vector<16xi1>, vector<16xi32>
        %get3A_703 = arith.index_cast %scan3A_658 : i32 to index
        %get3A_704 = arith.constant 96 : index
        %get3A_705 = tpu.vector_load %arg5[%get3A_703, %get3A_704] {strides = array<i32>} : memref<256x128xf32, #tpu.memory_space<vmem>>, vector<1x16xf32>,
        %get3A_706 = vector.shape_cast %get3A_705 : vector<1x16xf32> to vector<16xf32>
        %lt3A_707 = arith.cmpf olt, %get3A_706, %select_n3A_648 : vector<16xf32>
        %select_n3A_708 = arith.select %lt3A_707, %get3A_706, %select_n3A_648 : vector<16xi1>, vector<16xf32>
        %select_n3A_709 = arith.select %lt3A_707, %broadcast_in_dim3A_660, %select_n3A_649 : vector<16xi1>, vector<16xi32>
        %get3A_710 = arith.index_cast %scan3A_658 : i32 to index
        %get3A_711 = arith.constant 112 : index
        %get3A_712 = tpu.vector_load %arg5[%get3A_710, %get3A_711] {strides = array<i32>} : memref<256x128xf32, #tpu.memory_space<vmem>>, vector<1x16xf32>,
        %get3A_713 = vector.shape_cast %get3A_712 : vector<1x16xf32> to vector<16xf32>
        %lt3A_714 = arith.cmpf olt, %get3A_713, %select_n3A_655 : vector<16xf32>
        %select_n3A_715 = arith.select %lt3A_714, %get3A_713, %select_n3A_655 : vector<16xi1>, vector<16xf32>
        %select_n3A_716 = arith.select %lt3A_714, %broadcast_in_dim3A_660, %select_n3A_656 : vector<16xi1>, vector<16xi32>
        %scan3A_717 = arith.constant 2 : i32
        %scan3A_718 = arith.addi %scan3A_583, %scan3A_717 : i32
        %add3A_719 = arith.addi %add3A_539, %scan3A_718 : i32
        %broadcast_in_dim3A_720 = vector.broadcast %add3A_719 : i32 to vector<16xi32>
        %get3A_721 = arith.index_cast %scan3A_718 : i32 to index
        %get3A_722 = arith.constant 0 : index
        %get3A_723 = tpu.vector_load %arg5[%get3A_721, %get3A_722] {strides = array<i32>} : memref<256x128xf32, #tpu.memory_space<vmem>>, vector<1x16xf32>,
        %get3A_724 = vector.shape_cast %get3A_723 : vector<1x16xf32> to vector<16xf32>
        %lt3A_725 = arith.cmpf olt, %get3A_724, %select_n3A_666 : vector<16xf32>
        %select_n3A_726 = arith.select %lt3A_725, %get3A_724, %select_n3A_666 : vector<16xi1>, vector<16xf32>
        %select_n3A_727 = arith.select %lt3A_725, %broadcast_in_dim3A_720, %select_n3A_667 : vector<16xi1>, vector<16xi32>
        %get3A_728 = arith.index_cast %scan3A_718 : i32 to index
        %get3A_729 = arith.constant 16 : index
        %get3A_730 = tpu.vector_load %arg5[%get3A_728, %get3A_729] {strides = array<i32>} : memref<256x128xf32, #tpu.memory_space<vmem>>, vector<1x16xf32>,
        %get3A_731 = vector.shape_cast %get3A_730 : vector<1x16xf32> to vector<16xf32>
        %lt3A_732 = arith.cmpf olt, %get3A_731, %select_n3A_673 : vector<16xf32>
        %select_n3A_733 = arith.select %lt3A_732, %get3A_731, %select_n3A_673 : vector<16xi1>, vector<16xf32>
        %select_n3A_734 = arith.select %lt3A_732, %broadcast_in_dim3A_720, %select_n3A_674 : vector<16xi1>, vector<16xi32>
        %get3A_735 = arith.index_cast %scan3A_718 : i32 to index
        %get3A_736 = arith.constant 32 : index
        %get3A_737 = tpu.vector_load %arg5[%get3A_735, %get3A_736] {strides = array<i32>} : memref<256x128xf32, #tpu.memory_space<vmem>>, vector<1x16xf32>,
        %get3A_738 = vector.shape_cast %get3A_737 : vector<1x16xf32> to vector<16xf32>
        %lt3A_739 = arith.cmpf olt, %get3A_738, %select_n3A_680 : vector<16xf32>
        %select_n3A_740 = arith.select %lt3A_739, %get3A_738, %select_n3A_680 : vector<16xi1>, vector<16xf32>
        %select_n3A_741 = arith.select %lt3A_739, %broadcast_in_dim3A_720, %select_n3A_681 : vector<16xi1>, vector<16xi32>
        %get3A_742 = arith.index_cast %scan3A_718 : i32 to index
        %get3A_743 = arith.constant 48 : index
        %get3A_744 = tpu.vector_load %arg5[%get3A_742, %get3A_743] {strides = array<i32>} : memref<256x128xf32, #tpu.memory_space<vmem>>, vector<1x16xf32>,
        %get3A_745 = vector.shape_cast %get3A_744 : vector<1x16xf32> to vector<16xf32>
        %lt3A_746 = arith.cmpf olt, %get3A_745, %select_n3A_687 : vector<16xf32>
        %select_n3A_747 = arith.select %lt3A_746, %get3A_745, %select_n3A_687 : vector<16xi1>, vector<16xf32>
        %select_n3A_748 = arith.select %lt3A_746, %broadcast_in_dim3A_720, %select_n3A_688 : vector<16xi1>, vector<16xi32>
        %get3A_749 = arith.index_cast %scan3A_718 : i32 to index
        %get3A_750 = arith.constant 64 : index
        %get3A_751 = tpu.vector_load %arg5[%get3A_749, %get3A_750] {strides = array<i32>} : memref<256x128xf32, #tpu.memory_space<vmem>>, vector<1x16xf32>,
        %get3A_752 = vector.shape_cast %get3A_751 : vector<1x16xf32> to vector<16xf32>
        %lt3A_753 = arith.cmpf olt, %get3A_752, %select_n3A_694 : vector<16xf32>
        %select_n3A_754 = arith.select %lt3A_753, %get3A_752, %select_n3A_694 : vector<16xi1>, vector<16xf32>
        %select_n3A_755 = arith.select %lt3A_753, %broadcast_in_dim3A_720, %select_n3A_695 : vector<16xi1>, vector<16xi32>
        %get3A_756 = arith.index_cast %scan3A_718 : i32 to index
        %get3A_757 = arith.constant 80 : index
        %get3A_758 = tpu.vector_load %arg5[%get3A_756, %get3A_757] {strides = array<i32>} : memref<256x128xf32, #tpu.memory_space<vmem>>, vector<1x16xf32>,
        %get3A_759 = vector.shape_cast %get3A_758 : vector<1x16xf32> to vector<16xf32>
        %lt3A_760 = arith.cmpf olt, %get3A_759, %select_n3A_701 : vector<16xf32>
        %select_n3A_761 = arith.select %lt3A_760, %get3A_759, %select_n3A_701 : vector<16xi1>, vector<16xf32>
        %select_n3A_762 = arith.select %lt3A_760, %broadcast_in_dim3A_720, %select_n3A_702 : vector<16xi1>, vector<16xi32>
        %get3A_763 = arith.index_cast %scan3A_718 : i32 to index
        %get3A_764 = arith.constant 96 : index
        %get3A_765 = tpu.vector_load %arg5[%get3A_763, %get3A_764] {strides = array<i32>} : memref<256x128xf32, #tpu.memory_space<vmem>>, vector<1x16xf32>,
        %get3A_766 = vector.shape_cast %get3A_765 : vector<1x16xf32> to vector<16xf32>
        %lt3A_767 = arith.cmpf olt, %get3A_766, %select_n3A_708 : vector<16xf32>
        %select_n3A_768 = arith.select %lt3A_767, %get3A_766, %select_n3A_708 : vector<16xi1>, vector<16xf32>
        %select_n3A_769 = arith.select %lt3A_767, %broadcast_in_dim3A_720, %select_n3A_709 : vector<16xi1>, vector<16xi32>
        %get3A_770 = arith.index_cast %scan3A_718 : i32 to index
        %get3A_771 = arith.constant 112 : index
        %get3A_772 = tpu.vector_load %arg5[%get3A_770, %get3A_771] {strides = array<i32>} : memref<256x128xf32, #tpu.memory_space<vmem>>, vector<1x16xf32>,
        %get3A_773 = vector.shape_cast %get3A_772 : vector<1x16xf32> to vector<16xf32>
        %lt3A_774 = arith.cmpf olt, %get3A_773, %select_n3A_715 : vector<16xf32>
        %select_n3A_775 = arith.select %lt3A_774, %get3A_773, %select_n3A_715 : vector<16xi1>, vector<16xf32>
        %select_n3A_776 = arith.select %lt3A_774, %broadcast_in_dim3A_720, %select_n3A_716 : vector<16xi1>, vector<16xi32>
        %scan3A_777 = arith.constant 3 : i32
        %scan3A_778 = arith.addi %scan3A_583, %scan3A_777 : i32
        %add3A_779 = arith.addi %add3A_539, %scan3A_778 : i32
        %broadcast_in_dim3A_780 = vector.broadcast %add3A_779 : i32 to vector<16xi32>
        %get3A_781 = arith.index_cast %scan3A_778 : i32 to index
        %get3A_782 = arith.constant 0 : index
        %get3A_783 = tpu.vector_load %arg5[%get3A_781, %get3A_782] {strides = array<i32>} : memref<256x128xf32, #tpu.memory_space<vmem>>, vector<1x16xf32>,
        %get3A_784 = vector.shape_cast %get3A_783 : vector<1x16xf32> to vector<16xf32>
        %lt3A_785 = arith.cmpf olt, %get3A_784, %select_n3A_726 : vector<16xf32>
        %select_n3A_786 = arith.select %lt3A_785, %get3A_784, %select_n3A_726 : vector<16xi1>, vector<16xf32>
        %select_n3A_787 = arith.select %lt3A_785, %broadcast_in_dim3A_780, %select_n3A_727 : vector<16xi1>, vector<16xi32>
        %get3A_788 = arith.index_cast %scan3A_778 : i32 to index
        %get3A_789 = arith.constant 16 : index
        %get3A_790 = tpu.vector_load %arg5[%get3A_788, %get3A_789] {strides = array<i32>} : memref<256x128xf32, #tpu.memory_space<vmem>>, vector<1x16xf32>,
        %get3A_791 = vector.shape_cast %get3A_790 : vector<1x16xf32> to vector<16xf32>
        %lt3A_792 = arith.cmpf olt, %get3A_791, %select_n3A_733 : vector<16xf32>
        %select_n3A_793 = arith.select %lt3A_792, %get3A_791, %select_n3A_733 : vector<16xi1>, vector<16xf32>
        %select_n3A_794 = arith.select %lt3A_792, %broadcast_in_dim3A_780, %select_n3A_734 : vector<16xi1>, vector<16xi32>
        %get3A_795 = arith.index_cast %scan3A_778 : i32 to index
        %get3A_796 = arith.constant 32 : index
        %get3A_797 = tpu.vector_load %arg5[%get3A_795, %get3A_796] {strides = array<i32>} : memref<256x128xf32, #tpu.memory_space<vmem>>, vector<1x16xf32>,
        %get3A_798 = vector.shape_cast %get3A_797 : vector<1x16xf32> to vector<16xf32>
        %lt3A_799 = arith.cmpf olt, %get3A_798, %select_n3A_740 : vector<16xf32>
        %select_n3A_800 = arith.select %lt3A_799, %get3A_798, %select_n3A_740 : vector<16xi1>, vector<16xf32>
        %select_n3A_801 = arith.select %lt3A_799, %broadcast_in_dim3A_780, %select_n3A_741 : vector<16xi1>, vector<16xi32>
        %get3A_802 = arith.index_cast %scan3A_778 : i32 to index
        %get3A_803 = arith.constant 48 : index
        %get3A_804 = tpu.vector_load %arg5[%get3A_802, %get3A_803] {strides = array<i32>} : memref<256x128xf32, #tpu.memory_space<vmem>>, vector<1x16xf32>,
        %get3A_805 = vector.shape_cast %get3A_804 : vector<1x16xf32> to vector<16xf32>
        %lt3A_806 = arith.cmpf olt, %get3A_805, %select_n3A_747 : vector<16xf32>
        %select_n3A_807 = arith.select %lt3A_806, %get3A_805, %select_n3A_747 : vector<16xi1>, vector<16xf32>
        %select_n3A_808 = arith.select %lt3A_806, %broadcast_in_dim3A_780, %select_n3A_748 : vector<16xi1>, vector<16xi32>
        %get3A_809 = arith.index_cast %scan3A_778 : i32 to index
        %get3A_810 = arith.constant 64 : index
        %get3A_811 = tpu.vector_load %arg5[%get3A_809, %get3A_810] {strides = array<i32>} : memref<256x128xf32, #tpu.memory_space<vmem>>, vector<1x16xf32>,
        %get3A_812 = vector.shape_cast %get3A_811 : vector<1x16xf32> to vector<16xf32>
        %lt3A_813 = arith.cmpf olt, %get3A_812, %select_n3A_754 : vector<16xf32>
        %select_n3A_814 = arith.select %lt3A_813, %get3A_812, %select_n3A_754 : vector<16xi1>, vector<16xf32>
        %select_n3A_815 = arith.select %lt3A_813, %broadcast_in_dim3A_780, %select_n3A_755 : vector<16xi1>, vector<16xi32>
        %get3A_816 = arith.index_cast %scan3A_778 : i32 to index
        %get3A_817 = arith.constant 80 : index
        %get3A_818 = tpu.vector_load %arg5[%get3A_816, %get3A_817] {strides = array<i32>} : memref<256x128xf32, #tpu.memory_space<vmem>>, vector<1x16xf32>,
        %get3A_819 = vector.shape_cast %get3A_818 : vector<1x16xf32> to vector<16xf32>
        %lt3A_820 = arith.cmpf olt, %get3A_819, %select_n3A_761 : vector<16xf32>
        %select_n3A_821 = arith.select %lt3A_820, %get3A_819, %select_n3A_761 : vector<16xi1>, vector<16xf32>
        %select_n3A_822 = arith.select %lt3A_820, %broadcast_in_dim3A_780, %select_n3A_762 : vector<16xi1>, vector<16xi32>
        %get3A_823 = arith.index_cast %scan3A_778 : i32 to index
        %get3A_824 = arith.constant 96 : index
        %get3A_825 = tpu.vector_load %arg5[%get3A_823, %get3A_824] {strides = array<i32>} : memref<256x128xf32, #tpu.memory_space<vmem>>, vector<1x16xf32>,
        %get3A_826 = vector.shape_cast %get3A_825 : vector<1x16xf32> to vector<16xf32>
        %lt3A_827 = arith.cmpf olt, %get3A_826, %select_n3A_768 : vector<16xf32>
        %select_n3A_828 = arith.select %lt3A_827, %get3A_826, %select_n3A_768 : vector<16xi1>, vector<16xf32>
        %select_n3A_829 = arith.select %lt3A_827, %broadcast_in_dim3A_780, %select_n3A_769 : vector<16xi1>, vector<16xi32>
        %get3A_830 = arith.index_cast %scan3A_778 : i32 to index
        %get3A_831 = arith.constant 112 : index
        %get3A_832 = tpu.vector_load %arg5[%get3A_830, %get3A_831] {strides = array<i32>} : memref<256x128xf32, #tpu.memory_space<vmem>>, vector<1x16xf32>,
        %get3A_833 = vector.shape_cast %get3A_832 : vector<1x16xf32> to vector<16xf32>
        %lt3A_834 = arith.cmpf olt, %get3A_833, %select_n3A_775 : vector<16xf32>
        %select_n3A_835 = arith.select %lt3A_834, %get3A_833, %select_n3A_775 : vector<16xi1>, vector<16xf32>
        %select_n3A_836 = arith.select %lt3A_834, %broadcast_in_dim3A_780, %select_n3A_776 : vector<16xi1>, vector<16xi32>
        scf.yield %select_n3A_786, %select_n3A_793, %select_n3A_800, %select_n3A_807, %select_n3A_814, %select_n3A_821, %select_n3A_828, %select_n3A_835, %select_n3A_787, %select_n3A_794, %select_n3A_801, %select_n3A_808, %select_n3A_815, %select_n3A_822, %select_n3A_829, %select_n3A_836 : vector<16xf32>, vector<16xf32>, vector<16xf32>, vector<16xf32>, vector<16xf32>, vector<16xf32>, vector<16xf32>, vector<16xf32>, vector<16xi32>, vector<16xi32>, vector<16xi32>, vector<16xi32>, vector<16xi32>, vector<16xi32>, vector<16xi32>, vector<16xi32>
      }
      %scan3A_545 = arith.constant 256 : i32
      %add3A_546 = arith.constant 1 : i32
      %add3A_547 = arith.addi %scan3A_509, %add3A_546 : i32
      %lt3A_548 = arith.constant 4 : i32
      %lt3A_549 = arith.cmpi slt, %add3A_547, %lt3A_548 : i32
      %convert_element_type3A = arith.extui %lt3A_549 : i1 to i32
      %cond3A = arith.constant 0 : i32
      %cond3A_550 = arith.cmpi ne, %convert_element_type3A, %cond3A : i32
      scf.if %cond3A_550 {
        %mul3A_583 = arith.constant 2 : i32
        %mul3A_584 = arith.muli %mul3A_583, %scan3A_509 : i32
        %add3A_585 = arith.constant 2 : i32
        %add3A_586 = arith.addi %mul3A_584, %add3A_585 : i32
        %mul3A_587 = arith.constant 256 : i32
        %mul3A_588 = arith.muli %add3A_586, %mul3A_587 : i32
        %add3A_589 = arith.addi %mul3A_36, %mul3A_588 : i32
        %dma_start3A_590 = arith.constant 3 : i32
        %dma_start3A_591 = tpu.memref_slice %arg2[%dma_start3A_590, %add3A_589, %add3A_34] : memref<4x8192x4096xf32, #tpu.memory_space<hbm>> -> memref<1x256x128xf32, #tpu.memory_space<hbm>>
        %dma_start3A_592 = tpu.memref_squeeze %dma_start3A_591 : memref<1x256x128xf32, #tpu.memory_space<hbm>> -> memref<256x128xf32, #tpu.memory_space<hbm>>
        %dma_start3A_593 = tpu.memref_slice %arg2[%dma_start3A_590, %add3A_589, %add3A_34] : memref<4x8192x4096xf32, #tpu.memory_space<hbm>> -> memref<1x256x128xf32, #tpu.memory_space<hbm>>
        %dma_start3A_594 = tpu.memref_squeeze %dma_start3A_593 : memref<1x256x128xf32, #tpu.memory_space<hbm>> -> memref<256x128xf32, #tpu.memory_space<hbm>>
        tpu.enqueue_dma source(%dma_start3A_594 : memref<256x128xf32, #tpu.memory_space<hbm>>) target(%arg5 : memref<256x128xf32, #tpu.memory_space<vmem>>) target_semaphore(%arg9 : memref<!tpu.dma_semaphore, #tpu.memory_space<semaphore_mem>>)
      } else {
      }
      %mul3A_551 = arith.constant 2 : i32
      %mul3A_552 = arith.muli %mul3A_551, %scan3A_509 : i32
      %add3A_553 = arith.constant 1 : i32
      %add3A_554 = arith.addi %mul3A_552, %add3A_553 : i32
      %mul3A_555 = arith.constant 256 : i32
      %mul3A_556 = arith.muli %add3A_554, %mul3A_555 : i32
      %add3A_557 = arith.addi %mul3A_36, %mul3A_556 : i32
      %dma_wait3A_558 = arith.constant 3 : i32
      %dma_wait3A_559 = tpu.memref_slice %arg2[%dma_wait3A_558, %add3A_557, %add3A_34] : memref<4x8192x4096xf32, #tpu.memory_space<hbm>> -> memref<1x256x128xf32, #tpu.memory_space<hbm>>
      %dma_wait3A_560 = tpu.memref_squeeze %dma_wait3A_559 : memref<1x256x128xf32, #tpu.memory_space<hbm>> -> memref<256x128xf32, #tpu.memory_space<hbm>>
      %dma_wait3A_561 = tpu.memref_slice %arg2[%dma_wait3A_558, %add3A_557, %add3A_34] : memref<4x8192x4096xf32, #tpu.memory_space<hbm>> -> memref<1x256x128xf32, #tpu.memory_space<hbm>>
      %dma_wait3A_562 = tpu.memref_squeeze %dma_wait3A_561 : memref<1x256x128xf32, #tpu.memory_space<hbm>> -> memref<256x128xf32, #tpu.memory_space<hbm>>
      tpu.wait_dma2 semaphore(%arg10 : memref<!tpu.dma_semaphore, #tpu.memory_space<semaphore_mem>>) src(%dma_wait3A_562 : memref<256x128xf32, #tpu.memory_space<hbm>>) dst(%arg6 : memref<256x128xf32, #tpu.memory_space<vmem>>)
      %mul3A_563 = arith.constant 2 : i32
      %mul3A_564 = arith.muli %mul3A_563, %scan3A_509 : i32
      %add3A_565 = arith.constant 1 : i32
      %add3A_566 = arith.addi %mul3A_564, %add3A_565 : i32
      %mul3A_567 = arith.constant 256 : i32
      %mul3A_568 = arith.muli %add3A_566, %mul3A_567 : i32
      %add3A_569 = arith.addi %mul3A_36, %mul3A_568 : i32
      %scan3A_570 = arith.constant 0 : i32
      %scan3A_571 = arith.constant 256 : i32
      %scan3A_572 = arith.addi %scan3A_570, %scan3A_571 : i32
      %scan3A_573 = arith.constant 4 : i32
      %scan3A_574:16 = scf.for %scan3A_583 = %scan3A_570 to %scan3A_572 step %scan3A_573 iter_args(%scan3A_584 = %scan3A_544#0, %scan3A_585 = %scan3A_544#1, %scan3A_586 = %scan3A_544#2, %scan3A_587 = %scan3A_544#3, %scan3A_588 = %scan3A_544#4, %scan3A_589 = %scan3A_544#5, %scan3A_590 = %scan3A_544#6, %scan3A_591 = %scan3A_544#7, %scan3A_592 = %scan3A_544#8, %scan3A_593 = %scan3A_544#9, %scan3A_594 = %scan3A_544#10, %scan3A_595 = %scan3A_544#11, %scan3A_596 = %scan3A_544#12, %scan3A_597 = %scan3A_544#13, %scan3A_598 = %scan3A_544#14, %scan3A_599 = %scan3A_544#15) -> (vector<16xf32>, vector<16xf32>, vector<16xf32>, vector<16xf32>, vector<16xf32>, vector<16xf32>, vector<16xf32>, vector<16xf32>, vector<16xi32>, vector<16xi32>, vector<16xi32>, vector<16xi32>, vector<16xi32>, vector<16xi32>, vector<16xi32>, vector<16xi32>)  : i32 {
        %add3A_600 = arith.addi %add3A_569, %scan3A_583 : i32
        %broadcast_in_dim3A_601 = vector.broadcast %add3A_600 : i32 to vector<16xi32>
        %get3A = arith.index_cast %scan3A_583 : i32 to index
        %get3A_602 = arith.constant 0 : index
        %get3A_603 = tpu.vector_load %arg6[%get3A, %get3A_602] {strides = array<i32>} : memref<256x128xf32, #tpu.memory_space<vmem>>, vector<1x16xf32>,
        %get3A_604 = vector.shape_cast %get3A_603 : vector<1x16xf32> to vector<16xf32>
        %lt3A_605 = arith.cmpf olt, %get3A_604, %scan3A_584 : vector<16xf32>
        %select_n3A_606 = arith.select %lt3A_605, %get3A_604, %scan3A_584 : vector<16xi1>, vector<16xf32>
        %select_n3A_607 = arith.select %lt3A_605, %broadcast_in_dim3A_601, %scan3A_592 : vector<16xi1>, vector<16xi32>
        %get3A_608 = arith.index_cast %scan3A_583 : i32 to index
        %get3A_609 = arith.constant 16 : index
        %get3A_610 = tpu.vector_load %arg6[%get3A_608, %get3A_609] {strides = array<i32>} : memref<256x128xf32, #tpu.memory_space<vmem>>, vector<1x16xf32>,
        %get3A_611 = vector.shape_cast %get3A_610 : vector<1x16xf32> to vector<16xf32>
        %lt3A_612 = arith.cmpf olt, %get3A_611, %scan3A_585 : vector<16xf32>
        %select_n3A_613 = arith.select %lt3A_612, %get3A_611, %scan3A_585 : vector<16xi1>, vector<16xf32>
        %select_n3A_614 = arith.select %lt3A_612, %broadcast_in_dim3A_601, %scan3A_593 : vector<16xi1>, vector<16xi32>
        %get3A_615 = arith.index_cast %scan3A_583 : i32 to index
        %get3A_616 = arith.constant 32 : index
        %get3A_617 = tpu.vector_load %arg6[%get3A_615, %get3A_616] {strides = array<i32>} : memref<256x128xf32, #tpu.memory_space<vmem>>, vector<1x16xf32>,
        %get3A_618 = vector.shape_cast %get3A_617 : vector<1x16xf32> to vector<16xf32>
        %lt3A_619 = arith.cmpf olt, %get3A_618, %scan3A_586 : vector<16xf32>
        %select_n3A_620 = arith.select %lt3A_619, %get3A_618, %scan3A_586 : vector<16xi1>, vector<16xf32>
        %select_n3A_621 = arith.select %lt3A_619, %broadcast_in_dim3A_601, %scan3A_594 : vector<16xi1>, vector<16xi32>
        %get3A_622 = arith.index_cast %scan3A_583 : i32 to index
        %get3A_623 = arith.constant 48 : index
        %get3A_624 = tpu.vector_load %arg6[%get3A_622, %get3A_623] {strides = array<i32>} : memref<256x128xf32, #tpu.memory_space<vmem>>, vector<1x16xf32>,
        %get3A_625 = vector.shape_cast %get3A_624 : vector<1x16xf32> to vector<16xf32>
        %lt3A_626 = arith.cmpf olt, %get3A_625, %scan3A_587 : vector<16xf32>
        %select_n3A_627 = arith.select %lt3A_626, %get3A_625, %scan3A_587 : vector<16xi1>, vector<16xf32>
        %select_n3A_628 = arith.select %lt3A_626, %broadcast_in_dim3A_601, %scan3A_595 : vector<16xi1>, vector<16xi32>
        %get3A_629 = arith.index_cast %scan3A_583 : i32 to index
        %get3A_630 = arith.constant 64 : index
        %get3A_631 = tpu.vector_load %arg6[%get3A_629, %get3A_630] {strides = array<i32>} : memref<256x128xf32, #tpu.memory_space<vmem>>, vector<1x16xf32>,
        %get3A_632 = vector.shape_cast %get3A_631 : vector<1x16xf32> to vector<16xf32>
        %lt3A_633 = arith.cmpf olt, %get3A_632, %scan3A_588 : vector<16xf32>
        %select_n3A_634 = arith.select %lt3A_633, %get3A_632, %scan3A_588 : vector<16xi1>, vector<16xf32>
        %select_n3A_635 = arith.select %lt3A_633, %broadcast_in_dim3A_601, %scan3A_596 : vector<16xi1>, vector<16xi32>
        %get3A_636 = arith.index_cast %scan3A_583 : i32 to index
        %get3A_637 = arith.constant 80 : index
        %get3A_638 = tpu.vector_load %arg6[%get3A_636, %get3A_637] {strides = array<i32>} : memref<256x128xf32, #tpu.memory_space<vmem>>, vector<1x16xf32>,
        %get3A_639 = vector.shape_cast %get3A_638 : vector<1x16xf32> to vector<16xf32>
        %lt3A_640 = arith.cmpf olt, %get3A_639, %scan3A_589 : vector<16xf32>
        %select_n3A_641 = arith.select %lt3A_640, %get3A_639, %scan3A_589 : vector<16xi1>, vector<16xf32>
        %select_n3A_642 = arith.select %lt3A_640, %broadcast_in_dim3A_601, %scan3A_597 : vector<16xi1>, vector<16xi32>
        %get3A_643 = arith.index_cast %scan3A_583 : i32 to index
        %get3A_644 = arith.constant 96 : index
        %get3A_645 = tpu.vector_load %arg6[%get3A_643, %get3A_644] {strides = array<i32>} : memref<256x128xf32, #tpu.memory_space<vmem>>, vector<1x16xf32>,
        %get3A_646 = vector.shape_cast %get3A_645 : vector<1x16xf32> to vector<16xf32>
        %lt3A_647 = arith.cmpf olt, %get3A_646, %scan3A_590 : vector<16xf32>
        %select_n3A_648 = arith.select %lt3A_647, %get3A_646, %scan3A_590 : vector<16xi1>, vector<16xf32>
        %select_n3A_649 = arith.select %lt3A_647, %broadcast_in_dim3A_601, %scan3A_598 : vector<16xi1>, vector<16xi32>
        %get3A_650 = arith.index_cast %scan3A_583 : i32 to index
        %get3A_651 = arith.constant 112 : index
        %get3A_652 = tpu.vector_load %arg6[%get3A_650, %get3A_651] {strides = array<i32>} : memref<256x128xf32, #tpu.memory_space<vmem>>, vector<1x16xf32>,
        %get3A_653 = vector.shape_cast %get3A_652 : vector<1x16xf32> to vector<16xf32>
        %lt3A_654 = arith.cmpf olt, %get3A_653, %scan3A_591 : vector<16xf32>
        %select_n3A_655 = arith.select %lt3A_654, %get3A_653, %scan3A_591 : vector<16xi1>, vector<16xf32>
        %select_n3A_656 = arith.select %lt3A_654, %broadcast_in_dim3A_601, %scan3A_599 : vector<16xi1>, vector<16xi32>
        %scan3A_657 = arith.constant 1 : i32
        %scan3A_658 = arith.addi %scan3A_583, %scan3A_657 : i32
        %add3A_659 = arith.addi %add3A_569, %scan3A_658 : i32
        %broadcast_in_dim3A_660 = vector.broadcast %add3A_659 : i32 to vector<16xi32>
        %get3A_661 = arith.index_cast %scan3A_658 : i32 to index
        %get3A_662 = arith.constant 0 : index
        %get3A_663 = tpu.vector_load %arg6[%get3A_661, %get3A_662] {strides = array<i32>} : memref<256x128xf32, #tpu.memory_space<vmem>>, vector<1x16xf32>,
        %get3A_664 = vector.shape_cast %get3A_663 : vector<1x16xf32> to vector<16xf32>
        %lt3A_665 = arith.cmpf olt, %get3A_664, %select_n3A_606 : vector<16xf32>
        %select_n3A_666 = arith.select %lt3A_665, %get3A_664, %select_n3A_606 : vector<16xi1>, vector<16xf32>
        %select_n3A_667 = arith.select %lt3A_665, %broadcast_in_dim3A_660, %select_n3A_607 : vector<16xi1>, vector<16xi32>
        %get3A_668 = arith.index_cast %scan3A_658 : i32 to index
        %get3A_669 = arith.constant 16 : index
        %get3A_670 = tpu.vector_load %arg6[%get3A_668, %get3A_669] {strides = array<i32>} : memref<256x128xf32, #tpu.memory_space<vmem>>, vector<1x16xf32>,
        %get3A_671 = vector.shape_cast %get3A_670 : vector<1x16xf32> to vector<16xf32>
        %lt3A_672 = arith.cmpf olt, %get3A_671, %select_n3A_613 : vector<16xf32>
        %select_n3A_673 = arith.select %lt3A_672, %get3A_671, %select_n3A_613 : vector<16xi1>, vector<16xf32>
        %select_n3A_674 = arith.select %lt3A_672, %broadcast_in_dim3A_660, %select_n3A_614 : vector<16xi1>, vector<16xi32>
        %get3A_675 = arith.index_cast %scan3A_658 : i32 to index
        %get3A_676 = arith.constant 32 : index
        %get3A_677 = tpu.vector_load %arg6[%get3A_675, %get3A_676] {strides = array<i32>} : memref<256x128xf32, #tpu.memory_space<vmem>>, vector<1x16xf32>,
        %get3A_678 = vector.shape_cast %get3A_677 : vector<1x16xf32> to vector<16xf32>
        %lt3A_679 = arith.cmpf olt, %get3A_678, %select_n3A_620 : vector<16xf32>
        %select_n3A_680 = arith.select %lt3A_679, %get3A_678, %select_n3A_620 : vector<16xi1>, vector<16xf32>
        %select_n3A_681 = arith.select %lt3A_679, %broadcast_in_dim3A_660, %select_n3A_621 : vector<16xi1>, vector<16xi32>
        %get3A_682 = arith.index_cast %scan3A_658 : i32 to index
        %get3A_683 = arith.constant 48 : index
        %get3A_684 = tpu.vector_load %arg6[%get3A_682, %get3A_683] {strides = array<i32>} : memref<256x128xf32, #tpu.memory_space<vmem>>, vector<1x16xf32>,
        %get3A_685 = vector.shape_cast %get3A_684 : vector<1x16xf32> to vector<16xf32>
        %lt3A_686 = arith.cmpf olt, %get3A_685, %select_n3A_627 : vector<16xf32>
        %select_n3A_687 = arith.select %lt3A_686, %get3A_685, %select_n3A_627 : vector<16xi1>, vector<16xf32>
        %select_n3A_688 = arith.select %lt3A_686, %broadcast_in_dim3A_660, %select_n3A_628 : vector<16xi1>, vector<16xi32>
        %get3A_689 = arith.index_cast %scan3A_658 : i32 to index
        %get3A_690 = arith.constant 64 : index
        %get3A_691 = tpu.vector_load %arg6[%get3A_689, %get3A_690] {strides = array<i32>} : memref<256x128xf32, #tpu.memory_space<vmem>>, vector<1x16xf32>,
        %get3A_692 = vector.shape_cast %get3A_691 : vector<1x16xf32> to vector<16xf32>
        %lt3A_693 = arith.cmpf olt, %get3A_692, %select_n3A_634 : vector<16xf32>
        %select_n3A_694 = arith.select %lt3A_693, %get3A_692, %select_n3A_634 : vector<16xi1>, vector<16xf32>
        %select_n3A_695 = arith.select %lt3A_693, %broadcast_in_dim3A_660, %select_n3A_635 : vector<16xi1>, vector<16xi32>
        %get3A_696 = arith.index_cast %scan3A_658 : i32 to index
        %get3A_697 = arith.constant 80 : index
        %get3A_698 = tpu.vector_load %arg6[%get3A_696, %get3A_697] {strides = array<i32>} : memref<256x128xf32, #tpu.memory_space<vmem>>, vector<1x16xf32>,
        %get3A_699 = vector.shape_cast %get3A_698 : vector<1x16xf32> to vector<16xf32>
        %lt3A_700 = arith.cmpf olt, %get3A_699, %select_n3A_641 : vector<16xf32>
        %select_n3A_701 = arith.select %lt3A_700, %get3A_699, %select_n3A_641 : vector<16xi1>, vector<16xf32>
        %select_n3A_702 = arith.select %lt3A_700, %broadcast_in_dim3A_660, %select_n3A_642 : vector<16xi1>, vector<16xi32>
        %get3A_703 = arith.index_cast %scan3A_658 : i32 to index
        %get3A_704 = arith.constant 96 : index
        %get3A_705 = tpu.vector_load %arg6[%get3A_703, %get3A_704] {strides = array<i32>} : memref<256x128xf32, #tpu.memory_space<vmem>>, vector<1x16xf32>,
        %get3A_706 = vector.shape_cast %get3A_705 : vector<1x16xf32> to vector<16xf32>
        %lt3A_707 = arith.cmpf olt, %get3A_706, %select_n3A_648 : vector<16xf32>
        %select_n3A_708 = arith.select %lt3A_707, %get3A_706, %select_n3A_648 : vector<16xi1>, vector<16xf32>
        %select_n3A_709 = arith.select %lt3A_707, %broadcast_in_dim3A_660, %select_n3A_649 : vector<16xi1>, vector<16xi32>
        %get3A_710 = arith.index_cast %scan3A_658 : i32 to index
        %get3A_711 = arith.constant 112 : index
        %get3A_712 = tpu.vector_load %arg6[%get3A_710, %get3A_711] {strides = array<i32>} : memref<256x128xf32, #tpu.memory_space<vmem>>, vector<1x16xf32>,
        %get3A_713 = vector.shape_cast %get3A_712 : vector<1x16xf32> to vector<16xf32>
        %lt3A_714 = arith.cmpf olt, %get3A_713, %select_n3A_655 : vector<16xf32>
        %select_n3A_715 = arith.select %lt3A_714, %get3A_713, %select_n3A_655 : vector<16xi1>, vector<16xf32>
        %select_n3A_716 = arith.select %lt3A_714, %broadcast_in_dim3A_660, %select_n3A_656 : vector<16xi1>, vector<16xi32>
        %scan3A_717 = arith.constant 2 : i32
        %scan3A_718 = arith.addi %scan3A_583, %scan3A_717 : i32
        %add3A_719 = arith.addi %add3A_569, %scan3A_718 : i32
        %broadcast_in_dim3A_720 = vector.broadcast %add3A_719 : i32 to vector<16xi32>
        %get3A_721 = arith.index_cast %scan3A_718 : i32 to index
        %get3A_722 = arith.constant 0 : index
        %get3A_723 = tpu.vector_load %arg6[%get3A_721, %get3A_722] {strides = array<i32>} : memref<256x128xf32, #tpu.memory_space<vmem>>, vector<1x16xf32>,
        %get3A_724 = vector.shape_cast %get3A_723 : vector<1x16xf32> to vector<16xf32>
        %lt3A_725 = arith.cmpf olt, %get3A_724, %select_n3A_666 : vector<16xf32>
        %select_n3A_726 = arith.select %lt3A_725, %get3A_724, %select_n3A_666 : vector<16xi1>, vector<16xf32>
        %select_n3A_727 = arith.select %lt3A_725, %broadcast_in_dim3A_720, %select_n3A_667 : vector<16xi1>, vector<16xi32>
        %get3A_728 = arith.index_cast %scan3A_718 : i32 to index
        %get3A_729 = arith.constant 16 : index
        %get3A_730 = tpu.vector_load %arg6[%get3A_728, %get3A_729] {strides = array<i32>} : memref<256x128xf32, #tpu.memory_space<vmem>>, vector<1x16xf32>,
        %get3A_731 = vector.shape_cast %get3A_730 : vector<1x16xf32> to vector<16xf32>
        %lt3A_732 = arith.cmpf olt, %get3A_731, %select_n3A_673 : vector<16xf32>
        %select_n3A_733 = arith.select %lt3A_732, %get3A_731, %select_n3A_673 : vector<16xi1>, vector<16xf32>
        %select_n3A_734 = arith.select %lt3A_732, %broadcast_in_dim3A_720, %select_n3A_674 : vector<16xi1>, vector<16xi32>
        %get3A_735 = arith.index_cast %scan3A_718 : i32 to index
        %get3A_736 = arith.constant 32 : index
        %get3A_737 = tpu.vector_load %arg6[%get3A_735, %get3A_736] {strides = array<i32>} : memref<256x128xf32, #tpu.memory_space<vmem>>, vector<1x16xf32>,
        %get3A_738 = vector.shape_cast %get3A_737 : vector<1x16xf32> to vector<16xf32>
        %lt3A_739 = arith.cmpf olt, %get3A_738, %select_n3A_680 : vector<16xf32>
        %select_n3A_740 = arith.select %lt3A_739, %get3A_738, %select_n3A_680 : vector<16xi1>, vector<16xf32>
        %select_n3A_741 = arith.select %lt3A_739, %broadcast_in_dim3A_720, %select_n3A_681 : vector<16xi1>, vector<16xi32>
        %get3A_742 = arith.index_cast %scan3A_718 : i32 to index
        %get3A_743 = arith.constant 48 : index
        %get3A_744 = tpu.vector_load %arg6[%get3A_742, %get3A_743] {strides = array<i32>} : memref<256x128xf32, #tpu.memory_space<vmem>>, vector<1x16xf32>,
        %get3A_745 = vector.shape_cast %get3A_744 : vector<1x16xf32> to vector<16xf32>
        %lt3A_746 = arith.cmpf olt, %get3A_745, %select_n3A_687 : vector<16xf32>
        %select_n3A_747 = arith.select %lt3A_746, %get3A_745, %select_n3A_687 : vector<16xi1>, vector<16xf32>
        %select_n3A_748 = arith.select %lt3A_746, %broadcast_in_dim3A_720, %select_n3A_688 : vector<16xi1>, vector<16xi32>
        %get3A_749 = arith.index_cast %scan3A_718 : i32 to index
        %get3A_750 = arith.constant 64 : index
        %get3A_751 = tpu.vector_load %arg6[%get3A_749, %get3A_750] {strides = array<i32>} : memref<256x128xf32, #tpu.memory_space<vmem>>, vector<1x16xf32>,
        %get3A_752 = vector.shape_cast %get3A_751 : vector<1x16xf32> to vector<16xf32>
        %lt3A_753 = arith.cmpf olt, %get3A_752, %select_n3A_694 : vector<16xf32>
        %select_n3A_754 = arith.select %lt3A_753, %get3A_752, %select_n3A_694 : vector<16xi1>, vector<16xf32>
        %select_n3A_755 = arith.select %lt3A_753, %broadcast_in_dim3A_720, %select_n3A_695 : vector<16xi1>, vector<16xi32>
        %get3A_756 = arith.index_cast %scan3A_718 : i32 to index
        %get3A_757 = arith.constant 80 : index
        %get3A_758 = tpu.vector_load %arg6[%get3A_756, %get3A_757] {strides = array<i32>} : memref<256x128xf32, #tpu.memory_space<vmem>>, vector<1x16xf32>,
        %get3A_759 = vector.shape_cast %get3A_758 : vector<1x16xf32> to vector<16xf32>
        %lt3A_760 = arith.cmpf olt, %get3A_759, %select_n3A_701 : vector<16xf32>
        %select_n3A_761 = arith.select %lt3A_760, %get3A_759, %select_n3A_701 : vector<16xi1>, vector<16xf32>
        %select_n3A_762 = arith.select %lt3A_760, %broadcast_in_dim3A_720, %select_n3A_702 : vector<16xi1>, vector<16xi32>
        %get3A_763 = arith.index_cast %scan3A_718 : i32 to index
        %get3A_764 = arith.constant 96 : index
        %get3A_765 = tpu.vector_load %arg6[%get3A_763, %get3A_764] {strides = array<i32>} : memref<256x128xf32, #tpu.memory_space<vmem>>, vector<1x16xf32>,
        %get3A_766 = vector.shape_cast %get3A_765 : vector<1x16xf32> to vector<16xf32>
        %lt3A_767 = arith.cmpf olt, %get3A_766, %select_n3A_708 : vector<16xf32>
        %select_n3A_768 = arith.select %lt3A_767, %get3A_766, %select_n3A_708 : vector<16xi1>, vector<16xf32>
        %select_n3A_769 = arith.select %lt3A_767, %broadcast_in_dim3A_720, %select_n3A_709 : vector<16xi1>, vector<16xi32>
        %get3A_770 = arith.index_cast %scan3A_718 : i32 to index
        %get3A_771 = arith.constant 112 : index
        %get3A_772 = tpu.vector_load %arg6[%get3A_770, %get3A_771] {strides = array<i32>} : memref<256x128xf32, #tpu.memory_space<vmem>>, vector<1x16xf32>,
        %get3A_773 = vector.shape_cast %get3A_772 : vector<1x16xf32> to vector<16xf32>
        %lt3A_774 = arith.cmpf olt, %get3A_773, %select_n3A_715 : vector<16xf32>
        %select_n3A_775 = arith.select %lt3A_774, %get3A_773, %select_n3A_715 : vector<16xi1>, vector<16xf32>
        %select_n3A_776 = arith.select %lt3A_774, %broadcast_in_dim3A_720, %select_n3A_716 : vector<16xi1>, vector<16xi32>
        %scan3A_777 = arith.constant 3 : i32
        %scan3A_778 = arith.addi %scan3A_583, %scan3A_777 : i32
        %add3A_779 = arith.addi %add3A_569, %scan3A_778 : i32
        %broadcast_in_dim3A_780 = vector.broadcast %add3A_779 : i32 to vector<16xi32>
        %get3A_781 = arith.index_cast %scan3A_778 : i32 to index
        %get3A_782 = arith.constant 0 : index
        %get3A_783 = tpu.vector_load %arg6[%get3A_781, %get3A_782] {strides = array<i32>} : memref<256x128xf32, #tpu.memory_space<vmem>>, vector<1x16xf32>,
        %get3A_784 = vector.shape_cast %get3A_783 : vector<1x16xf32> to vector<16xf32>
        %lt3A_785 = arith.cmpf olt, %get3A_784, %select_n3A_726 : vector<16xf32>
        %select_n3A_786 = arith.select %lt3A_785, %get3A_784, %select_n3A_726 : vector<16xi1>, vector<16xf32>
        %select_n3A_787 = arith.select %lt3A_785, %broadcast_in_dim3A_780, %select_n3A_727 : vector<16xi1>, vector<16xi32>
        %get3A_788 = arith.index_cast %scan3A_778 : i32 to index
        %get3A_789 = arith.constant 16 : index
        %get3A_790 = tpu.vector_load %arg6[%get3A_788, %get3A_789] {strides = array<i32>} : memref<256x128xf32, #tpu.memory_space<vmem>>, vector<1x16xf32>,
        %get3A_791 = vector.shape_cast %get3A_790 : vector<1x16xf32> to vector<16xf32>
        %lt3A_792 = arith.cmpf olt, %get3A_791, %select_n3A_733 : vector<16xf32>
        %select_n3A_793 = arith.select %lt3A_792, %get3A_791, %select_n3A_733 : vector<16xi1>, vector<16xf32>
        %select_n3A_794 = arith.select %lt3A_792, %broadcast_in_dim3A_780, %select_n3A_734 : vector<16xi1>, vector<16xi32>
        %get3A_795 = arith.index_cast %scan3A_778 : i32 to index
        %get3A_796 = arith.constant 32 : index
        %get3A_797 = tpu.vector_load %arg6[%get3A_795, %get3A_796] {strides = array<i32>} : memref<256x128xf32, #tpu.memory_space<vmem>>, vector<1x16xf32>,
        %get3A_798 = vector.shape_cast %get3A_797 : vector<1x16xf32> to vector<16xf32>
        %lt3A_799 = arith.cmpf olt, %get3A_798, %select_n3A_740 : vector<16xf32>
        %select_n3A_800 = arith.select %lt3A_799, %get3A_798, %select_n3A_740 : vector<16xi1>, vector<16xf32>
        %select_n3A_801 = arith.select %lt3A_799, %broadcast_in_dim3A_780, %select_n3A_741 : vector<16xi1>, vector<16xi32>
        %get3A_802 = arith.index_cast %scan3A_778 : i32 to index
        %get3A_803 = arith.constant 48 : index
        %get3A_804 = tpu.vector_load %arg6[%get3A_802, %get3A_803] {strides = array<i32>} : memref<256x128xf32, #tpu.memory_space<vmem>>, vector<1x16xf32>,
        %get3A_805 = vector.shape_cast %get3A_804 : vector<1x16xf32> to vector<16xf32>
        %lt3A_806 = arith.cmpf olt, %get3A_805, %select_n3A_747 : vector<16xf32>
        %select_n3A_807 = arith.select %lt3A_806, %get3A_805, %select_n3A_747 : vector<16xi1>, vector<16xf32>
        %select_n3A_808 = arith.select %lt3A_806, %broadcast_in_dim3A_780, %select_n3A_748 : vector<16xi1>, vector<16xi32>
        %get3A_809 = arith.index_cast %scan3A_778 : i32 to index
        %get3A_810 = arith.constant 64 : index
        %get3A_811 = tpu.vector_load %arg6[%get3A_809, %get3A_810] {strides = array<i32>} : memref<256x128xf32, #tpu.memory_space<vmem>>, vector<1x16xf32>,
        %get3A_812 = vector.shape_cast %get3A_811 : vector<1x16xf32> to vector<16xf32>
        %lt3A_813 = arith.cmpf olt, %get3A_812, %select_n3A_754 : vector<16xf32>
        %select_n3A_814 = arith.select %lt3A_813, %get3A_812, %select_n3A_754 : vector<16xi1>, vector<16xf32>
        %select_n3A_815 = arith.select %lt3A_813, %broadcast_in_dim3A_780, %select_n3A_755 : vector<16xi1>, vector<16xi32>
        %get3A_816 = arith.index_cast %scan3A_778 : i32 to index
        %get3A_817 = arith.constant 80 : index
        %get3A_818 = tpu.vector_load %arg6[%get3A_816, %get3A_817] {strides = array<i32>} : memref<256x128xf32, #tpu.memory_space<vmem>>, vector<1x16xf32>,
        %get3A_819 = vector.shape_cast %get3A_818 : vector<1x16xf32> to vector<16xf32>
        %lt3A_820 = arith.cmpf olt, %get3A_819, %select_n3A_761 : vector<16xf32>
        %select_n3A_821 = arith.select %lt3A_820, %get3A_819, %select_n3A_761 : vector<16xi1>, vector<16xf32>
        %select_n3A_822 = arith.select %lt3A_820, %broadcast_in_dim3A_780, %select_n3A_762 : vector<16xi1>, vector<16xi32>
        %get3A_823 = arith.index_cast %scan3A_778 : i32 to index
        %get3A_824 = arith.constant 96 : index
        %get3A_825 = tpu.vector_load %arg6[%get3A_823, %get3A_824] {strides = array<i32>} : memref<256x128xf32, #tpu.memory_space<vmem>>, vector<1x16xf32>,
        %get3A_826 = vector.shape_cast %get3A_825 : vector<1x16xf32> to vector<16xf32>
        %lt3A_827 = arith.cmpf olt, %get3A_826, %select_n3A_768 : vector<16xf32>
        %select_n3A_828 = arith.select %lt3A_827, %get3A_826, %select_n3A_768 : vector<16xi1>, vector<16xf32>
        %select_n3A_829 = arith.select %lt3A_827, %broadcast_in_dim3A_780, %select_n3A_769 : vector<16xi1>, vector<16xi32>
        %get3A_830 = arith.index_cast %scan3A_778 : i32 to index
        %get3A_831 = arith.constant 112 : index
        %get3A_832 = tpu.vector_load %arg6[%get3A_830, %get3A_831] {strides = array<i32>} : memref<256x128xf32, #tpu.memory_space<vmem>>, vector<1x16xf32>,
        %get3A_833 = vector.shape_cast %get3A_832 : vector<1x16xf32> to vector<16xf32>
        %lt3A_834 = arith.cmpf olt, %get3A_833, %select_n3A_775 : vector<16xf32>
        %select_n3A_835 = arith.select %lt3A_834, %get3A_833, %select_n3A_775 : vector<16xi1>, vector<16xf32>
        %select_n3A_836 = arith.select %lt3A_834, %broadcast_in_dim3A_780, %select_n3A_776 : vector<16xi1>, vector<16xi32>
        scf.yield %select_n3A_786, %select_n3A_793, %select_n3A_800, %select_n3A_807, %select_n3A_814, %select_n3A_821, %select_n3A_828, %select_n3A_835, %select_n3A_787, %select_n3A_794, %select_n3A_801, %select_n3A_808, %select_n3A_815, %select_n3A_822, %select_n3A_829, %select_n3A_836 : vector<16xf32>, vector<16xf32>, vector<16xf32>, vector<16xf32>, vector<16xf32>, vector<16xf32>, vector<16xf32>, vector<16xf32>, vector<16xi32>, vector<16xi32>, vector<16xi32>, vector<16xi32>, vector<16xi32>, vector<16xi32>, vector<16xi32>, vector<16xi32>
      }
      %scan3A_575 = arith.constant 256 : i32
      %add3A_576 = arith.constant 1 : i32
      %add3A_577 = arith.addi %scan3A_509, %add3A_576 : i32
      %lt3A_578 = arith.constant 4 : i32
      %lt3A_579 = arith.cmpi slt, %add3A_577, %lt3A_578 : i32
      %convert_element_type3A_580 = arith.extui %lt3A_579 : i1 to i32
      %cond3A_581 = arith.constant 0 : i32
      %cond3A_582 = arith.cmpi ne, %convert_element_type3A_580, %cond3A_581 : i32
      scf.if %cond3A_582 {
        %mul3A_583 = arith.constant 2 : i32
        %mul3A_584 = arith.muli %mul3A_583, %scan3A_509 : i32
        %add3A_585 = arith.constant 3 : i32
        %add3A_586 = arith.addi %mul3A_584, %add3A_585 : i32
        %mul3A_587 = arith.constant 256 : i32
        %mul3A_588 = arith.muli %add3A_586, %mul3A_587 : i32
        %add3A_589 = arith.addi %mul3A_36, %mul3A_588 : i32
        %dma_start3A_590 = arith.constant 3 : i32
        %dma_start3A_591 = tpu.memref_slice %arg2[%dma_start3A_590, %add3A_589, %add3A_34] : memref<4x8192x4096xf32, #tpu.memory_space<hbm>> -> memref<1x256x128xf32, #tpu.memory_space<hbm>>
        %dma_start3A_592 = tpu.memref_squeeze %dma_start3A_591 : memref<1x256x128xf32, #tpu.memory_space<hbm>> -> memref<256x128xf32, #tpu.memory_space<hbm>>
        %dma_start3A_593 = tpu.memref_slice %arg2[%dma_start3A_590, %add3A_589, %add3A_34] : memref<4x8192x4096xf32, #tpu.memory_space<hbm>> -> memref<1x256x128xf32, #tpu.memory_space<hbm>>
        %dma_start3A_594 = tpu.memref_squeeze %dma_start3A_593 : memref<1x256x128xf32, #tpu.memory_space<hbm>> -> memref<256x128xf32, #tpu.memory_space<hbm>>
        tpu.enqueue_dma source(%dma_start3A_594 : memref<256x128xf32, #tpu.memory_space<hbm>>) target(%arg6 : memref<256x128xf32, #tpu.memory_space<vmem>>) target_semaphore(%arg10 : memref<!tpu.dma_semaphore, #tpu.memory_space<semaphore_mem>>)
      } else {
      }
      scf.yield %scan3A_574#0, %scan3A_574#1, %scan3A_574#2, %scan3A_574#3, %scan3A_574#4, %scan3A_574#5, %scan3A_574#6, %scan3A_574#7, %scan3A_574#8, %scan3A_574#9, %scan3A_574#10, %scan3A_574#11, %scan3A_574#12, %scan3A_574#13, %scan3A_574#14, %scan3A_574#15 : vector<16xf32>, vector<16xf32>, vector<16xf32>, vector<16xf32>, vector<16xf32>, vector<16xf32>, vector<16xf32>, vector<16xf32>, vector<16xi32>, vector<16xi32>, vector<16xi32>, vector<16xi32>, vector<16xi32>, vector<16xi32>, vector<16xi32>, vector<16xi32>
    }
    %scan3A_442 = arith.constant 4 : i32
    %swap3A_443 = arith.constant 0 : index
    %swap3A_444 = tpu.vector_load %arg7[%swap3A_443] {strides = array<i32>} : memref<128xf32, #tpu.memory_space<vmem>>, vector<16xf32>,
    %swap3A_445 = vector.shape_cast %swap3A_444 : vector<16xf32> to vector<16xf32>
    %swap3A_446 = vector.shape_cast %scan3A_441#0 : vector<16xf32> to vector<16xf32>
    tpu.vector_store %arg7[%swap3A_443], %swap3A_446 {strides = array<i32>} : memref<128xf32, #tpu.memory_space<vmem>>, vector<16xf32>,
    %swap3A_447 = arith.constant 0 : index
    %swap3A_448 = tpu.vector_load %arg8[%swap3A_447] {strides = array<i32>} : memref<128xi32, #tpu.memory_space<vmem>>, vector<16xi32>,
    %swap3A_449 = vector.shape_cast %swap3A_448 : vector<16xi32> to vector<16xi32>
    %swap3A_450 = vector.shape_cast %scan3A_441#8 : vector<16xi32> to vector<16xi32>
    tpu.vector_store %arg8[%swap3A_447], %swap3A_450 {strides = array<i32>} : memref<128xi32, #tpu.memory_space<vmem>>, vector<16xi32>,
    %swap3A_451 = arith.constant 16 : index
    %swap3A_452 = tpu.vector_load %arg7[%swap3A_451] {strides = array<i32>} : memref<128xf32, #tpu.memory_space<vmem>>, vector<16xf32>,
    %swap3A_453 = vector.shape_cast %swap3A_452 : vector<16xf32> to vector<16xf32>
    %swap3A_454 = vector.shape_cast %scan3A_441#1 : vector<16xf32> to vector<16xf32>
    tpu.vector_store %arg7[%swap3A_451], %swap3A_454 {strides = array<i32>} : memref<128xf32, #tpu.memory_space<vmem>>, vector<16xf32>,
    %swap3A_455 = arith.constant 16 : index
    %swap3A_456 = tpu.vector_load %arg8[%swap3A_455] {strides = array<i32>} : memref<128xi32, #tpu.memory_space<vmem>>, vector<16xi32>,
    %swap3A_457 = vector.shape_cast %swap3A_456 : vector<16xi32> to vector<16xi32>
    %swap3A_458 = vector.shape_cast %scan3A_441#9 : vector<16xi32> to vector<16xi32>
    tpu.vector_store %arg8[%swap3A_455], %swap3A_458 {strides = array<i32>} : memref<128xi32, #tpu.memory_space<vmem>>, vector<16xi32>,
    %swap3A_459 = arith.constant 32 : index
    %swap3A_460 = tpu.vector_load %arg7[%swap3A_459] {strides = array<i32>} : memref<128xf32, #tpu.memory_space<vmem>>, vector<16xf32>,
    %swap3A_461 = vector.shape_cast %swap3A_460 : vector<16xf32> to vector<16xf32>
    %swap3A_462 = vector.shape_cast %scan3A_441#2 : vector<16xf32> to vector<16xf32>
    tpu.vector_store %arg7[%swap3A_459], %swap3A_462 {strides = array<i32>} : memref<128xf32, #tpu.memory_space<vmem>>, vector<16xf32>,
    %swap3A_463 = arith.constant 32 : index
    %swap3A_464 = tpu.vector_load %arg8[%swap3A_463] {strides = array<i32>} : memref<128xi32, #tpu.memory_space<vmem>>, vector<16xi32>,
    %swap3A_465 = vector.shape_cast %swap3A_464 : vector<16xi32> to vector<16xi32>
    %swap3A_466 = vector.shape_cast %scan3A_441#10 : vector<16xi32> to vector<16xi32>
    tpu.vector_store %arg8[%swap3A_463], %swap3A_466 {strides = array<i32>} : memref<128xi32, #tpu.memory_space<vmem>>, vector<16xi32>,
    %swap3A_467 = arith.constant 48 : index
    %swap3A_468 = tpu.vector_load %arg7[%swap3A_467] {strides = array<i32>} : memref<128xf32, #tpu.memory_space<vmem>>, vector<16xf32>,
    %swap3A_469 = vector.shape_cast %swap3A_468 : vector<16xf32> to vector<16xf32>
    %swap3A_470 = vector.shape_cast %scan3A_441#3 : vector<16xf32> to vector<16xf32>
    tpu.vector_store %arg7[%swap3A_467], %swap3A_470 {strides = array<i32>} : memref<128xf32, #tpu.memory_space<vmem>>, vector<16xf32>,
    %swap3A_471 = arith.constant 48 : index
    %swap3A_472 = tpu.vector_load %arg8[%swap3A_471] {strides = array<i32>} : memref<128xi32, #tpu.memory_space<vmem>>, vector<16xi32>,
    %swap3A_473 = vector.shape_cast %swap3A_472 : vector<16xi32> to vector<16xi32>
    %swap3A_474 = vector.shape_cast %scan3A_441#11 : vector<16xi32> to vector<16xi32>
    tpu.vector_store %arg8[%swap3A_471], %swap3A_474 {strides = array<i32>} : memref<128xi32, #tpu.memory_space<vmem>>, vector<16xi32>,
    %swap3A_475 = arith.constant 64 : index
    %swap3A_476 = tpu.vector_load %arg7[%swap3A_475] {strides = array<i32>} : memref<128xf32, #tpu.memory_space<vmem>>, vector<16xf32>,
    %swap3A_477 = vector.shape_cast %swap3A_476 : vector<16xf32> to vector<16xf32>
    %swap3A_478 = vector.shape_cast %scan3A_441#4 : vector<16xf32> to vector<16xf32>
    tpu.vector_store %arg7[%swap3A_475], %swap3A_478 {strides = array<i32>} : memref<128xf32, #tpu.memory_space<vmem>>, vector<16xf32>,
    %swap3A_479 = arith.constant 64 : index
    %swap3A_480 = tpu.vector_load %arg8[%swap3A_479] {strides = array<i32>} : memref<128xi32, #tpu.memory_space<vmem>>, vector<16xi32>,
    %swap3A_481 = vector.shape_cast %swap3A_480 : vector<16xi32> to vector<16xi32>
    %swap3A_482 = vector.shape_cast %scan3A_441#12 : vector<16xi32> to vector<16xi32>
    tpu.vector_store %arg8[%swap3A_479], %swap3A_482 {strides = array<i32>} : memref<128xi32, #tpu.memory_space<vmem>>, vector<16xi32>,
    %swap3A_483 = arith.constant 80 : index
    %swap3A_484 = tpu.vector_load %arg7[%swap3A_483] {strides = array<i32>} : memref<128xf32, #tpu.memory_space<vmem>>, vector<16xf32>,
    %swap3A_485 = vector.shape_cast %swap3A_484 : vector<16xf32> to vector<16xf32>
    %swap3A_486 = vector.shape_cast %scan3A_441#5 : vector<16xf32> to vector<16xf32>
    tpu.vector_store %arg7[%swap3A_483], %swap3A_486 {strides = array<i32>} : memref<128xf32, #tpu.memory_space<vmem>>, vector<16xf32>,
    %swap3A_487 = arith.constant 80 : index
    %swap3A_488 = tpu.vector_load %arg8[%swap3A_487] {strides = array<i32>} : memref<128xi32, #tpu.memory_space<vmem>>, vector<16xi32>,
    %swap3A_489 = vector.shape_cast %swap3A_488 : vector<16xi32> to vector<16xi32>
    %swap3A_490 = vector.shape_cast %scan3A_441#13 : vector<16xi32> to vector<16xi32>
    tpu.vector_store %arg8[%swap3A_487], %swap3A_490 {strides = array<i32>} : memref<128xi32, #tpu.memory_space<vmem>>, vector<16xi32>,
    %swap3A_491 = arith.constant 96 : index
    %swap3A_492 = tpu.vector_load %arg7[%swap3A_491] {strides = array<i32>} : memref<128xf32, #tpu.memory_space<vmem>>, vector<16xf32>,
    %swap3A_493 = vector.shape_cast %swap3A_492 : vector<16xf32> to vector<16xf32>
    %swap3A_494 = vector.shape_cast %scan3A_441#6 : vector<16xf32> to vector<16xf32>
    tpu.vector_store %arg7[%swap3A_491], %swap3A_494 {strides = array<i32>} : memref<128xf32, #tpu.memory_space<vmem>>, vector<16xf32>,
    %swap3A_495 = arith.constant 96 : index
    %swap3A_496 = tpu.vector_load %arg8[%swap3A_495] {strides = array<i32>} : memref<128xi32, #tpu.memory_space<vmem>>, vector<16xi32>,
    %swap3A_497 = vector.shape_cast %swap3A_496 : vector<16xi32> to vector<16xi32>
    %swap3A_498 = vector.shape_cast %scan3A_441#14 : vector<16xi32> to vector<16xi32>
    tpu.vector_store %arg8[%swap3A_495], %swap3A_498 {strides = array<i32>} : memref<128xi32, #tpu.memory_space<vmem>>, vector<16xi32>,
    %swap3A_499 = arith.constant 112 : index
    %swap3A_500 = tpu.vector_load %arg7[%swap3A_499] {strides = array<i32>} : memref<128xf32, #tpu.memory_space<vmem>>, vector<16xf32>,
    %swap3A_501 = vector.shape_cast %swap3A_500 : vector<16xf32> to vector<16xf32>
    %swap3A_502 = vector.shape_cast %scan3A_441#7 : vector<16xf32> to vector<16xf32>
    tpu.vector_store %arg7[%swap3A_499], %swap3A_502 {strides = array<i32>} : memref<128xf32, #tpu.memory_space<vmem>>, vector<16xf32>,
    %swap3A_503 = arith.constant 112 : index
    %swap3A_504 = tpu.vector_load %arg8[%swap3A_503] {strides = array<i32>} : memref<128xi32, #tpu.memory_space<vmem>>, vector<16xi32>,
    %swap3A_505 = vector.shape_cast %swap3A_504 : vector<16xi32> to vector<16xi32>
    %swap3A_506 = vector.shape_cast %scan3A_441#15 : vector<16xi32> to vector<16xi32>
    tpu.vector_store %arg8[%swap3A_503], %swap3A_506 {strides = array<i32>} : memref<128xi32, #tpu.memory_space<vmem>>, vector<16xi32>,
    %run_scoped3A_507 = arith.constant 3 : i32
    "tpu.region"() ({
      %run_scoped3A_509 = tpu.sem_alloc : memref<!tpu.dma_semaphore, #tpu.memory_space<semaphore_mem>>
      %dma_start3A_510 = tpu.memref_slice %arg3[%run_scoped3A_507, %add3A_41] : memref<4x4096xf32, #tpu.memory_space<hbm>> -> memref<1x128xf32, #tpu.memory_space<hbm>>
      %dma_start3A_511 = tpu.memref_squeeze %dma_start3A_510 : memref<1x128xf32, #tpu.memory_space<hbm>> -> memref<128xf32, #tpu.memory_space<hbm>>
      %dma_start3A_512 = tpu.memref_slice %arg3[%run_scoped3A_507, %add3A_41] : memref<4x4096xf32, #tpu.memory_space<hbm>> -> memref<1x128xf32, #tpu.memory_space<hbm>>
      %dma_start3A_513 = tpu.memref_squeeze %dma_start3A_512 : memref<1x128xf32, #tpu.memory_space<hbm>> -> memref<128xf32, #tpu.memory_space<hbm>>
      tpu.enqueue_dma source(%arg7 : memref<128xf32, #tpu.memory_space<vmem>>) target(%dma_start3A_513 : memref<128xf32, #tpu.memory_space<hbm>>) target_semaphore(%run_scoped3A_509 : memref<!tpu.dma_semaphore, #tpu.memory_space<semaphore_mem>>)
      %dma_wait3A = tpu.memref_slice %arg3[%run_scoped3A_507, %add3A_41] : memref<4x4096xf32, #tpu.memory_space<hbm>> -> memref<1x128xf32, #tpu.memory_space<hbm>>
      %dma_wait3A_514 = tpu.memref_squeeze %dma_wait3A : memref<1x128xf32, #tpu.memory_space<hbm>> -> memref<128xf32, #tpu.memory_space<hbm>>
      %dma_wait3A_515 = tpu.memref_slice %arg3[%run_scoped3A_507, %add3A_41] : memref<4x4096xf32, #tpu.memory_space<hbm>> -> memref<1x128xf32, #tpu.memory_space<hbm>>
      %dma_wait3A_516 = tpu.memref_squeeze %dma_wait3A_515 : memref<1x128xf32, #tpu.memory_space<hbm>> -> memref<128xf32, #tpu.memory_space<hbm>>
      tpu.wait_dma2 semaphore(%run_scoped3A_509 : memref<!tpu.dma_semaphore, #tpu.memory_space<semaphore_mem>>) src(%arg7 : memref<128xf32, #tpu.memory_space<vmem>>) dst(%dma_wait3A_516 : memref<128xf32, #tpu.memory_space<hbm>>)
      tpu.yield
    }) : () -> ()
    %run_scoped3A_508 = arith.constant 3 : i32
    "tpu.region"() ({
      %run_scoped3A_509 = tpu.sem_alloc : memref<!tpu.dma_semaphore, #tpu.memory_space<semaphore_mem>>
      %dma_start3A_510 = tpu.memref_slice %arg4[%run_scoped3A_508, %add3A_41] : memref<4x4096xi32, #tpu.memory_space<hbm>> -> memref<1x128xi32, #tpu.memory_space<hbm>>
      %dma_start3A_511 = tpu.memref_squeeze %dma_start3A_510 : memref<1x128xi32, #tpu.memory_space<hbm>> -> memref<128xi32, #tpu.memory_space<hbm>>
      %dma_start3A_512 = tpu.memref_slice %arg4[%run_scoped3A_508, %add3A_41] : memref<4x4096xi32, #tpu.memory_space<hbm>> -> memref<1x128xi32, #tpu.memory_space<hbm>>
      %dma_start3A_513 = tpu.memref_squeeze %dma_start3A_512 : memref<1x128xi32, #tpu.memory_space<hbm>> -> memref<128xi32, #tpu.memory_space<hbm>>
      tpu.enqueue_dma source(%arg8 : memref<128xi32, #tpu.memory_space<vmem>>) target(%dma_start3A_513 : memref<128xi32, #tpu.memory_space<hbm>>) target_semaphore(%run_scoped3A_509 : memref<!tpu.dma_semaphore, #tpu.memory_space<semaphore_mem>>)
      %dma_wait3A = tpu.memref_slice %arg4[%run_scoped3A_508, %add3A_41] : memref<4x4096xi32, #tpu.memory_space<hbm>> -> memref<1x128xi32, #tpu.memory_space<hbm>>
      %dma_wait3A_514 = tpu.memref_squeeze %dma_wait3A : memref<1x128xi32, #tpu.memory_space<hbm>> -> memref<128xi32, #tpu.memory_space<hbm>>
      %dma_wait3A_515 = tpu.memref_slice %arg4[%run_scoped3A_508, %add3A_41] : memref<4x4096xi32, #tpu.memory_space<hbm>> -> memref<1x128xi32, #tpu.memory_space<hbm>>
      %dma_wait3A_516 = tpu.memref_squeeze %dma_wait3A_515 : memref<1x128xi32, #tpu.memory_space<hbm>> -> memref<128xi32, #tpu.memory_space<hbm>>
      tpu.wait_dma2 semaphore(%run_scoped3A_509 : memref<!tpu.dma_semaphore, #tpu.memory_space<semaphore_mem>>) src(%arg8 : memref<128xi32, #tpu.memory_space<vmem>>) dst(%dma_wait3A_516 : memref<128xi32, #tpu.memory_space<hbm>>)
      tpu.yield
    }) : () -> ()
    return
  }
}

module attributes {stable_mosaic.version = 14 : i64} {
  func.func @_merge_body(%arg0: memref<4x1x3072xi32, #tpu.memory_space<vmem>>, %arg1: memref<4x4096xf32, #tpu.memory_space<vmem>>, %arg2: memref<4x4096xi32, #tpu.memory_space<vmem>>, %arg3: memref<4x4096xi32, #tpu.memory_space<vmem>>) attributes {dimension_semantics = [], scalar_prefetch = 0 : i64, scratch_operands = 0 : i64, tpu.core_type = #tpu.core_type<tc>} {
    %get3A = arith.constant 0 : index
    %get3A_0 = arith.constant 0 : index
    %get3A_1 = arith.constant 0 : index
    %get3A_2 = vector.load %arg0[%get3A, %get3A_0, %get3A_1] : memref<4x1x3072xi32, #tpu.memory_space<vmem>>, vector<4x1x3072xi32>
    %get3A_3 = vector.shape_cast %get3A_2 : vector<4x1x3072xi32> to vector<4x3072xi32>
    %swap3A = arith.constant 0 : index
    %swap3A_4 = arith.constant 0 : index
    %swap3A_5 = vector.load %arg3[%swap3A, %swap3A_4] : memref<4x4096xi32, #tpu.memory_space<vmem>>, vector<4x3072xi32>
    tpu.vector_store %arg3[%swap3A, %swap3A_4], %get3A_3 {strides = array<i32>} : memref<4x4096xi32, #tpu.memory_space<vmem>>, vector<4x3072xi32>,
    %get3A_6 = arith.constant 0 : index
    %get3A_7 = arith.constant 0 : index
    %get3A_8 = vector.load %arg1[%get3A_6, %get3A_7] : memref<4x4096xf32, #tpu.memory_space<vmem>>, vector<4x1024xf32>
    %get3A_9 = arith.constant 0 : index
    %get3A_10 = arith.constant 0 : index
    %get3A_11 = vector.load %arg2[%get3A_9, %get3A_10] : memref<4x4096xi32, #tpu.memory_space<vmem>>, vector<4x1024xi32>
    %get3A_12 = arith.constant 0 : index
    %get3A_13 = arith.constant 1024 : index
    %get3A_14 = vector.load %arg1[%get3A_12, %get3A_13] : memref<4x4096xf32, #tpu.memory_space<vmem>>, vector<4x1024xf32>
    %get3A_15 = arith.constant 0 : index
    %get3A_16 = arith.constant 1024 : index
    %get3A_17 = vector.load %arg2[%get3A_15, %get3A_16] : memref<4x4096xi32, #tpu.memory_space<vmem>>, vector<4x1024xi32>
    %lt3A = arith.cmpf olt, %get3A_14, %get3A_8 : vector<4x1024xf32>
    %select_n3A = arith.select %lt3A, %get3A_17, %get3A_11 : vector<4x1024xi1>, vector<4x1024xi32>
    %select_n3A_18 = arith.select %lt3A, %get3A_14, %get3A_8 : vector<4x1024xi1>, vector<4x1024xf32>
    %get3A_19 = arith.constant 0 : index
    %get3A_20 = arith.constant 2048 : index
    %get3A_21 = vector.load %arg1[%get3A_19, %get3A_20] : memref<4x4096xf32, #tpu.memory_space<vmem>>, vector<4x1024xf32>
    %get3A_22 = arith.constant 0 : index
    %get3A_23 = arith.constant 2048 : index
    %get3A_24 = vector.load %arg2[%get3A_22, %get3A_23] : memref<4x4096xi32, #tpu.memory_space<vmem>>, vector<4x1024xi32>
    %lt3A_25 = arith.cmpf olt, %get3A_21, %select_n3A_18 : vector<4x1024xf32>
    %select_n3A_26 = arith.select %lt3A_25, %get3A_24, %select_n3A : vector<4x1024xi1>, vector<4x1024xi32>
    %select_n3A_27 = arith.select %lt3A_25, %get3A_21, %select_n3A_18 : vector<4x1024xi1>, vector<4x1024xf32>
    %get3A_28 = arith.constant 0 : index
    %get3A_29 = arith.constant 3072 : index
    %get3A_30 = vector.load %arg1[%get3A_28, %get3A_29] : memref<4x4096xf32, #tpu.memory_space<vmem>>, vector<4x1024xf32>
    %get3A_31 = arith.constant 0 : index
    %get3A_32 = arith.constant 3072 : index
    %get3A_33 = vector.load %arg2[%get3A_31, %get3A_32] : memref<4x4096xi32, #tpu.memory_space<vmem>>, vector<4x1024xi32>
    %lt3A_34 = arith.cmpf olt, %get3A_30, %select_n3A_27 : vector<4x1024xf32>
    %select_n3A_35 = arith.select %lt3A_34, %get3A_33, %select_n3A_26 : vector<4x1024xi1>, vector<4x1024xi32>
    %swap3A_36 = arith.constant 0 : index
    %swap3A_37 = arith.constant 3072 : index
    %swap3A_38 = vector.load %arg3[%swap3A_36, %swap3A_37] : memref<4x4096xi32, #tpu.memory_space<vmem>>, vector<4x1024xi32>
    tpu.vector_store %arg3[%swap3A_36, %swap3A_37], %select_n3A_35 {strides = array<i32>} : memref<4x4096xi32, #tpu.memory_space<vmem>>, vector<4x1024xi32>,
    return
  }
}

module attributes {stable_mosaic.version = 14 : i64} {
  func.func @_tc_body(%arg0: i32, %arg1: i32, %arg2: memref<1x1024x1024xf32, #tpu.memory_space<vmem>>, %arg3: memref<1x1024x1024xf32, #tpu.memory_space<vmem>>, %arg4: memref<1x1024x1024xf32, #tpu.memory_space<vmem>>, %arg5: memref<1x1x3072xi32, #tpu.memory_space<vmem>>, %arg6: memref<1x3072xf32, #tpu.memory_space<vmem>>, %arg7: memref<1x3072xi32, #tpu.memory_space<vmem>>) attributes {dimension_semantics = [#tpu.dimension_semantics<arbitrary>, #tpu.dimension_semantics<arbitrary>], iteration_bounds = array<i64: 4, 8>, scalar_prefetch = 0 : i64, scratch_operands = 2 : i64, tpu.core_type = #tpu.core_type<tc>, window_params = [{transform_indices = @transform_0, window_bounds = array<i64: 1, 1024, 1024>}, {transform_indices = @transform_1, window_bounds = array<i64: 1, 1024, 1024>}, {transform_indices = @transform_2, window_bounds = array<i64: 1, 1024, 1024>}, {transform_indices = @transform_3, window_bounds = array<i64: 1, 1, 3072>}]} {
    %get3A = arith.constant 0 : index
    %get3A_0 = arith.constant 0 : index
    %get3A_1 = arith.constant 0 : index
    %get3A_2 = vector.load %arg2[%get3A, %get3A_0, %get3A_1] : memref<1x1024x1024xf32, #tpu.memory_space<vmem>>, vector<1x1024x1024xf32>
    %get3A_3 = vector.shape_cast %get3A_2 : vector<1x1024x1024xf32> to vector<1024x1024xf32>
    %reduce_min3A = arith.constant dense<0x7F800000> : vector<1024xf32>
    %reduce_min3A_4 = vector.multi_reduction <minimumf>, %get3A_3, %reduce_min3A [0] : vector<1024x1024xf32> to vector<1024xf32>
    %iota3A = tpu.iota {dimensions = array<i32: 0>} : vector<1024x1024xi32>
    %broadcast_in_dim3A = vector.shape_cast %reduce_min3A_4 : vector<1024xf32> to vector<1x1024xf32>
    %eq3A = vector.broadcast %broadcast_in_dim3A : vector<1x1024xf32> to vector<1024x1024xf32>
    %eq3A_5 = arith.cmpf oeq, %get3A_3, %eq3A : vector<1024x1024xf32>
    %jit3A = arith.constant 8192 : i32
    %broadcast_in_dim3A_6 = vector.broadcast %jit3A : i32 to vector<1024x1024xi32>
    %select_n3A = arith.select %eq3A_5, %iota3A, %broadcast_in_dim3A_6 : vector<1024x1024xi1>, vector<1024x1024xi32>
    %reduce_min3A_7 = arith.constant dense<2147483647> : vector<1024xi32>
    %reduce_min3A_8 = vector.multi_reduction <minsi>, %select_n3A, %reduce_min3A_7 [0] : vector<1024x1024xi32> to vector<1024xi32>
    %mul3A = arith.constant 1024 : i32
    %mul3A_9 = arith.muli %arg1, %mul3A : i32
    %add3A = vector.broadcast %mul3A_9 : i32 to vector<1024xi32>
    %add3A_10 = arith.addi %reduce_min3A_8, %add3A : vector<1024xi32>
    %eq3A_11 = arith.constant 0 : i32
    %eq3A_12 = arith.cmpi eq, %arg1, %eq3A_11 : i32
    %convert_element_type3A = arith.extui %eq3A_12 : i1 to i32
    %cond3A = arith.constant 0 : i32
    %cond3A_13 = arith.cmpi ne, %convert_element_type3A, %cond3A : i32
    scf.if %cond3A_13 {
      %swap3A = arith.constant 0 : index
      %swap3A_83 = arith.constant 0 : index
      %swap3A_84 = vector.load %arg6[%swap3A, %swap3A_83] : memref<1x3072xf32, #tpu.memory_space<vmem>>, vector<1x1024xf32>
      %swap3A_85 = vector.shape_cast %swap3A_84 : vector<1x1024xf32> to vector<1024xf32>
      %swap3A_86 = vector.shape_cast %reduce_min3A_4 : vector<1024xf32> to vector<1x1024xf32>
      tpu.vector_store %arg6[%swap3A, %swap3A_83], %swap3A_86 {strides = array<i32>} : memref<1x3072xf32, #tpu.memory_space<vmem>>, vector<1x1024xf32>,
      %swap3A_87 = arith.constant 0 : index
      %swap3A_88 = arith.constant 0 : index
      %swap3A_89 = vector.load %arg7[%swap3A_87, %swap3A_88] : memref<1x3072xi32, #tpu.memory_space<vmem>>, vector<1x1024xi32>
      %swap3A_90 = vector.shape_cast %swap3A_89 : vector<1x1024xi32> to vector<1024xi32>
      %swap3A_91 = vector.shape_cast %add3A_10 : vector<1024xi32> to vector<1x1024xi32>
      tpu.vector_store %arg7[%swap3A_87, %swap3A_88], %swap3A_91 {strides = array<i32>} : memref<1x3072xi32, #tpu.memory_space<vmem>>, vector<1x1024xi32>,
    } else {
    }
    %gt3A = arith.constant 0 : i32
    %gt3A_14 = arith.cmpi sgt, %arg1, %gt3A : i32
    %convert_element_type3A_15 = arith.extui %gt3A_14 : i1 to i32
    %cond3A_16 = arith.constant 0 : i32
    %cond3A_17 = arith.cmpi ne, %convert_element_type3A_15, %cond3A_16 : i32
    scf.if %cond3A_17 {
      %get3A_83 = arith.constant 0 : index
      %get3A_84 = arith.constant 0 : index
      %get3A_85 = vector.load %arg6[%get3A_83, %get3A_84] : memref<1x3072xf32, #tpu.memory_space<vmem>>, vector<1x1024xf32>
      %get3A_86 = vector.shape_cast %get3A_85 : vector<1x1024xf32> to vector<1024xf32>
      %lt3A = arith.cmpf olt, %reduce_min3A_4, %get3A_86 : vector<1024xf32>
      %get3A_87 = arith.constant 0 : index
      %get3A_88 = arith.constant 0 : index
      %get3A_89 = vector.load %arg7[%get3A_87, %get3A_88] : memref<1x3072xi32, #tpu.memory_space<vmem>>, vector<1x1024xi32>
      %get3A_90 = vector.shape_cast %get3A_89 : vector<1x1024xi32> to vector<1024xi32>
      %select_n3A_91 = arith.select %lt3A, %add3A_10, %get3A_90 : vector<1024xi1>, vector<1024xi32>
      %swap3A = arith.constant 0 : index
      %swap3A_92 = arith.constant 0 : index
      %swap3A_93 = vector.load %arg7[%swap3A, %swap3A_92] : memref<1x3072xi32, #tpu.memory_space<vmem>>, vector<1x1024xi32>
      %swap3A_94 = vector.shape_cast %swap3A_93 : vector<1x1024xi32> to vector<1024xi32>
      %swap3A_95 = vector.shape_cast %select_n3A_91 : vector<1024xi32> to vector<1x1024xi32>
      tpu.vector_store %arg7[%swap3A, %swap3A_92], %swap3A_95 {strides = array<i32>} : memref<1x3072xi32, #tpu.memory_space<vmem>>, vector<1x1024xi32>,
      %get3A_96 = arith.constant 0 : index
      %get3A_97 = arith.constant 0 : index
      %get3A_98 = vector.load %arg6[%get3A_96, %get3A_97] : memref<1x3072xf32, #tpu.memory_space<vmem>>, vector<1x1024xf32>
      %get3A_99 = vector.shape_cast %get3A_98 : vector<1x1024xf32> to vector<1024xf32>
      %select_n3A_100 = arith.select %lt3A, %reduce_min3A_4, %get3A_99 : vector<1024xi1>, vector<1024xf32>
      %swap3A_101 = arith.constant 0 : index
      %swap3A_102 = arith.constant 0 : index
      %swap3A_103 = vector.load %arg6[%swap3A_101, %swap3A_102] : memref<1x3072xf32, #tpu.memory_space<vmem>>, vector<1x1024xf32>
      %swap3A_104 = vector.shape_cast %swap3A_103 : vector<1x1024xf32> to vector<1024xf32>
      %swap3A_105 = vector.shape_cast %select_n3A_100 : vector<1024xf32> to vector<1x1024xf32>
      tpu.vector_store %arg6[%swap3A_101, %swap3A_102], %swap3A_105 {strides = array<i32>} : memref<1x3072xf32, #tpu.memory_space<vmem>>, vector<1x1024xf32>,
    } else {
    }
    %get3A_18 = arith.constant 0 : index
    %get3A_19 = arith.constant 0 : index
    %get3A_20 = arith.constant 0 : index
    %get3A_21 = vector.load %arg3[%get3A_18, %get3A_19, %get3A_20] : memref<1x1024x1024xf32, #tpu.memory_space<vmem>>, vector<1x1024x1024xf32>
    %get3A_22 = vector.shape_cast %get3A_21 : vector<1x1024x1024xf32> to vector<1024x1024xf32>
    %reduce_min3A_23 = arith.constant dense<0x7F800000> : vector<1024xf32>
    %reduce_min3A_24 = vector.multi_reduction <minimumf>, %get3A_22, %reduce_min3A_23 [0] : vector<1024x1024xf32> to vector<1024xf32>
    %iota3A_25 = tpu.iota {dimensions = array<i32: 0>} : vector<1024x1024xi32>
    %broadcast_in_dim3A_26 = vector.shape_cast %reduce_min3A_24 : vector<1024xf32> to vector<1x1024xf32>
    %eq3A_27 = vector.broadcast %broadcast_in_dim3A_26 : vector<1x1024xf32> to vector<1024x1024xf32>
    %eq3A_28 = arith.cmpf oeq, %get3A_22, %eq3A_27 : vector<1024x1024xf32>
    %jit3A_29 = arith.constant 8192 : i32
    %broadcast_in_dim3A_30 = vector.broadcast %jit3A_29 : i32 to vector<1024x1024xi32>
    %select_n3A_31 = arith.select %eq3A_28, %iota3A_25, %broadcast_in_dim3A_30 : vector<1024x1024xi1>, vector<1024x1024xi32>
    %reduce_min3A_32 = arith.constant dense<2147483647> : vector<1024xi32>
    %reduce_min3A_33 = vector.multi_reduction <minsi>, %select_n3A_31, %reduce_min3A_32 [0] : vector<1024x1024xi32> to vector<1024xi32>
    %mul3A_34 = arith.constant 1024 : i32
    %mul3A_35 = arith.muli %arg1, %mul3A_34 : i32
    %add3A_36 = vector.broadcast %mul3A_35 : i32 to vector<1024xi32>
    %add3A_37 = arith.addi %reduce_min3A_33, %add3A_36 : vector<1024xi32>
    %eq3A_38 = arith.constant 0 : i32
    %eq3A_39 = arith.cmpi eq, %arg1, %eq3A_38 : i32
    %convert_element_type3A_40 = arith.extui %eq3A_39 : i1 to i32
    %cond3A_41 = arith.constant 0 : i32
    %cond3A_42 = arith.cmpi ne, %convert_element_type3A_40, %cond3A_41 : i32
    scf.if %cond3A_42 {
      %swap3A = arith.constant 0 : index
      %swap3A_83 = arith.constant 1024 : index
      %swap3A_84 = vector.load %arg6[%swap3A, %swap3A_83] : memref<1x3072xf32, #tpu.memory_space<vmem>>, vector<1x1024xf32>
      %swap3A_85 = vector.shape_cast %swap3A_84 : vector<1x1024xf32> to vector<1024xf32>
      %swap3A_86 = vector.shape_cast %reduce_min3A_24 : vector<1024xf32> to vector<1x1024xf32>
      tpu.vector_store %arg6[%swap3A, %swap3A_83], %swap3A_86 {strides = array<i32>} : memref<1x3072xf32, #tpu.memory_space<vmem>>, vector<1x1024xf32>,
      %swap3A_87 = arith.constant 0 : index
      %swap3A_88 = arith.constant 1024 : index
      %swap3A_89 = vector.load %arg7[%swap3A_87, %swap3A_88] : memref<1x3072xi32, #tpu.memory_space<vmem>>, vector<1x1024xi32>
      %swap3A_90 = vector.shape_cast %swap3A_89 : vector<1x1024xi32> to vector<1024xi32>
      %swap3A_91 = vector.shape_cast %add3A_37 : vector<1024xi32> to vector<1x1024xi32>
      tpu.vector_store %arg7[%swap3A_87, %swap3A_88], %swap3A_91 {strides = array<i32>} : memref<1x3072xi32, #tpu.memory_space<vmem>>, vector<1x1024xi32>,
    } else {
    }
    %gt3A_43 = arith.constant 0 : i32
    %gt3A_44 = arith.cmpi sgt, %arg1, %gt3A_43 : i32
    %convert_element_type3A_45 = arith.extui %gt3A_44 : i1 to i32
    %cond3A_46 = arith.constant 0 : i32
    %cond3A_47 = arith.cmpi ne, %convert_element_type3A_45, %cond3A_46 : i32
    scf.if %cond3A_47 {
      %get3A_83 = arith.constant 0 : index
      %get3A_84 = arith.constant 1024 : index
      %get3A_85 = vector.load %arg6[%get3A_83, %get3A_84] : memref<1x3072xf32, #tpu.memory_space<vmem>>, vector<1x1024xf32>
      %get3A_86 = vector.shape_cast %get3A_85 : vector<1x1024xf32> to vector<1024xf32>
      %lt3A = arith.cmpf olt, %reduce_min3A_24, %get3A_86 : vector<1024xf32>
      %get3A_87 = arith.constant 0 : index
      %get3A_88 = arith.constant 1024 : index
      %get3A_89 = vector.load %arg7[%get3A_87, %get3A_88] : memref<1x3072xi32, #tpu.memory_space<vmem>>, vector<1x1024xi32>
      %get3A_90 = vector.shape_cast %get3A_89 : vector<1x1024xi32> to vector<1024xi32>
      %select_n3A_91 = arith.select %lt3A, %add3A_37, %get3A_90 : vector<1024xi1>, vector<1024xi32>
      %swap3A = arith.constant 0 : index
      %swap3A_92 = arith.constant 1024 : index
      %swap3A_93 = vector.load %arg7[%swap3A, %swap3A_92] : memref<1x3072xi32, #tpu.memory_space<vmem>>, vector<1x1024xi32>
      %swap3A_94 = vector.shape_cast %swap3A_93 : vector<1x1024xi32> to vector<1024xi32>
      %swap3A_95 = vector.shape_cast %select_n3A_91 : vector<1024xi32> to vector<1x1024xi32>
      tpu.vector_store %arg7[%swap3A, %swap3A_92], %swap3A_95 {strides = array<i32>} : memref<1x3072xi32, #tpu.memory_space<vmem>>, vector<1x1024xi32>,
      %get3A_96 = arith.constant 0 : index
      %get3A_97 = arith.constant 1024 : index
      %get3A_98 = vector.load %arg6[%get3A_96, %get3A_97] : memref<1x3072xf32, #tpu.memory_space<vmem>>, vector<1x1024xf32>
      %get3A_99 = vector.shape_cast %get3A_98 : vector<1x1024xf32> to vector<1024xf32>
      %select_n3A_100 = arith.select %lt3A, %reduce_min3A_24, %get3A_99 : vector<1024xi1>, vector<1024xf32>
      %swap3A_101 = arith.constant 0 : index
      %swap3A_102 = arith.constant 1024 : index
      %swap3A_103 = vector.load %arg6[%swap3A_101, %swap3A_102] : memref<1x3072xf32, #tpu.memory_space<vmem>>, vector<1x1024xf32>
      %swap3A_104 = vector.shape_cast %swap3A_103 : vector<1x1024xf32> to vector<1024xf32>
      %swap3A_105 = vector.shape_cast %select_n3A_100 : vector<1024xf32> to vector<1x1024xf32>
      tpu.vector_store %arg6[%swap3A_101, %swap3A_102], %swap3A_105 {strides = array<i32>} : memref<1x3072xf32, #tpu.memory_space<vmem>>, vector<1x1024xf32>,
    } else {
    }
    %get3A_48 = arith.constant 0 : index
    %get3A_49 = arith.constant 0 : index
    %get3A_50 = arith.constant 0 : index
    %get3A_51 = vector.load %arg4[%get3A_48, %get3A_49, %get3A_50] : memref<1x1024x1024xf32, #tpu.memory_space<vmem>>, vector<1x1024x1024xf32>
    %get3A_52 = vector.shape_cast %get3A_51 : vector<1x1024x1024xf32> to vector<1024x1024xf32>
    %reduce_min3A_53 = arith.constant dense<0x7F800000> : vector<1024xf32>
    %reduce_min3A_54 = vector.multi_reduction <minimumf>, %get3A_52, %reduce_min3A_53 [0] : vector<1024x1024xf32> to vector<1024xf32>
    %iota3A_55 = tpu.iota {dimensions = array<i32: 0>} : vector<1024x1024xi32>
    %broadcast_in_dim3A_56 = vector.shape_cast %reduce_min3A_54 : vector<1024xf32> to vector<1x1024xf32>
    %eq3A_57 = vector.broadcast %broadcast_in_dim3A_56 : vector<1x1024xf32> to vector<1024x1024xf32>
    %eq3A_58 = arith.cmpf oeq, %get3A_52, %eq3A_57 : vector<1024x1024xf32>
    %jit3A_59 = arith.constant 8192 : i32
    %broadcast_in_dim3A_60 = vector.broadcast %jit3A_59 : i32 to vector<1024x1024xi32>
    %select_n3A_61 = arith.select %eq3A_58, %iota3A_55, %broadcast_in_dim3A_60 : vector<1024x1024xi1>, vector<1024x1024xi32>
    %reduce_min3A_62 = arith.constant dense<2147483647> : vector<1024xi32>
    %reduce_min3A_63 = vector.multi_reduction <minsi>, %select_n3A_61, %reduce_min3A_62 [0] : vector<1024x1024xi32> to vector<1024xi32>
    %mul3A_64 = arith.constant 1024 : i32
    %mul3A_65 = arith.muli %arg1, %mul3A_64 : i32
    %add3A_66 = vector.broadcast %mul3A_65 : i32 to vector<1024xi32>
    %add3A_67 = arith.addi %reduce_min3A_63, %add3A_66 : vector<1024xi32>
    %eq3A_68 = arith.constant 0 : i32
    %eq3A_69 = arith.cmpi eq, %arg1, %eq3A_68 : i32
    %convert_element_type3A_70 = arith.extui %eq3A_69 : i1 to i32
    %cond3A_71 = arith.constant 0 : i32
    %cond3A_72 = arith.cmpi ne, %convert_element_type3A_70, %cond3A_71 : i32
    scf.if %cond3A_72 {
      %swap3A = arith.constant 0 : index
      %swap3A_83 = arith.constant 2048 : index
      %swap3A_84 = vector.load %arg6[%swap3A, %swap3A_83] : memref<1x3072xf32, #tpu.memory_space<vmem>>, vector<1x1024xf32>
      %swap3A_85 = vector.shape_cast %swap3A_84 : vector<1x1024xf32> to vector<1024xf32>
      %swap3A_86 = vector.shape_cast %reduce_min3A_54 : vector<1024xf32> to vector<1x1024xf32>
      tpu.vector_store %arg6[%swap3A, %swap3A_83], %swap3A_86 {strides = array<i32>} : memref<1x3072xf32, #tpu.memory_space<vmem>>, vector<1x1024xf32>,
      %swap3A_87 = arith.constant 0 : index
      %swap3A_88 = arith.constant 2048 : index
      %swap3A_89 = vector.load %arg7[%swap3A_87, %swap3A_88] : memref<1x3072xi32, #tpu.memory_space<vmem>>, vector<1x1024xi32>
      %swap3A_90 = vector.shape_cast %swap3A_89 : vector<1x1024xi32> to vector<1024xi32>
      %swap3A_91 = vector.shape_cast %add3A_67 : vector<1024xi32> to vector<1x1024xi32>
      tpu.vector_store %arg7[%swap3A_87, %swap3A_88], %swap3A_91 {strides = array<i32>} : memref<1x3072xi32, #tpu.memory_space<vmem>>, vector<1x1024xi32>,
    } else {
    }
    %gt3A_73 = arith.constant 0 : i32
    %gt3A_74 = arith.cmpi sgt, %arg1, %gt3A_73 : i32
    %convert_element_type3A_75 = arith.extui %gt3A_74 : i1 to i32
    %cond3A_76 = arith.constant 0 : i32
    %cond3A_77 = arith.cmpi ne, %convert_element_type3A_75, %cond3A_76 : i32
    scf.if %cond3A_77 {
      %get3A_83 = arith.constant 0 : index
      %get3A_84 = arith.constant 2048 : index
      %get3A_85 = vector.load %arg6[%get3A_83, %get3A_84] : memref<1x3072xf32, #tpu.memory_space<vmem>>, vector<1x1024xf32>
      %get3A_86 = vector.shape_cast %get3A_85 : vector<1x1024xf32> to vector<1024xf32>
      %lt3A = arith.cmpf olt, %reduce_min3A_54, %get3A_86 : vector<1024xf32>
      %get3A_87 = arith.constant 0 : index
      %get3A_88 = arith.constant 2048 : index
      %get3A_89 = vector.load %arg7[%get3A_87, %get3A_88] : memref<1x3072xi32, #tpu.memory_space<vmem>>, vector<1x1024xi32>
      %get3A_90 = vector.shape_cast %get3A_89 : vector<1x1024xi32> to vector<1024xi32>
      %select_n3A_91 = arith.select %lt3A, %add3A_67, %get3A_90 : vector<1024xi1>, vector<1024xi32>
      %swap3A = arith.constant 0 : index
      %swap3A_92 = arith.constant 2048 : index
      %swap3A_93 = vector.load %arg7[%swap3A, %swap3A_92] : memref<1x3072xi32, #tpu.memory_space<vmem>>, vector<1x1024xi32>
      %swap3A_94 = vector.shape_cast %swap3A_93 : vector<1x1024xi32> to vector<1024xi32>
      %swap3A_95 = vector.shape_cast %select_n3A_91 : vector<1024xi32> to vector<1x1024xi32>
      tpu.vector_store %arg7[%swap3A, %swap3A_92], %swap3A_95 {strides = array<i32>} : memref<1x3072xi32, #tpu.memory_space<vmem>>, vector<1x1024xi32>,
      %get3A_96 = arith.constant 0 : index
      %get3A_97 = arith.constant 2048 : index
      %get3A_98 = vector.load %arg6[%get3A_96, %get3A_97] : memref<1x3072xf32, #tpu.memory_space<vmem>>, vector<1x1024xf32>
      %get3A_99 = vector.shape_cast %get3A_98 : vector<1x1024xf32> to vector<1024xf32>
      %select_n3A_100 = arith.select %lt3A, %reduce_min3A_54, %get3A_99 : vector<1024xi1>, vector<1024xf32>
      %swap3A_101 = arith.constant 0 : index
      %swap3A_102 = arith.constant 2048 : index
      %swap3A_103 = vector.load %arg6[%swap3A_101, %swap3A_102] : memref<1x3072xf32, #tpu.memory_space<vmem>>, vector<1x1024xf32>
      %swap3A_104 = vector.shape_cast %swap3A_103 : vector<1x1024xf32> to vector<1024xf32>
      %swap3A_105 = vector.shape_cast %select_n3A_100 : vector<1024xf32> to vector<1x1024xf32>
      tpu.vector_store %arg6[%swap3A_101, %swap3A_102], %swap3A_105 {strides = array<i32>} : memref<1x3072xf32, #tpu.memory_space<vmem>>, vector<1x1024xf32>,
    } else {
    }
    %eq3A_78 = arith.constant 7 : i32
    %eq3A_79 = arith.cmpi eq, %arg1, %eq3A_78 : i32
    %convert_element_type3A_80 = arith.extui %eq3A_79 : i1 to i32
    %cond3A_81 = arith.constant 0 : i32
    %cond3A_82 = arith.cmpi ne, %convert_element_type3A_80, %cond3A_81 : i32
    scf.if %cond3A_82 {
      %get3A_83 = arith.constant 0 : index
      %get3A_84 = arith.constant 0 : index
      %get3A_85 = vector.load %arg7[%get3A_83, %get3A_84] : memref<1x3072xi32, #tpu.memory_space<vmem>>, vector<1x3072xi32>
      %swap3A = arith.constant 0 : index
      %swap3A_86 = arith.constant 0 : index
      %swap3A_87 = arith.constant 0 : index
      %swap3A_88 = vector.load %arg5[%swap3A, %swap3A_86, %swap3A_87] : memref<1x1x3072xi32, #tpu.memory_space<vmem>>, vector<1x1x3072xi32>
      %swap3A_89 = vector.shape_cast %swap3A_88 : vector<1x1x3072xi32> to vector<1x3072xi32>
      %swap3A_90 = vector.shape_cast %get3A_85 : vector<1x3072xi32> to vector<1x1x3072xi32>
      tpu.vector_store %arg5[%swap3A, %swap3A_86, %swap3A_87], %swap3A_90 {strides = array<i32>} : memref<1x1x3072xi32, #tpu.memory_space<vmem>>, vector<1x1x3072xi32>,
    } else {
    }
    return
  }
  func.func @transform_0(%arg0: i32, %arg1: i32) -> (i32, i32, i32) {
    %c0_i32 = arith.constant 0 : i32
    %c0_i32_0 = arith.constant 0 : i32
    return %arg0, %arg1, %c0_i32 : i32, i32, i32
  }
  func.func @transform_1(%arg0: i32, %arg1: i32) -> (i32, i32, i32) {
    %c1_i32 = arith.constant 1 : i32
    %c0_i32 = arith.constant 0 : i32
    return %arg0, %arg1, %c1_i32 : i32, i32, i32
  }
  func.func @transform_2(%arg0: i32, %arg1: i32) -> (i32, i32, i32) {
    %c2_i32 = arith.constant 2 : i32
    %c0_i32 = arith.constant 0 : i32
    return %arg0, %arg1, %c2_i32 : i32, i32, i32
  }
  func.func @transform_3(%arg0: i32, %arg1: i32) -> (i32, i32, i32) {
    %c0_i32 = arith.constant 0 : i32
    %c0_i32_0 = arith.constant 0 : i32
    %c0_i32_1 = arith.constant 0 : i32
    return %arg0, %c0_i32, %c0_i32_0 : i32, i32, i32
  }
}

</mosaic_0001>

<sc_bundles>
// kernel: kernel.5.cloned.1.call-start
scs
__scs_entry_jumppad:
0x0: {  	(pc) =	sbr.rel $0x88, $3  }
0x1: {  	(tag) =	ssettag $0x0;
	lr =	simm.s32 $0x1  }
0x2: {  	[smem:$0x3FA0] =	sst lr;
	_ =	strace $0xD0000000  }
0x3: {  	_ = 	snop  }
0x4: {  	_ = 	snop  }
0x5: {  	_ = 	snop  }
0x6: {  	_ = 	snop  }
0x7: {  	_ = 	snop  }
__scs_overlays_trampoline_lowered:
0x8: {  	[smem:$0x3FAF] =	sst s0  }
0x9: {  	[smem:$0x3FB0] =	sst s1  }
0xa: {  	[smem:$0x3FB1] =	sst s2  }
0xb: {  	[smem:$0x3FB2] =	sst s3  }
0xc: {  	[smem:$0x3FB3] =	sst s4  }
0xd: {  	[smem:$0x3FB4] =	sst s5  }
0xe: {  	[smem:$0x3FB5] =	sst s6  }
0xf: {  	[smem:$0x3FB6] =	sst s7  }
0x10: {  	[smem:$0x3FB7] =	sst s8  }
0x11: {  	[smem:$0x3FB8] =	sst s9;
	s0 =	simm.s32 @!p0 $0x0  }
0x12: {  	s1 =	sld [smem:$0x3F9E];
	s0 =	simm.s32 @p0 $0x1  }
0x13: {  	[smem:$0x3FB9] =	sst s0;
	s0 =	simm.s32 @!p1 $0x0  }
0x14: {  	s2 =	sld [smem:$0x3F9D];
	s0 =	simm.s32 @p1 $0x1  }
0x15: {  	[smem:$0x3FBA] =	sst s0;
	s0 =	simm.s32 @!p2 $0x0  }
0x16: {  	s3 =	sld [smem:$0x3FDB];
	s0 =	simm.s32 @p2 $0x1  }
0x17: {  	s4 =	simm.s32 $0x1BF5;
	[smem:$0x3FBC] =	sst s0  }
0x18: {  	s0 =	sld [smem:$0x3F9F];
	_ =	swait.ge [sflag:s4], $0x0  }
0x19: {  	s7 =	sld [smem:$0x3FA0]  }
0x1a: {  	s8 =	sadd.s32 $0xFFFFE003, lr  }
0x1b: {  	s9 =	sadd.s32 $0xFFFFFEF7, lr;
	s5 =	simm.s32 $0xFFFFFFFF;
	p2 =	slt.u32 s8, $0xFFFFF086  }
0x1c: {  	p1 =	slt.u32 s9, $0xF7A;
	s5 =	simm.s32 @!p2 $0x0  }
0x1d: {  	s5 =	simm.s32 @p1 $0x1;
	p0 =	seq.s32 s7, s2  }
0x1e: {  	s7 =	smul.u32 @!p0 $0xF7A, s2;
	p2 =	seq.s32 @!p0 s5, $0x0  }
0x1f: {  	s9 =	smul.u32 $0xF7A, s1;
	s8 =	simm.s32 @!p0 $0x1BF5;
	p2 =	por !p2, p0  }
0x20: {  	[sflag:s8] =	ssyncset.s32 @!p0 $0xFFFFF086;
	s6 =	sadd.s32 @!p0 s3, s7;
	s7 =	simm.s32 @!p0 $0x108  }
0x21: {  	s3 =	sadd.s32 s3, s9;
	s6 =	sadd.s32 @!p0 $0x88, s6;
	s7 =	simm.s32 @p2 $0x1082  }
0x22: {  	[simem:s7], [sflag:s8] =	dma.local @!p0 [hbm:s6], $0xF7A  }
0x23: {  	s9 =	sor.u32 $0xD0000000, s2;
	s6 =	simm.s32 $0x108;
	_ =	swait.ge @!p0 [sflag:s8], $0x0  }
0x24: {  	s3 =	sadd.s32 $0x88, s3;
	s6 =	simm.s32 @!p1 $0x1082;
	[sflag:s4] =	ssyncset.s32 $0xFFFFF086  }
0x25: {  	[simem:s6], [sflag:s4] =	dma.local [hbm:s3], $0xF7A  }
0x26: {  	[smem:$0x3FA0] =	sst s1;
	(tag) =	ssettag s2;
	_ =	strace s9  }
0x27: {  	s1 =	sld [smem:$0x3FB0]  }
0x28: {  	s2 =	sld [smem:$0x3FB1]  }
0x29: {  	s4 =	sld [smem:$0x3FB3]  }
0x2a: {  	p0 =	seq.s32 s5, $0x0;
	s5 =	sld [smem:$0x3FB4]  }
0x2b: {  	s6 =	sld [smem:$0x3FB5]  }
0x2c: {  	s7 =	sld [smem:$0x3FB6]  }
0x2d: {  	s3 =	simm.s32 $0x108;
	s8 =	sld [smem:$0x3FB7]  }
0x2e: {  	s3 =	simm.s32 @!p0 $0x1082;
	s9 =	sld [smem:$0x3FB8]  }
0x2f: {  	lr =	sadd.s32 s0, s3;
	s0 =	sld [smem:$0x3FAF]  }
0x30: {  	s3 =	sld [smem:$0x3FB2]  }
0x31: {  	[smem:$0x3FBB] =	sst s10  }
0x32: {  	s10 =	sld [smem:$0x3FB9];
	_ =	sdelay $0x3  }
0x33: {  	p0 =	seq.s32 s10, $0x1;
	s10 =	sld [smem:$0x3FBB];
	_ =	sdelay $0x3  }
0x34: {  	[smem:$0x3FBB] =	sst s10  }
0x35: {  	s10 =	sld [smem:$0x3FBA];
	_ =	sdelay $0x3  }
0x36: {  	p1 =	seq.s32 s10, $0x1;
	s10 =	sld [smem:$0x3FBB];
	_ =	sdelay $0x3  }
0x37: {  	[smem:$0x3FBB] =	sst s10  }
0x38: {  	s10 =	sld [smem:$0x3FBC]  }
0x39: {  	_ = 	snop;
	(pc) =	sbr.ind lr, $3  }
0x3a: {  	_ = 	snop  }
0x3b: {  	_ = 	snop  }
0x3c: {  	p2 =	seq.s32 s10, $0x1;
	s10 =	sld [smem:$0x3FBB]  }
0x3d: {  	_ =	shalt  }
0x3e: {  	_ =	shalt  }
0x3f: {  	_ =	shalt  }
0x40: {  	_ =	shalt  }
0x41: {  	_ =	shalt  }
0x42: {  	_ =	shalt  }
0x43: {  	_ =	shalt  }
0x44: {  	_ =	shalt  }
0x45: {  	_ =	shalt  }
0x46: {  	_ =	shalt  }
0x47: {  	_ =	shalt  }
0x48: {  	_ =	shalt  }
0x49: {  	_ =	shalt  }
0x4a: {  	_ =	shalt  }
0x4b: {  	_ =	shalt  }
0x4c: {  	_ =	shalt  }
0x4d: {  	_ =	shalt  }
0x4e: {  	_ =	shalt  }
0x4f: {  	_ =	shalt  }
0x50: {  	_ =	shalt  }
0x51: {  	_ =	shalt  }
0x52: {  	_ =	shalt  }
0x53: {  	_ =	shalt  }
0x54: {  	_ =	shalt  }
0x55: {  	_ =	shalt  }
0x56: {  	_ =	shalt  }
0x57: {  	_ =	shalt  }
0x58: {  	_ =	shalt  }
0x59: {  	_ =	shalt  }
0x5a: {  	_ =	shalt  }
0x5b: {  	_ =	shalt  }
0x5c: {  	_ =	shalt  }
0x5d: {  	_ =	shalt  }
0x5e: {  	_ =	shalt  }
0x5f: {  	_ =	shalt  }
0x60: {  	_ =	shalt  }
0x61: {  	_ =	shalt  }
0x62: {  	_ =	shalt  }
0x63: {  	_ =	shalt  }
0x64: {  	_ =	shalt  }
0x65: {  	_ =	shalt  }
0x66: {  	_ =	shalt  }
0x67: {  	_ =	shalt  }
0x68: {  	_ =	shalt  }
0x69: {  	_ =	shalt  }
0x6a: {  	_ =	shalt  }
0x6b: {  	_ =	shalt  }
0x6c: {  	_ =	shalt  }
0x6d: {  	_ =	shalt  }
0x6e: {  	_ =	shalt  }
0x6f: {  	_ =	shalt  }
0x70: {  	_ =	shalt  }
0x71: {  	_ =	shalt  }
0x72: {  	_ =	shalt  }
0x73: {  	_ =	shalt  }
0x74: {  	_ =	shalt  }
0x75: {  	_ =	shalt  }
0x76: {  	_ =	shalt  }
0x77: {  	_ =	shalt  }
0x78: {  	_ =	shalt  }
0x79: {  	_ =	shalt  }
0x7a: {  	_ =	shalt  }
0x7b: {  	_ =	shalt  }
0x7c: {  	_ =	shalt  }
0x7d: {  	_ =	shalt  }
0x7e: {  	_ =	shalt  }
0x7f: {  	_ =	shalt  }
0x80: {  	_ =	shalt  }
0x81: {  	_ =	shalt  }
0x82: {  	_ =	shalt  }
0x83: {  	_ =	shalt  }
0x84: {  	_ =	shalt  }
0x85: {  	_ =	shalt  }
0x86: {  	_ =	shalt  }
0x87: {  	_ =	shalt  }
.Lfunc_end0:
.L_simem_size_0:
called_computation_lowered:
.L_overlay_start_0:
0x88: {  	s2 =	sld [smem:$0x3FD9]  }
0x89: {  	s3 =	sld [smem:$0x3FFE];
	_ =	sdelay $0x1  }
0x8a: {  	s1 =	srdreg.scid  }
0x8b: {  	s0 =	sand.u32 $0x1, s1  }
0x8c: {  	s17 =	sshll.u32 s0, $0xA;
	s2 =	sadd.s32 s3, s2  }
0x8d: {  	s2 =	sadd.s32 s2, s17  }
0x8e: {  	[smem:$0x3FC7] =	sst s2  }
0x8f: {  	_ = 	snop  }
0x90: {  	s2 =	sld [smem:$0x3FC9]  }
0x91: {  	s18 =	sld [smem:$0x3FD0];
	(tm) =	ssettm $0x1  }
0x92: {  	s4 =	sld [smem:$0x3FFB];
	_ =	sdelay $0x3  }
0x93: {  	_ =	strace s4  }
0x94: {  	s4 =	sld [smem:$0x3FFC];
	_ =	sdelay $0x3  }
0x95: {  	_ =	strace s4  }
0x96: {  	s4 =	sld [smem:$0x3FFD];
	_ =	sdelay $0x3  }
0x97: {  	_ =	strace s4  }
0x98: {  	_ =	strace $0x8FFFFFFF  }
0x99: {  	s19 =	sld [smem:$0x3FDB];
	_ =	sdelay $0x1  }
0x9a: {  	s5 =	simm.s32 $_scs_section_size  }
0x9b: {  	s6 =	simm.s32 $_size__tile_overlayer_lowered;
	s7 =	simm.s32 $_tile_overlayer_lowered  }
0x9c: {  	s22 =	simm.s32 $0x1BFF;
	s21 =	sshll.u32 s7, $0x1;
	s4 =	sadd.s32 s5, s19  }
0x9d: {  	s8 =	simm.s32 $0x0;
	s20 =	sshll.u32 s6, $0x1;
	s6 =	sadd.s32 s21, s4  }
0x9e: {  	[timem:s8], [sflag:s22] =	dma.local [hbm:s6], s20  }
0x9f: {  	_ =	swait.ge [sflag:s22], s20  }
0xa0: {  	s5 =	ssub.s32 $0x0, s20;
	[sflag:s22] =	ssyncset.done $0x0  }
0xa1: {  	[sflag:s22] =	ssyncadd.s32 s5;
	_ =	sdelay $0x1  }
0xa2: {  	s23 =	simm.s32 $0x1B8B  }
0xa3: {  	_ =	swait.ge [sflag:s23], $0x1  }
0xa4: {  	[sflag:s23] =	ssyncset.done $0x0  }
0xa5: {  	s25 =	simm.s32 $0x1B8E;
	s24 =	sld [smem:$0x3FFE];
	[sflag:s23] =	ssyncadd.s32 $0xFFFFFFFF  }
0xa6: {  	s26 =	simm.s32 $execute0_lowered;
	[smem:$0x3FD2] =	sst s25  }
0xa7: {  	s6 =	sshll.u32 s26, $0x1;
	_ =	strace $0x80000046;
	[dreg:$0x1] =	wrdreg $0xFFFFFFFF  }
0xa8: {  	s28 =	simm.s32 $_size_execute0_lowered;
	s4 =	sadd.s32 s4, s6;
	[dreg:$0x0] =	wrdreg $0x0  }
0xa9: {  	s6 =	sshll.u32 s28, $0x1;
	[dreg:$0x2] =	wrdreg s4  }
0xaa: {  	[dreg:$0x3] =	wrdreg s6  }
0xab: {  	[dreg:$0x4] =	wrdreg $0xC0  }
0xac: {  	_ =	task [dreg:s8], $0x5FFFF  }
0xad: {  	[dreg:$0x1] =	wrdreg $0xFFFFFFFF  }
0xae: {  	[dreg:$0x0] =	wrdreg $0x60  }
0xaf: {  	[dreg:$0x2] =	wrdreg s2  }
0xb0: {  	[dreg:$0x3] =	wrdreg s18  }
0xb1: {  	[dreg:$0x4] =	wrdreg s24  }
0xb2: {  	[dreg:$0x5] =	wrdreg $0x9  }
0xb3: {  	_ =	task.clear_ibuf [dreg:s8], $0x6FFFF;
	_ =	strace $0x90000046  }
0xb4: {  	s29 =	simm.s32 $0x9;
	_ =	strace $0x80000048  }
0xb5: {  	_ =	swait.ge [sflag:s29], $0x1  }
0xb6: {  	[sflag:s29] =	ssyncadd.s32 $0xFFFFFFFF  }
0xb7: {  	_ =	strace $0x90000048  }
0xb8: {  	_ =	sfence  }
0xb9: {  	s30 =	sld [smem:$0x0];
	_ =	sdelay $0x2  }
0xba: {  	s31 =	sshll.u32 s1, $0xD;
	s1 =	sshrl.u32 s1, $0x2  }
0xbb: {  	s3 =	sand.u32 $0x4000, s31;
	s1 =	sadd.s32 s1, s30  }
0xbc: {  	s0 =	sor.u32 s3, s0;
	s1 =	sshll.u32 s1, $0x11  }
0xbd: {  	s0 =	sor.u32 s1, s0  }
0xbe: {  	s0 =	sadd.s32 $0x8F2B, s0  }
0xbf: {  	[sflag:s0] =	ssyncadd.remote.s32 $0x1  }
0xc0: {  	_ =	sfence.sel $0xFFFF  }
0xc1: {  	[dreg:$0x0] =	wrdreg $0xFFFFFFFF;
	(pc) =	sbr.abs _section_cstart, $3  }
0xc2: {  	[dreg:$0x1] =	wrdreg $0xFFFFFFFF  }
0xc3: {  	_ =	task.clear_ibuf [dreg:s8], $0x2FFFF;
	_ =	strace $0x9FFFFFFF  }
0xc4: {  	(tm) =	ssettm $0x7FFFFFFF  }
0xc5: {  	_ =	shalt  }
tec
execute0_lowered:
.L_overlay_start_1:
0x0: {  	(tag) =	ssettag $0x1  }
0x1: {  	s1 =	rddreg [dreg:$0x0]  }
0x2: {  	s0 =	srdreg.scid;
	s6 =	rddreg [dreg:$0x1]  }
0x3: {  	s3 =	stileid.u32;
	s4 =	rddreg [dreg:$0x2]  }
0x4: {  	s5 =	simm.s32 $0x1;
	s30 =	simm.s32 $0x400;
	s0 =	sand.u32 $0x1, s0  }
0x5: {  	s31 =	simm.s32 $0x8000;
	s7 =	sand.u32 $0x3, s3;
	s2 =	sshll.u32 s0, $0x4  }
0x6: {  	s11 =	sadd.s32 $0xC00, s4;
	p1 =	sne.s32 s7, $0x0;
	s2 =	sor.u32 s3, s2  }
0x7: {  	s0 =	ssub.s32 $0x2, s0;
	s8 =	sshll.u32 s7, $0x17;
	p0 =	seq.s32 s2, $0x0  }
0x8: {  	s14 =	sshll.u32 s7, $0xB;
	s7 =	sshll.u32 s7, $0xC;
	p0 =	por !p1, !p0  }
0x9: {  	s3 =	simm.s32 $0x0;
	s19 =	sshrl.u32 s0, $0x1;
	p0 =	por !p0, !p0  }
0xa: {  	s10 =	sor.u32 $0x300, s14;
	s2 =	sshrl.u32 s2, $0x2;
	s5 =	simm.s32 @!p0 $0x0  }
0xb: {  	[smem:$0x7FF] =	sst s3;
	s0 =	ssub.s32 s0, s19;
	s2 =	ssub.s32 s2, s5  }
0xc: {  	_ =	strace $0x80000047;
	s0 =	smax.u32 s0, $0x1;
	s12 =	sshll.u32 s2, $0xA  }
0xd: {  	[dreg:$0xf] =	wrdreg s0;
	s2 =	sshll.u32 s2, $0x9;
	s4 =	sadd.s32 $0x6000, s12  }
0xe: {  	s0 =	simm.s32 $0x10000;
	s2 =	sadd.s32 s7, s2;
	s8 =	sadd.s32 s8, s4  }
0xf: {  	s5 =	simm.s32 $0x1;
	s2 =	sshrl.u32 s2, $0x3;
	s9 =	sadd.s32 $0x100000, s8  }
0x10: {  	s8 =	sshrl.u32 s8, $0x3;
	s13 =	sadd.s32 s6, s2;
	s20 =	sadd.s32 s11, s2  }
0x11: {  	s22 =	sor.u32 $0x10, s2;
	s24 =	sor.u32 $0x20, s2;
	[dreg:$0x4] =	wrdreg s13  }
0x12: {  	s2 =	sor.u32 $0x30, s2;
	[dreg:$0x5] =	wrdreg s20;
	s16 =	sadd.s32 s6, s22  }
0x13: {  	s9 =	sshrl.u32 s9, $0x3;
	s13 =	sadd.s32 s11, s22;
	[dreg:$0x8] =	wrdreg s16  }
0x14: {  	s7 =	sadd.s32 s1, s8;
	s25 =	sadd.s32 s6, s24;
	[dreg:$0x9] =	wrdreg s13  }
0x15: {  	s6 =	sadd.s32 s6, s2;
	s2 =	sadd.s32 s11, s2;
	[dreg:$0xb] =	wrdreg s25  }
0x16: {  	s8 =	sadd.s32 s1, s9;
	s9 =	sor.u32 $0x200, s14;
	[dreg:$0xd] =	wrdreg s6  }
0x17: {  	s21 =	sadd.s32 $0x400000, s7;
	s23 =	sadd.s32 $0x800000, s7;
	[dreg:$0xe] =	wrdreg s2  }
0x18: {  	s13 =	sadd.s32 s11, s24;
	s24 =	sadd.s32 $0x6006000, s12;
	[dreg:$0x6] =	wrdreg s21  }
0x19: {  	s28 =	sadd.s32 $0xC00000, s7;
	s2 =	simm.s32 $0x2;
	[dreg:$0xa] =	wrdreg s23  }
0x1a: {  	s11 =	simm.s32 $0x3;
	s15 =	sadd.s32 $0x400000, s8;
	[dreg:$0xc] =	wrdreg s13  }
0x1b: {  	s23 =	sadd.s32 $0x4006000, s12;
	s26 =	sadd.s32 $0x800000, s8;
	[dreg:$0x11] =	wrdreg s28  }
0x1c: {  	s29 =	sadd.s32 $0xC00000, s8;
	s13 =	simm.s32 $0x0;
	[dreg:$0x7] =	wrdreg s15  }
0x1d: {  	s15 =	sadd.s32 $0x2006000, s12;
	[dreg:$0x10] =	wrdreg s26;
	s12 =	simm.s32 $0x10080  }
.LBB2_1:
0x1e: {  	v15 =	vimm.f32 $+Inf  }
0x1f: {  	v5 =	vimm.s32 $0x0;
	v3 =	vimm.s32 $0x0;
	v4 =	vimm.s32 $0x0  }
0x20: {  	v0 =	vimm.s32 $0x0;
	v1 =	vimm.s32 $0x0;
	v2 =	vimm.s32 $0x0  }
0x21: {  	[tilespmem:s3], [sflag:$0x1] =	stream.strided.gather [hbm4b:s7+s30], $0x8000, s31, s30, $0x38;
	v9 =	vimm.s32 $0x0;
	v13 =	vimm.s32 $0x0;
	v16 =	vimm.f32 $+Inf;
	[tilespmem:$0x10100] =	vst v63  }
0x22: {  	v17 =	vimm.f32 $+Inf;
	v7 =	vimm.f32 $+Inf;
	v8 =	vimm.f32 $+Inf;
	s6 =	smov.u32 s14;
	s17 =	simm.s32 $0x0  }
0x23: {  	v10 =	vimm.f32 $+Inf;
	v11 =	vimm.f32 $+Inf;
	v12 =	vimm.f32 $+Inf;
	[tilespmem:s31], [sflag:$0x2] =	stream.strided.gather [hbm4b:s8+s30], $0x8000, s31, s30, $0x38;
	[tilespmem:$0x10100] =	vst v63  }
.LBB2_2:
0x24: {  	_ =	swait.ge [sflag:s5], $0x8000  }
0x25: {  	[sflag:s5] =	ssyncset.done $0x0  }
0x26: {  	s25 =	simm.s32 $0x100;
	[sflag:s5] =	ssyncadd.s32 $0xFFFF8000  }
0x27: {  	v18 =	vld [tilespmem:s25+$0x80]  }
0x28: {  	v19 =	vld [tilespmem:s25+$0x90]  }
0x29: {  	v20 =	vld [tilespmem:s25+$0xA0]  }
0x2a: {  	v23 =	vld [tilespmem:s25+$0xB0]  }
0x2b: {  	v27 =	vld [tilespmem:s25+$0xC0]  }
0x2c: {  	v22 =	vld [tilespmem:s25+$0xFFFFFF00]  }
0x2d: {  	v24 =	vld [tilespmem:s25+$0xFFFFFF10]  }
0x2e: {  	v31 =	vld [tilespmem:s25+$0xFFFFFF40]  }
0x2f: {  	v25 =	vld [tilespmem:s25+$0xFFFFFF80]  }
0x30: {  	v26 =	vld [tilespmem:s25+$0xFFFFFF90]  }
0x31: {  	v14 =	vld [tilespmem:s25+$0x0]  }
0x32: {  	s16 =	sadd.s32 $0xFFFFFFFC, s6;
	v21 =	vld [tilespmem:s25+$0x10]  }
0x33: {  	s18 =	sadd.s32 $0x4, s16;
	v28 =	vld [tilespmem:s25+$0x20];
	vm0 =	vlt.f32 v22, v12;
	vm1 =	vlt.f32 v24, v11;
	vm6 =	vlt.f32 v31, v7  }
0x34: {  	v12 =	vsel vm0, v22, v12;
	v11 =	vsel vm1, v24, v11;
	v9 =	vsel vm1, s18, v9;
	v22 =	vld [tilespmem:s25+$0xFFFFFF20]  }
0x35: {  	s19 =	sadd.s32 $0x5, s16;
	v13 =	vsel vm0, s18, v13;
	v24 =	vld [tilespmem:s25+$0xFFFFFF30];
	vm0 =	vlt.f32 v25, v12;
	vm1 =	vlt.f32 v26, v11  }
0x36: {  	v30 =	vld [tilespmem:s25+$0xFFFFFFA0];
	v12 =	vsel vm0, v25, v12;
	v11 =	vsel vm1, v26, v11;
	v9 =	vsel vm1, s19, v9  }
0x37: {  	v13 =	vsel vm0, s19, v13;
	v25 =	vld [tilespmem:s25+$0xFFFFFFB0];
	vm0 =	vlt.f32 v14, v12;
	vm1 =	vlt.f32 v21, v11  }
0x38: {  	s20 =	sadd.s32 $0x6, s16;
	v7 =	vsel vm6, v31, v7;
	v26 =	vld [tilespmem:s25+$0xFFFFFFC0];
	v12 =	vsel vm0, v14, v12;
	v21 =	vsel vm1, v21, v11  }
0x39: {  	v29 =	vld [tilespmem:s25+$0x30];
	v32 =	vsel vm1, s20, v9;
	v9 =	vsel vm0, s20, v13;
	vm3 =	vlt.f32 v18, v12  }
0x3a: {  	v33 =	vld [tilespmem:s25+$0x40];
	vm0 =	vlt.f32 v19, v21;
	vm4 =	vlt.f32 v22, v10;
	vm5 =	vlt.f32 v24, v8  }
0x3b: {  	s21 =	sadd.s32 $0x7, s16;
	v6 =	vld [tilespmem:s25+$0xD0];
	v11 =	vsel vm3, v18, v12;
	v12 =	vsel vm0, v19, v21;
	v10 =	vsel vm4, v22, v10  }
0x3c: {  	v62 =	vld [tilespmem:s25+$0xFFFFFF70];
	v13 =	vsel vm0, s21, v32;
	v8 =	vsel vm5, v24, v8;
	vm7 =	vlt.f32 v30, v10  }
0x3d: {  	v14 =	vld [tilespmem:s25+$0x50];
	vm8 =	vlt.f32 v25, v8;
	vm9 =	vlt.f32 v26, v7;
	v10 =	vsel vm7, v30, v10  }
0x3e: {  	v21 =	vld [tilespmem:s25+$0xFFFFFFD0];
	v8 =	vsel vm8, v25, v8;
	v7 =	vsel vm9, v26, v7;
	vm10 =	vlt.f32 v28, v10  }
0x3f: {  	v18 =	vld [tilespmem:s25+$0xFFFFFF50];
	vm11 =	vlt.f32 v29, v8;
	vm12 =	vlt.f32 v33, v7;
	v10 =	vsel vm10, v28, v10  }
0x40: {  	v19 =	vld [tilespmem:s25+$0xFFFFFF60];
	v63 =	vsel vm12, v33, v7;
	v7 =	vimm.s32 $0x0;
	vm0 =	vlt.f32 v20, v10  }
0x41: {  	vm13 =	vlt.f32 v62, v15;
	v24 =	vld [tilespmem:s25+$0xFFFFFFE0];
	v8 =	vsel vm11, v29, v8;
	v7 =	vsel vm0, $0xFFFFFFFF, v7  }
0x42: {  	v22 =	vld [tilespmem:s25+$0x60];
	vm1 =	vlt.f32 v23, v8;
	[tilespmem:$0x1FFD0] =	vst v7;
	v7 =	vsel vm0, v20, v10;
	v10 =	vimm.s32 $0x0  }
0x43: {  	v15 =	vsel vm13, v62, v15;
	v26 =	vld [tilespmem:s25+$0xFFFFFFF0];
	v10 =	vsel vm1, $0xFFFFFFFF, v10  }
0x44: {  	v25 =	vld [tilespmem:s25+$0x70];
	vm2 =	vlt.f32 v27, v63;
	vm15 =	vlt.f32 v18, v17;
	[tilespmem:$0x1FFE0] =	vst v10;
	v10 =	vimm.s32 $0x0  }
0x45: {  	vm14 =	vlt.f32 v19, v16;
	v8 =	vsel vm1, v23, v8;
	v23 =	vld [tilespmem:s25+$0xE0];
	v10 =	vsel vm2, $0xFFFFFFFF, v10  }
0x46: {  	s22 =	simm.s32 $0x0;
	s16 =	sshll.u32 s17, $0x9;
	v17 =	vsel vm15, v18, v17;
	v16 =	vsel vm14, v19, v16;
	v19 =	vld [tilespmem:s25+$0xF0];
	s25 =	simm.s32 $0x300;
	[tilespmem:$0x1FFF0] =	vst v10;
	v10 =	vsel vm2, v27, v63  }
.LBB2_3:
0x47: {  	v18 =	vimm.s32 $0x0  }
0x48: {  	v18 =	vsel vm10, $0xFFFFFFFF, v18  }
0x49: {  	[tilespmem:$0x1FF90] =	vst v18;
	v18 =	vimm.s32 $0x0  }
0x4a: {  	v18 =	vsel vm5, $0xFFFFFFFF, v18  }
0x4b: {  	[tilespmem:$0x1FF80] =	vst v18;
	v18 =	vimm.s32 $0x0;
	vm2 =	vlt.f32 v26, v15  }
0x4c: {  	v18 =	vsel vm4, $0xFFFFFFFF, v18;
	v20 =	vsel vm2, v26, v15  }
0x4d: {  	vm0 =	vlt.f32 v21, v17;
	[tilespmem:$0x1FF70] =	vst v18;
	vm5 =	vlt.f32 v25, v20  }
0x4e: {  	v17 =	vsel vm0, v21, v17;
	v21 =	vsel vm5, v25, v20;
	v25 =	vld [tilespmem:$0x1FF70];
	_ =	sdelay $0x3  }
0x4f: {  	v4 =	vsel vm15, s18, v4  }
0x50: {  	v4 =	vsel vm0, s19, v4;
	vm0 =	vnez.u8 v25;
	v25 =	vld [tilespmem:$0x1FF80]  }
0x51: {  	v26 =	vld [tilespmem:$0x1FF90];
	v18 =	vimm.s32 $0x0  }
0x52: {  	v18 =	vsel vm12, $0xFFFFFFFF, v18  }
0x53: {  	[tilespmem:$0x1FFB0] =	vst v18;
	v18 =	vimm.s32 $0x0  }
0x54: {  	v18 =	vsel vm11, $0xFFFFFFFF, v18  }
0x55: {  	[tilespmem:$0x1FFA0] =	vst v18;
	v2 =	vsel vm0, s18, v2;
	vm0 =	vnez.u8 v25  }
0x56: {  	v1 =	vsel vm0, s18, v1;
	vm0 =	vnez.u8 v26;
	v26 =	vld [tilespmem:$0x1FFA0];
	_ =	sdelay $0x2  }
0x57: {  	vm12 =	vmmov vm7  }
0x58: {  	v2 =	vsel vm12, s19, v2  }
0x59: {  	v2 =	vsel vm0, s20, v2;
	vm0 =	vnez.u8 v26;
	v26 =	vld [tilespmem:$0x1FFB0];
	_ =	sdelay $0x2  }
0x5a: {  	v27 =	vld [tilespmem:s25+$0x80];
	vm10 =	vmmov vm9;
	vm9 =	vmmov vm8  }
0x5b: {  	v28 =	vld [tilespmem:s25+$0x90];
	v1 =	vsel vm9, s19, v1  }
0x5c: {  	v18 =	vimm.s32 $0x0;
	v1 =	vsel vm0, s20, v1;
	vm0 =	vnez.u8 v26;
	v26 =	vld [tilespmem:$0x1FFD0]  }
0x5d: {  	v29 =	vld [tilespmem:s25+$0x20];
	vm1 =	vlt.f32 v24, v16;
	v18 =	vsel vm3, $0xFFFFFFFF, v18  }
0x5e: {  	v61 =	vld [tilespmem:s25+$0xFFFFFF40];
	vm11 =	vmmov vm6;
	[tilespmem:$0x1FFC0] =	vst v18;
	v18 =	vsel vm1, v24, v16  }
0x5f: {  	v32 =	vld [tilespmem:s25+$0x40];
	v0 =	vsel vm11, s18, v0;
	vm4 =	vlt.f32 v22, v18  }
0x60: {  	v63 =	vld [tilespmem:s25+$0xFFFFFF70];
	v0 =	vsel vm10, s19, v0;
	v18 =	vsel vm4, v22, v18  }
0x61: {  	vm7 =	vlt.f32 v23, v18;
	v0 =	vsel vm0, s20, v0;
	vm0 =	vnez.u8 v26;
	v26 =	vld [tilespmem:$0x1FFE0]  }
0x62: {  	v5 =	vsel vm13, s18, v5;
	v18 =	vsel vm7, v23, v18;
	v23 =	vld [tilespmem:s25+$0xFFFFFF10]  }
0x63: {  	v3 =	vsel vm14, s18, v3;
	v62 =	vld [tilespmem:s25+$0xFFFFFF60];
	v5 =	vsel vm2, s19, v5;
	vm8 =	vlt.f32 v19, v21  }
0x64: {  	v3 =	vsel vm1, s19, v3;
	v5 =	vsel vm5, s20, v5;
	v19 =	vsel vm8, v19, v21;
	v25 =	vld [tilespmem:s25+$0xFFFFFF90]  }
0x65: {  	v5 =	vsel vm8, s21, v5;
	vm13 =	vlt.f32 v63, v19;
	vm3 =	vlt.f32 v14, v17;
	v31 =	vld [tilespmem:$0x1FFC0]  }
0x66: {  	v14 =	vsel vm3, v14, v17;
	v2 =	vsel vm0, s21, v2;
	vm0 =	vnez.u8 v26;
	v26 =	vld [tilespmem:$0x1FFF0]  }
0x67: {  	s26 =	sadd.s32 s22, s6;
	v4 =	vsel vm3, s20, v4;
	vm6 =	vlt.f32 v6, v14;
	v22 =	vld [tilespmem:s25+$0xFFFFFF00];
	vm1 =	vlt.f32 v23, v12  }
0x68: {  	v21 =	vld [tilespmem:s25+$0x10];
	v17 =	vsel vm6, v6, v14;
	v4 =	vsel vm6, s21, v4;
	s18 =	sadd.s32 $0x4, s26;
	v12 =	vsel vm1, v23, v12  }
0x69: {  	v24 =	vld [tilespmem:s25+$0xFFFFFF80];
	vm6 =	vlt.f32 v61, v10;
	v13 =	vsel vm1, s18, v13;
	vm1 =	vlt.f32 v25, v12  }
0x6a: {  	v3 =	vsel vm4, s20, v3;
	v10 =	vsel vm6, v61, v10;
	v12 =	vsel vm1, v25, v12;
	v25 =	vld [tilespmem:s25+$0xFFFFFFC0]  }
0x6b: {  	v3 =	vsel vm7, s21, v3;
	v23 =	vld [tilespmem:s25+$0xFFFFFF30];
	v1 =	vsel vm0, s21, v1;
	vm0 =	vnez.u8 v26  }
0x6c: {  	v14 =	vld [tilespmem:s25+$0x0];
	vm2 =	vnez.u8 v31;
	s19 =	sadd.s32 $0x5, s26;
	v0 =	vsel vm0, s21, v0;
	vm0 =	vlt.f32 v22, v11  }
0x6d: {  	v13 =	vsel vm1, s19, v13;
	vm1 =	vlt.f32 v21, v12;
	v11 =	vsel vm0, v22, v11;
	v22 =	vld [tilespmem:s25+$0xFFFFFF20]  }
0x6e: {  	v30 =	vld [tilespmem:s25+$0x30];
	vm14 =	vlt.f32 v62, v18;
	v9 =	vsel vm2, s21, v9;
	v12 =	vsel vm1, v21, v12  }
0x6f: {  	vm9 =	vlt.f32 v25, v10;
	v26 =	vld [tilespmem:s25+$0xFFFFFFA0];
	v9 =	vsel vm0, s18, v9;
	vm0 =	vlt.f32 v24, v11  }
0x70: {  	vm5 =	vlt.f32 v23, v8;
	s20 =	sadd.s32 $0x6, s26;
	v10 =	vsel vm9, v25, v10;
	v11 =	vsel vm0, v24, v11;
	v24 =	vld [tilespmem:s25+$0xFFFFFFB0]  }
0x71: {  	v15 =	vld [tilespmem:s25+$0xA0];
	v8 =	vsel vm5, v23, v8;
	v13 =	vsel vm1, s20, v13;
	vm12 =	vlt.f32 v32, v10  }
0x72: {  	v20 =	vld [tilespmem:s25+$0xC0];
	v9 =	vsel vm0, s19, v9;
	vm0 =	vlt.f32 v14, v11;
	vm4 =	vlt.f32 v22, v7  }
0x73: {  	v16 =	vld [tilespmem:s25+$0xB0];
	v10 =	vsel vm12, v32, v10;
	v11 =	vsel vm0, v14, v11;
	v7 =	vsel vm4, v22, v7  }
0x74: {  	v6 =	vld [tilespmem:s25+$0xD0];
	v9 =	vsel vm0, s20, v9;
	vm0 =	vlt.f32 v28, v12;
	vm7 =	vlt.f32 v26, v7  }
0x75: {  	v21 =	vld [tilespmem:s25+$0xFFFFFFD0];
	vm3 =	vlt.f32 v27, v11;
	vm8 =	vlt.f32 v24, v8;
	v7 =	vsel vm7, v26, v7  }
0x76: {  	v25 =	vld [tilespmem:s25+$0x70];
	v12 =	vsel vm0, v28, v12;
	v8 =	vsel vm8, v24, v8;
	vm10 =	vlt.f32 v29, v7  }
0x77: {  	s22 =	sadd.s32 $0x4, s22;
	s21 =	sadd.s32 $0x7, s26;
	v11 =	vsel vm3, v27, v11;
	v27 =	vld [tilespmem:s25+$0xFFFFFF50];
	vm11 =	vlt.f32 v30, v8;
	v7 =	vsel vm10, v29, v7  }
0x78: {  	p0 =	slt.u32 s22, $0xFC;
	v14 =	vld [tilespmem:s25+$0x50];
	v13 =	vsel vm0, s21, v13;
	v8 =	vsel vm11, v30, v8;
	vm0 =	vlt.f32 v15, v7  }
.Ltmp0:
0x79: {  	v22 =	vld [tilespmem:s25+$0x60];
	vm1 =	vlt.f32 v16, v8;
	v7 =	vsel vm0, v15, v7;
	v15 =	vimm.s32 $0x0;
	(pc) =	sbr.rel @p0 .LBB2_3-.Ltmp0, $4  }
0x7a: {  	v23 =	vimm.s32 $0x0;
	vm2 =	vlt.f32 v20, v10;
	v24 =	vld [tilespmem:s25+$0xFFFFFFE0];
	v15 =	vsel vm1, $0xFFFFFFFF, v15  }
0x7b: {  	v10 =	vsel vm2, v20, v10;
	v26 =	vld [tilespmem:s25+$0xFFFFFFF0];
	v23 =	vsel vm0, $0xFFFFFFFF, v23;
	[tilespmem:$0x1FFE0] =	vst v15;
	v15 =	vimm.s32 $0x0  }
0x7c: {  	vm15 =	vlt.f32 v27, v17;
	v8 =	vsel vm1, v16, v8;
	[tilespmem:$0x1FFD0] =	vst v23;
	v23 =	vld [tilespmem:s25+$0xE0];
	v15 =	vsel vm2, $0xFFFFFFFF, v15  }
0x7d: {  	v17 =	vsel vm15, v27, v17;
	v16 =	vsel vm14, v62, v18;
	[tilespmem:$0x1FFF0] =	vst v15;
	v15 =	vsel vm13, v63, v19;
	v19 =	vld [tilespmem:s25+$0xF0];
	s25 =	sadd.s32 $0x200, s25  }
0x7e: {  	p0 =	seq.s32 s17, $0x3  }
0x7f: {  	s22 =	sadd.s32 @!p0 s16, s9  }
0x80: {  	s22 =	sshll.u32 @!p0 s22, $0xC  }
0x81: {  	v4 =	vsel vm15, s18, v4;
	s22 =	sadd.s32 @!p0 s4, s22  }
0x82: {  	vm0 =	vlt.f32 v21, v17;
	v3 =	vsel vm14, s18, v3;
	s25 =	simm.s32 @!p0 $0x400;
	vm1 =	vlt.f32 v24, v16;
	s22 =	sshrl.u32 @!p0 s22, $0x3  }
0x83: {  	v0 =	vsel vm6, s18, v0;
	s26 =	simm.s32 @!p0 $0x8000;
	s28 =	simm.s32 @!p0 $0x0;
	v17 =	vsel vm0, v21, v17;
	v16 =	vsel vm1, v24, v16;
	s22 =	sadd.s32 @!p0 s1, s22  }
0x84: {  	v4 =	vsel vm0, s19, v4;
	v21 =	vsel vm1, s19, v3;
	vm1 =	vlt.f32 v22, v16;
	[tilespmem:s28], [sflag:$0x1] =	stream.strided.gather @!p0 [hbm4b:s22+s25], $0x8000, s26, s25, $0x38;
	[tilespmem:$0x10100] =	vst v63  }
0x85: {  	v0 =	vsel vm9, s19, v0;
	vm0 =	vlt.f32 v14, v17;
	v16 =	vsel vm1, v22, v16;
	_ =	swait.ge [sflag:s2], $0x8000  }
0x86: {  	v14 =	vsel vm0, v14, v17;
	v17 =	vsel vm1, s20, v21;
	vm1 =	vlt.f32 v23, v16;
	[sflag:s2] =	ssyncset.done $0x0  }
0x87: {  	s26 =	simm.s32 $0x8100;
	v29 =	vsel vm1, v23, v16;
	v23 =	vsel vm12, s20, v0;
	v0 =	vld [tilespmem:$0x1FFD0];
	[sflag:s2] =	ssyncadd.s32 $0xFFFF8000  }
0x88: {  	v18 =	vld [tilespmem:s26+$0x80]  }
0x89: {  	v20 =	vld [tilespmem:s26+$0x90]  }
0x8a: {  	v24 =	vld [tilespmem:s26+$0xA0]  }
0x8b: {  	v5 =	vsel vm13, s18, v5;
	vm2 =	vlt.f32 v26, v15;
	v27 =	vld [tilespmem:s26+$0xB0]  }
0x8c: {  	v15 =	vsel vm2, v26, v15;
	v4 =	vsel vm0, s20, v4;
	vm0 =	vlt.f32 v6, v14;
	v28 =	vld [tilespmem:s26+$0xC0]  }
0x8d: {  	v14 =	vsel vm0, v6, v14;
	v4 =	vsel vm0, s21, v4;
	vm0 =	vnez.u8 v0;
	v0 =	vld [tilespmem:$0x1FFE0]  }
0x8e: {  	v2 =	vsel vm4, s18, v2;
	v5 =	vsel vm2, s19, v5;
	vm2 =	vlt.f32 v25, v15;
	v3 =	vld [tilespmem:s26+$0xD0]  }
0x8f: {  	v1 =	vsel vm5, s18, v1;
	v2 =	vsel vm7, s19, v2;
	v15 =	vsel vm2, v25, v15;
	v21 =	vld [tilespmem:s26+$0x0]  }
0x90: {  	v1 =	vsel vm8, s19, v1;
	v22 =	vsel vm2, s20, v5;
	vm2 =	vlt.f32 v19, v15;
	v16 =	vld [tilespmem:s26+$0xFFFFFF10]  }
0x91: {  	v2 =	vsel vm10, s20, v2;
	v1 =	vsel vm11, s20, v1;
	v19 =	vsel vm2, v19, v15;
	v15 =	vld [tilespmem:s26+$0xFFFFFF00]  }
0x92: {  	v6 =	vsel vm2, s21, v22;
	v22 =	vld [tilespmem:s26+$0xFFFFFF90];
	v2 =	vsel vm0, s21, v2;
	vm0 =	vnez.u8 v0  }
0x93: {  	v0 =	vsel vm0, s21, v1;
	v1 =	vld [tilespmem:$0x1FFF0]  }
0x94: {  	v31 =	vld [tilespmem:s26+$0xFFFFFF30]  }
0x95: {  	v5 =	vsel vm1, s21, v17;
	s28 =	sadd.s32 $0xFFFFFFFC, s6;
	v32 =	vld [tilespmem:s26+$0xFFFFFF40];
	vm1 =	vlt.f32 v16, v12  }
0x96: {  	s18 =	sadd.s32 $0x104, s28;
	v17 =	vld [tilespmem:s26+$0xFFFFFF80];
	v12 =	vsel vm1, v16, v12  }
0x97: {  	v25 =	vld [tilespmem:s26+$0x10];
	v13 =	vsel vm1, s18, v13;
	vm1 =	vlt.f32 v22, v12  }
0x98: {  	v9 =	vsel vm3, s21, v9;
	v12 =	vsel vm1, v22, v12;
	v22 =	vld [tilespmem:s26+$0xFFFFFFC0];
	vm0 =	vnez.u8 v1  }
0x99: {  	v30 =	vld [tilespmem:s26+$0x20];
	vm2 =	vlt.f32 v31, v8;
	v1 =	vsel vm0, s21, v23;
	vm0 =	vlt.f32 v15, v11  }
0x9a: {  	vm3 =	vlt.f32 v32, v10;
	v8 =	vsel vm2, v31, v8;
	v11 =	vsel vm0, v15, v11;
	v15 =	vld [tilespmem:s26+$0xFFFFFF20]  }
0x9b: {  	s19 =	sadd.s32 $0x105, s28;
	v26 =	vld [tilespmem:s26+$0xFFFFFFA0];
	v10 =	vsel vm3, v32, v10;
	v9 =	vsel vm0, s18, v9;
	vm0 =	vlt.f32 v17, v11  }
0x9c: {  	v33 =	vld [tilespmem:s26+$0x40];
	v13 =	vsel vm1, s19, v13;
	vm1 =	vlt.f32 v25, v12;
	v11 =	vsel vm0, v17, v11  }
0x9d: {  	vm6 =	vlt.f32 v22, v10;
	v9 =	vsel vm0, s19, v9;
	v17 =	vld [tilespmem:s26+$0xFFFFFFB0];
	vm0 =	vlt.f32 v21, v11  }
0x9e: {  	s20 =	sadd.s32 $0x106, s28;
	v16 =	vld [tilespmem:s26+$0x50];
	v10 =	vsel vm6, v22, v10;
	v11 =	vsel vm0, v21, v11;
	v21 =	vsel vm1, v25, v12  }
0x9f: {  	v23 =	vld [tilespmem:s26+$0x30];
	v25 =	vsel vm1, s20, v13;
	v13 =	vsel vm0, s20, v9;
	vm4 =	vlt.f32 v15, v7  }
0xa0: {  	vm1 =	vlt.f32 v18, v11;
	vm0 =	vlt.f32 v20, v21;
	v7 =	vsel vm4, v15, v7;
	v15 =	vld [tilespmem:s26+$0xFFFFFF50]  }
0xa1: {  	s21 =	sadd.s32 $0x107, s28;
	vm9 =	vlt.f32 v33, v10;
	v12 =	vsel vm1, v18, v11;
	v11 =	vsel vm0, v20, v21;
	v18 =	vld [tilespmem:s26+$0xFFFFFF60]  }
0xa2: {  	v9 =	vsel vm0, s21, v25;
	v20 =	vld [tilespmem:s26+$0xFFFFFF70];
	vm7 =	vlt.f32 v26, v7;
	vm5 =	vlt.f32 v17, v8  }
0xa3: {  	v22 =	vld [tilespmem:s26+$0xFFFFFFE0];
	v7 =	vsel vm7, v26, v7;
	v8 =	vsel vm5, v17, v8;
	v17 =	vsel vm9, v33, v10  }
0xa4: {  	v21 =	vld [tilespmem:s26+$0xFFFFFFD0];
	v10 =	vimm.s32 $0x0;
	vm10 =	vlt.f32 v30, v7;
	vm8 =	vlt.f32 v23, v8  }
0xa5: {  	v25 =	vld [tilespmem:s26+$0x70];
	vm12 =	vlt.f32 v28, v17;
	v7 =	vsel vm10, v30, v7;
	v8 =	vsel vm8, v23, v8  }
0xa6: {  	v26 =	vld [tilespmem:s26+$0xFFFFFFF0];
	vm0 =	vlt.f32 v24, v7;
	vm11 =	vlt.f32 v27, v8;
	vm13 =	vlt.f32 v15, v14  }
0xa7: {  	v23 =	vld [tilespmem:s26+$0x60];
	vm14 =	vlt.f32 v18, v29;
	vm15 =	vlt.f32 v20, v19;
	v10 =	vsel vm0, $0xFFFFFFFF, v10  }
0xa8: {  	v8 =	vsel vm11, v27, v8;
	[tilespmem:$0x1FF60] =	vst v10;
	v10 =	vsel vm0, v24, v7;
	v7 =	vsel vm12, v28, v17;
	v24 =	vld [tilespmem:s26+$0xE0]  }
0xa9: {  	s17 =	sadd.s32 $0x1, s17;
	s22 =	simm.s32 $0x0;
	s25 =	simm.s32 $0x8300;
	v17 =	vsel vm13, v15, v14;
	v15 =	vsel vm14, v18, v29;
	v14 =	vsel vm15, v20, v19;
	v19 =	vld [tilespmem:s26+$0xF0]  }
.LBB2_5:
0xaa: {  	v18 =	vimm.s32 $0x0  }
0xab: {  	v18 =	vsel vm9, $0xFFFFFFFF, v18  }
0xac: {  	[tilespmem:$0x1FF20] =	vst v18;
	v18 =	vimm.s32 $0x0  }
0xad: {  	v18 =	vsel vm3, $0xFFFFFFFF, v18  }
0xae: {  	[tilespmem:$0x1FEF0] =	vst v18;
	v18 =	vimm.s32 $0x0  }
0xaf: {  	v18 =	vsel vm5, $0xFFFFFFFF, v18  }
0xb0: {  	[tilespmem:$0x1FF00] =	vst v18;
	v18 =	vimm.s32 $0x0  }
0xb1: {  	v18 =	vsel vm11, $0xFFFFFFFF, v18  }
0xb2: {  	[tilespmem:$0x1FF30] =	vst v18;
	v18 =	vimm.s32 $0x0  }
0xb3: {  	v18 =	vsel vm12, $0xFFFFFFFF, v18  }
0xb4: {  	[tilespmem:$0x1FF40] =	vst v18;
	v18 =	vimm.s32 $0x0  }
0xb5: {  	v18 =	vsel vm2, $0xFFFFFFFF, v18;
	vm2 =	vlt.f32 v26, v14  }
0xb6: {  	v20 =	vsel vm2, v26, v14  }
0xb7: {  	vm0 =	vlt.f32 v21, v17;
	[tilespmem:$0x1FEE0] =	vst v18;
	vm5 =	vlt.f32 v25, v20  }
0xb8: {  	v17 =	vsel vm0, v21, v17;
	v21 =	vsel vm5, v25, v20;
	v25 =	vld [tilespmem:$0x1FEE0];
	_ =	sdelay $0x3  }
0xb9: {  	v4 =	vsel vm13, s18, v4  }
0xba: {  	v4 =	vsel vm0, s19, v4;
	vm0 =	vnez.u8 v25;
	v25 =	vld [tilespmem:$0x1FEF0]  }
0xbb: {  	v26 =	vld [tilespmem:$0x1FF00];
	_ =	sdelay $0x1  }
0xbc: {  	v18 =	vimm.s32 $0x0  }
0xbd: {  	v18 =	vsel vm10, $0xFFFFFFFF, v18  }
0xbe: {  	[tilespmem:$0x1FF10] =	vst v18;
	v0 =	vsel vm0, s18, v0;
	vm0 =	vnez.u8 v25  }
0xbf: {  	v1 =	vsel vm0, s18, v1;
	vm0 =	vnez.u8 v26;
	v26 =	vld [tilespmem:$0x1FF10];
	_ =	sdelay $0x3  }
0xc0: {  	v27 =	vld [tilespmem:s25+$0x80]  }
0xc1: {  	v0 =	vsel vm0, s19, v0;
	vm0 =	vnez.u8 v26;
	v26 =	vld [tilespmem:$0x1FF20]  }
0xc2: {  	v28 =	vld [tilespmem:s25+$0x90]  }
0xc3: {  	v29 =	vld [tilespmem:s25+$0x20];
	vm10 =	vmmov vm4  }
0xc4: {  	v30 =	vld [tilespmem:s25+$0x30];
	vm9 =	vmmov vm7;
	v18 =	vimm.s32 $0x0;
	v2 =	vsel vm10, s18, v2  }
0xc5: {  	v61 =	vld [tilespmem:s25+$0xFFFFFF40];
	v18 =	vsel vm1, $0xFFFFFFFF, v18;
	v2 =	vsel vm9, s19, v2  }
0xc6: {  	vm1 =	vlt.f32 v22, v15;
	v2 =	vsel vm0, s20, v2;
	vm0 =	vnez.u8 v26;
	v26 =	vld [tilespmem:$0x1FF60]  }
0xc7: {  	v5 =	vsel vm14, s18, v5;
	v32 =	vld [tilespmem:s25+$0x40];
	[tilespmem:$0x1FF50] =	vst v18;
	v18 =	vsel vm1, v22, v15  }
0xc8: {  	v6 =	vsel vm15, s18, v6;
	v62 =	vld [tilespmem:s25+$0xFFFFFF60];
	vm3 =	vlt.f32 v16, v17;
	vm4 =	vlt.f32 v23, v18  }
0xc9: {  	v16 =	vsel vm3, v16, v17;
	vm12 =	vmmov vm6;
	v18 =	vsel vm4, v23, v18;
	v23 =	vld [tilespmem:s25+$0xFFFFFF10]  }
0xca: {  	v63 =	vld [tilespmem:s25+$0xFFFFFF70];
	vm11 =	vmmov vm8;
	v4 =	vsel vm3, s20, v4;
	v1 =	vsel vm12, s19, v1  }
0xcb: {  	vm3 =	vlt.f32 v61, v7;
	v1 =	vsel vm0, s20, v1;
	vm0 =	vnez.u8 v26;
	v26 =	vld [tilespmem:$0x1FF30]  }
0xcc: {  	v7 =	vsel vm3, v61, v7;
	vm6 =	vlt.f32 v3, v16;
	vm8 =	vlt.f32 v19, v21;
	v25 =	vld [tilespmem:s25+$0xFFFFFF90]  }
0xcd: {  	v17 =	vsel vm6, v3, v16;
	v6 =	vsel vm2, s19, v6;
	v19 =	vsel vm8, v19, v21;
	v21 =	vld [tilespmem:s25+$0x10]  }
0xce: {  	v6 =	vsel vm5, s20, v6;
	v5 =	vsel vm1, s19, v5;
	v31 =	vld [tilespmem:$0x1FF50];
	vm1 =	vlt.f32 v23, v11  }
0xcf: {  	s26 =	sadd.s32 s22, s6;
	v4 =	vsel vm6, s21, v4;
	v6 =	vsel vm8, s21, v6;
	v11 =	vsel vm1, v23, v11;
	v23 =	vld [tilespmem:s25+$0xFFFFFF30]  }
0xd0: {  	vm15 =	vlt.f32 v63, v19;
	s18 =	sadd.s32 $0x104, s26;
	v2 =	vsel vm0, s21, v2;
	vm0 =	vnez.u8 v26;
	v26 =	vld [tilespmem:$0x1FF40]  }
0xd1: {  	v22 =	vld [tilespmem:s25+$0xFFFFFF00];
	vm7 =	vlt.f32 v24, v18;
	v9 =	vsel vm1, s18, v9;
	vm1 =	vlt.f32 v25, v11  }
0xd2: {  	v5 =	vsel vm4, s20, v5;
	v18 =	vsel vm7, v24, v18;
	v11 =	vsel vm1, v25, v11;
	v25 =	vld [tilespmem:s25+$0xFFFFFFC0]  }
0xd3: {  	v5 =	vsel vm7, s21, v5;
	v24 =	vld [tilespmem:s25+$0xFFFFFF80];
	vm14 =	vlt.f32 v62, v18;
	vm2 =	vnez.u8 v31  }
0xd4: {  	v3 =	vld [tilespmem:s25+$0xD0];
	v13 =	vsel vm2, s21, v13;
	s19 =	sadd.s32 $0x105, s26;
	v0 =	vsel vm11, s20, v0;
	vm2 =	vlt.f32 v23, v8  }
0xd5: {  	v16 =	vld [tilespmem:s25+$0x0];
	v9 =	vsel vm1, s19, v9;
	v0 =	vsel vm0, s21, v0;
	vm0 =	vnez.u8 v26  }
0xd6: {  	v20 =	vld [tilespmem:s25+$0xC0];
	v8 =	vsel vm2, v23, v8;
	v1 =	vsel vm0, s21, v1;
	vm0 =	vlt.f32 v22, v12  }
0xd7: {  	vm1 =	vlt.f32 v21, v11;
	vm6 =	vlt.f32 v25, v7;
	v12 =	vsel vm0, v22, v12;
	v22 =	vld [tilespmem:s25+$0xFFFFFF20]  }
0xd8: {  	v7 =	vsel vm6, v25, v7;
	v26 =	vld [tilespmem:s25+$0xFFFFFFA0];
	v13 =	vsel vm0, s18, v13;
	vm0 =	vlt.f32 v24, v12  }
0xd9: {  	v11 =	vsel vm1, v21, v11;
	vm9 =	vlt.f32 v32, v7;
	v12 =	vsel vm0, v24, v12;
	v24 =	vld [tilespmem:s25+$0xFFFFFFB0]  }
0xda: {  	v14 =	vld [tilespmem:s25+$0xA0];
	s20 =	sadd.s32 $0x106, s26;
	v7 =	vsel vm9, v32, v7;
	v13 =	vsel vm0, s19, v13;
	vm0 =	vlt.f32 v16, v12  }
0xdb: {  	v15 =	vld [tilespmem:s25+$0xB0];
	v9 =	vsel vm1, s20, v9;
	vm12 =	vlt.f32 v20, v7;
	v12 =	vsel vm0, v16, v12  }
0xdc: {  	v23 =	vld [tilespmem:s25+$0x60];
	v7 =	vsel vm12, v20, v7;
	vm1 =	vlt.f32 v27, v12;
	vm4 =	vlt.f32 v22, v10  }
0xdd: {  	v13 =	vsel vm0, s20, v13;
	v12 =	vsel vm1, v27, v12;
	v10 =	vsel vm4, v22, v10;
	v27 =	vld [tilespmem:s25+$0xFFFFFF50]  }
0xde: {  	s22 =	sadd.s32 $0x4, s22;
	v21 =	vld [tilespmem:s25+$0xFFFFFFD0];
	vm0 =	vlt.f32 v28, v11;
	vm7 =	vlt.f32 v26, v10;
	vm5 =	vlt.f32 v24, v8  }
0xdf: {  	p1 =	slt.u32 s22, $0xFC;
	v25 =	vld [tilespmem:s25+$0x70];
	s21 =	sadd.s32 $0x107, s26;
	v11 =	vsel vm0, v28, v11;
	v10 =	vsel vm7, v26, v10;
	v8 =	vsel vm5, v24, v8  }
.Ltmp1:
0xe0: {  	v16 =	vld [tilespmem:s25+$0x50];
	v9 =	vsel vm0, s21, v9;
	vm10 =	vlt.f32 v29, v10;
	vm8 =	vlt.f32 v30, v8;
	(pc) =	sbr.rel @p1 .LBB2_5-.Ltmp1, $4  }
0xe1: {  	v22 =	vld [tilespmem:s25+$0xFFFFFFE0];
	v24 =	vimm.s32 $0x0;
	v10 =	vsel vm10, v29, v10;
	v8 =	vsel vm8, v30, v8  }
0xe2: {  	v26 =	vld [tilespmem:s25+$0xFFFFFFF0];
	vm0 =	vlt.f32 v14, v10;
	vm11 =	vlt.f32 v15, v8;
	vm13 =	vlt.f32 v27, v17  }
0xe3: {  	v24 =	vsel vm0, $0xFFFFFFFF, v24;
	v10 =	vsel vm0, v14, v10;
	v14 =	vsel vm15, v63, v19;
	v19 =	vld [tilespmem:s25+$0xF0]  }
0xe4: {  	v8 =	vsel vm11, v15, v8;
	v17 =	vsel vm13, v27, v17;
	v15 =	vsel vm14, v62, v18;
	[tilespmem:$0x1FF60] =	vst v24;
	v24 =	vld [tilespmem:s25+$0xE0];
	s25 =	sadd.s32 $0x200, s25  }
0xe5: {  	v4 =	vsel vm13, s18, v4;
	v5 =	vsel vm14, s18, v5;
	vm0 =	vlt.f32 v21, v17  }
0xe6: {  	v6 =	vsel vm15, s18, v6;
	v1 =	vsel vm3, s18, v1;
	v17 =	vsel vm0, v21, v17  }
0xe7: {  	v4 =	vsel vm0, s19, v4;
	vm13 =	vlt.f32 v22, v15;
	v1 =	vsel vm6, s19, v1  }
0xe8: {  	v15 =	vsel vm13, v22, v15;
	v5 =	vsel vm13, s19, v5;
	vm14 =	vlt.f32 v26, v14  }
0xe9: {  	vm15 =	vlt.f32 v16, v17;
	v14 =	vsel vm14, v26, v14;
	v6 =	vsel vm14, s19, v6  }
0xea: {  	v16 =	vsel vm15, v16, v17;
	v4 =	vsel vm15, s20, v4;
	vm13 =	vlt.f32 v23, v15  }
0xeb: {  	v15 =	vsel vm13, v23, v15;
	v5 =	vsel vm13, s20, v5;
	vm14 =	vlt.f32 v25, v14  }
0xec: {  	vm15 =	vlt.f32 v3, v16;
	v14 =	vsel vm14, v25, v14;
	v6 =	vsel vm14, s20, v6  }
0xed: {  	v17 =	vsel vm15, v3, v16;
	vm13 =	vlt.f32 v24, v15;
	vm14 =	vlt.f32 v19, v14  }
0xee: {  	p1 =	sne.s32 @!p0 s17, $0x4;
	v3 =	vsel vm13, s21, v5;
	v5 =	vsel vm14, s21, v6;
	v6 =	vsel vm9, s20, v1;
	v1 =	vld [tilespmem:$0x1FF60]  }
0xef: {  	s16 =	sadd.s32 @!p0 s16, s10;
	p1 =	por p0, !p1  }
.Ltmp2:
0xf0: {  	v2 =	vsel vm4, s18, v2;
	v0 =	vsel vm2, s18, v0;
	s16 =	sshll.u32 @!p0 s16, $0xC;
	(pc) =	sbr.rel @!p1 .LBB2_2-.Ltmp2, $4  }
0xf1: {  	v13 =	vsel vm1, s21, v13;
	v2 =	vsel vm7, s19, v2;
	v0 =	vsel vm5, s19, v0;
	s16 =	sadd.s32 @!p0 s4, s16  }
0xf2: {  	s18 =	simm.s32 @!p0 $0x400;
	v2 =	vsel vm10, s20, v2;
	v0 =	vsel vm8, s20, v0;
	s16 =	sshrl.u32 @!p0 s16, $0x3;
	v4 =	vsel vm15, s21, v4  }
0xf3: {  	s22 =	simm.s32 @!p0 $0x8000;
	s6 =	sadd.s32 @!p0 $0x200, s6;
	s16 =	sadd.s32 @!p0 s1, s16;
	v16 =	vsel vm13, v24, v15;
	v15 =	vsel vm14, v19, v14;
	vm15 =	vnez.u8 v1  }
0xf4: {  	[tilespmem:s22], [sflag:$0x2] =	stream.strided.gather @!p0 [hbm4b:s16+s18], $0x8000, s22, s18, $0x38;
	v1 =	vsel vm11, s21, v0;
	v0 =	vsel vm12, s21, v6;
	v2 =	vsel vm15, s21, v2;
	[tilespmem:$0x10100] =	vst v63  }
0xf5: {  	[tilespmem:$0x10000] =	vst v12  }
0xf6: {  	[tilespmem:$0x10080] =	vst v13  }
0xf7: {  	[tilespmem:$0x10010] =	vst v11  }
0xf8: {  	[tilespmem:$0x10090] =	vst v9  }
0xf9: {  	[tilespmem:$0x10020] =	vst v10  }
0xfa: {  	[tilespmem:$0x100A0] =	vst v2  }
0xfb: {  	[tilespmem:$0x10030] =	vst v8  }
0xfc: {  	[tilespmem:$0x100B0] =	vst v1  }
0xfd: {  	[tilespmem:$0x10040] =	vst v7  }
0xfe: {  	[tilespmem:$0x100C0] =	vst v0  }
0xff: {  	[tilespmem:$0x10050] =	vst v17  }
0x100: {  	[tilespmem:$0x100D0] =	vst v4  }
0x101: {  	[tilespmem:$0x10060] =	vst v16  }
0x102: {  	[tilespmem:$0x100E0] =	vst v3  }
0x103: {  	[tilespmem:$0x10070] =	vst v15  }
0x104: {  	[tilespmem:$0x100F0] =	vst v5;
	s17 =	simm.s32 $0x0;
	s6 =	rddreg [dreg:$0x4]  }
0x105: {  	[hbm4b:s6+s17] =	stream.linear.scatter [tilespmem:s0], [sflag:$0x3], $0x80, $0x38;
	[tilespmem:$0x10100] =	vst v63  }
0x106: {  	_ =	swait.ge [sflag:s11], $0x80  }
0x107: {  	[sflag:s11] =	ssyncset.done $0x0  }
0x108: {  	s25 =	rddreg [dreg:$0x5];
	[sflag:s11] =	ssyncadd.s32 $0xFFFFFF80  }
0x109: {  	[hbm4b:s25+s17] =	stream.linear.scatter [tilespmem:s12], [sflag:$0x3], $0x80, $0x38;
	[tilespmem:$0x10100] =	vst v63  }
0x10a: {  	v15 =	vimm.f32 $+Inf;
	_ =	swait.ge [sflag:s11], $0x80  }
0x10b: {  	v5 =	vimm.s32 $0x0;
	v3 =	vimm.s32 $0x0;
	v4 =	vimm.s32 $0x0;
	[sflag:s11] =	ssyncset.done $0x0  }
0x10c: {  	v0 =	vimm.s32 $0x0;
	v1 =	vimm.s32 $0x0;
	v2 =	vimm.s32 $0x0;
	s26 =	rddreg [dreg:$0x6];
	[sflag:s11] =	ssyncadd.s32 $0xFFFFFF80  }
0x10d: {  	v9 =	vimm.s32 $0x0;
	v13 =	vimm.s32 $0x0;
	v16 =	vimm.f32 $+Inf;
	[tilespmem:s17], [sflag:$0x1] =	stream.strided.gather [hbm4b:s26+s30], $0x8000, s31, s30, $0x38;
	[tilespmem:$0x10100] =	vst v63  }
0x10e: {  	v17 =	vimm.f32 $+Inf;
	v7 =	vimm.f32 $+Inf;
	v8 =	vimm.f32 $+Inf;
	s6 =	smov.u32 s14;
	s28 =	rddreg [dreg:$0x7]  }
0x10f: {  	v10 =	vimm.f32 $+Inf;
	v11 =	vimm.f32 $+Inf;
	v12 =	vimm.f32 $+Inf;
	[tilespmem:s31], [sflag:$0x2] =	stream.strided.gather [hbm4b:s28+s30], $0x8000, s31, s30, $0x38;
	[tilespmem:$0x10100] =	vst v63  }
.LBB2_8:
0x110: {  	_ =	swait.ge [sflag:s5], $0x8000  }
0x111: {  	[sflag:s5] =	ssyncset.done $0x0  }
0x112: {  	s25 =	simm.s32 $0x100;
	[sflag:s5] =	ssyncadd.s32 $0xFFFF8000  }
0x113: {  	v18 =	vld [tilespmem:s25+$0x80]  }
0x114: {  	v19 =	vld [tilespmem:s25+$0x90]  }
0x115: {  	v20 =	vld [tilespmem:s25+$0xA0]  }
0x116: {  	v23 =	vld [tilespmem:s25+$0xB0]  }
0x117: {  	v27 =	vld [tilespmem:s25+$0xC0]  }
0x118: {  	v22 =	vld [tilespmem:s25+$0xFFFFFF00]  }
0x119: {  	v24 =	vld [tilespmem:s25+$0xFFFFFF10]  }
0x11a: {  	v31 =	vld [tilespmem:s25+$0xFFFFFF40]  }
0x11b: {  	v25 =	vld [tilespmem:s25+$0xFFFFFF80]  }
0x11c: {  	v26 =	vld [tilespmem:s25+$0xFFFFFF90]  }
0x11d: {  	v14 =	vld [tilespmem:s25+$0x0]  }
0x11e: {  	s16 =	sadd.s32 $0xFFFFFFFC, s6;
	v21 =	vld [tilespmem:s25+$0x10]  }
0x11f: {  	s18 =	sadd.s32 $0x4, s16;
	v28 =	vld [tilespmem:s25+$0x20];
	vm0 =	vlt.f32 v22, v12;
	vm1 =	vlt.f32 v24, v11;
	vm6 =	vlt.f32 v31, v7  }
0x120: {  	v12 =	vsel vm0, v22, v12;
	v11 =	vsel vm1, v24, v11;
	v9 =	vsel vm1, s18, v9;
	v22 =	vld [tilespmem:s25+$0xFFFFFF20]  }
0x121: {  	s19 =	sadd.s32 $0x5, s16;
	v13 =	vsel vm0, s18, v13;
	v24 =	vld [tilespmem:s25+$0xFFFFFF30];
	vm0 =	vlt.f32 v25, v12;
	vm1 =	vlt.f32 v26, v11  }
0x122: {  	v30 =	vld [tilespmem:s25+$0xFFFFFFA0];
	v12 =	vsel vm0, v25, v12;
	v11 =	vsel vm1, v26, v11;
	v9 =	vsel vm1, s19, v9  }
0x123: {  	v13 =	vsel vm0, s19, v13;
	v25 =	vld [tilespmem:s25+$0xFFFFFFB0];
	vm0 =	vlt.f32 v14, v12;
	vm1 =	vlt.f32 v21, v11  }
0x124: {  	s20 =	sadd.s32 $0x6, s16;
	v7 =	vsel vm6, v31, v7;
	v26 =	vld [tilespmem:s25+$0xFFFFFFC0];
	v12 =	vsel vm0, v14, v12;
	v21 =	vsel vm1, v21, v11  }
0x125: {  	v29 =	vld [tilespmem:s25+$0x30];
	v32 =	vsel vm1, s20, v9;
	v9 =	vsel vm0, s20, v13;
	vm3 =	vlt.f32 v18, v12  }
0x126: {  	v33 =	vld [tilespmem:s25+$0x40];
	vm0 =	vlt.f32 v19, v21;
	vm4 =	vlt.f32 v22, v10;
	vm5 =	vlt.f32 v24, v8  }
0x127: {  	s21 =	sadd.s32 $0x7, s16;
	v6 =	vld [tilespmem:s25+$0xD0];
	v11 =	vsel vm3, v18, v12;
	v12 =	vsel vm0, v19, v21;
	v10 =	vsel vm4, v22, v10  }
0x128: {  	v62 =	vld [tilespmem:s25+$0xFFFFFF70];
	v13 =	vsel vm0, s21, v32;
	v8 =	vsel vm5, v24, v8;
	vm7 =	vlt.f32 v30, v10  }
0x129: {  	v14 =	vld [tilespmem:s25+$0x50];
	vm8 =	vlt.f32 v25, v8;
	vm9 =	vlt.f32 v26, v7;
	v10 =	vsel vm7, v30, v10  }
0x12a: {  	v21 =	vld [tilespmem:s25+$0xFFFFFFD0];
	v8 =	vsel vm8, v25, v8;
	v7 =	vsel vm9, v26, v7;
	vm10 =	vlt.f32 v28, v10  }
0x12b: {  	v18 =	vld [tilespmem:s25+$0xFFFFFF50];
	vm11 =	vlt.f32 v29, v8;
	vm12 =	vlt.f32 v33, v7;
	v10 =	vsel vm10, v28, v10  }
0x12c: {  	v19 =	vld [tilespmem:s25+$0xFFFFFF60];
	v63 =	vsel vm12, v33, v7;
	v7 =	vimm.s32 $0x0;
	vm0 =	vlt.f32 v20, v10  }
0x12d: {  	vm13 =	vlt.f32 v62, v15;
	v24 =	vld [tilespmem:s25+$0xFFFFFFE0];
	v8 =	vsel vm11, v29, v8;
	v7 =	vsel vm0, $0xFFFFFFFF, v7  }
0x12e: {  	v22 =	vld [tilespmem:s25+$0x60];
	vm1 =	vlt.f32 v23, v8;
	[tilespmem:$0x1FEB0] =	vst v7;
	v7 =	vsel vm0, v20, v10;
	v10 =	vimm.s32 $0x0  }
0x12f: {  	v15 =	vsel vm13, v62, v15;
	v26 =	vld [tilespmem:s25+$0xFFFFFFF0];
	v10 =	vsel vm1, $0xFFFFFFFF, v10  }
0x130: {  	v25 =	vld [tilespmem:s25+$0x70];
	vm2 =	vlt.f32 v27, v63;
	vm15 =	vlt.f32 v18, v17;
	[tilespmem:$0x1FEC0] =	vst v10;
	v10 =	vimm.s32 $0x0  }
0x131: {  	vm14 =	vlt.f32 v19, v16;
	v8 =	vsel vm1, v23, v8;
	v23 =	vld [tilespmem:s25+$0xE0];
	v10 =	vsel vm2, $0xFFFFFFFF, v10  }
0x132: {  	s22 =	simm.s32 $0x0;
	s16 =	sshll.u32 s17, $0x9;
	v17 =	vsel vm15, v18, v17;
	v16 =	vsel vm14, v19, v16;
	v19 =	vld [tilespmem:s25+$0xF0];
	s25 =	simm.s32 $0x300;
	[tilespmem:$0x1FED0] =	vst v10;
	v10 =	vsel vm2, v27, v63  }
.LBB2_9:
0x133: {  	v18 =	vimm.s32 $0x0  }
0x134: {  	v18 =	vsel vm10, $0xFFFFFFFF, v18  }
0x135: {  	[tilespmem:$0x1FE70] =	vst v18;
	v18 =	vimm.s32 $0x0  }
0x136: {  	v18 =	vsel vm5, $0xFFFFFFFF, v18  }
0x137: {  	[tilespmem:$0x1FE60] =	vst v18;
	v18 =	vimm.s32 $0x0;
	vm2 =	vlt.f32 v26, v15  }
0x138: {  	v18 =	vsel vm4, $0xFFFFFFFF, v18;
	v20 =	vsel vm2, v26, v15  }
0x139: {  	vm0 =	vlt.f32 v21, v17;
	[tilespmem:$0x1FE50] =	vst v18;
	vm5 =	vlt.f32 v25, v20  }
0x13a: {  	v17 =	vsel vm0, v21, v17;
	v21 =	vsel vm5, v25, v20;
	v25 =	vld [tilespmem:$0x1FE50];
	_ =	sdelay $0x3  }
0x13b: {  	v4 =	vsel vm15, s18, v4  }
0x13c: {  	v4 =	vsel vm0, s19, v4;
	vm0 =	vnez.u8 v25;
	v25 =	vld [tilespmem:$0x1FE60]  }
0x13d: {  	v26 =	vld [tilespmem:$0x1FE70];
	v18 =	vimm.s32 $0x0  }
0x13e: {  	v18 =	vsel vm12, $0xFFFFFFFF, v18  }
0x13f: {  	[tilespmem:$0x1FE90] =	vst v18;
	v18 =	vimm.s32 $0x0  }
0x140: {  	v18 =	vsel vm11, $0xFFFFFFFF, v18  }
0x141: {  	[tilespmem:$0x1FE80] =	vst v18;
	v2 =	vsel vm0, s18, v2;
	vm0 =	vnez.u8 v25  }
0x142: {  	v1 =	vsel vm0, s18, v1;
	vm0 =	vnez.u8 v26;
	v26 =	vld [tilespmem:$0x1FE80];
	_ =	sdelay $0x2  }
0x143: {  	vm12 =	vmmov vm7  }
0x144: {  	v2 =	vsel vm12, s19, v2  }
0x145: {  	v2 =	vsel vm0, s20, v2;
	vm0 =	vnez.u8 v26;
	v26 =	vld [tilespmem:$0x1FE90];
	_ =	sdelay $0x2  }
0x146: {  	v27 =	vld [tilespmem:s25+$0x80];
	vm10 =	vmmov vm9;
	vm9 =	vmmov vm8  }
0x147: {  	v28 =	vld [tilespmem:s25+$0x90];
	v1 =	vsel vm9, s19, v1  }
0x148: {  	v18 =	vimm.s32 $0x0;
	v1 =	vsel vm0, s20, v1;
	vm0 =	vnez.u8 v26;
	v26 =	vld [tilespmem:$0x1FEB0]  }
0x149: {  	v29 =	vld [tilespmem:s25+$0x20];
	vm1 =	vlt.f32 v24, v16;
	v18 =	vsel vm3, $0xFFFFFFFF, v18  }
0x14a: {  	v61 =	vld [tilespmem:s25+$0xFFFFFF40];
	vm11 =	vmmov vm6;
	[tilespmem:$0x1FEA0] =	vst v18;
	v18 =	vsel vm1, v24, v16  }
0x14b: {  	v32 =	vld [tilespmem:s25+$0x40];
	v0 =	vsel vm11, s18, v0;
	vm4 =	vlt.f32 v22, v18  }
0x14c: {  	v63 =	vld [tilespmem:s25+$0xFFFFFF70];
	v0 =	vsel vm10, s19, v0;
	v18 =	vsel vm4, v22, v18  }
0x14d: {  	vm7 =	vlt.f32 v23, v18;
	v0 =	vsel vm0, s20, v0;
	vm0 =	vnez.u8 v26;
	v26 =	vld [tilespmem:$0x1FEC0]  }
0x14e: {  	v5 =	vsel vm13, s18, v5;
	v18 =	vsel vm7, v23, v18;
	v23 =	vld [tilespmem:s25+$0xFFFFFF10]  }
0x14f: {  	v3 =	vsel vm14, s18, v3;
	v62 =	vld [tilespmem:s25+$0xFFFFFF60];
	v5 =	vsel vm2, s19, v5;
	vm8 =	vlt.f32 v19, v21  }
0x150: {  	v3 =	vsel vm1, s19, v3;
	v5 =	vsel vm5, s20, v5;
	v19 =	vsel vm8, v19, v21;
	v25 =	vld [tilespmem:s25+$0xFFFFFF90]  }
0x151: {  	v5 =	vsel vm8, s21, v5;
	vm13 =	vlt.f32 v63, v19;
	vm3 =	vlt.f32 v14, v17;
	v31 =	vld [tilespmem:$0x1FEA0]  }
0x152: {  	v14 =	vsel vm3, v14, v17;
	v2 =	vsel vm0, s21, v2;
	vm0 =	vnez.u8 v26;
	v26 =	vld [tilespmem:$0x1FED0]  }
0x153: {  	s26 =	sadd.s32 s22, s6;
	v4 =	vsel vm3, s20, v4;
	vm6 =	vlt.f32 v6, v14;
	v22 =	vld [tilespmem:s25+$0xFFFFFF00];
	vm1 =	vlt.f32 v23, v12  }
0x154: {  	v21 =	vld [tilespmem:s25+$0x10];
	v17 =	vsel vm6, v6, v14;
	v4 =	vsel vm6, s21, v4;
	s18 =	sadd.s32 $0x4, s26;
	v12 =	vsel vm1, v23, v12  }
0x155: {  	v24 =	vld [tilespmem:s25+$0xFFFFFF80];
	vm6 =	vlt.f32 v61, v10;
	v13 =	vsel vm1, s18, v13;
	vm1 =	vlt.f32 v25, v12  }
0x156: {  	v3 =	vsel vm4, s20, v3;
	v10 =	vsel vm6, v61, v10;
	v12 =	vsel vm1, v25, v12;
	v25 =	vld [tilespmem:s25+$0xFFFFFFC0]  }
0x157: {  	v3 =	vsel vm7, s21, v3;
	v23 =	vld [tilespmem:s25+$0xFFFFFF30];
	v1 =	vsel vm0, s21, v1;
	vm0 =	vnez.u8 v26  }
0x158: {  	v14 =	vld [tilespmem:s25+$0x0];
	vm2 =	vnez.u8 v31;
	s19 =	sadd.s32 $0x5, s26;
	v0 =	vsel vm0, s21, v0;
	vm0 =	vlt.f32 v22, v11  }
0x159: {  	v13 =	vsel vm1, s19, v13;
	vm1 =	vlt.f32 v21, v12;
	v11 =	vsel vm0, v22, v11;
	v22 =	vld [tilespmem:s25+$0xFFFFFF20]  }
0x15a: {  	v30 =	vld [tilespmem:s25+$0x30];
	vm14 =	vlt.f32 v62, v18;
	v9 =	vsel vm2, s21, v9;
	v12 =	vsel vm1, v21, v12  }
0x15b: {  	vm9 =	vlt.f32 v25, v10;
	v26 =	vld [tilespmem:s25+$0xFFFFFFA0];
	v9 =	vsel vm0, s18, v9;
	vm0 =	vlt.f32 v24, v11  }
0x15c: {  	vm5 =	vlt.f32 v23, v8;
	s20 =	sadd.s32 $0x6, s26;
	v10 =	vsel vm9, v25, v10;
	v11 =	vsel vm0, v24, v11;
	v24 =	vld [tilespmem:s25+$0xFFFFFFB0]  }
0x15d: {  	v15 =	vld [tilespmem:s25+$0xA0];
	v8 =	vsel vm5, v23, v8;
	v13 =	vsel vm1, s20, v13;
	vm12 =	vlt.f32 v32, v10  }
0x15e: {  	v20 =	vld [tilespmem:s25+$0xC0];
	v9 =	vsel vm0, s19, v9;
	vm0 =	vlt.f32 v14, v11;
	vm4 =	vlt.f32 v22, v7  }
0x15f: {  	v16 =	vld [tilespmem:s25+$0xB0];
	v10 =	vsel vm12, v32, v10;
	v11 =	vsel vm0, v14, v11;
	v7 =	vsel vm4, v22, v7  }
0x160: {  	v6 =	vld [tilespmem:s25+$0xD0];
	v9 =	vsel vm0, s20, v9;
	vm0 =	vlt.f32 v28, v12;
	vm7 =	vlt.f32 v26, v7  }
0x161: {  	v21 =	vld [tilespmem:s25+$0xFFFFFFD0];
	vm3 =	vlt.f32 v27, v11;
	vm8 =	vlt.f32 v24, v8;
	v7 =	vsel vm7, v26, v7  }
0x162: {  	v25 =	vld [tilespmem:s25+$0x70];
	v12 =	vsel vm0, v28, v12;
	v8 =	vsel vm8, v24, v8;
	vm10 =	vlt.f32 v29, v7  }
0x163: {  	s22 =	sadd.s32 $0x4, s22;
	s21 =	sadd.s32 $0x7, s26;
	v11 =	vsel vm3, v27, v11;
	v27 =	vld [tilespmem:s25+$0xFFFFFF50];
	vm11 =	vlt.f32 v30, v8;
	v7 =	vsel vm10, v29, v7  }
0x164: {  	p0 =	slt.u32 s22, $0xFC;
	v14 =	vld [tilespmem:s25+$0x50];
	v13 =	vsel vm0, s21, v13;
	v8 =	vsel vm11, v30, v8;
	vm0 =	vlt.f32 v15, v7  }
.Ltmp3:
0x165: {  	v22 =	vld [tilespmem:s25+$0x60];
	vm1 =	vlt.f32 v16, v8;
	v7 =	vsel vm0, v15, v7;
	v15 =	vimm.s32 $0x0;
	(pc) =	sbr.rel @p0 .LBB2_9-.Ltmp3, $4  }
0x166: {  	v23 =	vimm.s32 $0x0;
	vm2 =	vlt.f32 v20, v10;
	v24 =	vld [tilespmem:s25+$0xFFFFFFE0];
	v15 =	vsel vm1, $0xFFFFFFFF, v15  }
0x167: {  	v10 =	vsel vm2, v20, v10;
	v26 =	vld [tilespmem:s25+$0xFFFFFFF0];
	v23 =	vsel vm0, $0xFFFFFFFF, v23;
	[tilespmem:$0x1FEC0] =	vst v15;
	v15 =	vimm.s32 $0x0  }
0x168: {  	vm15 =	vlt.f32 v27, v17;
	v8 =	vsel vm1, v16, v8;
	[tilespmem:$0x1FEB0] =	vst v23;
	v23 =	vld [tilespmem:s25+$0xE0];
	v15 =	vsel vm2, $0xFFFFFFFF, v15  }
0x169: {  	v17 =	vsel vm15, v27, v17;
	v16 =	vsel vm14, v62, v18;
	[tilespmem:$0x1FED0] =	vst v15;
	v15 =	vsel vm13, v63, v19;
	v19 =	vld [tilespmem:s25+$0xF0];
	s25 =	sadd.s32 $0x200, s25  }
0x16a: {  	p0 =	seq.s32 s17, $0x3  }
0x16b: {  	s22 =	sadd.s32 @!p0 s16, s9  }
0x16c: {  	s22 =	sshll.u32 @!p0 s22, $0xC  }
0x16d: {  	v4 =	vsel vm15, s18, v4;
	s22 =	sadd.s32 @!p0 s22, s15  }
0x16e: {  	vm0 =	vlt.f32 v21, v17;
	v3 =	vsel vm14, s18, v3;
	s25 =	simm.s32 @!p0 $0x400;
	vm1 =	vlt.f32 v24, v16;
	s22 =	sshrl.u32 @!p0 s22, $0x3  }
0x16f: {  	v0 =	vsel vm6, s18, v0;
	s26 =	simm.s32 @!p0 $0x8000;
	s28 =	simm.s32 @!p0 $0x0;
	v17 =	vsel vm0, v21, v17;
	v16 =	vsel vm1, v24, v16;
	s22 =	sadd.s32 @!p0 s1, s22  }
0x170: {  	v4 =	vsel vm0, s19, v4;
	v21 =	vsel vm1, s19, v3;
	vm1 =	vlt.f32 v22, v16;
	[tilespmem:s28], [sflag:$0x1] =	stream.strided.gather @!p0 [hbm4b:s22+s25], $0x8000, s26, s25, $0x38;
	[tilespmem:$0x10100] =	vst v63  }
0x171: {  	v0 =	vsel vm9, s19, v0;
	vm0 =	vlt.f32 v14, v17;
	v16 =	vsel vm1, v22, v16;
	_ =	swait.ge [sflag:s2], $0x8000  }
0x172: {  	v14 =	vsel vm0, v14, v17;
	v17 =	vsel vm1, s20, v21;
	vm1 =	vlt.f32 v23, v16;
	[sflag:s2] =	ssyncset.done $0x0  }
0x173: {  	s26 =	simm.s32 $0x8100;
	v29 =	vsel vm1, v23, v16;
	v23 =	vsel vm12, s20, v0;
	v0 =	vld [tilespmem:$0x1FEB0];
	[sflag:s2] =	ssyncadd.s32 $0xFFFF8000  }
0x174: {  	v18 =	vld [tilespmem:s26+$0x80]  }
0x175: {  	v20 =	vld [tilespmem:s26+$0x90]  }
0x176: {  	v24 =	vld [tilespmem:s26+$0xA0]  }
0x177: {  	v5 =	vsel vm13, s18, v5;
	vm2 =	vlt.f32 v26, v15;
	v27 =	vld [tilespmem:s26+$0xB0]  }
0x178: {  	v15 =	vsel vm2, v26, v15;
	v4 =	vsel vm0, s20, v4;
	vm0 =	vlt.f32 v6, v14;
	v28 =	vld [tilespmem:s26+$0xC0]  }
0x179: {  	v14 =	vsel vm0, v6, v14;
	v4 =	vsel vm0, s21, v4;
	vm0 =	vnez.u8 v0;
	v0 =	vld [tilespmem:$0x1FEC0]  }
0x17a: {  	v2 =	vsel vm4, s18, v2;
	v5 =	vsel vm2, s19, v5;
	vm2 =	vlt.f32 v25, v15;
	v3 =	vld [tilespmem:s26+$0xD0]  }
0x17b: {  	v1 =	vsel vm5, s18, v1;
	v2 =	vsel vm7, s19, v2;
	v15 =	vsel vm2, v25, v15;
	v21 =	vld [tilespmem:s26+$0x0]  }
0x17c: {  	v1 =	vsel vm8, s19, v1;
	v22 =	vsel vm2, s20, v5;
	vm2 =	vlt.f32 v19, v15;
	v16 =	vld [tilespmem:s26+$0xFFFFFF10]  }
0x17d: {  	v2 =	vsel vm10, s20, v2;
	v1 =	vsel vm11, s20, v1;
	v19 =	vsel vm2, v19, v15;
	v15 =	vld [tilespmem:s26+$0xFFFFFF00]  }
0x17e: {  	v6 =	vsel vm2, s21, v22;
	v22 =	vld [tilespmem:s26+$0xFFFFFF90];
	v2 =	vsel vm0, s21, v2;
	vm0 =	vnez.u8 v0  }
0x17f: {  	v0 =	vsel vm0, s21, v1;
	v1 =	vld [tilespmem:$0x1FED0]  }
0x180: {  	v31 =	vld [tilespmem:s26+$0xFFFFFF30]  }
0x181: {  	v5 =	vsel vm1, s21, v17;
	s28 =	sadd.s32 $0xFFFFFFFC, s6;
	v32 =	vld [tilespmem:s26+$0xFFFFFF40];
	vm1 =	vlt.f32 v16, v12  }
0x182: {  	s18 =	sadd.s32 $0x104, s28;
	v17 =	vld [tilespmem:s26+$0xFFFFFF80];
	v12 =	vsel vm1, v16, v12  }
0x183: {  	v25 =	vld [tilespmem:s26+$0x10];
	v13 =	vsel vm1, s18, v13;
	vm1 =	vlt.f32 v22, v12  }
0x184: {  	v9 =	vsel vm3, s21, v9;
	v12 =	vsel vm1, v22, v12;
	v22 =	vld [tilespmem:s26+$0xFFFFFFC0];
	vm0 =	vnez.u8 v1  }
0x185: {  	v30 =	vld [tilespmem:s26+$0x20];
	vm2 =	vlt.f32 v31, v8;
	v1 =	vsel vm0, s21, v23;
	vm0 =	vlt.f32 v15, v11  }
0x186: {  	vm3 =	vlt.f32 v32, v10;
	v8 =	vsel vm2, v31, v8;
	v11 =	vsel vm0, v15, v11;
	v15 =	vld [tilespmem:s26+$0xFFFFFF20]  }
0x187: {  	s19 =	sadd.s32 $0x105, s28;
	v26 =	vld [tilespmem:s26+$0xFFFFFFA0];
	v10 =	vsel vm3, v32, v10;
	v9 =	vsel vm0, s18, v9;
	vm0 =	vlt.f32 v17, v11  }
0x188: {  	v33 =	vld [tilespmem:s26+$0x40];
	v13 =	vsel vm1, s19, v13;
	vm1 =	vlt.f32 v25, v12;
	v11 =	vsel vm0, v17, v11  }
0x189: {  	vm6 =	vlt.f32 v22, v10;
	v9 =	vsel vm0, s19, v9;
	v17 =	vld [tilespmem:s26+$0xFFFFFFB0];
	vm0 =	vlt.f32 v21, v11  }
0x18a: {  	s20 =	sadd.s32 $0x106, s28;
	v16 =	vld [tilespmem:s26+$0x50];
	v10 =	vsel vm6, v22, v10;
	v11 =	vsel vm0, v21, v11;
	v21 =	vsel vm1, v25, v12  }
0x18b: {  	v23 =	vld [tilespmem:s26+$0x30];
	v25 =	vsel vm1, s20, v13;
	v13 =	vsel vm0, s20, v9;
	vm4 =	vlt.f32 v15, v7  }
0x18c: {  	vm1 =	vlt.f32 v18, v11;
	vm0 =	vlt.f32 v20, v21;
	v7 =	vsel vm4, v15, v7;
	v15 =	vld [tilespmem:s26+$0xFFFFFF50]  }
0x18d: {  	s21 =	sadd.s32 $0x107, s28;
	vm9 =	vlt.f32 v33, v10;
	v12 =	vsel vm1, v18, v11;
	v11 =	vsel vm0, v20, v21;
	v18 =	vld [tilespmem:s26+$0xFFFFFF60]  }
0x18e: {  	v9 =	vsel vm0, s21, v25;
	v20 =	vld [tilespmem:s26+$0xFFFFFF70];
	vm7 =	vlt.f32 v26, v7;
	vm5 =	vlt.f32 v17, v8  }
0x18f: {  	v22 =	vld [tilespmem:s26+$0xFFFFFFE0];
	v7 =	vsel vm7, v26, v7;
	v8 =	vsel vm5, v17, v8;
	v17 =	vsel vm9, v33, v10  }
0x190: {  	v21 =	vld [tilespmem:s26+$0xFFFFFFD0];
	v10 =	vimm.s32 $0x0;
	vm10 =	vlt.f32 v30, v7;
	vm8 =	vlt.f32 v23, v8  }
0x191: {  	v25 =	vld [tilespmem:s26+$0x70];
	vm12 =	vlt.f32 v28, v17;
	v7 =	vsel vm10, v30, v7;
	v8 =	vsel vm8, v23, v8  }
0x192: {  	v26 =	vld [tilespmem:s26+$0xFFFFFFF0];
	vm0 =	vlt.f32 v24, v7;
	vm11 =	vlt.f32 v27, v8;
	vm13 =	vlt.f32 v15, v14  }
0x193: {  	v23 =	vld [tilespmem:s26+$0x60];
	vm14 =	vlt.f32 v18, v29;
	vm15 =	vlt.f32 v20, v19;
	v10 =	vsel vm0, $0xFFFFFFFF, v10  }
0x194: {  	v8 =	vsel vm11, v27, v8;
	[tilespmem:$0x1FE40] =	vst v10;
	v10 =	vsel vm0, v24, v7;
	v7 =	vsel vm12, v28, v17;
	v24 =	vld [tilespmem:s26+$0xE0]  }
0x195: {  	s17 =	sadd.s32 $0x1, s17;
	s22 =	simm.s32 $0x0;
	s25 =	simm.s32 $0x8300;
	v17 =	vsel vm13, v15, v14;
	v15 =	vsel vm14, v18, v29;
	v14 =	vsel vm15, v20, v19;
	v19 =	vld [tilespmem:s26+$0xF0]  }
.LBB2_11:
0x196: {  	v18 =	vimm.s32 $0x0  }
0x197: {  	v18 =	vsel vm9, $0xFFFFFFFF, v18  }
0x198: {  	[tilespmem:$0x1FE00] =	vst v18;
	v18 =	vimm.s32 $0x0  }
0x199: {  	v18 =	vsel vm3, $0xFFFFFFFF, v18  }
0x19a: {  	[tilespmem:$0x1FDD0] =	vst v18;
	v18 =	vimm.s32 $0x0  }
0x19b: {  	v18 =	vsel vm5, $0xFFFFFFFF, v18  }
0x19c: {  	[tilespmem:$0x1FDE0] =	vst v18;
	v18 =	vimm.s32 $0x0  }
0x19d: {  	v18 =	vsel vm11, $0xFFFFFFFF, v18  }
0x19e: {  	[tilespmem:$0x1FE10] =	vst v18;
	v18 =	vimm.s32 $0x0  }
0x19f: {  	v18 =	vsel vm12, $0xFFFFFFFF, v18  }
0x1a0: {  	[tilespmem:$0x1FE20] =	vst v18;
	v18 =	vimm.s32 $0x0  }
0x1a1: {  	v18 =	vsel vm2, $0xFFFFFFFF, v18;
	vm2 =	vlt.f32 v26, v14  }
0x1a2: {  	v20 =	vsel vm2, v26, v14  }
0x1a3: {  	vm0 =	vlt.f32 v21, v17;
	[tilespmem:$0x1FDC0] =	vst v18;
	vm5 =	vlt.f32 v25, v20  }
0x1a4: {  	v17 =	vsel vm0, v21, v17;
	v21 =	vsel vm5, v25, v20;
	v25 =	vld [tilespmem:$0x1FDC0];
	_ =	sdelay $0x3  }
0x1a5: {  	v4 =	vsel vm13, s18, v4  }
0x1a6: {  	v4 =	vsel vm0, s19, v4;
	vm0 =	vnez.u8 v25;
	v25 =	vld [tilespmem:$0x1FDD0]  }
0x1a7: {  	v26 =	vld [tilespmem:$0x1FDE0];
	_ =	sdelay $0x1  }
0x1a8: {  	v18 =	vimm.s32 $0x0  }
0x1a9: {  	v18 =	vsel vm10, $0xFFFFFFFF, v18  }
0x1aa: {  	[tilespmem:$0x1FDF0] =	vst v18;
	v0 =	vsel vm0, s18, v0;
	vm0 =	vnez.u8 v25  }
0x1ab: {  	v1 =	vsel vm0, s18, v1;
	vm0 =	vnez.u8 v26;
	v26 =	vld [tilespmem:$0x1FDF0];
	_ =	sdelay $0x3  }
0x1ac: {  	v27 =	vld [tilespmem:s25+$0x80]  }
0x1ad: {  	v0 =	vsel vm0, s19, v0;
	vm0 =	vnez.u8 v26;
	v26 =	vld [tilespmem:$0x1FE00]  }
0x1ae: {  	v28 =	vld [tilespmem:s25+$0x90]  }
0x1af: {  	v29 =	vld [tilespmem:s25+$0x20];
	vm10 =	vmmov vm4  }
0x1b0: {  	v30 =	vld [tilespmem:s25+$0x30];
	vm9 =	vmmov vm7;
	v18 =	vimm.s32 $0x0;
	v2 =	vsel vm10, s18, v2  }
0x1b1: {  	v61 =	vld [tilespmem:s25+$0xFFFFFF40];
	v18 =	vsel vm1, $0xFFFFFFFF, v18;
	v2 =	vsel vm9, s19, v2  }
0x1b2: {  	vm1 =	vlt.f32 v22, v15;
	v2 =	vsel vm0, s20, v2;
	vm0 =	vnez.u8 v26;
	v26 =	vld [tilespmem:$0x1FE40]  }
0x1b3: {  	v5 =	vsel vm14, s18, v5;
	v32 =	vld [tilespmem:s25+$0x40];
	[tilespmem:$0x1FE30] =	vst v18;
	v18 =	vsel vm1, v22, v15  }
0x1b4: {  	v6 =	vsel vm15, s18, v6;
	v62 =	vld [tilespmem:s25+$0xFFFFFF60];
	vm3 =	vlt.f32 v16, v17;
	vm4 =	vlt.f32 v23, v18  }
0x1b5: {  	v16 =	vsel vm3, v16, v17;
	vm12 =	vmmov vm6;
	v18 =	vsel vm4, v23, v18;
	v23 =	vld [tilespmem:s25+$0xFFFFFF10]  }
0x1b6: {  	v63 =	vld [tilespmem:s25+$0xFFFFFF70];
	vm11 =	vmmov vm8;
	v4 =	vsel vm3, s20, v4;
	v1 =	vsel vm12, s19, v1  }
0x1b7: {  	vm3 =	vlt.f32 v61, v7;
	v1 =	vsel vm0, s20, v1;
	vm0 =	vnez.u8 v26;
	v26 =	vld [tilespmem:$0x1FE10]  }
0x1b8: {  	v7 =	vsel vm3, v61, v7;
	vm6 =	vlt.f32 v3, v16;
	vm8 =	vlt.f32 v19, v21;
	v25 =	vld [tilespmem:s25+$0xFFFFFF90]  }
0x1b9: {  	v17 =	vsel vm6, v3, v16;
	v6 =	vsel vm2, s19, v6;
	v19 =	vsel vm8, v19, v21;
	v21 =	vld [tilespmem:s25+$0x10]  }
0x1ba: {  	v6 =	vsel vm5, s20, v6;
	v5 =	vsel vm1, s19, v5;
	v31 =	vld [tilespmem:$0x1FE30];
	vm1 =	vlt.f32 v23, v11  }
0x1bb: {  	s26 =	sadd.s32 s22, s6;
	v4 =	vsel vm6, s21, v4;
	v6 =	vsel vm8, s21, v6;
	v11 =	vsel vm1, v23, v11;
	v23 =	vld [tilespmem:s25+$0xFFFFFF30]  }
0x1bc: {  	vm15 =	vlt.f32 v63, v19;
	s18 =	sadd.s32 $0x104, s26;
	v2 =	vsel vm0, s21, v2;
	vm0 =	vnez.u8 v26;
	v26 =	vld [tilespmem:$0x1FE20]  }
0x1bd: {  	v22 =	vld [tilespmem:s25+$0xFFFFFF00];
	vm7 =	vlt.f32 v24, v18;
	v9 =	vsel vm1, s18, v9;
	vm1 =	vlt.f32 v25, v11  }
0x1be: {  	v5 =	vsel vm4, s20, v5;
	v18 =	vsel vm7, v24, v18;
	v11 =	vsel vm1, v25, v11;
	v25 =	vld [tilespmem:s25+$0xFFFFFFC0]  }
0x1bf: {  	v5 =	vsel vm7, s21, v5;
	v24 =	vld [tilespmem:s25+$0xFFFFFF80];
	vm14 =	vlt.f32 v62, v18;
	vm2 =	vnez.u8 v31  }
0x1c0: {  	v3 =	vld [tilespmem:s25+$0xD0];
	v13 =	vsel vm2, s21, v13;
	s19 =	sadd.s32 $0x105, s26;
	v0 =	vsel vm11, s20, v0;
	vm2 =	vlt.f32 v23, v8  }
0x1c1: {  	v16 =	vld [tilespmem:s25+$0x0];
	v9 =	vsel vm1, s19, v9;
	v0 =	vsel vm0, s21, v0;
	vm0 =	vnez.u8 v26  }
0x1c2: {  	v20 =	vld [tilespmem:s25+$0xC0];
	v8 =	vsel vm2, v23, v8;
	v1 =	vsel vm0, s21, v1;
	vm0 =	vlt.f32 v22, v12  }
0x1c3: {  	vm1 =	vlt.f32 v21, v11;
	vm6 =	vlt.f32 v25, v7;
	v12 =	vsel vm0, v22, v12;
	v22 =	vld [tilespmem:s25+$0xFFFFFF20]  }
0x1c4: {  	v7 =	vsel vm6, v25, v7;
	v26 =	vld [tilespmem:s25+$0xFFFFFFA0];
	v13 =	vsel vm0, s18, v13;
	vm0 =	vlt.f32 v24, v12  }
0x1c5: {  	v11 =	vsel vm1, v21, v11;
	vm9 =	vlt.f32 v32, v7;
	v12 =	vsel vm0, v24, v12;
	v24 =	vld [tilespmem:s25+$0xFFFFFFB0]  }
0x1c6: {  	v14 =	vld [tilespmem:s25+$0xA0];
	s20 =	sadd.s32 $0x106, s26;
	v7 =	vsel vm9, v32, v7;
	v13 =	vsel vm0, s19, v13;
	vm0 =	vlt.f32 v16, v12  }
0x1c7: {  	v15 =	vld [tilespmem:s25+$0xB0];
	v9 =	vsel vm1, s20, v9;
	vm12 =	vlt.f32 v20, v7;
	v12 =	vsel vm0, v16, v12  }
0x1c8: {  	v23 =	vld [tilespmem:s25+$0x60];
	v7 =	vsel vm12, v20, v7;
	vm1 =	vlt.f32 v27, v12;
	vm4 =	vlt.f32 v22, v10  }
0x1c9: {  	v13 =	vsel vm0, s20, v13;
	v12 =	vsel vm1, v27, v12;
	v10 =	vsel vm4, v22, v10;
	v27 =	vld [tilespmem:s25+$0xFFFFFF50]  }
0x1ca: {  	s22 =	sadd.s32 $0x4, s22;
	v21 =	vld [tilespmem:s25+$0xFFFFFFD0];
	vm0 =	vlt.f32 v28, v11;
	vm7 =	vlt.f32 v26, v10;
	vm5 =	vlt.f32 v24, v8  }
0x1cb: {  	p1 =	slt.u32 s22, $0xFC;
	v25 =	vld [tilespmem:s25+$0x70];
	s21 =	sadd.s32 $0x107, s26;
	v11 =	vsel vm0, v28, v11;
	v10 =	vsel vm7, v26, v10;
	v8 =	vsel vm5, v24, v8  }
.Ltmp4:
0x1cc: {  	v16 =	vld [tilespmem:s25+$0x50];
	v9 =	vsel vm0, s21, v9;
	vm10 =	vlt.f32 v29, v10;
	vm8 =	vlt.f32 v30, v8;
	(pc) =	sbr.rel @p1 .LBB2_11-.Ltmp4, $4  }
0x1cd: {  	v22 =	vld [tilespmem:s25+$0xFFFFFFE0];
	v24 =	vimm.s32 $0x0;
	v10 =	vsel vm10, v29, v10;
	v8 =	vsel vm8, v30, v8  }
0x1ce: {  	v26 =	vld [tilespmem:s25+$0xFFFFFFF0];
	vm0 =	vlt.f32 v14, v10;
	vm11 =	vlt.f32 v15, v8;
	vm13 =	vlt.f32 v27, v17  }
0x1cf: {  	v24 =	vsel vm0, $0xFFFFFFFF, v24;
	v10 =	vsel vm0, v14, v10;
	v14 =	vsel vm15, v63, v19;
	v19 =	vld [tilespmem:s25+$0xF0]  }
0x1d0: {  	v8 =	vsel vm11, v15, v8;
	v17 =	vsel vm13, v27, v17;
	v15 =	vsel vm14, v62, v18;
	[tilespmem:$0x1FE40] =	vst v24;
	v24 =	vld [tilespmem:s25+$0xE0];
	s25 =	sadd.s32 $0x200, s25  }
0x1d1: {  	v4 =	vsel vm13, s18, v4;
	v5 =	vsel vm14, s18, v5;
	vm0 =	vlt.f32 v21, v17  }
0x1d2: {  	v6 =	vsel vm15, s18, v6;
	v1 =	vsel vm3, s18, v1;
	v17 =	vsel vm0, v21, v17  }
0x1d3: {  	v4 =	vsel vm0, s19, v4;
	vm13 =	vlt.f32 v22, v15;
	v1 =	vsel vm6, s19, v1  }
0x1d4: {  	v15 =	vsel vm13, v22, v15;
	v5 =	vsel vm13, s19, v5;
	vm14 =	vlt.f32 v26, v14  }
0x1d5: {  	vm15 =	vlt.f32 v16, v17;
	v14 =	vsel vm14, v26, v14;
	v6 =	vsel vm14, s19, v6  }
0x1d6: {  	v16 =	vsel vm15, v16, v17;
	v4 =	vsel vm15, s20, v4;
	vm13 =	vlt.f32 v23, v15  }
0x1d7: {  	v15 =	vsel vm13, v23, v15;
	v5 =	vsel vm13, s20, v5;
	vm14 =	vlt.f32 v25, v14  }
0x1d8: {  	vm15 =	vlt.f32 v3, v16;
	v14 =	vsel vm14, v25, v14;
	v6 =	vsel vm14, s20, v6  }
0x1d9: {  	v17 =	vsel vm15, v3, v16;
	vm13 =	vlt.f32 v24, v15;
	vm14 =	vlt.f32 v19, v14  }
0x1da: {  	p1 =	sne.s32 @!p0 s17, $0x4;
	v3 =	vsel vm13, s21, v5;
	v5 =	vsel vm14, s21, v6;
	v6 =	vsel vm9, s20, v1;
	v1 =	vld [tilespmem:$0x1FE40]  }
0x1db: {  	s16 =	sadd.s32 @!p0 s16, s10;
	p1 =	por p0, !p1  }
.Ltmp5:
0x1dc: {  	v2 =	vsel vm4, s18, v2;
	v0 =	vsel vm2, s18, v0;
	s16 =	sshll.u32 @!p0 s16, $0xC;
	(pc) =	sbr.rel @!p1 .LBB2_8-.Ltmp5, $4  }
0x1dd: {  	v13 =	vsel vm1, s21, v13;
	v2 =	vsel vm7, s19, v2;
	v0 =	vsel vm5, s19, v0;
	s16 =	sadd.s32 @!p0 s16, s15  }
0x1de: {  	s18 =	simm.s32 @!p0 $0x400;
	v2 =	vsel vm10, s20, v2;
	v0 =	vsel vm8, s20, v0;
	s16 =	sshrl.u32 @!p0 s16, $0x3;
	v4 =	vsel vm15, s21, v4  }
0x1df: {  	s22 =	simm.s32 @!p0 $0x8000;
	s6 =	sadd.s32 @!p0 $0x200, s6;
	s16 =	sadd.s32 @!p0 s1, s16;
	v16 =	vsel vm13, v24, v15;
	v15 =	vsel vm14, v19, v14;
	vm15 =	vnez.u8 v1  }
0x1e0: {  	[tilespmem:s22], [sflag:$0x2] =	stream.strided.gather @!p0 [hbm4b:s16+s18], $0x8000, s22, s18, $0x38;
	v1 =	vsel vm11, s21, v0;
	v0 =	vsel vm12, s21, v6;
	v2 =	vsel vm15, s21, v2;
	[tilespmem:$0x10100] =	vst v63  }
0x1e1: {  	[tilespmem:$0x10000] =	vst v12  }
0x1e2: {  	[tilespmem:$0x10080] =	vst v13  }
0x1e3: {  	[tilespmem:$0x10010] =	vst v11  }
0x1e4: {  	[tilespmem:$0x10090] =	vst v9  }
0x1e5: {  	[tilespmem:$0x10020] =	vst v10  }
0x1e6: {  	[tilespmem:$0x100A0] =	vst v2  }
0x1e7: {  	[tilespmem:$0x10030] =	vst v8  }
0x1e8: {  	[tilespmem:$0x100B0] =	vst v1  }
0x1e9: {  	[tilespmem:$0x10040] =	vst v7  }
0x1ea: {  	[tilespmem:$0x100C0] =	vst v0  }
0x1eb: {  	[tilespmem:$0x10050] =	vst v17  }
0x1ec: {  	[tilespmem:$0x100D0] =	vst v4  }
0x1ed: {  	[tilespmem:$0x10060] =	vst v16  }
0x1ee: {  	[tilespmem:$0x100E0] =	vst v3  }
0x1ef: {  	[tilespmem:$0x10070] =	vst v15  }
0x1f0: {  	[tilespmem:$0x100F0] =	vst v5;
	s17 =	simm.s32 $0x0;
	s6 =	rddreg [dreg:$0x8]  }
0x1f1: {  	[hbm4b:s6+s17] =	stream.linear.scatter [tilespmem:s0], [sflag:$0x3], $0x80, $0x38;
	[tilespmem:$0x10100] =	vst v63  }
0x1f2: {  	_ =	swait.ge [sflag:s11], $0x80  }
0x1f3: {  	[sflag:s11] =	ssyncset.done $0x0  }
0x1f4: {  	s25 =	rddreg [dreg:$0x9];
	[sflag:s11] =	ssyncadd.s32 $0xFFFFFF80  }
0x1f5: {  	[hbm4b:s25+s17] =	stream.linear.scatter [tilespmem:s12], [sflag:$0x3], $0x80, $0x38;
	[tilespmem:$0x10100] =	vst v63  }
0x1f6: {  	v15 =	vimm.f32 $+Inf;
	_ =	swait.ge [sflag:s11], $0x80  }
0x1f7: {  	v5 =	vimm.s32 $0x0;
	v3 =	vimm.s32 $0x0;
	v4 =	vimm.s32 $0x0;
	[sflag:s11] =	ssyncset.done $0x0  }
0x1f8: {  	v0 =	vimm.s32 $0x0;
	v1 =	vimm.s32 $0x0;
	v2 =	vimm.s32 $0x0;
	s26 =	rddreg [dreg:$0xa];
	[sflag:s11] =	ssyncadd.s32 $0xFFFFFF80  }
0x1f9: {  	v9 =	vimm.s32 $0x0;
	v13 =	vimm.s32 $0x0;
	v16 =	vimm.f32 $+Inf;
	[tilespmem:s17], [sflag:$0x1] =	stream.strided.gather [hbm4b:s26+s30], $0x8000, s31, s30, $0x38;
	[tilespmem:$0x10100] =	vst v63  }
0x1fa: {  	v17 =	vimm.f32 $+Inf;
	v7 =	vimm.f32 $+Inf;
	v8 =	vimm.f32 $+Inf;
	s6 =	smov.u32 s14;
	s28 =	rddreg [dreg:$0x10]  }
0x1fb: {  	v10 =	vimm.f32 $+Inf;
	v11 =	vimm.f32 $+Inf;
	v12 =	vimm.f32 $+Inf;
	[tilespmem:s31], [sflag:$0x2] =	stream.strided.gather [hbm4b:s28+s30], $0x8000, s31, s30, $0x38;
	[tilespmem:$0x10100] =	vst v63  }
.LBB2_14:
0x1fc: {  	_ =	swait.ge [sflag:s5], $0x8000  }
0x1fd: {  	[sflag:s5] =	ssyncset.done $0x0  }
0x1fe: {  	s25 =	simm.s32 $0x100;
	[sflag:s5] =	ssyncadd.s32 $0xFFFF8000  }
0x1ff: {  	v18 =	vld [tilespmem:s25+$0x80]  }
0x200: {  	v19 =	vld [tilespmem:s25+$0x90]  }
0x201: {  	v20 =	vld [tilespmem:s25+$0xA0]  }
0x202: {  	v23 =	vld [tilespmem:s25+$0xB0]  }
0x203: {  	v27 =	vld [tilespmem:s25+$0xC0]  }
0x204: {  	v22 =	vld [tilespmem:s25+$0xFFFFFF00]  }
0x205: {  	v24 =	vld [tilespmem:s25+$0xFFFFFF10]  }
0x206: {  	v31 =	vld [tilespmem:s25+$0xFFFFFF40]  }
0x207: {  	v25 =	vld [tilespmem:s25+$0xFFFFFF80]  }
0x208: {  	v26 =	vld [tilespmem:s25+$0xFFFFFF90]  }
0x209: {  	v14 =	vld [tilespmem:s25+$0x0]  }
0x20a: {  	s16 =	sadd.s32 $0xFFFFFFFC, s6;
	v21 =	vld [tilespmem:s25+$0x10]  }
0x20b: {  	s18 =	sadd.s32 $0x4, s16;
	v28 =	vld [tilespmem:s25+$0x20];
	vm0 =	vlt.f32 v22, v12;
	vm1 =	vlt.f32 v24, v11;
	vm6 =	vlt.f32 v31, v7  }
0x20c: {  	v12 =	vsel vm0, v22, v12;
	v11 =	vsel vm1, v24, v11;
	v9 =	vsel vm1, s18, v9;
	v22 =	vld [tilespmem:s25+$0xFFFFFF20]  }
0x20d: {  	s19 =	sadd.s32 $0x5, s16;
	v13 =	vsel vm0, s18, v13;
	v24 =	vld [tilespmem:s25+$0xFFFFFF30];
	vm0 =	vlt.f32 v25, v12;
	vm1 =	vlt.f32 v26, v11  }
0x20e: {  	v30 =	vld [tilespmem:s25+$0xFFFFFFA0];
	v12 =	vsel vm0, v25, v12;
	v11 =	vsel vm1, v26, v11;
	v9 =	vsel vm1, s19, v9  }
0x20f: {  	v13 =	vsel vm0, s19, v13;
	v25 =	vld [tilespmem:s25+$0xFFFFFFB0];
	vm0 =	vlt.f32 v14, v12;
	vm1 =	vlt.f32 v21, v11  }
0x210: {  	s20 =	sadd.s32 $0x6, s16;
	v7 =	vsel vm6, v31, v7;
	v26 =	vld [tilespmem:s25+$0xFFFFFFC0];
	v12 =	vsel vm0, v14, v12;
	v21 =	vsel vm1, v21, v11  }
0x211: {  	v29 =	vld [tilespmem:s25+$0x30];
	v32 =	vsel vm1, s20, v9;
	v9 =	vsel vm0, s20, v13;
	vm3 =	vlt.f32 v18, v12  }
0x212: {  	v33 =	vld [tilespmem:s25+$0x40];
	vm0 =	vlt.f32 v19, v21;
	vm4 =	vlt.f32 v22, v10;
	vm5 =	vlt.f32 v24, v8  }
0x213: {  	s21 =	sadd.s32 $0x7, s16;
	v6 =	vld [tilespmem:s25+$0xD0];
	v11 =	vsel vm3, v18, v12;
	v12 =	vsel vm0, v19, v21;
	v10 =	vsel vm4, v22, v10  }
0x214: {  	v62 =	vld [tilespmem:s25+$0xFFFFFF70];
	v13 =	vsel vm0, s21, v32;
	v8 =	vsel vm5, v24, v8;
	vm7 =	vlt.f32 v30, v10  }
0x215: {  	v14 =	vld [tilespmem:s25+$0x50];
	vm8 =	vlt.f32 v25, v8;
	vm9 =	vlt.f32 v26, v7;
	v10 =	vsel vm7, v30, v10  }
0x216: {  	v21 =	vld [tilespmem:s25+$0xFFFFFFD0];
	v8 =	vsel vm8, v25, v8;
	v7 =	vsel vm9, v26, v7;
	vm10 =	vlt.f32 v28, v10  }
0x217: {  	v18 =	vld [tilespmem:s25+$0xFFFFFF50];
	vm11 =	vlt.f32 v29, v8;
	vm12 =	vlt.f32 v33, v7;
	v10 =	vsel vm10, v28, v10  }
0x218: {  	v19 =	vld [tilespmem:s25+$0xFFFFFF60];
	v63 =	vsel vm12, v33, v7;
	v7 =	vimm.s32 $0x0;
	vm0 =	vlt.f32 v20, v10  }
0x219: {  	vm13 =	vlt.f32 v62, v15;
	v24 =	vld [tilespmem:s25+$0xFFFFFFE0];
	v8 =	vsel vm11, v29, v8;
	v7 =	vsel vm0, $0xFFFFFFFF, v7  }
0x21a: {  	v22 =	vld [tilespmem:s25+$0x60];
	vm1 =	vlt.f32 v23, v8;
	[tilespmem:$0x1FD90] =	vst v7;
	v7 =	vsel vm0, v20, v10;
	v10 =	vimm.s32 $0x0  }
0x21b: {  	v15 =	vsel vm13, v62, v15;
	v26 =	vld [tilespmem:s25+$0xFFFFFFF0];
	v10 =	vsel vm1, $0xFFFFFFFF, v10  }
0x21c: {  	v25 =	vld [tilespmem:s25+$0x70];
	vm2 =	vlt.f32 v27, v63;
	vm15 =	vlt.f32 v18, v17;
	[tilespmem:$0x1FDA0] =	vst v10;
	v10 =	vimm.s32 $0x0  }
0x21d: {  	vm14 =	vlt.f32 v19, v16;
	v8 =	vsel vm1, v23, v8;
	v23 =	vld [tilespmem:s25+$0xE0];
	v10 =	vsel vm2, $0xFFFFFFFF, v10  }
0x21e: {  	s22 =	simm.s32 $0x0;
	s16 =	sshll.u32 s17, $0x9;
	v17 =	vsel vm15, v18, v17;
	v16 =	vsel vm14, v19, v16;
	v19 =	vld [tilespmem:s25+$0xF0];
	s25 =	simm.s32 $0x300;
	[tilespmem:$0x1FDB0] =	vst v10;
	v10 =	vsel vm2, v27, v63  }
.LBB2_15:
0x21f: {  	v18 =	vimm.s32 $0x0  }
0x220: {  	v18 =	vsel vm10, $0xFFFFFFFF, v18  }
0x221: {  	[tilespmem:$0x1FD50] =	vst v18;
	v18 =	vimm.s32 $0x0  }
0x222: {  	v18 =	vsel vm5, $0xFFFFFFFF, v18  }
0x223: {  	[tilespmem:$0x1FD40] =	vst v18;
	v18 =	vimm.s32 $0x0;
	vm2 =	vlt.f32 v26, v15  }
0x224: {  	v18 =	vsel vm4, $0xFFFFFFFF, v18;
	v20 =	vsel vm2, v26, v15  }
0x225: {  	vm0 =	vlt.f32 v21, v17;
	[tilespmem:$0x1FD30] =	vst v18;
	vm5 =	vlt.f32 v25, v20  }
0x226: {  	v17 =	vsel vm0, v21, v17;
	v21 =	vsel vm5, v25, v20;
	v25 =	vld [tilespmem:$0x1FD30];
	_ =	sdelay $0x3  }
0x227: {  	v4 =	vsel vm15, s18, v4  }
0x228: {  	v4 =	vsel vm0, s19, v4;
	vm0 =	vnez.u8 v25;
	v25 =	vld [tilespmem:$0x1FD40]  }
0x229: {  	v26 =	vld [tilespmem:$0x1FD50];
	v18 =	vimm.s32 $0x0  }
0x22a: {  	v18 =	vsel vm12, $0xFFFFFFFF, v18  }
0x22b: {  	[tilespmem:$0x1FD70] =	vst v18;
	v18 =	vimm.s32 $0x0  }
0x22c: {  	v18 =	vsel vm11, $0xFFFFFFFF, v18  }
0x22d: {  	[tilespmem:$0x1FD60] =	vst v18;
	v2 =	vsel vm0, s18, v2;
	vm0 =	vnez.u8 v25  }
0x22e: {  	v1 =	vsel vm0, s18, v1;
	vm0 =	vnez.u8 v26;
	v26 =	vld [tilespmem:$0x1FD60];
	_ =	sdelay $0x2  }
0x22f: {  	vm12 =	vmmov vm7  }
0x230: {  	v2 =	vsel vm12, s19, v2  }
0x231: {  	v2 =	vsel vm0, s20, v2;
	vm0 =	vnez.u8 v26;
	v26 =	vld [tilespmem:$0x1FD70];
	_ =	sdelay $0x2  }
0x232: {  	v27 =	vld [tilespmem:s25+$0x80];
	vm10 =	vmmov vm9;
	vm9 =	vmmov vm8  }
0x233: {  	v28 =	vld [tilespmem:s25+$0x90];
	v1 =	vsel vm9, s19, v1  }
0x234: {  	v18 =	vimm.s32 $0x0;
	v1 =	vsel vm0, s20, v1;
	vm0 =	vnez.u8 v26;
	v26 =	vld [tilespmem:$0x1FD90]  }
0x235: {  	v29 =	vld [tilespmem:s25+$0x20];
	vm1 =	vlt.f32 v24, v16;
	v18 =	vsel vm3, $0xFFFFFFFF, v18  }
0x236: {  	v61 =	vld [tilespmem:s25+$0xFFFFFF40];
	vm11 =	vmmov vm6;
	[tilespmem:$0x1FD80] =	vst v18;
	v18 =	vsel vm1, v24, v16  }
0x237: {  	v32 =	vld [tilespmem:s25+$0x40];
	v0 =	vsel vm11, s18, v0;
	vm4 =	vlt.f32 v22, v18  }
0x238: {  	v63 =	vld [tilespmem:s25+$0xFFFFFF70];
	v0 =	vsel vm10, s19, v0;
	v18 =	vsel vm4, v22, v18  }
0x239: {  	vm7 =	vlt.f32 v23, v18;
	v0 =	vsel vm0, s20, v0;
	vm0 =	vnez.u8 v26;
	v26 =	vld [tilespmem:$0x1FDA0]  }
0x23a: {  	v5 =	vsel vm13, s18, v5;
	v18 =	vsel vm7, v23, v18;
	v23 =	vld [tilespmem:s25+$0xFFFFFF10]  }
0x23b: {  	v3 =	vsel vm14, s18, v3;
	v62 =	vld [tilespmem:s25+$0xFFFFFF60];
	v5 =	vsel vm2, s19, v5;
	vm8 =	vlt.f32 v19, v21  }
0x23c: {  	v3 =	vsel vm1, s19, v3;
	v5 =	vsel vm5, s20, v5;
	v19 =	vsel vm8, v19, v21;
	v25 =	vld [tilespmem:s25+$0xFFFFFF90]  }
0x23d: {  	v5 =	vsel vm8, s21, v5;
	vm13 =	vlt.f32 v63, v19;
	vm3 =	vlt.f32 v14, v17;
	v31 =	vld [tilespmem:$0x1FD80]  }
0x23e: {  	v14 =	vsel vm3, v14, v17;
	v2 =	vsel vm0, s21, v2;
	vm0 =	vnez.u8 v26;
	v26 =	vld [tilespmem:$0x1FDB0]  }
0x23f: {  	s26 =	sadd.s32 s22, s6;
	v4 =	vsel vm3, s20, v4;
	vm6 =	vlt.f32 v6, v14;
	v22 =	vld [tilespmem:s25+$0xFFFFFF00];
	vm1 =	vlt.f32 v23, v12  }
0x240: {  	v21 =	vld [tilespmem:s25+$0x10];
	v17 =	vsel vm6, v6, v14;
	v4 =	vsel vm6, s21, v4;
	s18 =	sadd.s32 $0x4, s26;
	v12 =	vsel vm1, v23, v12  }
0x241: {  	v24 =	vld [tilespmem:s25+$0xFFFFFF80];
	vm6 =	vlt.f32 v61, v10;
	v13 =	vsel vm1, s18, v13;
	vm1 =	vlt.f32 v25, v12  }
0x242: {  	v3 =	vsel vm4, s20, v3;
	v10 =	vsel vm6, v61, v10;
	v12 =	vsel vm1, v25, v12;
	v25 =	vld [tilespmem:s25+$0xFFFFFFC0]  }
0x243: {  	v3 =	vsel vm7, s21, v3;
	v23 =	vld [tilespmem:s25+$0xFFFFFF30];
	v1 =	vsel vm0, s21, v1;
	vm0 =	vnez.u8 v26  }
0x244: {  	v14 =	vld [tilespmem:s25+$0x0];
	vm2 =	vnez.u8 v31;
	s19 =	sadd.s32 $0x5, s26;
	v0 =	vsel vm0, s21, v0;
	vm0 =	vlt.f32 v22, v11  }
0x245: {  	v13 =	vsel vm1, s19, v13;
	vm1 =	vlt.f32 v21, v12;
	v11 =	vsel vm0, v22, v11;
	v22 =	vld [tilespmem:s25+$0xFFFFFF20]  }
0x246: {  	v30 =	vld [tilespmem:s25+$0x30];
	vm14 =	vlt.f32 v62, v18;
	v9 =	vsel vm2, s21, v9;
	v12 =	vsel vm1, v21, v12  }
0x247: {  	vm9 =	vlt.f32 v25, v10;
	v26 =	vld [tilespmem:s25+$0xFFFFFFA0];
	v9 =	vsel vm0, s18, v9;
	vm0 =	vlt.f32 v24, v11  }
0x248: {  	vm5 =	vlt.f32 v23, v8;
	s20 =	sadd.s32 $0x6, s26;
	v10 =	vsel vm9, v25, v10;
	v11 =	vsel vm0, v24, v11;
	v24 =	vld [tilespmem:s25+$0xFFFFFFB0]  }
0x249: {  	v15 =	vld [tilespmem:s25+$0xA0];
	v8 =	vsel vm5, v23, v8;
	v13 =	vsel vm1, s20, v13;
	vm12 =	vlt.f32 v32, v10  }
0x24a: {  	v20 =	vld [tilespmem:s25+$0xC0];
	v9 =	vsel vm0, s19, v9;
	vm0 =	vlt.f32 v14, v11;
	vm4 =	vlt.f32 v22, v7  }
0x24b: {  	v16 =	vld [tilespmem:s25+$0xB0];
	v10 =	vsel vm12, v32, v10;
	v11 =	vsel vm0, v14, v11;
	v7 =	vsel vm4, v22, v7  }
0x24c: {  	v6 =	vld [tilespmem:s25+$0xD0];
	v9 =	vsel vm0, s20, v9;
	vm0 =	vlt.f32 v28, v12;
	vm7 =	vlt.f32 v26, v7  }
0x24d: {  	v21 =	vld [tilespmem:s25+$0xFFFFFFD0];
	vm3 =	vlt.f32 v27, v11;
	vm8 =	vlt.f32 v24, v8;
	v7 =	vsel vm7, v26, v7  }
0x24e: {  	v25 =	vld [tilespmem:s25+$0x70];
	v12 =	vsel vm0, v28, v12;
	v8 =	vsel vm8, v24, v8;
	vm10 =	vlt.f32 v29, v7  }
0x24f: {  	s22 =	sadd.s32 $0x4, s22;
	s21 =	sadd.s32 $0x7, s26;
	v11 =	vsel vm3, v27, v11;
	v27 =	vld [tilespmem:s25+$0xFFFFFF50];
	vm11 =	vlt.f32 v30, v8;
	v7 =	vsel vm10, v29, v7  }
0x250: {  	p0 =	slt.u32 s22, $0xFC;
	v14 =	vld [tilespmem:s25+$0x50];
	v13 =	vsel vm0, s21, v13;
	v8 =	vsel vm11, v30, v8;
	vm0 =	vlt.f32 v15, v7  }
.Ltmp6:
0x251: {  	v22 =	vld [tilespmem:s25+$0x60];
	vm1 =	vlt.f32 v16, v8;
	v7 =	vsel vm0, v15, v7;
	v15 =	vimm.s32 $0x0;
	(pc) =	sbr.rel @p0 .LBB2_15-.Ltmp6, $4  }
0x252: {  	v23 =	vimm.s32 $0x0;
	vm2 =	vlt.f32 v20, v10;
	v24 =	vld [tilespmem:s25+$0xFFFFFFE0];
	v15 =	vsel vm1, $0xFFFFFFFF, v15  }
0x253: {  	v10 =	vsel vm2, v20, v10;
	v26 =	vld [tilespmem:s25+$0xFFFFFFF0];
	v23 =	vsel vm0, $0xFFFFFFFF, v23;
	[tilespmem:$0x1FDA0] =	vst v15;
	v15 =	vimm.s32 $0x0  }
0x254: {  	vm15 =	vlt.f32 v27, v17;
	v8 =	vsel vm1, v16, v8;
	[tilespmem:$0x1FD90] =	vst v23;
	v23 =	vld [tilespmem:s25+$0xE0];
	v15 =	vsel vm2, $0xFFFFFFFF, v15  }
0x255: {  	v17 =	vsel vm15, v27, v17;
	v16 =	vsel vm14, v62, v18;
	[tilespmem:$0x1FDB0] =	vst v15;
	v15 =	vsel vm13, v63, v19;
	v19 =	vld [tilespmem:s25+$0xF0];
	s25 =	sadd.s32 $0x200, s25  }
0x256: {  	p0 =	seq.s32 s17, $0x3  }
0x257: {  	s22 =	sadd.s32 @!p0 s16, s9  }
0x258: {  	s22 =	sshll.u32 @!p0 s22, $0xC  }
0x259: {  	v4 =	vsel vm15, s18, v4;
	s22 =	sadd.s32 @!p0 s22, s23  }
0x25a: {  	vm0 =	vlt.f32 v21, v17;
	v3 =	vsel vm14, s18, v3;
	s25 =	simm.s32 @!p0 $0x400;
	vm1 =	vlt.f32 v24, v16;
	s22 =	sshrl.u32 @!p0 s22, $0x3  }
0x25b: {  	v0 =	vsel vm6, s18, v0;
	s26 =	simm.s32 @!p0 $0x8000;
	s28 =	simm.s32 @!p0 $0x0;
	v17 =	vsel vm0, v21, v17;
	v16 =	vsel vm1, v24, v16;
	s22 =	sadd.s32 @!p0 s1, s22  }
0x25c: {  	v4 =	vsel vm0, s19, v4;
	v21 =	vsel vm1, s19, v3;
	vm1 =	vlt.f32 v22, v16;
	[tilespmem:s28], [sflag:$0x1] =	stream.strided.gather @!p0 [hbm4b:s22+s25], $0x8000, s26, s25, $0x38;
	[tilespmem:$0x10100] =	vst v63  }
0x25d: {  	v0 =	vsel vm9, s19, v0;
	vm0 =	vlt.f32 v14, v17;
	v16 =	vsel vm1, v22, v16;
	_ =	swait.ge [sflag:s2], $0x8000  }
0x25e: {  	v14 =	vsel vm0, v14, v17;
	v17 =	vsel vm1, s20, v21;
	vm1 =	vlt.f32 v23, v16;
	[sflag:s2] =	ssyncset.done $0x0  }
0x25f: {  	s26 =	simm.s32 $0x8100;
	v29 =	vsel vm1, v23, v16;
	v23 =	vsel vm12, s20, v0;
	v0 =	vld [tilespmem:$0x1FD90];
	[sflag:s2] =	ssyncadd.s32 $0xFFFF8000  }
0x260: {  	v18 =	vld [tilespmem:s26+$0x80]  }
0x261: {  	v20 =	vld [tilespmem:s26+$0x90]  }
0x262: {  	v24 =	vld [tilespmem:s26+$0xA0]  }
0x263: {  	v5 =	vsel vm13, s18, v5;
	vm2 =	vlt.f32 v26, v15;
	v27 =	vld [tilespmem:s26+$0xB0]  }
0x264: {  	v15 =	vsel vm2, v26, v15;
	v4 =	vsel vm0, s20, v4;
	vm0 =	vlt.f32 v6, v14;
	v28 =	vld [tilespmem:s26+$0xC0]  }
0x265: {  	v14 =	vsel vm0, v6, v14;
	v4 =	vsel vm0, s21, v4;
	vm0 =	vnez.u8 v0;
	v0 =	vld [tilespmem:$0x1FDA0]  }
0x266: {  	v2 =	vsel vm4, s18, v2;
	v5 =	vsel vm2, s19, v5;
	vm2 =	vlt.f32 v25, v15;
	v3 =	vld [tilespmem:s26+$0xD0]  }
0x267: {  	v1 =	vsel vm5, s18, v1;
	v2 =	vsel vm7, s19, v2;
	v15 =	vsel vm2, v25, v15;
	v21 =	vld [tilespmem:s26+$0x0]  }
0x268: {  	v1 =	vsel vm8, s19, v1;
	v22 =	vsel vm2, s20, v5;
	vm2 =	vlt.f32 v19, v15;
	v16 =	vld [tilespmem:s26+$0xFFFFFF10]  }
0x269: {  	v2 =	vsel vm10, s20, v2;
	v1 =	vsel vm11, s20, v1;
	v19 =	vsel vm2, v19, v15;
	v15 =	vld [tilespmem:s26+$0xFFFFFF00]  }
0x26a: {  	v6 =	vsel vm2, s21, v22;
	v22 =	vld [tilespmem:s26+$0xFFFFFF90];
	v2 =	vsel vm0, s21, v2;
	vm0 =	vnez.u8 v0  }
0x26b: {  	v0 =	vsel vm0, s21, v1;
	v1 =	vld [tilespmem:$0x1FDB0]  }
0x26c: {  	v31 =	vld [tilespmem:s26+$0xFFFFFF30]  }
0x26d: {  	v5 =	vsel vm1, s21, v17;
	s28 =	sadd.s32 $0xFFFFFFFC, s6;
	v32 =	vld [tilespmem:s26+$0xFFFFFF40];
	vm1 =	vlt.f32 v16, v12  }
0x26e: {  	s18 =	sadd.s32 $0x104, s28;
	v17 =	vld [tilespmem:s26+$0xFFFFFF80];
	v12 =	vsel vm1, v16, v12  }
0x26f: {  	v25 =	vld [tilespmem:s26+$0x10];
	v13 =	vsel vm1, s18, v13;
	vm1 =	vlt.f32 v22, v12  }
0x270: {  	v9 =	vsel vm3, s21, v9;
	v12 =	vsel vm1, v22, v12;
	v22 =	vld [tilespmem:s26+$0xFFFFFFC0];
	vm0 =	vnez.u8 v1  }
0x271: {  	v30 =	vld [tilespmem:s26+$0x20];
	vm2 =	vlt.f32 v31, v8;
	v1 =	vsel vm0, s21, v23;
	vm0 =	vlt.f32 v15, v11  }
0x272: {  	vm3 =	vlt.f32 v32, v10;
	v8 =	vsel vm2, v31, v8;
	v11 =	vsel vm0, v15, v11;
	v15 =	vld [tilespmem:s26+$0xFFFFFF20]  }
0x273: {  	s19 =	sadd.s32 $0x105, s28;
	v26 =	vld [tilespmem:s26+$0xFFFFFFA0];
	v10 =	vsel vm3, v32, v10;
	v9 =	vsel vm0, s18, v9;
	vm0 =	vlt.f32 v17, v11  }
0x274: {  	v33 =	vld [tilespmem:s26+$0x40];
	v13 =	vsel vm1, s19, v13;
	vm1 =	vlt.f32 v25, v12;
	v11 =	vsel vm0, v17, v11  }
0x275: {  	vm6 =	vlt.f32 v22, v10;
	v9 =	vsel vm0, s19, v9;
	v17 =	vld [tilespmem:s26+$0xFFFFFFB0];
	vm0 =	vlt.f32 v21, v11  }
0x276: {  	s20 =	sadd.s32 $0x106, s28;
	v16 =	vld [tilespmem:s26+$0x50];
	v10 =	vsel vm6, v22, v10;
	v11 =	vsel vm0, v21, v11;
	v21 =	vsel vm1, v25, v12  }
0x277: {  	v23 =	vld [tilespmem:s26+$0x30];
	v25 =	vsel vm1, s20, v13;
	v13 =	vsel vm0, s20, v9;
	vm4 =	vlt.f32 v15, v7  }
0x278: {  	vm1 =	vlt.f32 v18, v11;
	vm0 =	vlt.f32 v20, v21;
	v7 =	vsel vm4, v15, v7;
	v15 =	vld [tilespmem:s26+$0xFFFFFF50]  }
0x279: {  	s21 =	sadd.s32 $0x107, s28;
	vm9 =	vlt.f32 v33, v10;
	v12 =	vsel vm1, v18, v11;
	v11 =	vsel vm0, v20, v21;
	v18 =	vld [tilespmem:s26+$0xFFFFFF60]  }
0x27a: {  	v9 =	vsel vm0, s21, v25;
	v20 =	vld [tilespmem:s26+$0xFFFFFF70];
	vm7 =	vlt.f32 v26, v7;
	vm5 =	vlt.f32 v17, v8  }
0x27b: {  	v22 =	vld [tilespmem:s26+$0xFFFFFFE0];
	v7 =	vsel vm7, v26, v7;
	v8 =	vsel vm5, v17, v8;
	v17 =	vsel vm9, v33, v10  }
0x27c: {  	v21 =	vld [tilespmem:s26+$0xFFFFFFD0];
	v10 =	vimm.s32 $0x0;
	vm10 =	vlt.f32 v30, v7;
	vm8 =	vlt.f32 v23, v8  }
0x27d: {  	v25 =	vld [tilespmem:s26+$0x70];
	vm12 =	vlt.f32 v28, v17;
	v7 =	vsel vm10, v30, v7;
	v8 =	vsel vm8, v23, v8  }
0x27e: {  	v26 =	vld [tilespmem:s26+$0xFFFFFFF0];
	vm0 =	vlt.f32 v24, v7;
	vm11 =	vlt.f32 v27, v8;
	vm13 =	vlt.f32 v15, v14  }
0x27f: {  	v23 =	vld [tilespmem:s26+$0x60];
	vm14 =	vlt.f32 v18, v29;
	vm15 =	vlt.f32 v20, v19;
	v10 =	vsel vm0, $0xFFFFFFFF, v10  }
0x280: {  	v8 =	vsel vm11, v27, v8;
	[tilespmem:$0x1FD20] =	vst v10;
	v10 =	vsel vm0, v24, v7;
	v7 =	vsel vm12, v28, v17;
	v24 =	vld [tilespmem:s26+$0xE0]  }
0x281: {  	s17 =	sadd.s32 $0x1, s17;
	s22 =	simm.s32 $0x0;
	s25 =	simm.s32 $0x8300;
	v17 =	vsel vm13, v15, v14;
	v15 =	vsel vm14, v18, v29;
	v14 =	vsel vm15, v20, v19;
	v19 =	vld [tilespmem:s26+$0xF0]  }
.LBB2_17:
0x282: {  	v18 =	vimm.s32 $0x0  }
0x283: {  	v18 =	vsel vm9, $0xFFFFFFFF, v18  }
0x284: {  	[tilespmem:$0x1FCE0] =	vst v18;
	v18 =	vimm.s32 $0x0  }
0x285: {  	v18 =	vsel vm3, $0xFFFFFFFF, v18  }
0x286: {  	[tilespmem:$0x1FCB0] =	vst v18;
	v18 =	vimm.s32 $0x0  }
0x287: {  	v18 =	vsel vm5, $0xFFFFFFFF, v18  }
0x288: {  	[tilespmem:$0x1FCC0] =	vst v18;
	v18 =	vimm.s32 $0x0  }
0x289: {  	v18 =	vsel vm11, $0xFFFFFFFF, v18  }
0x28a: {  	[tilespmem:$0x1FCF0] =	vst v18;
	v18 =	vimm.s32 $0x0  }
0x28b: {  	v18 =	vsel vm12, $0xFFFFFFFF, v18  }
0x28c: {  	[tilespmem:$0x1FD00] =	vst v18;
	v18 =	vimm.s32 $0x0  }
0x28d: {  	v18 =	vsel vm2, $0xFFFFFFFF, v18;
	vm2 =	vlt.f32 v26, v14  }
0x28e: {  	v20 =	vsel vm2, v26, v14  }
0x28f: {  	vm0 =	vlt.f32 v21, v17;
	[tilespmem:$0x1FCA0] =	vst v18;
	vm5 =	vlt.f32 v25, v20  }
0x290: {  	v17 =	vsel vm0, v21, v17;
	v21 =	vsel vm5, v25, v20;
	v25 =	vld [tilespmem:$0x1FCA0];
	_ =	sdelay $0x3  }
0x291: {  	v4 =	vsel vm13, s18, v4  }
0x292: {  	v4 =	vsel vm0, s19, v4;
	vm0 =	vnez.u8 v25;
	v25 =	vld [tilespmem:$0x1FCB0]  }
0x293: {  	v26 =	vld [tilespmem:$0x1FCC0];
	_ =	sdelay $0x1  }
0x294: {  	v18 =	vimm.s32 $0x0  }
0x295: {  	v18 =	vsel vm10, $0xFFFFFFFF, v18  }
0x296: {  	[tilespmem:$0x1FCD0] =	vst v18;
	v0 =	vsel vm0, s18, v0;
	vm0 =	vnez.u8 v25  }
0x297: {  	v1 =	vsel vm0, s18, v1;
	vm0 =	vnez.u8 v26;
	v26 =	vld [tilespmem:$0x1FCD0];
	_ =	sdelay $0x3  }
0x298: {  	v27 =	vld [tilespmem:s25+$0x80]  }
0x299: {  	v0 =	vsel vm0, s19, v0;
	vm0 =	vnez.u8 v26;
	v26 =	vld [tilespmem:$0x1FCE0]  }
0x29a: {  	v28 =	vld [tilespmem:s25+$0x90]  }
0x29b: {  	v29 =	vld [tilespmem:s25+$0x20];
	vm10 =	vmmov vm4  }
0x29c: {  	v30 =	vld [tilespmem:s25+$0x30];
	vm9 =	vmmov vm7;
	v18 =	vimm.s32 $0x0;
	v2 =	vsel vm10, s18, v2  }
0x29d: {  	v61 =	vld [tilespmem:s25+$0xFFFFFF40];
	v18 =	vsel vm1, $0xFFFFFFFF, v18;
	v2 =	vsel vm9, s19, v2  }
0x29e: {  	vm1 =	vlt.f32 v22, v15;
	v2 =	vsel vm0, s20, v2;
	vm0 =	vnez.u8 v26;
	v26 =	vld [tilespmem:$0x1FD20]  }
0x29f: {  	v5 =	vsel vm14, s18, v5;
	v32 =	vld [tilespmem:s25+$0x40];
	[tilespmem:$0x1FD10] =	vst v18;
	v18 =	vsel vm1, v22, v15  }
0x2a0: {  	v6 =	vsel vm15, s18, v6;
	v62 =	vld [tilespmem:s25+$0xFFFFFF60];
	vm3 =	vlt.f32 v16, v17;
	vm4 =	vlt.f32 v23, v18  }
0x2a1: {  	v16 =	vsel vm3, v16, v17;
	vm12 =	vmmov vm6;
	v18 =	vsel vm4, v23, v18;
	v23 =	vld [tilespmem:s25+$0xFFFFFF10]  }
0x2a2: {  	v63 =	vld [tilespmem:s25+$0xFFFFFF70];
	vm11 =	vmmov vm8;
	v4 =	vsel vm3, s20, v4;
	v1 =	vsel vm12, s19, v1  }
0x2a3: {  	vm3 =	vlt.f32 v61, v7;
	v1 =	vsel vm0, s20, v1;
	vm0 =	vnez.u8 v26;
	v26 =	vld [tilespmem:$0x1FCF0]  }
0x2a4: {  	v7 =	vsel vm3, v61, v7;
	vm6 =	vlt.f32 v3, v16;
	vm8 =	vlt.f32 v19, v21;
	v25 =	vld [tilespmem:s25+$0xFFFFFF90]  }
0x2a5: {  	v17 =	vsel vm6, v3, v16;
	v6 =	vsel vm2, s19, v6;
	v19 =	vsel vm8, v19, v21;
	v21 =	vld [tilespmem:s25+$0x10]  }
0x2a6: {  	v6 =	vsel vm5, s20, v6;
	v5 =	vsel vm1, s19, v5;
	v31 =	vld [tilespmem:$0x1FD10];
	vm1 =	vlt.f32 v23, v11  }
0x2a7: {  	s26 =	sadd.s32 s22, s6;
	v4 =	vsel vm6, s21, v4;
	v6 =	vsel vm8, s21, v6;
	v11 =	vsel vm1, v23, v11;
	v23 =	vld [tilespmem:s25+$0xFFFFFF30]  }
0x2a8: {  	vm15 =	vlt.f32 v63, v19;
	s18 =	sadd.s32 $0x104, s26;
	v2 =	vsel vm0, s21, v2;
	vm0 =	vnez.u8 v26;
	v26 =	vld [tilespmem:$0x1FD00]  }
0x2a9: {  	v22 =	vld [tilespmem:s25+$0xFFFFFF00];
	vm7 =	vlt.f32 v24, v18;
	v9 =	vsel vm1, s18, v9;
	vm1 =	vlt.f32 v25, v11  }
0x2aa: {  	v5 =	vsel vm4, s20, v5;
	v18 =	vsel vm7, v24, v18;
	v11 =	vsel vm1, v25, v11;
	v25 =	vld [tilespmem:s25+$0xFFFFFFC0]  }
0x2ab: {  	v5 =	vsel vm7, s21, v5;
	v24 =	vld [tilespmem:s25+$0xFFFFFF80];
	vm14 =	vlt.f32 v62, v18;
	vm2 =	vnez.u8 v31  }
0x2ac: {  	v3 =	vld [tilespmem:s25+$0xD0];
	v13 =	vsel vm2, s21, v13;
	s19 =	sadd.s32 $0x105, s26;
	v0 =	vsel vm11, s20, v0;
	vm2 =	vlt.f32 v23, v8  }
0x2ad: {  	v16 =	vld [tilespmem:s25+$0x0];
	v9 =	vsel vm1, s19, v9;
	v0 =	vsel vm0, s21, v0;
	vm0 =	vnez.u8 v26  }
0x2ae: {  	v20 =	vld [tilespmem:s25+$0xC0];
	v8 =	vsel vm2, v23, v8;
	v1 =	vsel vm0, s21, v1;
	vm0 =	vlt.f32 v22, v12  }
0x2af: {  	vm1 =	vlt.f32 v21, v11;
	vm6 =	vlt.f32 v25, v7;
	v12 =	vsel vm0, v22, v12;
	v22 =	vld [tilespmem:s25+$0xFFFFFF20]  }
0x2b0: {  	v7 =	vsel vm6, v25, v7;
	v26 =	vld [tilespmem:s25+$0xFFFFFFA0];
	v13 =	vsel vm0, s18, v13;
	vm0 =	vlt.f32 v24, v12  }
0x2b1: {  	v11 =	vsel vm1, v21, v11;
	vm9 =	vlt.f32 v32, v7;
	v12 =	vsel vm0, v24, v12;
	v24 =	vld [tilespmem:s25+$0xFFFFFFB0]  }
0x2b2: {  	v14 =	vld [tilespmem:s25+$0xA0];
	s20 =	sadd.s32 $0x106, s26;
	v7 =	vsel vm9, v32, v7;
	v13 =	vsel vm0, s19, v13;
	vm0 =	vlt.f32 v16, v12  }
0x2b3: {  	v15 =	vld [tilespmem:s25+$0xB0];
	v9 =	vsel vm1, s20, v9;
	vm12 =	vlt.f32 v20, v7;
	v12 =	vsel vm0, v16, v12  }
0x2b4: {  	v23 =	vld [tilespmem:s25+$0x60];
	v7 =	vsel vm12, v20, v7;
	vm1 =	vlt.f32 v27, v12;
	vm4 =	vlt.f32 v22, v10  }
0x2b5: {  	v13 =	vsel vm0, s20, v13;
	v12 =	vsel vm1, v27, v12;
	v10 =	vsel vm4, v22, v10;
	v27 =	vld [tilespmem:s25+$0xFFFFFF50]  }
0x2b6: {  	s22 =	sadd.s32 $0x4, s22;
	v21 =	vld [tilespmem:s25+$0xFFFFFFD0];
	vm0 =	vlt.f32 v28, v11;
	vm7 =	vlt.f32 v26, v10;
	vm5 =	vlt.f32 v24, v8  }
0x2b7: {  	p1 =	slt.u32 s22, $0xFC;
	v25 =	vld [tilespmem:s25+$0x70];
	s21 =	sadd.s32 $0x107, s26;
	v11 =	vsel vm0, v28, v11;
	v10 =	vsel vm7, v26, v10;
	v8 =	vsel vm5, v24, v8  }
.Ltmp7:
0x2b8: {  	v16 =	vld [tilespmem:s25+$0x50];
	v9 =	vsel vm0, s21, v9;
	vm10 =	vlt.f32 v29, v10;
	vm8 =	vlt.f32 v30, v8;
	(pc) =	sbr.rel @p1 .LBB2_17-.Ltmp7, $4  }
0x2b9: {  	v22 =	vld [tilespmem:s25+$0xFFFFFFE0];
	v24 =	vimm.s32 $0x0;
	v10 =	vsel vm10, v29, v10;
	v8 =	vsel vm8, v30, v8  }
0x2ba: {  	v26 =	vld [tilespmem:s25+$0xFFFFFFF0];
	vm0 =	vlt.f32 v14, v10;
	vm11 =	vlt.f32 v15, v8;
	vm13 =	vlt.f32 v27, v17  }
0x2bb: {  	v24 =	vsel vm0, $0xFFFFFFFF, v24;
	v10 =	vsel vm0, v14, v10;
	v14 =	vsel vm15, v63, v19;
	v19 =	vld [tilespmem:s25+$0xF0]  }
0x2bc: {  	v8 =	vsel vm11, v15, v8;
	v17 =	vsel vm13, v27, v17;
	v15 =	vsel vm14, v62, v18;
	[tilespmem:$0x1FD20] =	vst v24;
	v24 =	vld [tilespmem:s25+$0xE0];
	s25 =	sadd.s32 $0x200, s25  }
0x2bd: {  	v4 =	vsel vm13, s18, v4;
	v5 =	vsel vm14, s18, v5;
	vm0 =	vlt.f32 v21, v17  }
0x2be: {  	v6 =	vsel vm15, s18, v6;
	v1 =	vsel vm3, s18, v1;
	v17 =	vsel vm0, v21, v17  }
0x2bf: {  	v4 =	vsel vm0, s19, v4;
	vm13 =	vlt.f32 v22, v15;
	v1 =	vsel vm6, s19, v1  }
0x2c0: {  	v15 =	vsel vm13, v22, v15;
	v5 =	vsel vm13, s19, v5;
	vm14 =	vlt.f32 v26, v14  }
0x2c1: {  	vm15 =	vlt.f32 v16, v17;
	v14 =	vsel vm14, v26, v14;
	v6 =	vsel vm14, s19, v6  }
0x2c2: {  	v16 =	vsel vm15, v16, v17;
	v4 =	vsel vm15, s20, v4;
	vm13 =	vlt.f32 v23, v15  }
0x2c3: {  	v15 =	vsel vm13, v23, v15;
	v5 =	vsel vm13, s20, v5;
	vm14 =	vlt.f32 v25, v14  }
0x2c4: {  	vm15 =	vlt.f32 v3, v16;
	v14 =	vsel vm14, v25, v14;
	v6 =	vsel vm14, s20, v6  }
0x2c5: {  	v17 =	vsel vm15, v3, v16;
	vm13 =	vlt.f32 v24, v15;
	vm14 =	vlt.f32 v19, v14  }
0x2c6: {  	p1 =	sne.s32 @!p0 s17, $0x4;
	v3 =	vsel vm13, s21, v5;
	v5 =	vsel vm14, s21, v6;
	v6 =	vsel vm9, s20, v1;
	v1 =	vld [tilespmem:$0x1FD20]  }
0x2c7: {  	s16 =	sadd.s32 @!p0 s16, s10;
	p1 =	por p0, !p1  }
.Ltmp8:
0x2c8: {  	v2 =	vsel vm4, s18, v2;
	v0 =	vsel vm2, s18, v0;
	s16 =	sshll.u32 @!p0 s16, $0xC;
	(pc) =	sbr.rel @!p1 .LBB2_14-.Ltmp8, $4  }
0x2c9: {  	v13 =	vsel vm1, s21, v13;
	v2 =	vsel vm7, s19, v2;
	v0 =	vsel vm5, s19, v0;
	s16 =	sadd.s32 @!p0 s16, s23  }
0x2ca: {  	s18 =	simm.s32 @!p0 $0x400;
	v2 =	vsel vm10, s20, v2;
	v0 =	vsel vm8, s20, v0;
	s16 =	sshrl.u32 @!p0 s16, $0x3;
	v4 =	vsel vm15, s21, v4  }
0x2cb: {  	s22 =	simm.s32 @!p0 $0x8000;
	s6 =	sadd.s32 @!p0 $0x200, s6;
	s16 =	sadd.s32 @!p0 s1, s16;
	v16 =	vsel vm13, v24, v15;
	v15 =	vsel vm14, v19, v14;
	vm15 =	vnez.u8 v1  }
0x2cc: {  	[tilespmem:s22], [sflag:$0x2] =	stream.strided.gather @!p0 [hbm4b:s16+s18], $0x8000, s22, s18, $0x38;
	v1 =	vsel vm11, s21, v0;
	v0 =	vsel vm12, s21, v6;
	v2 =	vsel vm15, s21, v2;
	[tilespmem:$0x10100] =	vst v63  }
0x2cd: {  	[tilespmem:$0x10000] =	vst v12  }
0x2ce: {  	[tilespmem:$0x10080] =	vst v13  }
0x2cf: {  	[tilespmem:$0x10010] =	vst v11  }
0x2d0: {  	[tilespmem:$0x10090] =	vst v9  }
0x2d1: {  	[tilespmem:$0x10020] =	vst v10  }
0x2d2: {  	[tilespmem:$0x100A0] =	vst v2  }
0x2d3: {  	[tilespmem:$0x10030] =	vst v8  }
0x2d4: {  	[tilespmem:$0x100B0] =	vst v1  }
0x2d5: {  	[tilespmem:$0x10040] =	vst v7  }
0x2d6: {  	[tilespmem:$0x100C0] =	vst v0  }
0x2d7: {  	[tilespmem:$0x10050] =	vst v17  }
0x2d8: {  	[tilespmem:$0x100D0] =	vst v4  }
0x2d9: {  	[tilespmem:$0x10060] =	vst v16  }
0x2da: {  	[tilespmem:$0x100E0] =	vst v3  }
0x2db: {  	[tilespmem:$0x10070] =	vst v15  }
0x2dc: {  	[tilespmem:$0x100F0] =	vst v5;
	s17 =	simm.s32 $0x0;
	s6 =	rddreg [dreg:$0xb]  }
0x2dd: {  	[hbm4b:s6+s17] =	stream.linear.scatter [tilespmem:s0], [sflag:$0x3], $0x80, $0x38;
	[tilespmem:$0x10100] =	vst v63  }
0x2de: {  	_ =	swait.ge [sflag:s11], $0x80  }
0x2df: {  	[sflag:s11] =	ssyncset.done $0x0  }
0x2e0: {  	s26 =	rddreg [dreg:$0xc];
	[sflag:s11] =	ssyncadd.s32 $0xFFFFFF80  }
0x2e1: {  	[hbm4b:s26+s17] =	stream.linear.scatter [tilespmem:s12], [sflag:$0x3], $0x80, $0x38;
	[tilespmem:$0x10100] =	vst v63  }
0x2e2: {  	v15 =	vimm.f32 $+Inf;
	_ =	swait.ge [sflag:s11], $0x80  }
0x2e3: {  	v5 =	vimm.s32 $0x0;
	v3 =	vimm.s32 $0x0;
	v4 =	vimm.s32 $0x0;
	[sflag:s11] =	ssyncset.done $0x0  }
0x2e4: {  	v0 =	vimm.s32 $0x0;
	v1 =	vimm.s32 $0x0;
	v2 =	vimm.s32 $0x0;
	s28 =	rddreg [dreg:$0x11];
	[sflag:s11] =	ssyncadd.s32 $0xFFFFFF80  }
0x2e5: {  	v9 =	vimm.s32 $0x0;
	v13 =	vimm.s32 $0x0;
	v16 =	vimm.f32 $+Inf;
	[tilespmem:s17], [sflag:$0x1] =	stream.strided.gather [hbm4b:s28+s30], $0x8000, s31, s30, $0x38;
	[tilespmem:$0x10100] =	vst v63  }
0x2e6: {  	v17 =	vimm.f32 $+Inf;
	v7 =	vimm.f32 $+Inf;
	v8 =	vimm.f32 $+Inf;
	s6 =	smov.u32 s14  }
0x2e7: {  	v10 =	vimm.f32 $+Inf;
	v11 =	vimm.f32 $+Inf;
	v12 =	vimm.f32 $+Inf;
	[tilespmem:s31], [sflag:$0x2] =	stream.strided.gather [hbm4b:s29+s30], $0x8000, s31, s30, $0x38;
	[tilespmem:$0x10100] =	vst v63  }
.LBB2_20:
0x2e8: {  	_ =	swait.ge [sflag:s5], $0x8000  }
0x2e9: {  	[sflag:s5] =	ssyncset.done $0x0  }
0x2ea: {  	s25 =	simm.s32 $0x100;
	[sflag:s5] =	ssyncadd.s32 $0xFFFF8000  }
0x2eb: {  	v18 =	vld [tilespmem:s25+$0x80]  }
0x2ec: {  	v19 =	vld [tilespmem:s25+$0x90]  }
0x2ed: {  	v20 =	vld [tilespmem:s25+$0xA0]  }
0x2ee: {  	v23 =	vld [tilespmem:s25+$0xB0]  }
0x2ef: {  	v27 =	vld [tilespmem:s25+$0xC0]  }
0x2f0: {  	v22 =	vld [tilespmem:s25+$0xFFFFFF00]  }
0x2f1: {  	v24 =	vld [tilespmem:s25+$0xFFFFFF10]  }
0x2f2: {  	v31 =	vld [tilespmem:s25+$0xFFFFFF40]  }
0x2f3: {  	v25 =	vld [tilespmem:s25+$0xFFFFFF80]  }
0x2f4: {  	v26 =	vld [tilespmem:s25+$0xFFFFFF90]  }
0x2f5: {  	v14 =	vld [tilespmem:s25+$0x0]  }
0x2f6: {  	s16 =	sadd.s32 $0xFFFFFFFC, s6;
	v21 =	vld [tilespmem:s25+$0x10]  }
0x2f7: {  	s18 =	sadd.s32 $0x4, s16;
	v28 =	vld [tilespmem:s25+$0x20];
	vm0 =	vlt.f32 v22, v12;
	vm1 =	vlt.f32 v24, v11;
	vm6 =	vlt.f32 v31, v7  }
0x2f8: {  	v12 =	vsel vm0, v22, v12;
	v11 =	vsel vm1, v24, v11;
	v9 =	vsel vm1, s18, v9;
	v22 =	vld [tilespmem:s25+$0xFFFFFF20]  }
0x2f9: {  	s19 =	sadd.s32 $0x5, s16;
	v13 =	vsel vm0, s18, v13;
	v24 =	vld [tilespmem:s25+$0xFFFFFF30];
	vm0 =	vlt.f32 v25, v12;
	vm1 =	vlt.f32 v26, v11  }
0x2fa: {  	v30 =	vld [tilespmem:s25+$0xFFFFFFA0];
	v12 =	vsel vm0, v25, v12;
	v11 =	vsel vm1, v26, v11;
	v9 =	vsel vm1, s19, v9  }
0x2fb: {  	v13 =	vsel vm0, s19, v13;
	v25 =	vld [tilespmem:s25+$0xFFFFFFB0];
	vm0 =	vlt.f32 v14, v12;
	vm1 =	vlt.f32 v21, v11  }
0x2fc: {  	s20 =	sadd.s32 $0x6, s16;
	v7 =	vsel vm6, v31, v7;
	v26 =	vld [tilespmem:s25+$0xFFFFFFC0];
	v12 =	vsel vm0, v14, v12;
	v21 =	vsel vm1, v21, v11  }
0x2fd: {  	v29 =	vld [tilespmem:s25+$0x30];
	v32 =	vsel vm1, s20, v9;
	v9 =	vsel vm0, s20, v13;
	vm3 =	vlt.f32 v18, v12  }
0x2fe: {  	v33 =	vld [tilespmem:s25+$0x40];
	vm0 =	vlt.f32 v19, v21;
	vm4 =	vlt.f32 v22, v10;
	vm5 =	vlt.f32 v24, v8  }
0x2ff: {  	s21 =	sadd.s32 $0x7, s16;
	v6 =	vld [tilespmem:s25+$0xD0];
	v11 =	vsel vm3, v18, v12;
	v12 =	vsel vm0, v19, v21;
	v10 =	vsel vm4, v22, v10  }
0x300: {  	v62 =	vld [tilespmem:s25+$0xFFFFFF70];
	v13 =	vsel vm0, s21, v32;
	v8 =	vsel vm5, v24, v8;
	vm7 =	vlt.f32 v30, v10  }
0x301: {  	v14 =	vld [tilespmem:s25+$0x50];
	vm8 =	vlt.f32 v25, v8;
	vm9 =	vlt.f32 v26, v7;
	v10 =	vsel vm7, v30, v10  }
0x302: {  	v21 =	vld [tilespmem:s25+$0xFFFFFFD0];
	v8 =	vsel vm8, v25, v8;
	v7 =	vsel vm9, v26, v7;
	vm10 =	vlt.f32 v28, v10  }
0x303: {  	v18 =	vld [tilespmem:s25+$0xFFFFFF50];
	vm11 =	vlt.f32 v29, v8;
	vm12 =	vlt.f32 v33, v7;
	v10 =	vsel vm10, v28, v10  }
0x304: {  	v19 =	vld [tilespmem:s25+$0xFFFFFF60];
	v63 =	vsel vm12, v33, v7;
	v7 =	vimm.s32 $0x0;
	vm0 =	vlt.f32 v20, v10  }
0x305: {  	vm13 =	vlt.f32 v62, v15;
	v24 =	vld [tilespmem:s25+$0xFFFFFFE0];
	v8 =	vsel vm11, v29, v8;
	v7 =	vsel vm0, $0xFFFFFFFF, v7  }
0x306: {  	v22 =	vld [tilespmem:s25+$0x60];
	vm1 =	vlt.f32 v23, v8;
	[tilespmem:$0x1FC70] =	vst v7;
	v7 =	vsel vm0, v20, v10;
	v10 =	vimm.s32 $0x0  }
0x307: {  	v15 =	vsel vm13, v62, v15;
	v26 =	vld [tilespmem:s25+$0xFFFFFFF0];
	v10 =	vsel vm1, $0xFFFFFFFF, v10  }
0x308: {  	v25 =	vld [tilespmem:s25+$0x70];
	vm2 =	vlt.f32 v27, v63;
	vm15 =	vlt.f32 v18, v17;
	[tilespmem:$0x1FC80] =	vst v10;
	v10 =	vimm.s32 $0x0  }
0x309: {  	vm14 =	vlt.f32 v19, v16;
	v8 =	vsel vm1, v23, v8;
	v23 =	vld [tilespmem:s25+$0xE0];
	v10 =	vsel vm2, $0xFFFFFFFF, v10  }
0x30a: {  	s22 =	simm.s32 $0x0;
	s16 =	sshll.u32 s17, $0x9;
	v17 =	vsel vm15, v18, v17;
	v16 =	vsel vm14, v19, v16;
	v19 =	vld [tilespmem:s25+$0xF0];
	s25 =	simm.s32 $0x300;
	[tilespmem:$0x1FC90] =	vst v10;
	v10 =	vsel vm2, v27, v63  }
.LBB2_21:
0x30b: {  	v18 =	vimm.s32 $0x0  }
0x30c: {  	v18 =	vsel vm10, $0xFFFFFFFF, v18  }
0x30d: {  	[tilespmem:$0x1FC30] =	vst v18;
	v18 =	vimm.s32 $0x0  }
0x30e: {  	v18 =	vsel vm5, $0xFFFFFFFF, v18  }
0x30f: {  	[tilespmem:$0x1FC20] =	vst v18;
	v18 =	vimm.s32 $0x0;
	vm2 =	vlt.f32 v26, v15  }
0x310: {  	v18 =	vsel vm4, $0xFFFFFFFF, v18;
	v20 =	vsel vm2, v26, v15  }
0x311: {  	vm0 =	vlt.f32 v21, v17;
	[tilespmem:$0x1FC10] =	vst v18;
	vm5 =	vlt.f32 v25, v20  }
0x312: {  	v17 =	vsel vm0, v21, v17;
	v21 =	vsel vm5, v25, v20;
	v25 =	vld [tilespmem:$0x1FC10];
	_ =	sdelay $0x3  }
0x313: {  	v4 =	vsel vm15, s18, v4  }
0x314: {  	v4 =	vsel vm0, s19, v4;
	vm0 =	vnez.u8 v25;
	v25 =	vld [tilespmem:$0x1FC20]  }
0x315: {  	v26 =	vld [tilespmem:$0x1FC30];
	v18 =	vimm.s32 $0x0  }
0x316: {  	v18 =	vsel vm12, $0xFFFFFFFF, v18  }
0x317: {  	[tilespmem:$0x1FC50] =	vst v18;
	v18 =	vimm.s32 $0x0  }
0x318: {  	v18 =	vsel vm11, $0xFFFFFFFF, v18  }
0x319: {  	[tilespmem:$0x1FC40] =	vst v18;
	v2 =	vsel vm0, s18, v2;
	vm0 =	vnez.u8 v25  }
0x31a: {  	v1 =	vsel vm0, s18, v1;
	vm0 =	vnez.u8 v26;
	v26 =	vld [tilespmem:$0x1FC40];
	_ =	sdelay $0x2  }
0x31b: {  	vm12 =	vmmov vm7  }
0x31c: {  	v2 =	vsel vm12, s19, v2  }
0x31d: {  	v2 =	vsel vm0, s20, v2;
	vm0 =	vnez.u8 v26;
	v26 =	vld [tilespmem:$0x1FC50];
	_ =	sdelay $0x2  }
0x31e: {  	v27 =	vld [tilespmem:s25+$0x80];
	vm10 =	vmmov vm9;
	vm9 =	vmmov vm8  }
0x31f: {  	v28 =	vld [tilespmem:s25+$0x90];
	v1 =	vsel vm9, s19, v1  }
0x320: {  	v18 =	vimm.s32 $0x0;
	v1 =	vsel vm0, s20, v1;
	vm0 =	vnez.u8 v26;
	v26 =	vld [tilespmem:$0x1FC70]  }
0x321: {  	v29 =	vld [tilespmem:s25+$0x20];
	vm1 =	vlt.f32 v24, v16;
	v18 =	vsel vm3, $0xFFFFFFFF, v18  }
0x322: {  	v61 =	vld [tilespmem:s25+$0xFFFFFF40];
	vm11 =	vmmov vm6;
	[tilespmem:$0x1FC60] =	vst v18;
	v18 =	vsel vm1, v24, v16  }
0x323: {  	v32 =	vld [tilespmem:s25+$0x40];
	v0 =	vsel vm11, s18, v0;
	vm4 =	vlt.f32 v22, v18  }
0x324: {  	v63 =	vld [tilespmem:s25+$0xFFFFFF70];
	v0 =	vsel vm10, s19, v0;
	v18 =	vsel vm4, v22, v18  }
0x325: {  	vm7 =	vlt.f32 v23, v18;
	v0 =	vsel vm0, s20, v0;
	vm0 =	vnez.u8 v26;
	v26 =	vld [tilespmem:$0x1FC80]  }
0x326: {  	v5 =	vsel vm13, s18, v5;
	v18 =	vsel vm7, v23, v18;
	v23 =	vld [tilespmem:s25+$0xFFFFFF10]  }
0x327: {  	v3 =	vsel vm14, s18, v3;
	v62 =	vld [tilespmem:s25+$0xFFFFFF60];
	v5 =	vsel vm2, s19, v5;
	vm8 =	vlt.f32 v19, v21  }
0x328: {  	v3 =	vsel vm1, s19, v3;
	v5 =	vsel vm5, s20, v5;
	v19 =	vsel vm8, v19, v21;
	v25 =	vld [tilespmem:s25+$0xFFFFFF90]  }
0x329: {  	v5 =	vsel vm8, s21, v5;
	vm13 =	vlt.f32 v63, v19;
	vm3 =	vlt.f32 v14, v17;
	v31 =	vld [tilespmem:$0x1FC60]  }
0x32a: {  	v14 =	vsel vm3, v14, v17;
	v2 =	vsel vm0, s21, v2;
	vm0 =	vnez.u8 v26;
	v26 =	vld [tilespmem:$0x1FC90]  }
0x32b: {  	s26 =	sadd.s32 s22, s6;
	v4 =	vsel vm3, s20, v4;
	vm6 =	vlt.f32 v6, v14;
	v22 =	vld [tilespmem:s25+$0xFFFFFF00];
	vm1 =	vlt.f32 v23, v12  }
0x32c: {  	v21 =	vld [tilespmem:s25+$0x10];
	v17 =	vsel vm6, v6, v14;
	v4 =	vsel vm6, s21, v4;
	s18 =	sadd.s32 $0x4, s26;
	v12 =	vsel vm1, v23, v12  }
0x32d: {  	v24 =	vld [tilespmem:s25+$0xFFFFFF80];
	vm6 =	vlt.f32 v61, v10;
	v13 =	vsel vm1, s18, v13;
	vm1 =	vlt.f32 v25, v12  }
0x32e: {  	v3 =	vsel vm4, s20, v3;
	v10 =	vsel vm6, v61, v10;
	v12 =	vsel vm1, v25, v12;
	v25 =	vld [tilespmem:s25+$0xFFFFFFC0]  }
0x32f: {  	v3 =	vsel vm7, s21, v3;
	v23 =	vld [tilespmem:s25+$0xFFFFFF30];
	v1 =	vsel vm0, s21, v1;
	vm0 =	vnez.u8 v26  }
0x330: {  	v14 =	vld [tilespmem:s25+$0x0];
	vm2 =	vnez.u8 v31;
	s19 =	sadd.s32 $0x5, s26;
	v0 =	vsel vm0, s21, v0;
	vm0 =	vlt.f32 v22, v11  }
0x331: {  	v13 =	vsel vm1, s19, v13;
	vm1 =	vlt.f32 v21, v12;
	v11 =	vsel vm0, v22, v11;
	v22 =	vld [tilespmem:s25+$0xFFFFFF20]  }
0x332: {  	v30 =	vld [tilespmem:s25+$0x30];
	vm14 =	vlt.f32 v62, v18;
	v9 =	vsel vm2, s21, v9;
	v12 =	vsel vm1, v21, v12  }
0x333: {  	vm9 =	vlt.f32 v25, v10;
	v26 =	vld [tilespmem:s25+$0xFFFFFFA0];
	v9 =	vsel vm0, s18, v9;
	vm0 =	vlt.f32 v24, v11  }
0x334: {  	vm5 =	vlt.f32 v23, v8;
	s20 =	sadd.s32 $0x6, s26;
	v10 =	vsel vm9, v25, v10;
	v11 =	vsel vm0, v24, v11;
	v24 =	vld [tilespmem:s25+$0xFFFFFFB0]  }
0x335: {  	v15 =	vld [tilespmem:s25+$0xA0];
	v8 =	vsel vm5, v23, v8;
	v13 =	vsel vm1, s20, v13;
	vm12 =	vlt.f32 v32, v10  }
0x336: {  	v20 =	vld [tilespmem:s25+$0xC0];
	v9 =	vsel vm0, s19, v9;
	vm0 =	vlt.f32 v14, v11;
	vm4 =	vlt.f32 v22, v7  }
0x337: {  	v16 =	vld [tilespmem:s25+$0xB0];
	v10 =	vsel vm12, v32, v10;
	v11 =	vsel vm0, v14, v11;
	v7 =	vsel vm4, v22, v7  }
0x338: {  	v6 =	vld [tilespmem:s25+$0xD0];
	v9 =	vsel vm0, s20, v9;
	vm0 =	vlt.f32 v28, v12;
	vm7 =	vlt.f32 v26, v7  }
0x339: {  	v21 =	vld [tilespmem:s25+$0xFFFFFFD0];
	vm3 =	vlt.f32 v27, v11;
	vm8 =	vlt.f32 v24, v8;
	v7 =	vsel vm7, v26, v7  }
0x33a: {  	v25 =	vld [tilespmem:s25+$0x70];
	v12 =	vsel vm0, v28, v12;
	v8 =	vsel vm8, v24, v8;
	vm10 =	vlt.f32 v29, v7  }
0x33b: {  	s22 =	sadd.s32 $0x4, s22;
	s21 =	sadd.s32 $0x7, s26;
	v11 =	vsel vm3, v27, v11;
	v27 =	vld [tilespmem:s25+$0xFFFFFF50];
	vm11 =	vlt.f32 v30, v8;
	v7 =	vsel vm10, v29, v7  }
0x33c: {  	p0 =	slt.u32 s22, $0xFC;
	v14 =	vld [tilespmem:s25+$0x50];
	v13 =	vsel vm0, s21, v13;
	v8 =	vsel vm11, v30, v8;
	vm0 =	vlt.f32 v15, v7  }
.Ltmp9:
0x33d: {  	v22 =	vld [tilespmem:s25+$0x60];
	vm1 =	vlt.f32 v16, v8;
	v7 =	vsel vm0, v15, v7;
	v15 =	vimm.s32 $0x0;
	(pc) =	sbr.rel @p0 .LBB2_21-.Ltmp9, $4  }
0x33e: {  	v23 =	vimm.s32 $0x0;
	vm2 =	vlt.f32 v20, v10;
	v24 =	vld [tilespmem:s25+$0xFFFFFFE0];
	v15 =	vsel vm1, $0xFFFFFFFF, v15  }
0x33f: {  	v10 =	vsel vm2, v20, v10;
	v26 =	vld [tilespmem:s25+$0xFFFFFFF0];
	v23 =	vsel vm0, $0xFFFFFFFF, v23;
	[tilespmem:$0x1FC80] =	vst v15;
	v15 =	vimm.s32 $0x0  }
0x340: {  	vm15 =	vlt.f32 v27, v17;
	v8 =	vsel vm1, v16, v8;
	[tilespmem:$0x1FC70] =	vst v23;
	v23 =	vld [tilespmem:s25+$0xE0];
	v15 =	vsel vm2, $0xFFFFFFFF, v15  }
0x341: {  	v17 =	vsel vm15, v27, v17;
	v16 =	vsel vm14, v62, v18;
	[tilespmem:$0x1FC90] =	vst v15;
	v15 =	vsel vm13, v63, v19;
	v19 =	vld [tilespmem:s25+$0xF0];
	s25 =	sadd.s32 $0x200, s25  }
0x342: {  	p0 =	seq.s32 s17, $0x3  }
0x343: {  	s22 =	sadd.s32 @!p0 s16, s9  }
0x344: {  	s22 =	sshll.u32 @!p0 s22, $0xC  }
0x345: {  	v4 =	vsel vm15, s18, v4;
	s22 =	sadd.s32 @!p0 s22, s24  }
0x346: {  	vm0 =	vlt.f32 v21, v17;
	v3 =	vsel vm14, s18, v3;
	s25 =	simm.s32 @!p0 $0x400;
	vm1 =	vlt.f32 v24, v16;
	s22 =	sshrl.u32 @!p0 s22, $0x3  }
0x347: {  	v0 =	vsel vm6, s18, v0;
	s26 =	simm.s32 @!p0 $0x8000;
	s28 =	simm.s32 @!p0 $0x0;
	v17 =	vsel vm0, v21, v17;
	v16 =	vsel vm1, v24, v16;
	s22 =	sadd.s32 @!p0 s1, s22  }
0x348: {  	v4 =	vsel vm0, s19, v4;
	v21 =	vsel vm1, s19, v3;
	vm1 =	vlt.f32 v22, v16;
	[tilespmem:s28], [sflag:$0x1] =	stream.strided.gather @!p0 [hbm4b:s22+s25], $0x8000, s26, s25, $0x38;
	[tilespmem:$0x10100] =	vst v63  }
0x349: {  	v0 =	vsel vm9, s19, v0;
	vm0 =	vlt.f32 v14, v17;
	v16 =	vsel vm1, v22, v16;
	_ =	swait.ge [sflag:s2], $0x8000  }
0x34a: {  	v14 =	vsel vm0, v14, v17;
	v17 =	vsel vm1, s20, v21;
	vm1 =	vlt.f32 v23, v16;
	[sflag:s2] =	ssyncset.done $0x0  }
0x34b: {  	s26 =	simm.s32 $0x8100;
	v29 =	vsel vm1, v23, v16;
	v23 =	vsel vm12, s20, v0;
	v0 =	vld [tilespmem:$0x1FC70];
	[sflag:s2] =	ssyncadd.s32 $0xFFFF8000  }
0x34c: {  	v18 =	vld [tilespmem:s26+$0x80]  }
0x34d: {  	v20 =	vld [tilespmem:s26+$0x90]  }
0x34e: {  	v24 =	vld [tilespmem:s26+$0xA0]  }
0x34f: {  	v5 =	vsel vm13, s18, v5;
	vm2 =	vlt.f32 v26, v15;
	v27 =	vld [tilespmem:s26+$0xB0]  }
0x350: {  	v15 =	vsel vm2, v26, v15;
	v4 =	vsel vm0, s20, v4;
	vm0 =	vlt.f32 v6, v14;
	v28 =	vld [tilespmem:s26+$0xC0]  }
0x351: {  	v14 =	vsel vm0, v6, v14;
	v4 =	vsel vm0, s21, v4;
	vm0 =	vnez.u8 v0;
	v0 =	vld [tilespmem:$0x1FC80]  }
0x352: {  	v2 =	vsel vm4, s18, v2;
	v5 =	vsel vm2, s19, v5;
	vm2 =	vlt.f32 v25, v15;
	v3 =	vld [tilespmem:s26+$0xD0]  }
0x353: {  	v1 =	vsel vm5, s18, v1;
	v2 =	vsel vm7, s19, v2;
	v15 =	vsel vm2, v25, v15;
	v21 =	vld [tilespmem:s26+$0x0]  }
0x354: {  	v1 =	vsel vm8, s19, v1;
	v22 =	vsel vm2, s20, v5;
	vm2 =	vlt.f32 v19, v15;
	v16 =	vld [tilespmem:s26+$0xFFFFFF10]  }
0x355: {  	v2 =	vsel vm10, s20, v2;
	v1 =	vsel vm11, s20, v1;
	v19 =	vsel vm2, v19, v15;
	v15 =	vld [tilespmem:s26+$0xFFFFFF00]  }
0x356: {  	v6 =	vsel vm2, s21, v22;
	v22 =	vld [tilespmem:s26+$0xFFFFFF90];
	v2 =	vsel vm0, s21, v2;
	vm0 =	vnez.u8 v0  }
0x357: {  	v0 =	vsel vm0, s21, v1;
	v1 =	vld [tilespmem:$0x1FC90]  }
0x358: {  	v31 =	vld [tilespmem:s26+$0xFFFFFF30]  }
0x359: {  	v5 =	vsel vm1, s21, v17;
	s28 =	sadd.s32 $0xFFFFFFFC, s6;
	v32 =	vld [tilespmem:s26+$0xFFFFFF40];
	vm1 =	vlt.f32 v16, v12  }
0x35a: {  	s18 =	sadd.s32 $0x104, s28;
	v17 =	vld [tilespmem:s26+$0xFFFFFF80];
	v12 =	vsel vm1, v16, v12  }
0x35b: {  	v25 =	vld [tilespmem:s26+$0x10];
	v13 =	vsel vm1, s18, v13;
	vm1 =	vlt.f32 v22, v12  }
0x35c: {  	v9 =	vsel vm3, s21, v9;
	v12 =	vsel vm1, v22, v12;
	v22 =	vld [tilespmem:s26+$0xFFFFFFC0];
	vm0 =	vnez.u8 v1  }
0x35d: {  	v30 =	vld [tilespmem:s26+$0x20];
	vm2 =	vlt.f32 v31, v8;
	v1 =	vsel vm0, s21, v23;
	vm0 =	vlt.f32 v15, v11  }
0x35e: {  	vm3 =	vlt.f32 v32, v10;
	v8 =	vsel vm2, v31, v8;
	v11 =	vsel vm0, v15, v11;
	v15 =	vld [tilespmem:s26+$0xFFFFFF20]  }
0x35f: {  	s19 =	sadd.s32 $0x105, s28;
	v26 =	vld [tilespmem:s26+$0xFFFFFFA0];
	v10 =	vsel vm3, v32, v10;
	v9 =	vsel vm0, s18, v9;
	vm0 =	vlt.f32 v17, v11  }
0x360: {  	v33 =	vld [tilespmem:s26+$0x40];
	v13 =	vsel vm1, s19, v13;
	vm1 =	vlt.f32 v25, v12;
	v11 =	vsel vm0, v17, v11  }
0x361: {  	vm6 =	vlt.f32 v22, v10;
	v9 =	vsel vm0, s19, v9;
	v17 =	vld [tilespmem:s26+$0xFFFFFFB0];
	vm0 =	vlt.f32 v21, v11  }
0x362: {  	s20 =	sadd.s32 $0x106, s28;
	v16 =	vld [tilespmem:s26+$0x50];
	v10 =	vsel vm6, v22, v10;
	v11 =	vsel vm0, v21, v11;
	v21 =	vsel vm1, v25, v12  }
0x363: {  	v23 =	vld [tilespmem:s26+$0x30];
	v25 =	vsel vm1, s20, v13;
	v13 =	vsel vm0, s20, v9;
	vm4 =	vlt.f32 v15, v7  }
0x364: {  	vm1 =	vlt.f32 v18, v11;
	vm0 =	vlt.f32 v20, v21;
	v7 =	vsel vm4, v15, v7;
	v15 =	vld [tilespmem:s26+$0xFFFFFF50]  }
0x365: {  	s21 =	sadd.s32 $0x107, s28;
	vm9 =	vlt.f32 v33, v10;
	v12 =	vsel vm1, v18, v11;
	v11 =	vsel vm0, v20, v21;
	v18 =	vld [tilespmem:s26+$0xFFFFFF60]  }
0x366: {  	v9 =	vsel vm0, s21, v25;
	v20 =	vld [tilespmem:s26+$0xFFFFFF70];
	vm7 =	vlt.f32 v26, v7;
	vm5 =	vlt.f32 v17, v8  }
0x367: {  	v22 =	vld [tilespmem:s26+$0xFFFFFFE0];
	v7 =	vsel vm7, v26, v7;
	v8 =	vsel vm5, v17, v8;
	v17 =	vsel vm9, v33, v10  }
0x368: {  	v21 =	vld [tilespmem:s26+$0xFFFFFFD0];
	v10 =	vimm.s32 $0x0;
	vm10 =	vlt.f32 v30, v7;
	vm8 =	vlt.f32 v23, v8  }
0x369: {  	v25 =	vld [tilespmem:s26+$0x70];
	vm12 =	vlt.f32 v28, v17;
	v7 =	vsel vm10, v30, v7;
	v8 =	vsel vm8, v23, v8  }
0x36a: {  	v26 =	vld [tilespmem:s26+$0xFFFFFFF0];
	vm0 =	vlt.f32 v24, v7;
	vm11 =	vlt.f32 v27, v8;
	vm13 =	vlt.f32 v15, v14  }
0x36b: {  	v23 =	vld [tilespmem:s26+$0x60];
	vm14 =	vlt.f32 v18, v29;
	vm15 =	vlt.f32 v20, v19;
	v10 =	vsel vm0, $0xFFFFFFFF, v10  }
0x36c: {  	v8 =	vsel vm11, v27, v8;
	[tilespmem:$0x1FC00] =	vst v10;
	v10 =	vsel vm0, v24, v7;
	v7 =	vsel vm12, v28, v17;
	v24 =	vld [tilespmem:s26+$0xE0]  }
0x36d: {  	s17 =	sadd.s32 $0x1, s17;
	s22 =	simm.s32 $0x0;
	s25 =	simm.s32 $0x8300;
	v17 =	vsel vm13, v15, v14;
	v15 =	vsel vm14, v18, v29;
	v14 =	vsel vm15, v20, v19;
	v19 =	vld [tilespmem:s26+$0xF0]  }
.LBB2_23:
0x36e: {  	v18 =	vimm.s32 $0x0  }
0x36f: {  	v18 =	vsel vm9, $0xFFFFFFFF, v18  }
0x370: {  	[tilespmem:$0x1FBC0] =	vst v18;
	v18 =	vimm.s32 $0x0  }
0x371: {  	v18 =	vsel vm3, $0xFFFFFFFF, v18  }
0x372: {  	[tilespmem:$0x1FB90] =	vst v18;
	v18 =	vimm.s32 $0x0  }
0x373: {  	v18 =	vsel vm5, $0xFFFFFFFF, v18  }
0x374: {  	[tilespmem:$0x1FBA0] =	vst v18;
	v18 =	vimm.s32 $0x0  }
0x375: {  	v18 =	vsel vm11, $0xFFFFFFFF, v18  }
0x376: {  	[tilespmem:$0x1FBD0] =	vst v18;
	v18 =	vimm.s32 $0x0  }
0x377: {  	v18 =	vsel vm12, $0xFFFFFFFF, v18  }
0x378: {  	[tilespmem:$0x1FBE0] =	vst v18;
	v18 =	vimm.s32 $0x0  }
0x379: {  	v18 =	vsel vm2, $0xFFFFFFFF, v18;
	vm2 =	vlt.f32 v26, v14  }
0x37a: {  	v20 =	vsel vm2, v26, v14  }
0x37b: {  	vm0 =	vlt.f32 v21, v17;
	[tilespmem:$0x1FB80] =	vst v18;
	vm5 =	vlt.f32 v25, v20  }
0x37c: {  	v17 =	vsel vm0, v21, v17;
	v21 =	vsel vm5, v25, v20;
	v25 =	vld [tilespmem:$0x1FB80];
	_ =	sdelay $0x3  }
0x37d: {  	v4 =	vsel vm13, s18, v4  }
0x37e: {  	v4 =	vsel vm0, s19, v4;
	vm0 =	vnez.u8 v25;
	v25 =	vld [tilespmem:$0x1FB90]  }
0x37f: {  	v26 =	vld [tilespmem:$0x1FBA0];
	_ =	sdelay $0x1  }
0x380: {  	v18 =	vimm.s32 $0x0  }
0x381: {  	v18 =	vsel vm10, $0xFFFFFFFF, v18  }
0x382: {  	[tilespmem:$0x1FBB0] =	vst v18;
	v0 =	vsel vm0, s18, v0;
	vm0 =	vnez.u8 v25  }
0x383: {  	v1 =	vsel vm0, s18, v1;
	vm0 =	vnez.u8 v26;
	v26 =	vld [tilespmem:$0x1FBB0];
	_ =	sdelay $0x3  }
0x384: {  	v27 =	vld [tilespmem:s25+$0x80]  }
0x385: {  	v0 =	vsel vm0, s19, v0;
	vm0 =	vnez.u8 v26;
	v26 =	vld [tilespmem:$0x1FBC0]  }
0x386: {  	v28 =	vld [tilespmem:s25+$0x90]  }
0x387: {  	v29 =	vld [tilespmem:s25+$0x20];
	vm10 =	vmmov vm4  }
0x388: {  	v30 =	vld [tilespmem:s25+$0x30];
	vm9 =	vmmov vm7;
	v18 =	vimm.s32 $0x0;
	v2 =	vsel vm10, s18, v2  }
0x389: {  	v61 =	vld [tilespmem:s25+$0xFFFFFF40];
	v18 =	vsel vm1, $0xFFFFFFFF, v18;
	v2 =	vsel vm9, s19, v2  }
0x38a: {  	vm1 =	vlt.f32 v22, v15;
	v2 =	vsel vm0, s20, v2;
	vm0 =	vnez.u8 v26;
	v26 =	vld [tilespmem:$0x1FC00]  }
0x38b: {  	v5 =	vsel vm14, s18, v5;
	v32 =	vld [tilespmem:s25+$0x40];
	[tilespmem:$0x1FBF0] =	vst v18;
	v18 =	vsel vm1, v22, v15  }
0x38c: {  	v6 =	vsel vm15, s18, v6;
	v62 =	vld [tilespmem:s25+$0xFFFFFF60];
	vm3 =	vlt.f32 v16, v17;
	vm4 =	vlt.f32 v23, v18  }
0x38d: {  	v16 =	vsel vm3, v16, v17;
	vm12 =	vmmov vm6;
	v18 =	vsel vm4, v23, v18;
	v23 =	vld [tilespmem:s25+$0xFFFFFF10]  }
0x38e: {  	v63 =	vld [tilespmem:s25+$0xFFFFFF70];
	vm11 =	vmmov vm8;
	v4 =	vsel vm3, s20, v4;
	v1 =	vsel vm12, s19, v1  }
0x38f: {  	vm3 =	vlt.f32 v61, v7;
	v1 =	vsel vm0, s20, v1;
	vm0 =	vnez.u8 v26;
	v26 =	vld [tilespmem:$0x1FBD0]  }
0x390: {  	v7 =	vsel vm3, v61, v7;
	vm6 =	vlt.f32 v3, v16;
	vm8 =	vlt.f32 v19, v21;
	v25 =	vld [tilespmem:s25+$0xFFFFFF90]  }
0x391: {  	v17 =	vsel vm6, v3, v16;
	v6 =	vsel vm2, s19, v6;
	v19 =	vsel vm8, v19, v21;
	v21 =	vld [tilespmem:s25+$0x10]  }
0x392: {  	v6 =	vsel vm5, s20, v6;
	v5 =	vsel vm1, s19, v5;
	v31 =	vld [tilespmem:$0x1FBF0];
	vm1 =	vlt.f32 v23, v11  }
0x393: {  	s26 =	sadd.s32 s22, s6;
	v4 =	vsel vm6, s21, v4;
	v6 =	vsel vm8, s21, v6;
	v11 =	vsel vm1, v23, v11;
	v23 =	vld [tilespmem:s25+$0xFFFFFF30]  }
0x394: {  	vm15 =	vlt.f32 v63, v19;
	s18 =	sadd.s32 $0x104, s26;
	v2 =	vsel vm0, s21, v2;
	vm0 =	vnez.u8 v26;
	v26 =	vld [tilespmem:$0x1FBE0]  }
0x395: {  	v22 =	vld [tilespmem:s25+$0xFFFFFF00];
	vm7 =	vlt.f32 v24, v18;
	v9 =	vsel vm1, s18, v9;
	vm1 =	vlt.f32 v25, v11  }
0x396: {  	v5 =	vsel vm4, s20, v5;
	v18 =	vsel vm7, v24, v18;
	v11 =	vsel vm1, v25, v11;
	v25 =	vld [tilespmem:s25+$0xFFFFFFC0]  }
0x397: {  	v5 =	vsel vm7, s21, v5;
	v24 =	vld [tilespmem:s25+$0xFFFFFF80];
	vm14 =	vlt.f32 v62, v18;
	vm2 =	vnez.u8 v31  }
0x398: {  	v3 =	vld [tilespmem:s25+$0xD0];
	v13 =	vsel vm2, s21, v13;
	s19 =	sadd.s32 $0x105, s26;
	v0 =	vsel vm11, s20, v0;
	vm2 =	vlt.f32 v23, v8  }
0x399: {  	v16 =	vld [tilespmem:s25+$0x0];
	v9 =	vsel vm1, s19, v9;
	v0 =	vsel vm0, s21, v0;
	vm0 =	vnez.u8 v26  }
0x39a: {  	v20 =	vld [tilespmem:s25+$0xC0];
	v8 =	vsel vm2, v23, v8;
	v1 =	vsel vm0, s21, v1;
	vm0 =	vlt.f32 v22, v12  }
0x39b: {  	vm1 =	vlt.f32 v21, v11;
	vm6 =	vlt.f32 v25, v7;
	v12 =	vsel vm0, v22, v12;
	v22 =	vld [tilespmem:s25+$0xFFFFFF20]  }
0x39c: {  	v7 =	vsel vm6, v25, v7;
	v26 =	vld [tilespmem:s25+$0xFFFFFFA0];
	v13 =	vsel vm0, s18, v13;
	vm0 =	vlt.f32 v24, v12  }
0x39d: {  	v11 =	vsel vm1, v21, v11;
	vm9 =	vlt.f32 v32, v7;
	v12 =	vsel vm0, v24, v12;
	v24 =	vld [tilespmem:s25+$0xFFFFFFB0]  }
0x39e: {  	v14 =	vld [tilespmem:s25+$0xA0];
	s20 =	sadd.s32 $0x106, s26;
	v7 =	vsel vm9, v32, v7;
	v13 =	vsel vm0, s19, v13;
	vm0 =	vlt.f32 v16, v12  }
0x39f: {  	v15 =	vld [tilespmem:s25+$0xB0];
	v9 =	vsel vm1, s20, v9;
	vm12 =	vlt.f32 v20, v7;
	v12 =	vsel vm0, v16, v12  }
0x3a0: {  	v23 =	vld [tilespmem:s25+$0x60];
	v7 =	vsel vm12, v20, v7;
	vm1 =	vlt.f32 v27, v12;
	vm4 =	vlt.f32 v22, v10  }
0x3a1: {  	v13 =	vsel vm0, s20, v13;
	v12 =	vsel vm1, v27, v12;
	v10 =	vsel vm4, v22, v10;
	v27 =	vld [tilespmem:s25+$0xFFFFFF50]  }
0x3a2: {  	s22 =	sadd.s32 $0x4, s22;
	v21 =	vld [tilespmem:s25+$0xFFFFFFD0];
	vm0 =	vlt.f32 v28, v11;
	vm7 =	vlt.f32 v26, v10;
	vm5 =	vlt.f32 v24, v8  }
0x3a3: {  	p1 =	slt.u32 s22, $0xFC;
	v25 =	vld [tilespmem:s25+$0x70];
	s21 =	sadd.s32 $0x107, s26;
	v11 =	vsel vm0, v28, v11;
	v10 =	vsel vm7, v26, v10;
	v8 =	vsel vm5, v24, v8  }
.Ltmp10:
0x3a4: {  	v16 =	vld [tilespmem:s25+$0x50];
	v9 =	vsel vm0, s21, v9;
	vm10 =	vlt.f32 v29, v10;
	vm8 =	vlt.f32 v30, v8;
	(pc) =	sbr.rel @p1 .LBB2_23-.Ltmp10, $4  }
0x3a5: {  	v22 =	vld [tilespmem:s25+$0xFFFFFFE0];
	v24 =	vimm.s32 $0x0;
	v10 =	vsel vm10, v29, v10;
	v8 =	vsel vm8, v30, v8  }
0x3a6: {  	v26 =	vld [tilespmem:s25+$0xFFFFFFF0];
	vm0 =	vlt.f32 v14, v10;
	vm11 =	vlt.f32 v15, v8;
	vm13 =	vlt.f32 v27, v17  }
0x3a7: {  	v24 =	vsel vm0, $0xFFFFFFFF, v24;
	v10 =	vsel vm0, v14, v10;
	v14 =	vsel vm15, v63, v19;
	v19 =	vld [tilespmem:s25+$0xF0]  }
0x3a8: {  	v8 =	vsel vm11, v15, v8;
	v17 =	vsel vm13, v27, v17;
	v15 =	vsel vm14, v62, v18;
	[tilespmem:$0x1FC00] =	vst v24;
	v24 =	vld [tilespmem:s25+$0xE0];
	s25 =	sadd.s32 $0x200, s25  }
0x3a9: {  	v4 =	vsel vm13, s18, v4;
	v5 =	vsel vm14, s18, v5;
	vm0 =	vlt.f32 v21, v17  }
0x3aa: {  	v6 =	vsel vm15, s18, v6;
	v1 =	vsel vm3, s18, v1;
	v17 =	vsel vm0, v21, v17  }
0x3ab: {  	v4 =	vsel vm0, s19, v4;
	vm13 =	vlt.f32 v22, v15;
	v1 =	vsel vm6, s19, v1  }
0x3ac: {  	v15 =	vsel vm13, v22, v15;
	v5 =	vsel vm13, s19, v5;
	vm14 =	vlt.f32 v26, v14  }
0x3ad: {  	vm15 =	vlt.f32 v16, v17;
	v14 =	vsel vm14, v26, v14;
	v6 =	vsel vm14, s19, v6  }
0x3ae: {  	v16 =	vsel vm15, v16, v17;
	v4 =	vsel vm15, s20, v4;
	vm13 =	vlt.f32 v23, v15  }
0x3af: {  	v15 =	vsel vm13, v23, v15;
	v5 =	vsel vm13, s20, v5;
	vm14 =	vlt.f32 v25, v14  }
0x3b0: {  	vm15 =	vlt.f32 v3, v16;
	v14 =	vsel vm14, v25, v14;
	v6 =	vsel vm14, s20, v6  }
0x3b1: {  	v17 =	vsel vm15, v3, v16;
	vm13 =	vlt.f32 v24, v15;
	vm14 =	vlt.f32 v19, v14  }
0x3b2: {  	p1 =	sne.s32 @!p0 s17, $0x4;
	v3 =	vsel vm13, s21, v5;
	v5 =	vsel vm14, s21, v6;
	v6 =	vsel vm9, s20, v1;
	v1 =	vld [tilespmem:$0x1FC00]  }
0x3b3: {  	s16 =	sadd.s32 @!p0 s16, s10;
	p1 =	por p0, !p1  }
.Ltmp11:
0x3b4: {  	v2 =	vsel vm4, s18, v2;
	v0 =	vsel vm2, s18, v0;
	s16 =	sshll.u32 @!p0 s16, $0xC;
	(pc) =	sbr.rel @!p1 .LBB2_20-.Ltmp11, $4  }
0x3b5: {  	v13 =	vsel vm1, s21, v13;
	v2 =	vsel vm7, s19, v2;
	v0 =	vsel vm5, s19, v0;
	s16 =	sadd.s32 @!p0 s16, s24  }
0x3b6: {  	s18 =	simm.s32 @!p0 $0x400;
	v2 =	vsel vm10, s20, v2;
	v0 =	vsel vm8, s20, v0;
	s16 =	sshrl.u32 @!p0 s16, $0x3;
	v4 =	vsel vm15, s21, v4  }
0x3b7: {  	s22 =	simm.s32 @!p0 $0x8000;
	s6 =	sadd.s32 @!p0 $0x200, s6;
	s16 =	sadd.s32 @!p0 s1, s16;
	v16 =	vsel vm13, v24, v15;
	v15 =	vsel vm14, v19, v14;
	vm15 =	vnez.u8 v1  }
0x3b8: {  	[tilespmem:s22], [sflag:$0x2] =	stream.strided.gather @!p0 [hbm4b:s16+s18], $0x8000, s22, s18, $0x38;
	v1 =	vsel vm11, s21, v0;
	v0 =	vsel vm12, s21, v6;
	v2 =	vsel vm15, s21, v2;
	[tilespmem:$0x10100] =	vst v63  }
0x3b9: {  	[tilespmem:$0x10000] =	vst v12  }
0x3ba: {  	[tilespmem:$0x10080] =	vst v13  }
0x3bb: {  	[tilespmem:$0x10010] =	vst v11  }
0x3bc: {  	[tilespmem:$0x10090] =	vst v9  }
0x3bd: {  	[tilespmem:$0x10020] =	vst v10  }
0x3be: {  	[tilespmem:$0x100A0] =	vst v2  }
0x3bf: {  	[tilespmem:$0x10030] =	vst v8  }
0x3c0: {  	[tilespmem:$0x100B0] =	vst v1  }
0x3c1: {  	[tilespmem:$0x10040] =	vst v7  }
0x3c2: {  	[tilespmem:$0x100C0] =	vst v0  }
0x3c3: {  	[tilespmem:$0x10050] =	vst v17  }
0x3c4: {  	[tilespmem:$0x100D0] =	vst v4  }
0x3c5: {  	[tilespmem:$0x10060] =	vst v16  }
0x3c6: {  	[tilespmem:$0x100E0] =	vst v3  }
0x3c7: {  	[tilespmem:$0x10070] =	vst v15  }
0x3c8: {  	[tilespmem:$0x100F0] =	vst v5;
	s6 =	rddreg [dreg:$0xd]  }
0x3c9: {  	[hbm4b:s6+s3] =	stream.linear.scatter [tilespmem:s0], [sflag:$0x3], $0x80, $0x38;
	[tilespmem:$0x10100] =	vst v63  }
0x3ca: {  	_ =	swait.ge [sflag:s11], $0x80  }
0x3cb: {  	[sflag:s11] =	ssyncset.done $0x0  }
0x3cc: {  	s26 =	rddreg [dreg:$0xe];
	[sflag:s11] =	ssyncadd.s32 $0xFFFFFF80  }
0x3cd: {  	[hbm4b:s26+s3] =	stream.linear.scatter [tilespmem:s12], [sflag:$0x3], $0x80, $0x38;
	[tilespmem:$0x10100] =	vst v63  }
0x3ce: {  	_ =	swait.ge [sflag:s11], $0x80  }
0x3cf: {  	s13 =	sadd.s32 $0x1, s13;
	s28 =	rddreg [dreg:$0xf]  }
0x3d0: {  	p0 =	sne.s32 s13, s28  }
.Ltmp12:
0x3d1: {  	_ = 	snop;
	(pc) =	sbr.rel @p0 .LBB2_1-.Ltmp12, $3  }
0x3d2: {  	_ =	sdelay $0x1  }
0x3d3: {  	[sflag:s11] =	ssyncset.done $0x0  }
0x3d4: {  	[sflag:s11] =	ssyncadd.s32 $0xFFFFFF80  }
0x3d5: {  	_ =	sfence.sel $0x180000  }
0x3d6: {  	[bflag:$0x0] =	sbarrier.arrive $0xFFFF  }
0x3d7: {  	_ =	strace $0x90000047  }
0x3d8: {  	s0 =	stileid.u32;
	[bflag:$0x2] =	sbarrier.arrive $0xFFFF  }
0x3d9: {  	p0 =	sne.s32 s0, $0x0;
	s0 =	rddreg [dreg:$0x3]  }
0x3da: {  	s0 =	sadd.s32 @!p0 $0x100000, s0  }
0x3db: {  	[sflag:s0] =	ssyncadd.tile.s32 @!p0 $0x1;
	_ =	shalt  }
.Lfunc_end2:
_tile_overlayer_lowered:
.L_overlay_start_2:
0x3dc: {  	(tag) =	ssettag $0x2  }
0x3dd: {  	s0 =	rddreg [dreg:$0x0];
	s2 =	stileid.u32  }
0x3de: {  	s1 =	rddreg [dreg:$0x1];
	p0 =	sne.s32 s2, $0x0  }
0x3df: {  	s3 =	rddreg [dreg:$0x2];
	[bflag:$0x3] =	sbarrier.arrive $0xFFFF;
	s2 =	simm.s32 @!p0 $0x1C03  }
0x3e0: {  	[timem:s3], [sflag:s2] =	dma.local @!p0 [hbm:s0], s1  }
0x3e1: {  	s0 =	simm.s32 @!p0 $0x3  }
0x3e2: {  	_ =	swait.ge @!p0 [sflag:s0], s1  }
0x3e3: {  	s1 =	ssub.s32 @!p0 $0x0, s1;
	[sflag:s0] =	ssyncset.done @!p0 $0x0  }
0x3e4: {  	[sflag:s0] =	ssyncadd.s32 @!p0 s1  }
0x3e5: {  	[bflag:$0x3] =	sbarrier.arrive $0xFFFF  }
0x3e6: {  	_ =	shalt  }

</sc_bundles>
